<compile_context>
chip_gen: v7x
topology: tpu7x:2x2x1
jax: 0.10.2.dev20260603
libtpu: 0.0.44.dev20260713+nightly
codegen_flags: <defaults>
</compile_context>

<pallas_src>
import functools

import jax
import jax.numpy as jnp
from jax import lax
from jax.experimental import pallas as pl
from jax.experimental.pallas import tpu as pltpu
from jax.experimental.pallas import tpu_sc as plsc

N_NODES = 10000
N_EDGES = 320000
D_FEAT = 128
NUM_GRAPHS = 64

_NC = 2
_NS = 16
_NW = _NC * _NS
_CHUNK = 128
_NCHUNK = 80
_EDGES_PAD = _NW * _NCHUNK * _CHUNK
_NBUF = 2
_GRP = 10
_NGRP = _NCHUNK // _GRP
_ACC_ROWS = N_NODES + _CHUNK
_ROWS_PER_TILE = 624
_ROWS_TAIL = _ACC_ROWS - _NS * _ROWS_PER_TILE


def _segsum_body(h_hbm, ei_hbm, zeros_hbm, out_hbm,
                 iblk0, iblk1, rows0, rows1, acc, gs0, gs1, is0, is1):
    cid = lax.axis_index("c")
    sid = lax.axis_index("s")
    wid = sid * _NC + cid
    iblks = [iblk0, iblk1]
    rows = [rows0, rows1]
    gsem = [gs0, gs1]
    isem = [is0, is1]

    zd = pltpu.async_copy(
        zeros_hbm, acc.at[pl.ds(sid * _ROWS_PER_TILE, _ROWS_PER_TILE)], isem[0])

    @pl.when(sid == _NS - 1)
    def _():
        pltpu.sync_copy(zeros_hbm.at[pl.ds(0, _ROWS_TAIL)],
                        acc.at[pl.ds(_NS * _ROWS_PER_TILE, _ROWS_TAIL)])

    pltpu.sync_copy(ei_hbm.at[wid, 0], iblk0)
    pltpu.async_copy(ei_hbm.at[wid, 1], iblk1, isem[1])
    pltpu.async_copy(h_hbm.at[iblk0.at[0, 0]], rows0, gsem[0])
    pltpu.async_copy(h_hbm.at[iblk0.at[0, 1]], rows1, gsem[1])
    zd.wait()
    plsc.subcore_barrier()

    def body(gg, carry):
        for gi in range(2):
            g = gg * 2 + gi
            x = iblks[gi]
            y = iblks[1 - gi]
            for k in range(_GRP):
                t = g * _GRP + k
                s = k % 2
                pltpu.make_async_copy(h_hbm.at[x.at[0, k]], rows[s],
                                      gsem[s]).wait()
                pltpu.sync_copy(rows[s], acc.at[x.at[1, k]], add=True)
                if k < _GRP - 2:
                    pltpu.async_copy(h_hbm.at[x.at[0, k + 2]], rows[s], gsem[s])
                else:
                    if k == _GRP - 2:
                        @pl.when(g + 1 < _NGRP)
                        def _():
                            pltpu.make_async_copy(ei_hbm.at[wid, g + 1], y,
                                                  isem[1 - gi]).wait()

                    @pl.when(t + 2 < _NCHUNK)
                    def _():
                        pltpu.async_copy(h_hbm.at[y.at[0, k - (_GRP - 2)]],
                                         rows[s], gsem[s])

            @pl.when(g + 2 < _NGRP)
            def _():
                pltpu.async_copy(ei_hbm.at[wid, g + 2], x, isem[gi])
        return carry

    lax.fori_loop(0, _NGRP // 2, body, 0)

    plsc.subcore_barrier()

    r0 = sid * _ROWS_PER_TILE
    pltpu.sync_copy(acc.at[pl.ds(r0, _ROWS_PER_TILE)],
                    out_hbm.at[cid, pl.ds(r0, _ROWS_PER_TILE)])

    @pl.when(sid == _NS - 1)
    def _():
        t0 = _NS * _ROWS_PER_TILE
        pltpu.sync_copy(acc.at[pl.ds(t0, N_NODES - t0)],
                        out_hbm.at[cid, pl.ds(t0, N_NODES - t0)])


_segsum = pl.kernel(
    _segsum_body,
    out_type=jax.ShapeDtypeStruct((_NC, N_NODES, D_FEAT), jnp.float32),
    mesh=plsc.VectorSubcoreMesh(core_axis_name="c", subcore_axis_name="s"),
    scratch_types=[
        pltpu.VMEM((2, _GRP, _CHUNK), jnp.int32),
        pltpu.VMEM((2, _GRP, _CHUNK), jnp.int32),
        pltpu.VMEM((_CHUNK, D_FEAT), jnp.float32),
        pltpu.VMEM((_CHUNK, D_FEAT), jnp.float32),
        pltpu.VMEM_SHARED((_ACC_ROWS, D_FEAT), jnp.float32),
        pltpu.SemaphoreType.DMA,
        pltpu.SemaphoreType.DMA,
        pltpu.SemaphoreType.DMA,
        pltpu.SemaphoreType.DMA,
    ],
)


def _mlp_body(h_ref, agg_ref, batch_ref, w1_ref, b1_ref, g_ref, be_ref,
              w2_ref, b2_ref, hout_ref, pooled_ref):
    h = h_ref[...]
    out = h + agg_ref[0] + agg_ref[1]
    out = jnp.dot(out, w1_ref[...], preferred_element_type=jnp.float32) + b1_ref[...]
    mean = jnp.mean(out, axis=0, keepdims=True)
    var = jnp.mean(jnp.square(out - mean), axis=0, keepdims=True)
    out = (out - mean) * lax.rsqrt(var + 1e-5) * g_ref[...] + be_ref[...]
    out = jnp.maximum(out, 0.0)
    out = jnp.dot(out, w2_ref[...], preferred_element_type=jnp.float32) + b2_ref[...]
    h2 = jnp.maximum(out, 0.0)
    hout_ref[...] = h2

    gids = lax.broadcasted_iota(jnp.int32, (N_NODES, NUM_GRAPHS), 1)
    mask = (batch_ref[...] == gids).astype(jnp.float32)
    sums = lax.dot_general(mask, h2, (((0,), (0,)), ((), ())),
                           preferred_element_type=jnp.float32)
    counts = jnp.sum(mask, axis=0)[:, None]
    pooled_ref[...] = sums / jnp.maximum(counts, 1.0)


_mlp = pl.pallas_call(
    _mlp_body,
    out_shape=(
        jax.ShapeDtypeStruct((N_NODES, D_FEAT), jnp.float32),
        jax.ShapeDtypeStruct((NUM_GRAPHS, D_FEAT), jnp.float32),
    ),
)


def _mlp3_body(h_ref, agg_ref, batch_ref, w1_ref, b1_ref, g_ref, be_ref,
               w2_ref, b2_ref, p0_ref, p1_ref, wp_ref, bp_ref, wc_ref, bc_ref,
               z_ref, logits_ref):
    h = h_ref[...]
    out = h + agg_ref[0] + agg_ref[1]
    out = jnp.dot(out, w1_ref[...], preferred_element_type=jnp.float32) + b1_ref[...]
    mean = jnp.mean(out, axis=0, keepdims=True)
    var = jnp.mean(jnp.square(out - mean), axis=0, keepdims=True)
    out = (out - mean) * lax.rsqrt(var + 1e-5) * g_ref[...] + be_ref[...]
    out = jnp.maximum(out, 0.0)
    out = jnp.dot(out, w2_ref[...], preferred_element_type=jnp.float32) + b2_ref[...]
    h2 = jnp.maximum(out, 0.0)

    gids = lax.broadcasted_iota(jnp.int32, (N_NODES, NUM_GRAPHS), 1)
    mask = (batch_ref[...] == gids).astype(jnp.float32)
    sums = lax.dot_general(mask, h2, (((0,), (0,)), ((), ())),
                           preferred_element_type=jnp.float32)
    counts = jnp.sum(mask, axis=0)[:, None]
    p2 = sums / jnp.maximum(counts, 1.0)

    hjk = jnp.concatenate([p0_ref[...], p1_ref[...], p2], axis=1)
    z = jnp.dot(hjk, wp_ref[...], preferred_element_type=jnp.float32) + bp_ref[...]
    z_ref[...] = z
    logits_ref[...] = (
        jnp.dot(z, wc_ref[...], preferred_element_type=jnp.float32) + bc_ref[...])


def kernel(x, edge_index, batch, params):
    pad = _EDGES_PAD - N_EDGES
    srcp = jnp.concatenate(
        [edge_index[0], jnp.arange(pad, dtype=jnp.int32) % _CHUNK]
    ).reshape(_NW, _NGRP, _GRP, _CHUNK)
    dstp = jnp.concatenate(
        [edge_index[1], N_NODES + (jnp.arange(pad, dtype=jnp.int32) % _CHUNK)]
    ).reshape(_NW, _NGRP, _GRP, _CHUNK)
    ei = jnp.stack([srcp, dstp], axis=2)
    batch2 = batch[:, None]
    zeros = jnp.zeros((_ROWS_PER_TILE, D_FEAT), jnp.float32)

    h = x
    pooled = []
    for i in range(2):
        p = params['conv%d' % i]
        agg = _segsum(h, ei, zeros)
        h, pool = _mlp(h, agg, batch2,
                       p['W1'], p['b1'][None, :], p['gamma'][None, :],
                       p['beta'][None, :], p['W2'], p['b2'][None, :])
        pooled.append(pool)

    p = params['conv2']
    agg = _segsum(h, ei, zeros)
    mlp3 = pl.pallas_call(
        _mlp3_body,
        out_shape=(
            jax.ShapeDtypeStruct((NUM_GRAPHS, params['Wp'].shape[1]), jnp.float32),
            jax.ShapeDtypeStruct((NUM_GRAPHS, params['Wc'].shape[1]), jnp.float32),
        ),
    )
    z, logits = mlp3(h, agg, batch2,
                     p['W1'], p['b1'][None, :], p['gamma'][None, :],
                     p['beta'][None, :], p['W2'], p['b2'][None, :],
                     pooled[0], pooled[1],
                     params['Wp'], params['bp'][None, :],
                     params['Wc'], params['bc'][None, :])
    return z, logits

# --- scband reference (transcript-rebuilt; emitter-appended) ---
"""Pipeline reference for scband-ginjumping-knowledge-79869211837073 (READ-ONLY COPY).

The authoritative reference and input builder live on the scoring server;
editing this copy changes nothing except your own understanding.
"""

import jax, jax.numpy as jnp
import numpy as np

N_NODES = 10000
N_EDGES = 320000
D_FEAT = 128
HIDDEN = [128, 128, 128]
PROJ_DIM = 128
NUM_CLASSES = 16
NUM_GRAPHS = 64


def setup_inputs(seed: int = 0) -> dict:
    key = jax.random.key(seed)
    ks = jax.random.split(key, 32)
    x = jax.random.normal(ks[0], (N_NODES, D_FEAT), dtype=jnp.float32)
    edge_index = jax.random.randint(ks[1], (2, N_EDGES), 0, N_NODES, dtype=jnp.int32)
    batch = jnp.sort(jax.random.randint(ks[2], (N_NODES,), 0, NUM_GRAPHS, dtype=jnp.int32))
    params = {}
    in_dim = D_FEAT
    ki = 3
    for i, h in enumerate(HIDDEN):
        params['conv%d' % i] = {
            'W1': jax.random.normal(ks[ki + 0], (in_dim, h), dtype=jnp.float32) * (1.0 / np.sqrt(in_dim)),
            'b1': jnp.zeros((h,), dtype=jnp.float32),
            'gamma': jnp.ones((h,), dtype=jnp.float32),
            'beta': jnp.zeros((h,), dtype=jnp.float32),
            'W2': jax.random.normal(ks[ki + 1], (h, h), dtype=jnp.float32) * (1.0 / np.sqrt(h)),
            'b2': jnp.zeros((h,), dtype=jnp.float32),
        }
        in_dim = h
        ki += 2
    jk_dim = sum(HIDDEN)
    params['Wp'] = jax.random.normal(ks[ki + 0], (jk_dim, PROJ_DIM), dtype=jnp.float32) * (1.0 / np.sqrt(jk_dim))
    params['bp'] = jnp.zeros((PROJ_DIM,), dtype=jnp.float32)
    params['Wc'] = jax.random.normal(ks[ki + 1], (PROJ_DIM, NUM_CLASSES), dtype=jnp.float32) * (1.0 / np.sqrt(PROJ_DIM))
    params['bc'] = jnp.zeros((NUM_CLASSES,), dtype=jnp.float32)
    return {'x': x, 'edge_index': edge_index, 'batch': batch, 'params': params}


def _gin_mlp(out, p):
    # Linear -> BatchNorm1d (training-mode batch stats) -> ReLU -> Linear
    out = out @ p['W1'] + p['b1']
    mean = jnp.mean(out, axis=0)
    var = jnp.var(out, axis=0)
    out = (out - mean) * jax.lax.rsqrt(var + 1e-5) * p['gamma'] + p['beta']
    out = jax.nn.relu(out)
    out = out @ p['W2'] + p['b2']
    return out


def _forward(x, params, edge_index, batch):
    src = edge_index[0]
    dst = edge_index[1]
    layer_outs = []
    h = x
    for i in range(len(HIDDEN)):
        p = params['conv%d' % i]
        # GINConv with eps=0: (1+eps)*h + sum_{j in N(i)} h_j  (scatter-add over dst)
        agg = jax.ops.segment_sum(h[src], dst, num_segments=h.shape[0])
        out = h + agg
        h = _gin_mlp(out, p)
        h = jax.nn.relu(h)
        # dropout p=0.0 -> identity
        sums = jax.ops.segment_sum(h, batch, num_segments=NUM_GRAPHS)
        counts = jax.ops.segment_sum(jnp.ones((h.shape[0], 1), dtype=h.dtype), batch, num_segments=NUM_GRAPHS)
        pooled = sums / jnp.maximum(counts, 1.0)
        layer_outs.append(pooled)
    h_jk = jnp.concatenate(layer_outs, axis=-1)
    z = h_jk @ params['Wp'] + params['bp']
    logits = z @ params['Wc'] + params['bc']
    return z, logits


def reference(x, edge_index, batch, params):
    return _forward(x, params, edge_index, batch)

if __name__ == "__main__":
    import jax
    _d = setup_inputs()
    print(jax.jit(kernel)(*tuple(_d.values())))

</pallas_src>

<mosaic_0001>
#map = affine_map<(d0, d1) -> (0, 0)>
#map1 = affine_map<(d0, d1) -> (0, 0, 0, 0, 0)>
#map2 = affine_map<(d0, d1) -> (0, 0, 0)>
module attributes {stable_mosaic.version = 14 : i64} {
  func.func @_segsum_body(%arg0: i32, %arg1: i32, %arg2: memref<10000x128xf32, #tpu.memory_space<hbm>>, %arg3: memref<32x8x2x10x128xi32, #tpu.memory_space<hbm>>, %arg4: memref<624x128xf32, #tpu.memory_space<hbm>>, %arg5: memref<2x10000x128xf32, #tpu.memory_space<hbm>>, %arg6: memref<2x10x128xi32, #tpu.memory_space<vmem>>, %arg7: memref<2x10x128xi32, #tpu.memory_space<vmem>>, %arg8: memref<128x128xf32, #tpu.memory_space<vmem>>, %arg9: memref<128x128xf32, #tpu.memory_space<vmem>>, %arg10: memref<10128x128xf32, #tpu.memory_space<vmem_shared>>, %arg11: memref<!tpu.dma_semaphore, #tpu.memory_space<semaphore_mem>>, %arg12: memref<!tpu.dma_semaphore, #tpu.memory_space<semaphore_mem>>, %arg13: memref<!tpu.dma_semaphore, #tpu.memory_space<semaphore_mem>>, %arg14: memref<!tpu.dma_semaphore, #tpu.memory_space<semaphore_mem>>) attributes {dimension_semantics = [#tpu.dimension_semantics<core_parallel>, #tpu.dimension_semantics<subcore_parallel>], iteration_bounds = array<i64: 2, 16>, scalar_prefetch = 0 : i64, scratch_operands = 9 : i64, tpu.core_type = #tpu.core_type<sc_vector_subcore>, window_params = [{transform_indices = #map}, {transform_indices = #map1}, {transform_indices = #map}, {transform_indices = #map2}]} {
    %mul3A = arith.constant 2 : i32
    %mul3A_0 = arith.muli %arg1, %mul3A : i32
    %add3A = arith.addi %mul3A_0, %arg0 : i32
    %mul3A_1 = arith.constant 624 : i32
    %mul3A_2 = arith.muli %arg1, %mul3A_1 : i32
    %dma_start3A = arith.constant 0 : i32
    %dma_start3A_3 = tpu.memref_slice %arg10[%mul3A_2, %dma_start3A] : memref<10128x128xf32, #tpu.memory_space<vmem_shared>> -> memref<624x128xf32, #tpu.memory_space<vmem_shared>>
    tpu.enqueue_dma source(%arg4 : memref<624x128xf32, #tpu.memory_space<hbm>>) target(%dma_start3A_3 : memref<624x128xf32, #tpu.memory_space<vmem_shared>>) target_semaphore(%arg13 : memref<!tpu.dma_semaphore, #tpu.memory_space<semaphore_mem>>)
    %eq3A = arith.constant 15 : i32
    %eq3A_4 = arith.cmpi eq, %arg1, %eq3A : i32
    %convert_element_type3A = arith.extui %eq3A_4 : i1 to i32
    %cond3A = arith.constant 0 : i32
    %cond3A_5 = arith.cmpi ne, %convert_element_type3A, %cond3A : i32
    scf.if %cond3A_5 {
      "tpu.region"() ({
        %run_scoped3A_47 = tpu.sem_alloc : memref<!tpu.dma_semaphore, #tpu.memory_space<semaphore_mem>>
        %dma_start3A_48 = arith.constant 9984 : i32
        %dma_start3A_49 = arith.constant 0 : i32
        %dma_start3A_50 = tpu.memref_slice %arg10[%dma_start3A_48, %dma_start3A_49] : memref<10128x128xf32, #tpu.memory_space<vmem_shared>> -> memref<144x128xf32, #tpu.memory_space<vmem_shared>>
        %dma_start3A_51 = arith.constant 0 : i32
        %dma_start3A_52 = arith.constant 0 : i32
        %dma_start3A_53 = tpu.memref_slice %arg4[%dma_start3A_51, %dma_start3A_52] : memref<624x128xf32, #tpu.memory_space<hbm>> -> memref<144x128xf32, #tpu.memory_space<hbm>>
        tpu.enqueue_dma source(%dma_start3A_53 : memref<144x128xf32, #tpu.memory_space<hbm>>) target(%dma_start3A_50 : memref<144x128xf32, #tpu.memory_space<vmem_shared>>) target_semaphore(%run_scoped3A_47 : memref<!tpu.dma_semaphore, #tpu.memory_space<semaphore_mem>>)
        %dma_wait3A_54 = arith.constant 9984 : i32
        %dma_wait3A_55 = arith.constant 0 : i32
        %dma_wait3A_56 = tpu.memref_slice %arg10[%dma_wait3A_54, %dma_wait3A_55] : memref<10128x128xf32, #tpu.memory_space<vmem_shared>> -> memref<144x128xf32, #tpu.memory_space<vmem_shared>>
        %dma_wait3A_57 = arith.constant 0 : i32
        %dma_wait3A_58 = arith.constant 0 : i32
        %dma_wait3A_59 = tpu.memref_slice %arg4[%dma_wait3A_57, %dma_wait3A_58] : memref<624x128xf32, #tpu.memory_space<hbm>> -> memref<144x128xf32, #tpu.memory_space<hbm>>
        tpu.wait_dma2 semaphore(%run_scoped3A_47 : memref<!tpu.dma_semaphore, #tpu.memory_space<semaphore_mem>>) src(%dma_wait3A_59 : memref<144x128xf32, #tpu.memory_space<hbm>>) dst(%dma_wait3A_56 : memref<144x128xf32, #tpu.memory_space<vmem_shared>>)
        tpu.yield
      }) : () -> ()
    } else {
    }
    %run_scoped3A = arith.constant 0 : i32
    "tpu.region"() ({
      %run_scoped3A_47 = tpu.sem_alloc : memref<!tpu.dma_semaphore, #tpu.memory_space<semaphore_mem>>
      %dma_start3A_48 = arith.constant 0 : i32
      %dma_start3A_49 = arith.constant 0 : i32
      %dma_start3A_50 = arith.constant 0 : i32
      %dma_start3A_51 = tpu.memref_slice %arg3[%add3A, %run_scoped3A, %dma_start3A_48, %dma_start3A_49, %dma_start3A_50] : memref<32x8x2x10x128xi32, #tpu.memory_space<hbm>> -> memref<1x1x2x10x128xi32, #tpu.memory_space<hbm>>
      %dma_start3A_52 = tpu.memref_squeeze %dma_start3A_51 : memref<1x1x2x10x128xi32, #tpu.memory_space<hbm>> -> memref<2x10x128xi32, #tpu.memory_space<hbm>>
      %dma_start3A_53 = arith.constant 0 : i32
      %dma_start3A_54 = arith.constant 0 : i32
      %dma_start3A_55 = arith.constant 0 : i32
      %dma_start3A_56 = tpu.memref_slice %arg3[%add3A, %run_scoped3A, %dma_start3A_53, %dma_start3A_54, %dma_start3A_55] : memref<32x8x2x10x128xi32, #tpu.memory_space<hbm>> -> memref<1x1x2x10x128xi32, #tpu.memory_space<hbm>>
      %dma_start3A_57 = tpu.memref_squeeze %dma_start3A_56 : memref<1x1x2x10x128xi32, #tpu.memory_space<hbm>> -> memref<2x10x128xi32, #tpu.memory_space<hbm>>
      tpu.enqueue_dma source(%dma_start3A_57 : memref<2x10x128xi32, #tpu.memory_space<hbm>>) target(%arg6 : memref<2x10x128xi32, #tpu.memory_space<vmem>>) target_semaphore(%run_scoped3A_47 : memref<!tpu.dma_semaphore, #tpu.memory_space<semaphore_mem>>)
      %dma_wait3A_58 = arith.constant 0 : i32
      %dma_wait3A_59 = arith.constant 0 : i32
      %dma_wait3A_60 = arith.constant 0 : i32
      %dma_wait3A_61 = tpu.memref_slice %arg3[%add3A, %run_scoped3A, %dma_wait3A_58, %dma_wait3A_59, %dma_wait3A_60] : memref<32x8x2x10x128xi32, #tpu.memory_space<hbm>> -> memref<1x1x2x10x128xi32, #tpu.memory_space<hbm>>
      %dma_wait3A_62 = tpu.memref_squeeze %dma_wait3A_61 : memref<1x1x2x10x128xi32, #tpu.memory_space<hbm>> -> memref<2x10x128xi32, #tpu.memory_space<hbm>>
      %dma_wait3A_63 = arith.constant 0 : i32
      %dma_wait3A_64 = arith.constant 0 : i32
      %dma_wait3A_65 = arith.constant 0 : i32
      %dma_wait3A_66 = tpu.memref_slice %arg3[%add3A, %run_scoped3A, %dma_wait3A_63, %dma_wait3A_64, %dma_wait3A_65] : memref<32x8x2x10x128xi32, #tpu.memory_space<hbm>> -> memref<1x1x2x10x128xi32, #tpu.memory_space<hbm>>
      %dma_wait3A_67 = tpu.memref_squeeze %dma_wait3A_66 : memref<1x1x2x10x128xi32, #tpu.memory_space<hbm>> -> memref<2x10x128xi32, #tpu.memory_space<hbm>>
      tpu.wait_dma2 semaphore(%run_scoped3A_47 : memref<!tpu.dma_semaphore, #tpu.memory_space<semaphore_mem>>) src(%dma_wait3A_67 : memref<2x10x128xi32, #tpu.memory_space<hbm>>) dst(%arg6 : memref<2x10x128xi32, #tpu.memory_space<vmem>>)
      tpu.yield
    }) : () -> ()
    %dma_start3A_6 = arith.constant 1 : i32
    %dma_start3A_7 = arith.constant 0 : i32
    %dma_start3A_8 = arith.constant 0 : i32
    %dma_start3A_9 = arith.constant 0 : i32
    %dma_start3A_10 = tpu.memref_slice %arg3[%add3A, %dma_start3A_6, %dma_start3A_7, %dma_start3A_8, %dma_start3A_9] : memref<32x8x2x10x128xi32, #tpu.memory_space<hbm>> -> memref<1x1x2x10x128xi32, #tpu.memory_space<hbm>>
    %dma_start3A_11 = tpu.memref_squeeze %dma_start3A_10 : memref<1x1x2x10x128xi32, #tpu.memory_space<hbm>> -> memref<2x10x128xi32, #tpu.memory_space<hbm>>
    %dma_start3A_12 = arith.constant 0 : i32
    %dma_start3A_13 = arith.constant 0 : i32
    %dma_start3A_14 = arith.constant 0 : i32
    %dma_start3A_15 = tpu.memref_slice %arg3[%add3A, %dma_start3A_6, %dma_start3A_12, %dma_start3A_13, %dma_start3A_14] : memref<32x8x2x10x128xi32, #tpu.memory_space<hbm>> -> memref<1x1x2x10x128xi32, #tpu.memory_space<hbm>>
    %dma_start3A_16 = tpu.memref_squeeze %dma_start3A_15 : memref<1x1x2x10x128xi32, #tpu.memory_space<hbm>> -> memref<2x10x128xi32, #tpu.memory_space<hbm>>
    tpu.enqueue_dma source(%dma_start3A_16 : memref<2x10x128xi32, #tpu.memory_space<hbm>>) target(%arg7 : memref<2x10x128xi32, #tpu.memory_space<vmem>>) target_semaphore(%arg14 : memref<!tpu.dma_semaphore, #tpu.memory_space<semaphore_mem>>)
    %dma_start3A_17 = arith.constant 0 : i32
    %dma_start3A_18 = arith.constant 0 : i32
    %dma_start3A_19 = arith.constant 0 : i32
    %dma_start3A_20 = tpu.memref_slice %arg6[%dma_start3A_17, %dma_start3A_18, %dma_start3A_19] : memref<2x10x128xi32, #tpu.memory_space<vmem>> -> memref<1x1x128xi32, #tpu.memory_space<vmem>>
    %dma_start3A_21 = tpu.memref_squeeze %dma_start3A_20 : memref<1x1x128xi32, #tpu.memory_space<vmem>> -> memref<128xi32, #tpu.memory_space<vmem>>
    %dma_start3A_22 = arith.constant 0 : i32
    %dma_start3A_23 = arith.constant 0 : i32
    %dma_start3A_24 = tpu.memref_slice %arg2[%dma_start3A_22, %dma_start3A_23] : memref<10000x128xf32, #tpu.memory_space<hbm>> -> memref<10000x128xf32, #tpu.memory_space<hbm>>
    tpu.enqueue_indirect_dma source(%dma_start3A_24 : memref<10000x128xf32, #tpu.memory_space<hbm>>) target(%arg8 : memref<128x128xf32, #tpu.memory_space<vmem>>) offsets(%dma_start3A_21 : memref<128xi32, #tpu.memory_space<vmem>>) semaphore(%arg11 : memref<!tpu.dma_semaphore, #tpu.memory_space<semaphore_mem>>)
    %dma_start3A_25 = arith.constant 0 : i32
    %dma_start3A_26 = arith.constant 1 : i32
    %dma_start3A_27 = arith.constant 0 : i32
    %dma_start3A_28 = tpu.memref_slice %arg6[%dma_start3A_25, %dma_start3A_26, %dma_start3A_27] : memref<2x10x128xi32, #tpu.memory_space<vmem>> -> memref<1x1x128xi32, #tpu.memory_space<vmem>>
    %dma_start3A_29 = tpu.memref_squeeze %dma_start3A_28 : memref<1x1x128xi32, #tpu.memory_space<vmem>> -> memref<128xi32, #tpu.memory_space<vmem>>
    %dma_start3A_30 = arith.constant 0 : i32
    %dma_start3A_31 = arith.constant 0 : i32
    %dma_start3A_32 = tpu.memref_slice %arg2[%dma_start3A_30, %dma_start3A_31] : memref<10000x128xf32, #tpu.memory_space<hbm>> -> memref<10000x128xf32, #tpu.memory_space<hbm>>
    tpu.enqueue_indirect_dma source(%dma_start3A_32 : memref<10000x128xf32, #tpu.memory_space<hbm>>) target(%arg9 : memref<128x128xf32, #tpu.memory_space<vmem>>) offsets(%dma_start3A_29 : memref<128xi32, #tpu.memory_space<vmem>>) semaphore(%arg12 : memref<!tpu.dma_semaphore, #tpu.memory_space<semaphore_mem>>)
    %dma_wait3A = arith.constant 0 : i32
    %dma_wait3A_33 = tpu.memref_slice %arg10[%mul3A_2, %dma_wait3A] : memref<10128x128xf32, #tpu.memory_space<vmem_shared>> -> memref<624x128xf32, #tpu.memory_space<vmem_shared>>
    tpu.wait_dma2 semaphore(%arg13 : memref<!tpu.dma_semaphore, #tpu.memory_space<semaphore_mem>>) src(%arg4 : memref<624x128xf32, #tpu.memory_space<hbm>>) dst(%dma_wait3A_33 : memref<624x128xf32, #tpu.memory_space<vmem_shared>>)
    %barrier3A = arith.constant 0 : index
    tpu.barrier barrier_id(%barrier3A)
    %scan3A = arith.constant 0 : i32
    %scan3A_34 = arith.constant 0 : i32
    %scan3A_35 = arith.constant 4 : i32
    %scan3A_36 = arith.addi %scan3A_34, %scan3A_35 : i32
    %scan3A_37 = arith.constant 1 : i32
    scf.for %scan3A_47 = %scan3A_34 to %scan3A_36 step %scan3A_37  : i32 {
      %mul3A_48 = arith.constant 2 : i32
      %mul3A_49 = arith.muli %scan3A_47, %mul3A_48 : i32
      %add3A_50 = arith.constant 0 : i32
      %add3A_51 = arith.addi %mul3A_49, %add3A_50 : i32
      %mul3A_52 = arith.constant 10 : i32
      %mul3A_53 = arith.muli %add3A_51, %mul3A_52 : i32
      %add3A_54 = arith.constant 0 : i32
      %add3A_55 = arith.addi %mul3A_53, %add3A_54 : i32
      %dma_wait3A_56 = arith.constant 0 : i32
      %dma_wait3A_57 = arith.constant 0 : i32
      %dma_wait3A_58 = arith.constant 0 : i32
      %dma_wait3A_59 = tpu.memref_slice %arg6[%dma_wait3A_56, %dma_wait3A_57, %dma_wait3A_58] : memref<2x10x128xi32, #tpu.memory_space<vmem>> -> memref<1x1x128xi32, #tpu.memory_space<vmem>>
      %dma_wait3A_60 = tpu.memref_squeeze %dma_wait3A_59 : memref<1x1x128xi32, #tpu.memory_space<vmem>> -> memref<128xi32, #tpu.memory_space<vmem>>
      %dma_wait3A_61 = arith.constant 0 : i32
      %dma_wait3A_62 = arith.constant 0 : i32
      %dma_wait3A_63 = tpu.memref_slice %arg2[%dma_wait3A_61, %dma_wait3A_62] : memref<10000x128xf32, #tpu.memory_space<hbm>> -> memref<10000x128xf32, #tpu.memory_space<hbm>>
      tpu.wait_indirect_dma semaphore(%arg11 : memref<!tpu.dma_semaphore, #tpu.memory_space<semaphore_mem>>) src(%dma_wait3A_63 : memref<10000x128xf32, #tpu.memory_space<hbm>>) dst(%arg8 : memref<128x128xf32, #tpu.memory_space<vmem>>)
      %run_scoped3A_64 = arith.constant 1 : i32
      %run_scoped3A_65 = arith.constant 0 : i32
      "tpu.region"() ({
        %run_scoped3A_519 = tpu.sem_alloc : memref<!tpu.dma_semaphore, #tpu.memory_space<semaphore_mem>>
        %dma_start3A_520 = arith.constant 0 : i32
        %dma_start3A_521 = tpu.memref_slice %arg6[%run_scoped3A_64, %run_scoped3A_65, %dma_start3A_520] : memref<2x10x128xi32, #tpu.memory_space<vmem>> -> memref<1x1x128xi32, #tpu.memory_space<vmem>>
        %dma_start3A_522 = tpu.memref_squeeze %dma_start3A_521 : memref<1x1x128xi32, #tpu.memory_space<vmem>> -> memref<128xi32, #tpu.memory_space<vmem>>
        %dma_start3A_523 = arith.constant 0 : i32
        %dma_start3A_524 = arith.constant 0 : i32
        %dma_start3A_525 = tpu.memref_slice %arg10[%dma_start3A_523, %dma_start3A_524] : memref<10128x128xf32, #tpu.memory_space<vmem_shared>> -> memref<10128x128xf32, #tpu.memory_space<vmem_shared>>
        tpu.enqueue_indirect_dma source(%arg8 : memref<128x128xf32, #tpu.memory_space<vmem>>) target(%dma_start3A_525 : memref<10128x128xf32, #tpu.memory_space<vmem_shared>>) offsets(%dma_start3A_522 : memref<128xi32, #tpu.memory_space<vmem>>) semaphore(%run_scoped3A_519 : memref<!tpu.dma_semaphore, #tpu.memory_space<semaphore_mem>>) {add = true}
        %dma_wait3A_526 = arith.constant 0 : i32
        %dma_wait3A_527 = tpu.memref_slice %arg6[%run_scoped3A_64, %run_scoped3A_65, %dma_wait3A_526] : memref<2x10x128xi32, #tpu.memory_space<vmem>> -> memref<1x1x128xi32, #tpu.memory_space<vmem>>
        %dma_wait3A_528 = tpu.memref_squeeze %dma_wait3A_527 : memref<1x1x128xi32, #tpu.memory_space<vmem>> -> memref<128xi32, #tpu.memory_space<vmem>>
        %dma_wait3A_529 = arith.constant 0 : i32
        %dma_wait3A_530 = arith.constant 0 : i32
        %dma_wait3A_531 = tpu.memref_slice %arg10[%dma_wait3A_529, %dma_wait3A_530] : memref<10128x128xf32, #tpu.memory_space<vmem_shared>> -> memref<10128x128xf32, #tpu.memory_space<vmem_shared>>
        tpu.wait_indirect_dma semaphore(%run_scoped3A_519 : memref<!tpu.dma_semaphore, #tpu.memory_space<semaphore_mem>>) src(%arg8 : memref<128x128xf32, #tpu.memory_space<vmem>>) dst(%dma_wait3A_531 : memref<10128x128xf32, #tpu.memory_space<vmem_shared>>)
        tpu.yield
      }) : () -> ()
      %dma_start3A_66 = arith.constant 0 : i32
      %dma_start3A_67 = arith.constant 2 : i32
      %dma_start3A_68 = arith.constant 0 : i32
      %dma_start3A_69 = tpu.memref_slice %arg6[%dma_start3A_66, %dma_start3A_67, %dma_start3A_68] : memref<2x10x128xi32, #tpu.memory_space<vmem>> -> memref<1x1x128xi32, #tpu.memory_space<vmem>>
      %dma_start3A_70 = tpu.memref_squeeze %dma_start3A_69 : memref<1x1x128xi32, #tpu.memory_space<vmem>> -> memref<128xi32, #tpu.memory_space<vmem>>
      %dma_start3A_71 = arith.constant 0 : i32
      %dma_start3A_72 = arith.constant 0 : i32
      %dma_start3A_73 = tpu.memref_slice %arg2[%dma_start3A_71, %dma_start3A_72] : memref<10000x128xf32, #tpu.memory_space<hbm>> -> memref<10000x128xf32, #tpu.memory_space<hbm>>
      tpu.enqueue_indirect_dma source(%dma_start3A_73 : memref<10000x128xf32, #tpu.memory_space<hbm>>) target(%arg8 : memref<128x128xf32, #tpu.memory_space<vmem>>) offsets(%dma_start3A_70 : memref<128xi32, #tpu.memory_space<vmem>>) semaphore(%arg11 : memref<!tpu.dma_semaphore, #tpu.memory_space<semaphore_mem>>)
      %mul3A_74 = arith.constant 10 : i32
      %mul3A_75 = arith.muli %add3A_51, %mul3A_74 : i32
      %add3A_76 = arith.constant 1 : i32
      %add3A_77 = arith.addi %mul3A_75, %add3A_76 : i32
      %dma_wait3A_78 = arith.constant 0 : i32
      %dma_wait3A_79 = arith.constant 1 : i32
      %dma_wait3A_80 = arith.constant 0 : i32
      %dma_wait3A_81 = tpu.memref_slice %arg6[%dma_wait3A_78, %dma_wait3A_79, %dma_wait3A_80] : memref<2x10x128xi32, #tpu.memory_space<vmem>> -> memref<1x1x128xi32, #tpu.memory_space<vmem>>
      %dma_wait3A_82 = tpu.memref_squeeze %dma_wait3A_81 : memref<1x1x128xi32, #tpu.memory_space<vmem>> -> memref<128xi32, #tpu.memory_space<vmem>>
      %dma_wait3A_83 = arith.constant 0 : i32
      %dma_wait3A_84 = arith.constant 0 : i32
      %dma_wait3A_85 = tpu.memref_slice %arg2[%dma_wait3A_83, %dma_wait3A_84] : memref<10000x128xf32, #tpu.memory_space<hbm>> -> memref<10000x128xf32, #tpu.memory_space<hbm>>
      tpu.wait_indirect_dma semaphore(%arg12 : memref<!tpu.dma_semaphore, #tpu.memory_space<semaphore_mem>>) src(%dma_wait3A_85 : memref<10000x128xf32, #tpu.memory_space<hbm>>) dst(%arg9 : memref<128x128xf32, #tpu.memory_space<vmem>>)
      %run_scoped3A_86 = arith.constant 1 : i32
      %run_scoped3A_87 = arith.constant 1 : i32
      "tpu.region"() ({
        %run_scoped3A_519 = tpu.sem_alloc : memref<!tpu.dma_semaphore, #tpu.memory_space<semaphore_mem>>
        %dma_start3A_520 = arith.constant 0 : i32
        %dma_start3A_521 = tpu.memref_slice %arg6[%run_scoped3A_86, %run_scoped3A_87, %dma_start3A_520] : memref<2x10x128xi32, #tpu.memory_space<vmem>> -> memref<1x1x128xi32, #tpu.memory_space<vmem>>
        %dma_start3A_522 = tpu.memref_squeeze %dma_start3A_521 : memref<1x1x128xi32, #tpu.memory_space<vmem>> -> memref<128xi32, #tpu.memory_space<vmem>>
        %dma_start3A_523 = arith.constant 0 : i32
        %dma_start3A_524 = arith.constant 0 : i32
        %dma_start3A_525 = tpu.memref_slice %arg10[%dma_start3A_523, %dma_start3A_524] : memref<10128x128xf32, #tpu.memory_space<vmem_shared>> -> memref<10128x128xf32, #tpu.memory_space<vmem_shared>>
        tpu.enqueue_indirect_dma source(%arg9 : memref<128x128xf32, #tpu.memory_space<vmem>>) target(%dma_start3A_525 : memref<10128x128xf32, #tpu.memory_space<vmem_shared>>) offsets(%dma_start3A_522 : memref<128xi32, #tpu.memory_space<vmem>>) semaphore(%run_scoped3A_519 : memref<!tpu.dma_semaphore, #tpu.memory_space<semaphore_mem>>) {add = true}
        %dma_wait3A_526 = arith.constant 0 : i32
        %dma_wait3A_527 = tpu.memref_slice %arg6[%run_scoped3A_86, %run_scoped3A_87, %dma_wait3A_526] : memref<2x10x128xi32, #tpu.memory_space<vmem>> -> memref<1x1x128xi32, #tpu.memory_space<vmem>>
        %dma_wait3A_528 = tpu.memref_squeeze %dma_wait3A_527 : memref<1x1x128xi32, #tpu.memory_space<vmem>> -> memref<128xi32, #tpu.memory_space<vmem>>
        %dma_wait3A_529 = arith.constant 0 : i32
        %dma_wait3A_530 = arith.constant 0 : i32
        %dma_wait3A_531 = tpu.memref_slice %arg10[%dma_wait3A_529, %dma_wait3A_530] : memref<10128x128xf32, #tpu.memory_space<vmem_shared>> -> memref<10128x128xf32, #tpu.memory_space<vmem_shared>>
        tpu.wait_indirect_dma semaphore(%run_scoped3A_519 : memref<!tpu.dma_semaphore, #tpu.memory_space<semaphore_mem>>) src(%arg9 : memref<128x128xf32, #tpu.memory_space<vmem>>) dst(%dma_wait3A_531 : memref<10128x128xf32, #tpu.memory_space<vmem_shared>>)
        tpu.yield
      }) : () -> ()
      %dma_start3A_88 = arith.constant 0 : i32
      %dma_start3A_89 = arith.constant 3 : i32
      %dma_start3A_90 = arith.constant 0 : i32
      %dma_start3A_91 = tpu.memref_slice %arg6[%dma_start3A_88, %dma_start3A_89, %dma_start3A_90] : memref<2x10x128xi32, #tpu.memory_space<vmem>> -> memref<1x1x128xi32, #tpu.memory_space<vmem>>
      %dma_start3A_92 = tpu.memref_squeeze %dma_start3A_91 : memref<1x1x128xi32, #tpu.memory_space<vmem>> -> memref<128xi32, #tpu.memory_space<vmem>>
      %dma_start3A_93 = arith.constant 0 : i32
      %dma_start3A_94 = arith.constant 0 : i32
      %dma_start3A_95 = tpu.memref_slice %arg2[%dma_start3A_93, %dma_start3A_94] : memref<10000x128xf32, #tpu.memory_space<hbm>> -> memref<10000x128xf32, #tpu.memory_space<hbm>>
      tpu.enqueue_indirect_dma source(%dma_start3A_95 : memref<10000x128xf32, #tpu.memory_space<hbm>>) target(%arg9 : memref<128x128xf32, #tpu.memory_space<vmem>>) offsets(%dma_start3A_92 : memref<128xi32, #tpu.memory_space<vmem>>) semaphore(%arg12 : memref<!tpu.dma_semaphore, #tpu.memory_space<semaphore_mem>>)
      %mul3A_96 = arith.constant 10 : i32
      %mul3A_97 = arith.muli %add3A_51, %mul3A_96 : i32
      %add3A_98 = arith.constant 2 : i32
      %add3A_99 = arith.addi %mul3A_97, %add3A_98 : i32
      %dma_wait3A_100 = arith.constant 0 : i32
      %dma_wait3A_101 = arith.constant 2 : i32
      %dma_wait3A_102 = arith.constant 0 : i32
      %dma_wait3A_103 = tpu.memref_slice %arg6[%dma_wait3A_100, %dma_wait3A_101, %dma_wait3A_102] : memref<2x10x128xi32, #tpu.memory_space<vmem>> -> memref<1x1x128xi32, #tpu.memory_space<vmem>>
      %dma_wait3A_104 = tpu.memref_squeeze %dma_wait3A_103 : memref<1x1x128xi32, #tpu.memory_space<vmem>> -> memref<128xi32, #tpu.memory_space<vmem>>
      %dma_wait3A_105 = arith.constant 0 : i32
      %dma_wait3A_106 = arith.constant 0 : i32
      %dma_wait3A_107 = tpu.memref_slice %arg2[%dma_wait3A_105, %dma_wait3A_106] : memref<10000x128xf32, #tpu.memory_space<hbm>> -> memref<10000x128xf32, #tpu.memory_space<hbm>>
      tpu.wait_indirect_dma semaphore(%arg11 : memref<!tpu.dma_semaphore, #tpu.memory_space<semaphore_mem>>) src(%dma_wait3A_107 : memref<10000x128xf32, #tpu.memory_space<hbm>>) dst(%arg8 : memref<128x128xf32, #tpu.memory_space<vmem>>)
      %run_scoped3A_108 = arith.constant 1 : i32
      %run_scoped3A_109 = arith.constant 2 : i32
      "tpu.region"() ({
        %run_scoped3A_519 = tpu.sem_alloc : memref<!tpu.dma_semaphore, #tpu.memory_space<semaphore_mem>>
        %dma_start3A_520 = arith.constant 0 : i32
        %dma_start3A_521 = tpu.memref_slice %arg6[%run_scoped3A_108, %run_scoped3A_109, %dma_start3A_520] : memref<2x10x128xi32, #tpu.memory_space<vmem>> -> memref<1x1x128xi32, #tpu.memory_space<vmem>>
        %dma_start3A_522 = tpu.memref_squeeze %dma_start3A_521 : memref<1x1x128xi32, #tpu.memory_space<vmem>> -> memref<128xi32, #tpu.memory_space<vmem>>
        %dma_start3A_523 = arith.constant 0 : i32
        %dma_start3A_524 = arith.constant 0 : i32
        %dma_start3A_525 = tpu.memref_slice %arg10[%dma_start3A_523, %dma_start3A_524] : memref<10128x128xf32, #tpu.memory_space<vmem_shared>> -> memref<10128x128xf32, #tpu.memory_space<vmem_shared>>
        tpu.enqueue_indirect_dma source(%arg8 : memref<128x128xf32, #tpu.memory_space<vmem>>) target(%dma_start3A_525 : memref<10128x128xf32, #tpu.memory_space<vmem_shared>>) offsets(%dma_start3A_522 : memref<128xi32, #tpu.memory_space<vmem>>) semaphore(%run_scoped3A_519 : memref<!tpu.dma_semaphore, #tpu.memory_space<semaphore_mem>>) {add = true}
        %dma_wait3A_526 = arith.constant 0 : i32
        %dma_wait3A_527 = tpu.memref_slice %arg6[%run_scoped3A_108, %run_scoped3A_109, %dma_wait3A_526] : memref<2x10x128xi32, #tpu.memory_space<vmem>> -> memref<1x1x128xi32, #tpu.memory_space<vmem>>
        %dma_wait3A_528 = tpu.memref_squeeze %dma_wait3A_527 : memref<1x1x128xi32, #tpu.memory_space<vmem>> -> memref<128xi32, #tpu.memory_space<vmem>>
        %dma_wait3A_529 = arith.constant 0 : i32
        %dma_wait3A_530 = arith.constant 0 : i32
        %dma_wait3A_531 = tpu.memref_slice %arg10[%dma_wait3A_529, %dma_wait3A_530] : memref<10128x128xf32, #tpu.memory_space<vmem_shared>> -> memref<10128x128xf32, #tpu.memory_space<vmem_shared>>
        tpu.wait_indirect_dma semaphore(%run_scoped3A_519 : memref<!tpu.dma_semaphore, #tpu.memory_space<semaphore_mem>>) src(%arg8 : memref<128x128xf32, #tpu.memory_space<vmem>>) dst(%dma_wait3A_531 : memref<10128x128xf32, #tpu.memory_space<vmem_shared>>)
        tpu.yield
      }) : () -> ()
      %dma_start3A_110 = arith.constant 0 : i32
      %dma_start3A_111 = arith.constant 4 : i32
      %dma_start3A_112 = arith.constant 0 : i32
      %dma_start3A_113 = tpu.memref_slice %arg6[%dma_start3A_110, %dma_start3A_111, %dma_start3A_112] : memref<2x10x128xi32, #tpu.memory_space<vmem>> -> memref<1x1x128xi32, #tpu.memory_space<vmem>>
      %dma_start3A_114 = tpu.memref_squeeze %dma_start3A_113 : memref<1x1x128xi32, #tpu.memory_space<vmem>> -> memref<128xi32, #tpu.memory_space<vmem>>
      %dma_start3A_115 = arith.constant 0 : i32
      %dma_start3A_116 = arith.constant 0 : i32
      %dma_start3A_117 = tpu.memref_slice %arg2[%dma_start3A_115, %dma_start3A_116] : memref<10000x128xf32, #tpu.memory_space<hbm>> -> memref<10000x128xf32, #tpu.memory_space<hbm>>
      tpu.enqueue_indirect_dma source(%dma_start3A_117 : memref<10000x128xf32, #tpu.memory_space<hbm>>) target(%arg8 : memref<128x128xf32, #tpu.memory_space<vmem>>) offsets(%dma_start3A_114 : memref<128xi32, #tpu.memory_space<vmem>>) semaphore(%arg11 : memref<!tpu.dma_semaphore, #tpu.memory_space<semaphore_mem>>)
      %mul3A_118 = arith.constant 10 : i32
      %mul3A_119 = arith.muli %add3A_51, %mul3A_118 : i32
      %add3A_120 = arith.constant 3 : i32
      %add3A_121 = arith.addi %mul3A_119, %add3A_120 : i32
      %dma_wait3A_122 = arith.constant 0 : i32
      %dma_wait3A_123 = arith.constant 3 : i32
      %dma_wait3A_124 = arith.constant 0 : i32
      %dma_wait3A_125 = tpu.memref_slice %arg6[%dma_wait3A_122, %dma_wait3A_123, %dma_wait3A_124] : memref<2x10x128xi32, #tpu.memory_space<vmem>> -> memref<1x1x128xi32, #tpu.memory_space<vmem>>
      %dma_wait3A_126 = tpu.memref_squeeze %dma_wait3A_125 : memref<1x1x128xi32, #tpu.memory_space<vmem>> -> memref<128xi32, #tpu.memory_space<vmem>>
      %dma_wait3A_127 = arith.constant 0 : i32
      %dma_wait3A_128 = arith.constant 0 : i32
      %dma_wait3A_129 = tpu.memref_slice %arg2[%dma_wait3A_127, %dma_wait3A_128] : memref<10000x128xf32, #tpu.memory_space<hbm>> -> memref<10000x128xf32, #tpu.memory_space<hbm>>
      tpu.wait_indirect_dma semaphore(%arg12 : memref<!tpu.dma_semaphore, #tpu.memory_space<semaphore_mem>>) src(%dma_wait3A_129 : memref<10000x128xf32, #tpu.memory_space<hbm>>) dst(%arg9 : memref<128x128xf32, #tpu.memory_space<vmem>>)
      %run_scoped3A_130 = arith.constant 1 : i32
      %run_scoped3A_131 = arith.constant 3 : i32
      "tpu.region"() ({
        %run_scoped3A_519 = tpu.sem_alloc : memref<!tpu.dma_semaphore, #tpu.memory_space<semaphore_mem>>
        %dma_start3A_520 = arith.constant 0 : i32
        %dma_start3A_521 = tpu.memref_slice %arg6[%run_scoped3A_130, %run_scoped3A_131, %dma_start3A_520] : memref<2x10x128xi32, #tpu.memory_space<vmem>> -> memref<1x1x128xi32, #tpu.memory_space<vmem>>
        %dma_start3A_522 = tpu.memref_squeeze %dma_start3A_521 : memref<1x1x128xi32, #tpu.memory_space<vmem>> -> memref<128xi32, #tpu.memory_space<vmem>>
        %dma_start3A_523 = arith.constant 0 : i32
        %dma_start3A_524 = arith.constant 0 : i32
        %dma_start3A_525 = tpu.memref_slice %arg10[%dma_start3A_523, %dma_start3A_524] : memref<10128x128xf32, #tpu.memory_space<vmem_shared>> -> memref<10128x128xf32, #tpu.memory_space<vmem_shared>>
        tpu.enqueue_indirect_dma source(%arg9 : memref<128x128xf32, #tpu.memory_space<vmem>>) target(%dma_start3A_525 : memref<10128x128xf32, #tpu.memory_space<vmem_shared>>) offsets(%dma_start3A_522 : memref<128xi32, #tpu.memory_space<vmem>>) semaphore(%run_scoped3A_519 : memref<!tpu.dma_semaphore, #tpu.memory_space<semaphore_mem>>) {add = true}
        %dma_wait3A_526 = arith.constant 0 : i32
        %dma_wait3A_527 = tpu.memref_slice %arg6[%run_scoped3A_130, %run_scoped3A_131, %dma_wait3A_526] : memref<2x10x128xi32, #tpu.memory_space<vmem>> -> memref<1x1x128xi32, #tpu.memory_space<vmem>>
        %dma_wait3A_528 = tpu.memref_squeeze %dma_wait3A_527 : memref<1x1x128xi32, #tpu.memory_space<vmem>> -> memref<128xi32, #tpu.memory_space<vmem>>
        %dma_wait3A_529 = arith.constant 0 : i32
        %dma_wait3A_530 = arith.constant 0 : i32
        %dma_wait3A_531 = tpu.memref_slice %arg10[%dma_wait3A_529, %dma_wait3A_530] : memref<10128x128xf32, #tpu.memory_space<vmem_shared>> -> memref<10128x128xf32, #tpu.memory_space<vmem_shared>>
        tpu.wait_indirect_dma semaphore(%run_scoped3A_519 : memref<!tpu.dma_semaphore, #tpu.memory_space<semaphore_mem>>) src(%arg9 : memref<128x128xf32, #tpu.memory_space<vmem>>) dst(%dma_wait3A_531 : memref<10128x128xf32, #tpu.memory_space<vmem_shared>>)
        tpu.yield
      }) : () -> ()
      %dma_start3A_132 = arith.constant 0 : i32
      %dma_start3A_133 = arith.constant 5 : i32
      %dma_start3A_134 = arith.constant 0 : i32
      %dma_start3A_135 = tpu.memref_slice %arg6[%dma_start3A_132, %dma_start3A_133, %dma_start3A_134] : memref<2x10x128xi32, #tpu.memory_space<vmem>> -> memref<1x1x128xi32, #tpu.memory_space<vmem>>
      %dma_start3A_136 = tpu.memref_squeeze %dma_start3A_135 : memref<1x1x128xi32, #tpu.memory_space<vmem>> -> memref<128xi32, #tpu.memory_space<vmem>>
      %dma_start3A_137 = arith.constant 0 : i32
      %dma_start3A_138 = arith.constant 0 : i32
      %dma_start3A_139 = tpu.memref_slice %arg2[%dma_start3A_137, %dma_start3A_138] : memref<10000x128xf32, #tpu.memory_space<hbm>> -> memref<10000x128xf32, #tpu.memory_space<hbm>>
      tpu.enqueue_indirect_dma source(%dma_start3A_139 : memref<10000x128xf32, #tpu.memory_space<hbm>>) target(%arg9 : memref<128x128xf32, #tpu.memory_space<vmem>>) offsets(%dma_start3A_136 : memref<128xi32, #tpu.memory_space<vmem>>) semaphore(%arg12 : memref<!tpu.dma_semaphore, #tpu.memory_space<semaphore_mem>>)
      %mul3A_140 = arith.constant 10 : i32
      %mul3A_141 = arith.muli %add3A_51, %mul3A_140 : i32
      %add3A_142 = arith.constant 4 : i32
      %add3A_143 = arith.addi %mul3A_141, %add3A_142 : i32
      %dma_wait3A_144 = arith.constant 0 : i32
      %dma_wait3A_145 = arith.constant 4 : i32
      %dma_wait3A_146 = arith.constant 0 : i32
      %dma_wait3A_147 = tpu.memref_slice %arg6[%dma_wait3A_144, %dma_wait3A_145, %dma_wait3A_146] : memref<2x10x128xi32, #tpu.memory_space<vmem>> -> memref<1x1x128xi32, #tpu.memory_space<vmem>>
      %dma_wait3A_148 = tpu.memref_squeeze %dma_wait3A_147 : memref<1x1x128xi32, #tpu.memory_space<vmem>> -> memref<128xi32, #tpu.memory_space<vmem>>
      %dma_wait3A_149 = arith.constant 0 : i32
      %dma_wait3A_150 = arith.constant 0 : i32
      %dma_wait3A_151 = tpu.memref_slice %arg2[%dma_wait3A_149, %dma_wait3A_150] : memref<10000x128xf32, #tpu.memory_space<hbm>> -> memref<10000x128xf32, #tpu.memory_space<hbm>>
      tpu.wait_indirect_dma semaphore(%arg11 : memref<!tpu.dma_semaphore, #tpu.memory_space<semaphore_mem>>) src(%dma_wait3A_151 : memref<10000x128xf32, #tpu.memory_space<hbm>>) dst(%arg8 : memref<128x128xf32, #tpu.memory_space<vmem>>)
      %run_scoped3A_152 = arith.constant 1 : i32
      %run_scoped3A_153 = arith.constant 4 : i32
      "tpu.region"() ({
        %run_scoped3A_519 = tpu.sem_alloc : memref<!tpu.dma_semaphore, #tpu.memory_space<semaphore_mem>>
        %dma_start3A_520 = arith.constant 0 : i32
        %dma_start3A_521 = tpu.memref_slice %arg6[%run_scoped3A_152, %run_scoped3A_153, %dma_start3A_520] : memref<2x10x128xi32, #tpu.memory_space<vmem>> -> memref<1x1x128xi32, #tpu.memory_space<vmem>>
        %dma_start3A_522 = tpu.memref_squeeze %dma_start3A_521 : memref<1x1x128xi32, #tpu.memory_space<vmem>> -> memref<128xi32, #tpu.memory_space<vmem>>
        %dma_start3A_523 = arith.constant 0 : i32
        %dma_start3A_524 = arith.constant 0 : i32
        %dma_start3A_525 = tpu.memref_slice %arg10[%dma_start3A_523, %dma_start3A_524] : memref<10128x128xf32, #tpu.memory_space<vmem_shared>> -> memref<10128x128xf32, #tpu.memory_space<vmem_shared>>
        tpu.enqueue_indirect_dma source(%arg8 : memref<128x128xf32, #tpu.memory_space<vmem>>) target(%dma_start3A_525 : memref<10128x128xf32, #tpu.memory_space<vmem_shared>>) offsets(%dma_start3A_522 : memref<128xi32, #tpu.memory_space<vmem>>) semaphore(%run_scoped3A_519 : memref<!tpu.dma_semaphore, #tpu.memory_space<semaphore_mem>>) {add = true}
        %dma_wait3A_526 = arith.constant 0 : i32
        %dma_wait3A_527 = tpu.memref_slice %arg6[%run_scoped3A_152, %run_scoped3A_153, %dma_wait3A_526] : memref<2x10x128xi32, #tpu.memory_space<vmem>> -> memref<1x1x128xi32, #tpu.memory_space<vmem>>
        %dma_wait3A_528 = tpu.memref_squeeze %dma_wait3A_527 : memref<1x1x128xi32, #tpu.memory_space<vmem>> -> memref<128xi32, #tpu.memory_space<vmem>>
        %dma_wait3A_529 = arith.constant 0 : i32
        %dma_wait3A_530 = arith.constant 0 : i32
        %dma_wait3A_531 = tpu.memref_slice %arg10[%dma_wait3A_529, %dma_wait3A_530] : memref<10128x128xf32, #tpu.memory_space<vmem_shared>> -> memref<10128x128xf32, #tpu.memory_space<vmem_shared>>
        tpu.wait_indirect_dma semaphore(%run_scoped3A_519 : memref<!tpu.dma_semaphore, #tpu.memory_space<semaphore_mem>>) src(%arg8 : memref<128x128xf32, #tpu.memory_space<vmem>>) dst(%dma_wait3A_531 : memref<10128x128xf32, #tpu.memory_space<vmem_shared>>)
        tpu.yield
      }) : () -> ()
      %dma_start3A_154 = arith.constant 0 : i32
      %dma_start3A_155 = arith.constant 6 : i32
      %dma_start3A_156 = arith.constant 0 : i32
      %dma_start3A_157 = tpu.memref_slice %arg6[%dma_start3A_154, %dma_start3A_155, %dma_start3A_156] : memref<2x10x128xi32, #tpu.memory_space<vmem>> -> memref<1x1x128xi32, #tpu.memory_space<vmem>>
      %dma_start3A_158 = tpu.memref_squeeze %dma_start3A_157 : memref<1x1x128xi32, #tpu.memory_space<vmem>> -> memref<128xi32, #tpu.memory_space<vmem>>
      %dma_start3A_159 = arith.constant 0 : i32
      %dma_start3A_160 = arith.constant 0 : i32
      %dma_start3A_161 = tpu.memref_slice %arg2[%dma_start3A_159, %dma_start3A_160] : memref<10000x128xf32, #tpu.memory_space<hbm>> -> memref<10000x128xf32, #tpu.memory_space<hbm>>
      tpu.enqueue_indirect_dma source(%dma_start3A_161 : memref<10000x128xf32, #tpu.memory_space<hbm>>) target(%arg8 : memref<128x128xf32, #tpu.memory_space<vmem>>) offsets(%dma_start3A_158 : memref<128xi32, #tpu.memory_space<vmem>>) semaphore(%arg11 : memref<!tpu.dma_semaphore, #tpu.memory_space<semaphore_mem>>)
      %mul3A_162 = arith.constant 10 : i32
      %mul3A_163 = arith.muli %add3A_51, %mul3A_162 : i32
      %add3A_164 = arith.constant 5 : i32
      %add3A_165 = arith.addi %mul3A_163, %add3A_164 : i32
      %dma_wait3A_166 = arith.constant 0 : i32
      %dma_wait3A_167 = arith.constant 5 : i32
      %dma_wait3A_168 = arith.constant 0 : i32
      %dma_wait3A_169 = tpu.memref_slice %arg6[%dma_wait3A_166, %dma_wait3A_167, %dma_wait3A_168] : memref<2x10x128xi32, #tpu.memory_space<vmem>> -> memref<1x1x128xi32, #tpu.memory_space<vmem>>
      %dma_wait3A_170 = tpu.memref_squeeze %dma_wait3A_169 : memref<1x1x128xi32, #tpu.memory_space<vmem>> -> memref<128xi32, #tpu.memory_space<vmem>>
      %dma_wait3A_171 = arith.constant 0 : i32
      %dma_wait3A_172 = arith.constant 0 : i32
      %dma_wait3A_173 = tpu.memref_slice %arg2[%dma_wait3A_171, %dma_wait3A_172] : memref<10000x128xf32, #tpu.memory_space<hbm>> -> memref<10000x128xf32, #tpu.memory_space<hbm>>
      tpu.wait_indirect_dma semaphore(%arg12 : memref<!tpu.dma_semaphore, #tpu.memory_space<semaphore_mem>>) src(%dma_wait3A_173 : memref<10000x128xf32, #tpu.memory_space<hbm>>) dst(%arg9 : memref<128x128xf32, #tpu.memory_space<vmem>>)
      %run_scoped3A_174 = arith.constant 1 : i32
      %run_scoped3A_175 = arith.constant 5 : i32
      "tpu.region"() ({
        %run_scoped3A_519 = tpu.sem_alloc : memref<!tpu.dma_semaphore, #tpu.memory_space<semaphore_mem>>
        %dma_start3A_520 = arith.constant 0 : i32
        %dma_start3A_521 = tpu.memref_slice %arg6[%run_scoped3A_174, %run_scoped3A_175, %dma_start3A_520] : memref<2x10x128xi32, #tpu.memory_space<vmem>> -> memref<1x1x128xi32, #tpu.memory_space<vmem>>
        %dma_start3A_522 = tpu.memref_squeeze %dma_start3A_521 : memref<1x1x128xi32, #tpu.memory_space<vmem>> -> memref<128xi32, #tpu.memory_space<vmem>>
        %dma_start3A_523 = arith.constant 0 : i32
        %dma_start3A_524 = arith.constant 0 : i32
        %dma_start3A_525 = tpu.memref_slice %arg10[%dma_start3A_523, %dma_start3A_524] : memref<10128x128xf32, #tpu.memory_space<vmem_shared>> -> memref<10128x128xf32, #tpu.memory_space<vmem_shared>>
        tpu.enqueue_indirect_dma source(%arg9 : memref<128x128xf32, #tpu.memory_space<vmem>>) target(%dma_start3A_525 : memref<10128x128xf32, #tpu.memory_space<vmem_shared>>) offsets(%dma_start3A_522 : memref<128xi32, #tpu.memory_space<vmem>>) semaphore(%run_scoped3A_519 : memref<!tpu.dma_semaphore, #tpu.memory_space<semaphore_mem>>) {add = true}
        %dma_wait3A_526 = arith.constant 0 : i32
        %dma_wait3A_527 = tpu.memref_slice %arg6[%run_scoped3A_174, %run_scoped3A_175, %dma_wait3A_526] : memref<2x10x128xi32, #tpu.memory_space<vmem>> -> memref<1x1x128xi32, #tpu.memory_space<vmem>>
        %dma_wait3A_528 = tpu.memref_squeeze %dma_wait3A_527 : memref<1x1x128xi32, #tpu.memory_space<vmem>> -> memref<128xi32, #tpu.memory_space<vmem>>
        %dma_wait3A_529 = arith.constant 0 : i32
        %dma_wait3A_530 = arith.constant 0 : i32
        %dma_wait3A_531 = tpu.memref_slice %arg10[%dma_wait3A_529, %dma_wait3A_530] : memref<10128x128xf32, #tpu.memory_space<vmem_shared>> -> memref<10128x128xf32, #tpu.memory_space<vmem_shared>>
        tpu.wait_indirect_dma semaphore(%run_scoped3A_519 : memref<!tpu.dma_semaphore, #tpu.memory_space<semaphore_mem>>) src(%arg9 : memref<128x128xf32, #tpu.memory_space<vmem>>) dst(%dma_wait3A_531 : memref<10128x128xf32, #tpu.memory_space<vmem_shared>>)
        tpu.yield
      }) : () -> ()
      %dma_start3A_176 = arith.constant 0 : i32
      %dma_start3A_177 = arith.constant 7 : i32
      %dma_start3A_178 = arith.constant 0 : i32
      %dma_start3A_179 = tpu.memref_slice %arg6[%dma_start3A_176, %dma_start3A_177, %dma_start3A_178] : memref<2x10x128xi32, #tpu.memory_space<vmem>> -> memref<1x1x128xi32, #tpu.memory_space<vmem>>
      %dma_start3A_180 = tpu.memref_squeeze %dma_start3A_179 : memref<1x1x128xi32, #tpu.memory_space<vmem>> -> memref<128xi32, #tpu.memory_space<vmem>>
      %dma_start3A_181 = arith.constant 0 : i32
      %dma_start3A_182 = arith.constant 0 : i32
      %dma_start3A_183 = tpu.memref_slice %arg2[%dma_start3A_181, %dma_start3A_182] : memref<10000x128xf32, #tpu.memory_space<hbm>> -> memref<10000x128xf32, #tpu.memory_space<hbm>>
      tpu.enqueue_indirect_dma source(%dma_start3A_183 : memref<10000x128xf32, #tpu.memory_space<hbm>>) target(%arg9 : memref<128x128xf32, #tpu.memory_space<vmem>>) offsets(%dma_start3A_180 : memref<128xi32, #tpu.memory_space<vmem>>) semaphore(%arg12 : memref<!tpu.dma_semaphore, #tpu.memory_space<semaphore_mem>>)
      %mul3A_184 = arith.constant 10 : i32
      %mul3A_185 = arith.muli %add3A_51, %mul3A_184 : i32
      %add3A_186 = arith.constant 6 : i32
      %add3A_187 = arith.addi %mul3A_185, %add3A_186 : i32
      %dma_wait3A_188 = arith.constant 0 : i32
      %dma_wait3A_189 = arith.constant 6 : i32
      %dma_wait3A_190 = arith.constant 0 : i32
      %dma_wait3A_191 = tpu.memref_slice %arg6[%dma_wait3A_188, %dma_wait3A_189, %dma_wait3A_190] : memref<2x10x128xi32, #tpu.memory_space<vmem>> -> memref<1x1x128xi32, #tpu.memory_space<vmem>>
      %dma_wait3A_192 = tpu.memref_squeeze %dma_wait3A_191 : memref<1x1x128xi32, #tpu.memory_space<vmem>> -> memref<128xi32, #tpu.memory_space<vmem>>
      %dma_wait3A_193 = arith.constant 0 : i32
      %dma_wait3A_194 = arith.constant 0 : i32
      %dma_wait3A_195 = tpu.memref_slice %arg2[%dma_wait3A_193, %dma_wait3A_194] : memref<10000x128xf32, #tpu.memory_space<hbm>> -> memref<10000x128xf32, #tpu.memory_space<hbm>>
      tpu.wait_indirect_dma semaphore(%arg11 : memref<!tpu.dma_semaphore, #tpu.memory_space<semaphore_mem>>) src(%dma_wait3A_195 : memref<10000x128xf32, #tpu.memory_space<hbm>>) dst(%arg8 : memref<128x128xf32, #tpu.memory_space<vmem>>)
      %run_scoped3A_196 = arith.constant 1 : i32
      %run_scoped3A_197 = arith.constant 6 : i32
      "tpu.region"() ({
        %run_scoped3A_519 = tpu.sem_alloc : memref<!tpu.dma_semaphore, #tpu.memory_space<semaphore_mem>>
        %dma_start3A_520 = arith.constant 0 : i32
        %dma_start3A_521 = tpu.memref_slice %arg6[%run_scoped3A_196, %run_scoped3A_197, %dma_start3A_520] : memref<2x10x128xi32, #tpu.memory_space<vmem>> -> memref<1x1x128xi32, #tpu.memory_space<vmem>>
        %dma_start3A_522 = tpu.memref_squeeze %dma_start3A_521 : memref<1x1x128xi32, #tpu.memory_space<vmem>> -> memref<128xi32, #tpu.memory_space<vmem>>
        %dma_start3A_523 = arith.constant 0 : i32
        %dma_start3A_524 = arith.constant 0 : i32
        %dma_start3A_525 = tpu.memref_slice %arg10[%dma_start3A_523, %dma_start3A_524] : memref<10128x128xf32, #tpu.memory_space<vmem_shared>> -> memref<10128x128xf32, #tpu.memory_space<vmem_shared>>
        tpu.enqueue_indirect_dma source(%arg8 : memref<128x128xf32, #tpu.memory_space<vmem>>) target(%dma_start3A_525 : memref<10128x128xf32, #tpu.memory_space<vmem_shared>>) offsets(%dma_start3A_522 : memref<128xi32, #tpu.memory_space<vmem>>) semaphore(%run_scoped3A_519 : memref<!tpu.dma_semaphore, #tpu.memory_space<semaphore_mem>>) {add = true}
        %dma_wait3A_526 = arith.constant 0 : i32
        %dma_wait3A_527 = tpu.memref_slice %arg6[%run_scoped3A_196, %run_scoped3A_197, %dma_wait3A_526] : memref<2x10x128xi32, #tpu.memory_space<vmem>> -> memref<1x1x128xi32, #tpu.memory_space<vmem>>
        %dma_wait3A_528 = tpu.memref_squeeze %dma_wait3A_527 : memref<1x1x128xi32, #tpu.memory_space<vmem>> -> memref<128xi32, #tpu.memory_space<vmem>>
        %dma_wait3A_529 = arith.constant 0 : i32
        %dma_wait3A_530 = arith.constant 0 : i32
        %dma_wait3A_531 = tpu.memref_slice %arg10[%dma_wait3A_529, %dma_wait3A_530] : memref<10128x128xf32, #tpu.memory_space<vmem_shared>> -> memref<10128x128xf32, #tpu.memory_space<vmem_shared>>
        tpu.wait_indirect_dma semaphore(%run_scoped3A_519 : memref<!tpu.dma_semaphore, #tpu.memory_space<semaphore_mem>>) src(%arg8 : memref<128x128xf32, #tpu.memory_space<vmem>>) dst(%dma_wait3A_531 : memref<10128x128xf32, #tpu.memory_space<vmem_shared>>)
        tpu.yield
      }) : () -> ()
      %dma_start3A_198 = arith.constant 0 : i32
      %dma_start3A_199 = arith.constant 8 : i32
      %dma_start3A_200 = arith.constant 0 : i32
      %dma_start3A_201 = tpu.memref_slice %arg6[%dma_start3A_198, %dma_start3A_199, %dma_start3A_200] : memref<2x10x128xi32, #tpu.memory_space<vmem>> -> memref<1x1x128xi32, #tpu.memory_space<vmem>>
      %dma_start3A_202 = tpu.memref_squeeze %dma_start3A_201 : memref<1x1x128xi32, #tpu.memory_space<vmem>> -> memref<128xi32, #tpu.memory_space<vmem>>
      %dma_start3A_203 = arith.constant 0 : i32
      %dma_start3A_204 = arith.constant 0 : i32
      %dma_start3A_205 = tpu.memref_slice %arg2[%dma_start3A_203, %dma_start3A_204] : memref<10000x128xf32, #tpu.memory_space<hbm>> -> memref<10000x128xf32, #tpu.memory_space<hbm>>
      tpu.enqueue_indirect_dma source(%dma_start3A_205 : memref<10000x128xf32, #tpu.memory_space<hbm>>) target(%arg8 : memref<128x128xf32, #tpu.memory_space<vmem>>) offsets(%dma_start3A_202 : memref<128xi32, #tpu.memory_space<vmem>>) semaphore(%arg11 : memref<!tpu.dma_semaphore, #tpu.memory_space<semaphore_mem>>)
      %mul3A_206 = arith.constant 10 : i32
      %mul3A_207 = arith.muli %add3A_51, %mul3A_206 : i32
      %add3A_208 = arith.constant 7 : i32
      %add3A_209 = arith.addi %mul3A_207, %add3A_208 : i32
      %dma_wait3A_210 = arith.constant 0 : i32
      %dma_wait3A_211 = arith.constant 7 : i32
      %dma_wait3A_212 = arith.constant 0 : i32
      %dma_wait3A_213 = tpu.memref_slice %arg6[%dma_wait3A_210, %dma_wait3A_211, %dma_wait3A_212] : memref<2x10x128xi32, #tpu.memory_space<vmem>> -> memref<1x1x128xi32, #tpu.memory_space<vmem>>
      %dma_wait3A_214 = tpu.memref_squeeze %dma_wait3A_213 : memref<1x1x128xi32, #tpu.memory_space<vmem>> -> memref<128xi32, #tpu.memory_space<vmem>>
      %dma_wait3A_215 = arith.constant 0 : i32
      %dma_wait3A_216 = arith.constant 0 : i32
      %dma_wait3A_217 = tpu.memref_slice %arg2[%dma_wait3A_215, %dma_wait3A_216] : memref<10000x128xf32, #tpu.memory_space<hbm>> -> memref<10000x128xf32, #tpu.memory_space<hbm>>
      tpu.wait_indirect_dma semaphore(%arg12 : memref<!tpu.dma_semaphore, #tpu.memory_space<semaphore_mem>>) src(%dma_wait3A_217 : memref<10000x128xf32, #tpu.memory_space<hbm>>) dst(%arg9 : memref<128x128xf32, #tpu.memory_space<vmem>>)
      %run_scoped3A_218 = arith.constant 1 : i32
      %run_scoped3A_219 = arith.constant 7 : i32
      "tpu.region"() ({
        %run_scoped3A_519 = tpu.sem_alloc : memref<!tpu.dma_semaphore, #tpu.memory_space<semaphore_mem>>
        %dma_start3A_520 = arith.constant 0 : i32
        %dma_start3A_521 = tpu.memref_slice %arg6[%run_scoped3A_218, %run_scoped3A_219, %dma_start3A_520] : memref<2x10x128xi32, #tpu.memory_space<vmem>> -> memref<1x1x128xi32, #tpu.memory_space<vmem>>
        %dma_start3A_522 = tpu.memref_squeeze %dma_start3A_521 : memref<1x1x128xi32, #tpu.memory_space<vmem>> -> memref<128xi32, #tpu.memory_space<vmem>>
        %dma_start3A_523 = arith.constant 0 : i32
        %dma_start3A_524 = arith.constant 0 : i32
        %dma_start3A_525 = tpu.memref_slice %arg10[%dma_start3A_523, %dma_start3A_524] : memref<10128x128xf32, #tpu.memory_space<vmem_shared>> -> memref<10128x128xf32, #tpu.memory_space<vmem_shared>>
        tpu.enqueue_indirect_dma source(%arg9 : memref<128x128xf32, #tpu.memory_space<vmem>>) target(%dma_start3A_525 : memref<10128x128xf32, #tpu.memory_space<vmem_shared>>) offsets(%dma_start3A_522 : memref<128xi32, #tpu.memory_space<vmem>>) semaphore(%run_scoped3A_519 : memref<!tpu.dma_semaphore, #tpu.memory_space<semaphore_mem>>) {add = true}
        %dma_wait3A_526 = arith.constant 0 : i32
        %dma_wait3A_527 = tpu.memref_slice %arg6[%run_scoped3A_218, %run_scoped3A_219, %dma_wait3A_526] : memref<2x10x128xi32, #tpu.memory_space<vmem>> -> memref<1x1x128xi32, #tpu.memory_space<vmem>>
        %dma_wait3A_528 = tpu.memref_squeeze %dma_wait3A_527 : memref<1x1x128xi32, #tpu.memory_space<vmem>> -> memref<128xi32, #tpu.memory_space<vmem>>
        %dma_wait3A_529 = arith.constant 0 : i32
        %dma_wait3A_530 = arith.constant 0 : i32
        %dma_wait3A_531 = tpu.memref_slice %arg10[%dma_wait3A_529, %dma_wait3A_530] : memref<10128x128xf32, #tpu.memory_space<vmem_shared>> -> memref<10128x128xf32, #tpu.memory_space<vmem_shared>>
        tpu.wait_indirect_dma semaphore(%run_scoped3A_519 : memref<!tpu.dma_semaphore, #tpu.memory_space<semaphore_mem>>) src(%arg9 : memref<128x128xf32, #tpu.memory_space<vmem>>) dst(%dma_wait3A_531 : memref<10128x128xf32, #tpu.memory_space<vmem_shared>>)
        tpu.yield
      }) : () -> ()
      %dma_start3A_220 = arith.constant 0 : i32
      %dma_start3A_221 = arith.constant 9 : i32
      %dma_start3A_222 = arith.constant 0 : i32
      %dma_start3A_223 = tpu.memref_slice %arg6[%dma_start3A_220, %dma_start3A_221, %dma_start3A_222] : memref<2x10x128xi32, #tpu.memory_space<vmem>> -> memref<1x1x128xi32, #tpu.memory_space<vmem>>
      %dma_start3A_224 = tpu.memref_squeeze %dma_start3A_223 : memref<1x1x128xi32, #tpu.memory_space<vmem>> -> memref<128xi32, #tpu.memory_space<vmem>>
      %dma_start3A_225 = arith.constant 0 : i32
      %dma_start3A_226 = arith.constant 0 : i32
      %dma_start3A_227 = tpu.memref_slice %arg2[%dma_start3A_225, %dma_start3A_226] : memref<10000x128xf32, #tpu.memory_space<hbm>> -> memref<10000x128xf32, #tpu.memory_space<hbm>>
      tpu.enqueue_indirect_dma source(%dma_start3A_227 : memref<10000x128xf32, #tpu.memory_space<hbm>>) target(%arg9 : memref<128x128xf32, #tpu.memory_space<vmem>>) offsets(%dma_start3A_224 : memref<128xi32, #tpu.memory_space<vmem>>) semaphore(%arg12 : memref<!tpu.dma_semaphore, #tpu.memory_space<semaphore_mem>>)
      %mul3A_228 = arith.constant 10 : i32
      %mul3A_229 = arith.muli %add3A_51, %mul3A_228 : i32
      %add3A_230 = arith.constant 8 : i32
      %add3A_231 = arith.addi %mul3A_229, %add3A_230 : i32
      %dma_wait3A_232 = arith.constant 0 : i32
      %dma_wait3A_233 = arith.constant 8 : i32
      %dma_wait3A_234 = arith.constant 0 : i32
      %dma_wait3A_235 = tpu.memref_slice %arg6[%dma_wait3A_232, %dma_wait3A_233, %dma_wait3A_234] : memref<2x10x128xi32, #tpu.memory_space<vmem>> -> memref<1x1x128xi32, #tpu.memory_space<vmem>>
      %dma_wait3A_236 = tpu.memref_squeeze %dma_wait3A_235 : memref<1x1x128xi32, #tpu.memory_space<vmem>> -> memref<128xi32, #tpu.memory_space<vmem>>
      %dma_wait3A_237 = arith.constant 0 : i32
      %dma_wait3A_238 = arith.constant 0 : i32
      %dma_wait3A_239 = tpu.memref_slice %arg2[%dma_wait3A_237, %dma_wait3A_238] : memref<10000x128xf32, #tpu.memory_space<hbm>> -> memref<10000x128xf32, #tpu.memory_space<hbm>>
      tpu.wait_indirect_dma semaphore(%arg11 : memref<!tpu.dma_semaphore, #tpu.memory_space<semaphore_mem>>) src(%dma_wait3A_239 : memref<10000x128xf32, #tpu.memory_space<hbm>>) dst(%arg8 : memref<128x128xf32, #tpu.memory_space<vmem>>)
      %run_scoped3A_240 = arith.constant 1 : i32
      %run_scoped3A_241 = arith.constant 8 : i32
      "tpu.region"() ({
        %run_scoped3A_519 = tpu.sem_alloc : memref<!tpu.dma_semaphore, #tpu.memory_space<semaphore_mem>>
        %dma_start3A_520 = arith.constant 0 : i32
        %dma_start3A_521 = tpu.memref_slice %arg6[%run_scoped3A_240, %run_scoped3A_241, %dma_start3A_520] : memref<2x10x128xi32, #tpu.memory_space<vmem>> -> memref<1x1x128xi32, #tpu.memory_space<vmem>>
        %dma_start3A_522 = tpu.memref_squeeze %dma_start3A_521 : memref<1x1x128xi32, #tpu.memory_space<vmem>> -> memref<128xi32, #tpu.memory_space<vmem>>
        %dma_start3A_523 = arith.constant 0 : i32
        %dma_start3A_524 = arith.constant 0 : i32
        %dma_start3A_525 = tpu.memref_slice %arg10[%dma_start3A_523, %dma_start3A_524] : memref<10128x128xf32, #tpu.memory_space<vmem_shared>> -> memref<10128x128xf32, #tpu.memory_space<vmem_shared>>
        tpu.enqueue_indirect_dma source(%arg8 : memref<128x128xf32, #tpu.memory_space<vmem>>) target(%dma_start3A_525 : memref<10128x128xf32, #tpu.memory_space<vmem_shared>>) offsets(%dma_start3A_522 : memref<128xi32, #tpu.memory_space<vmem>>) semaphore(%run_scoped3A_519 : memref<!tpu.dma_semaphore, #tpu.memory_space<semaphore_mem>>) {add = true}
        %dma_wait3A_526 = arith.constant 0 : i32
        %dma_wait3A_527 = tpu.memref_slice %arg6[%run_scoped3A_240, %run_scoped3A_241, %dma_wait3A_526] : memref<2x10x128xi32, #tpu.memory_space<vmem>> -> memref<1x1x128xi32, #tpu.memory_space<vmem>>
        %dma_wait3A_528 = tpu.memref_squeeze %dma_wait3A_527 : memref<1x1x128xi32, #tpu.memory_space<vmem>> -> memref<128xi32, #tpu.memory_space<vmem>>
        %dma_wait3A_529 = arith.constant 0 : i32
        %dma_wait3A_530 = arith.constant 0 : i32
        %dma_wait3A_531 = tpu.memref_slice %arg10[%dma_wait3A_529, %dma_wait3A_530] : memref<10128x128xf32, #tpu.memory_space<vmem_shared>> -> memref<10128x128xf32, #tpu.memory_space<vmem_shared>>
        tpu.wait_indirect_dma semaphore(%run_scoped3A_519 : memref<!tpu.dma_semaphore, #tpu.memory_space<semaphore_mem>>) src(%arg8 : memref<128x128xf32, #tpu.memory_space<vmem>>) dst(%dma_wait3A_531 : memref<10128x128xf32, #tpu.memory_space<vmem_shared>>)
        tpu.yield
      }) : () -> ()
      %add3A_242 = arith.constant 1 : i32
      %add3A_243 = arith.addi %add3A_51, %add3A_242 : i32
      %lt3A = arith.constant 8 : i32
      %lt3A_244 = arith.cmpi slt, %add3A_243, %lt3A : i32
      %convert_element_type3A_245 = arith.extui %lt3A_244 : i1 to i32
      %cond3A_246 = arith.constant 0 : i32
      %cond3A_247 = arith.cmpi ne, %convert_element_type3A_245, %cond3A_246 : i32
      scf.if %cond3A_247 {
        %add3A_519 = arith.constant 1 : i32
        %add3A_520 = arith.addi %add3A_51, %add3A_519 : i32
        %dma_wait3A_521 = arith.constant 0 : i32
        %dma_wait3A_522 = arith.constant 0 : i32
        %dma_wait3A_523 = arith.constant 0 : i32
        %dma_wait3A_524 = tpu.memref_slice %arg3[%add3A, %add3A_520, %dma_wait3A_521, %dma_wait3A_522, %dma_wait3A_523] : memref<32x8x2x10x128xi32, #tpu.memory_space<hbm>> -> memref<1x1x2x10x128xi32, #tpu.memory_space<hbm>>
        %dma_wait3A_525 = tpu.memref_squeeze %dma_wait3A_524 : memref<1x1x2x10x128xi32, #tpu.memory_space<hbm>> -> memref<2x10x128xi32, #tpu.memory_space<hbm>>
        %dma_wait3A_526 = arith.constant 0 : i32
        %dma_wait3A_527 = arith.constant 0 : i32
        %dma_wait3A_528 = arith.constant 0 : i32
        %dma_wait3A_529 = tpu.memref_slice %arg3[%add3A, %add3A_520, %dma_wait3A_526, %dma_wait3A_527, %dma_wait3A_528] : memref<32x8x2x10x128xi32, #tpu.memory_space<hbm>> -> memref<1x1x2x10x128xi32, #tpu.memory_space<hbm>>
        %dma_wait3A_530 = tpu.memref_squeeze %dma_wait3A_529 : memref<1x1x2x10x128xi32, #tpu.memory_space<hbm>> -> memref<2x10x128xi32, #tpu.memory_space<hbm>>
        tpu.wait_dma2 semaphore(%arg14 : memref<!tpu.dma_semaphore, #tpu.memory_space<semaphore_mem>>) src(%dma_wait3A_530 : memref<2x10x128xi32, #tpu.memory_space<hbm>>) dst(%arg7 : memref<2x10x128xi32, #tpu.memory_space<vmem>>)
      } else {
      }
      %add3A_248 = arith.constant 2 : i32
      %add3A_249 = arith.addi %add3A_231, %add3A_248 : i32
      %lt3A_250 = arith.constant 80 : i32
      %lt3A_251 = arith.cmpi slt, %add3A_249, %lt3A_250 : i32
      %convert_element_type3A_252 = arith.extui %lt3A_251 : i1 to i32
      %cond3A_253 = arith.constant 0 : i32
      %cond3A_254 = arith.cmpi ne, %convert_element_type3A_252, %cond3A_253 : i32
      scf.if %cond3A_254 {
        %dma_start3A_519 = arith.constant 0 : i32
        %dma_start3A_520 = arith.constant 0 : i32
        %dma_start3A_521 = arith.constant 0 : i32
        %dma_start3A_522 = tpu.memref_slice %arg7[%dma_start3A_519, %dma_start3A_520, %dma_start3A_521] : memref<2x10x128xi32, #tpu.memory_space<vmem>> -> memref<1x1x128xi32, #tpu.memory_space<vmem>>
        %dma_start3A_523 = tpu.memref_squeeze %dma_start3A_522 : memref<1x1x128xi32, #tpu.memory_space<vmem>> -> memref<128xi32, #tpu.memory_space<vmem>>
        %dma_start3A_524 = arith.constant 0 : i32
        %dma_start3A_525 = arith.constant 0 : i32
        %dma_start3A_526 = tpu.memref_slice %arg2[%dma_start3A_524, %dma_start3A_525] : memref<10000x128xf32, #tpu.memory_space<hbm>> -> memref<10000x128xf32, #tpu.memory_space<hbm>>
        tpu.enqueue_indirect_dma source(%dma_start3A_526 : memref<10000x128xf32, #tpu.memory_space<hbm>>) target(%arg8 : memref<128x128xf32, #tpu.memory_space<vmem>>) offsets(%dma_start3A_523 : memref<128xi32, #tpu.memory_space<vmem>>) semaphore(%arg11 : memref<!tpu.dma_semaphore, #tpu.memory_space<semaphore_mem>>)
      } else {
      }
      %mul3A_255 = arith.constant 10 : i32
      %mul3A_256 = arith.muli %add3A_51, %mul3A_255 : i32
      %add3A_257 = arith.constant 9 : i32
      %add3A_258 = arith.addi %mul3A_256, %add3A_257 : i32
      %dma_wait3A_259 = arith.constant 0 : i32
      %dma_wait3A_260 = arith.constant 9 : i32
      %dma_wait3A_261 = arith.constant 0 : i32
      %dma_wait3A_262 = tpu.memref_slice %arg6[%dma_wait3A_259, %dma_wait3A_260, %dma_wait3A_261] : memref<2x10x128xi32, #tpu.memory_space<vmem>> -> memref<1x1x128xi32, #tpu.memory_space<vmem>>
      %dma_wait3A_263 = tpu.memref_squeeze %dma_wait3A_262 : memref<1x1x128xi32, #tpu.memory_space<vmem>> -> memref<128xi32, #tpu.memory_space<vmem>>
      %dma_wait3A_264 = arith.constant 0 : i32
      %dma_wait3A_265 = arith.constant 0 : i32
      %dma_wait3A_266 = tpu.memref_slice %arg2[%dma_wait3A_264, %dma_wait3A_265] : memref<10000x128xf32, #tpu.memory_space<hbm>> -> memref<10000x128xf32, #tpu.memory_space<hbm>>
      tpu.wait_indirect_dma semaphore(%arg12 : memref<!tpu.dma_semaphore, #tpu.memory_space<semaphore_mem>>) src(%dma_wait3A_266 : memref<10000x128xf32, #tpu.memory_space<hbm>>) dst(%arg9 : memref<128x128xf32, #tpu.memory_space<vmem>>)
      %run_scoped3A_267 = arith.constant 1 : i32
      %run_scoped3A_268 = arith.constant 9 : i32
      "tpu.region"() ({
        %run_scoped3A_519 = tpu.sem_alloc : memref<!tpu.dma_semaphore, #tpu.memory_space<semaphore_mem>>
        %dma_start3A_520 = arith.constant 0 : i32
        %dma_start3A_521 = tpu.memref_slice %arg6[%run_scoped3A_267, %run_scoped3A_268, %dma_start3A_520] : memref<2x10x128xi32, #tpu.memory_space<vmem>> -> memref<1x1x128xi32, #tpu.memory_space<vmem>>
        %dma_start3A_522 = tpu.memref_squeeze %dma_start3A_521 : memref<1x1x128xi32, #tpu.memory_space<vmem>> -> memref<128xi32, #tpu.memory_space<vmem>>
        %dma_start3A_523 = arith.constant 0 : i32
        %dma_start3A_524 = arith.constant 0 : i32
        %dma_start3A_525 = tpu.memref_slice %arg10[%dma_start3A_523, %dma_start3A_524] : memref<10128x128xf32, #tpu.memory_space<vmem_shared>> -> memref<10128x128xf32, #tpu.memory_space<vmem_shared>>
        tpu.enqueue_indirect_dma source(%arg9 : memref<128x128xf32, #tpu.memory_space<vmem>>) target(%dma_start3A_525 : memref<10128x128xf32, #tpu.memory_space<vmem_shared>>) offsets(%dma_start3A_522 : memref<128xi32, #tpu.memory_space<vmem>>) semaphore(%run_scoped3A_519 : memref<!tpu.dma_semaphore, #tpu.memory_space<semaphore_mem>>) {add = true}
        %dma_wait3A_526 = arith.constant 0 : i32
        %dma_wait3A_527 = tpu.memref_slice %arg6[%run_scoped3A_267, %run_scoped3A_268, %dma_wait3A_526] : memref<2x10x128xi32, #tpu.memory_space<vmem>> -> memref<1x1x128xi32, #tpu.memory_space<vmem>>
        %dma_wait3A_528 = tpu.memref_squeeze %dma_wait3A_527 : memref<1x1x128xi32, #tpu.memory_space<vmem>> -> memref<128xi32, #tpu.memory_space<vmem>>
        %dma_wait3A_529 = arith.constant 0 : i32
        %dma_wait3A_530 = arith.constant 0 : i32
        %dma_wait3A_531 = tpu.memref_slice %arg10[%dma_wait3A_529, %dma_wait3A_530] : memref<10128x128xf32, #tpu.memory_space<vmem_shared>> -> memref<10128x128xf32, #tpu.memory_space<vmem_shared>>
        tpu.wait_indirect_dma semaphore(%run_scoped3A_519 : memref<!tpu.dma_semaphore, #tpu.memory_space<semaphore_mem>>) src(%arg9 : memref<128x128xf32, #tpu.memory_space<vmem>>) dst(%dma_wait3A_531 : memref<10128x128xf32, #tpu.memory_space<vmem_shared>>)
        tpu.yield
      }) : () -> ()
      %add3A_269 = arith.constant 2 : i32
      %add3A_270 = arith.addi %add3A_258, %add3A_269 : i32
      %lt3A_271 = arith.constant 80 : i32
      %lt3A_272 = arith.cmpi slt, %add3A_270, %lt3A_271 : i32
      %convert_element_type3A_273 = arith.extui %lt3A_272 : i1 to i32
      %cond3A_274 = arith.constant 0 : i32
      %cond3A_275 = arith.cmpi ne, %convert_element_type3A_273, %cond3A_274 : i32
      scf.if %cond3A_275 {
        %dma_start3A_519 = arith.constant 0 : i32
        %dma_start3A_520 = arith.constant 1 : i32
        %dma_start3A_521 = arith.constant 0 : i32
        %dma_start3A_522 = tpu.memref_slice %arg7[%dma_start3A_519, %dma_start3A_520, %dma_start3A_521] : memref<2x10x128xi32, #tpu.memory_space<vmem>> -> memref<1x1x128xi32, #tpu.memory_space<vmem>>
        %dma_start3A_523 = tpu.memref_squeeze %dma_start3A_522 : memref<1x1x128xi32, #tpu.memory_space<vmem>> -> memref<128xi32, #tpu.memory_space<vmem>>
        %dma_start3A_524 = arith.constant 0 : i32
        %dma_start3A_525 = arith.constant 0 : i32
        %dma_start3A_526 = tpu.memref_slice %arg2[%dma_start3A_524, %dma_start3A_525] : memref<10000x128xf32, #tpu.memory_space<hbm>> -> memref<10000x128xf32, #tpu.memory_space<hbm>>
        tpu.enqueue_indirect_dma source(%dma_start3A_526 : memref<10000x128xf32, #tpu.memory_space<hbm>>) target(%arg9 : memref<128x128xf32, #tpu.memory_space<vmem>>) offsets(%dma_start3A_523 : memref<128xi32, #tpu.memory_space<vmem>>) semaphore(%arg12 : memref<!tpu.dma_semaphore, #tpu.memory_space<semaphore_mem>>)
      } else {
      }
      %add3A_276 = arith.constant 2 : i32
      %add3A_277 = arith.addi %add3A_51, %add3A_276 : i32
      %lt3A_278 = arith.constant 8 : i32
      %lt3A_279 = arith.cmpi slt, %add3A_277, %lt3A_278 : i32
      %convert_element_type3A_280 = arith.extui %lt3A_279 : i1 to i32
      %cond3A_281 = arith.constant 0 : i32
      %cond3A_282 = arith.cmpi ne, %convert_element_type3A_280, %cond3A_281 : i32
      scf.if %cond3A_282 {
        %add3A_519 = arith.constant 2 : i32
        %add3A_520 = arith.addi %add3A_51, %add3A_519 : i32
        %dma_start3A_521 = arith.constant 0 : i32
        %dma_start3A_522 = arith.constant 0 : i32
        %dma_start3A_523 = arith.constant 0 : i32
        %dma_start3A_524 = tpu.memref_slice %arg3[%add3A, %add3A_520, %dma_start3A_521, %dma_start3A_522, %dma_start3A_523] : memref<32x8x2x10x128xi32, #tpu.memory_space<hbm>> -> memref<1x1x2x10x128xi32, #tpu.memory_space<hbm>>
        %dma_start3A_525 = tpu.memref_squeeze %dma_start3A_524 : memref<1x1x2x10x128xi32, #tpu.memory_space<hbm>> -> memref<2x10x128xi32, #tpu.memory_space<hbm>>
        %dma_start3A_526 = arith.constant 0 : i32
        %dma_start3A_527 = arith.constant 0 : i32
        %dma_start3A_528 = arith.constant 0 : i32
        %dma_start3A_529 = tpu.memref_slice %arg3[%add3A, %add3A_520, %dma_start3A_526, %dma_start3A_527, %dma_start3A_528] : memref<32x8x2x10x128xi32, #tpu.memory_space<hbm>> -> memref<1x1x2x10x128xi32, #tpu.memory_space<hbm>>
        %dma_start3A_530 = tpu.memref_squeeze %dma_start3A_529 : memref<1x1x2x10x128xi32, #tpu.memory_space<hbm>> -> memref<2x10x128xi32, #tpu.memory_space<hbm>>
        tpu.enqueue_dma source(%dma_start3A_530 : memref<2x10x128xi32, #tpu.memory_space<hbm>>) target(%arg6 : memref<2x10x128xi32, #tpu.memory_space<vmem>>) target_semaphore(%arg13 : memref<!tpu.dma_semaphore, #tpu.memory_space<semaphore_mem>>)
      } else {
      }
      %mul3A_283 = arith.constant 2 : i32
      %mul3A_284 = arith.muli %scan3A_47, %mul3A_283 : i32
      %add3A_285 = arith.constant 1 : i32
      %add3A_286 = arith.addi %mul3A_284, %add3A_285 : i32
      %mul3A_287 = arith.constant 10 : i32
      %mul3A_288 = arith.muli %add3A_286, %mul3A_287 : i32
      %add3A_289 = arith.constant 0 : i32
      %add3A_290 = arith.addi %mul3A_288, %add3A_289 : i32
      %dma_wait3A_291 = arith.constant 0 : i32
      %dma_wait3A_292 = arith.constant 0 : i32
      %dma_wait3A_293 = arith.constant 0 : i32
      %dma_wait3A_294 = tpu.memref_slice %arg7[%dma_wait3A_291, %dma_wait3A_292, %dma_wait3A_293] : memref<2x10x128xi32, #tpu.memory_space<vmem>> -> memref<1x1x128xi32, #tpu.memory_space<vmem>>
      %dma_wait3A_295 = tpu.memref_squeeze %dma_wait3A_294 : memref<1x1x128xi32, #tpu.memory_space<vmem>> -> memref<128xi32, #tpu.memory_space<vmem>>
      %dma_wait3A_296 = arith.constant 0 : i32
      %dma_wait3A_297 = arith.constant 0 : i32
      %dma_wait3A_298 = tpu.memref_slice %arg2[%dma_wait3A_296, %dma_wait3A_297] : memref<10000x128xf32, #tpu.memory_space<hbm>> -> memref<10000x128xf32, #tpu.memory_space<hbm>>
      tpu.wait_indirect_dma semaphore(%arg11 : memref<!tpu.dma_semaphore, #tpu.memory_space<semaphore_mem>>) src(%dma_wait3A_298 : memref<10000x128xf32, #tpu.memory_space<hbm>>) dst(%arg8 : memref<128x128xf32, #tpu.memory_space<vmem>>)
      %run_scoped3A_299 = arith.constant 1 : i32
      %run_scoped3A_300 = arith.constant 0 : i32
      "tpu.region"() ({
        %run_scoped3A_519 = tpu.sem_alloc : memref<!tpu.dma_semaphore, #tpu.memory_space<semaphore_mem>>
        %dma_start3A_520 = arith.constant 0 : i32
        %dma_start3A_521 = tpu.memref_slice %arg7[%run_scoped3A_299, %run_scoped3A_300, %dma_start3A_520] : memref<2x10x128xi32, #tpu.memory_space<vmem>> -> memref<1x1x128xi32, #tpu.memory_space<vmem>>
        %dma_start3A_522 = tpu.memref_squeeze %dma_start3A_521 : memref<1x1x128xi32, #tpu.memory_space<vmem>> -> memref<128xi32, #tpu.memory_space<vmem>>
        %dma_start3A_523 = arith.constant 0 : i32
        %dma_start3A_524 = arith.constant 0 : i32
        %dma_start3A_525 = tpu.memref_slice %arg10[%dma_start3A_523, %dma_start3A_524] : memref<10128x128xf32, #tpu.memory_space<vmem_shared>> -> memref<10128x128xf32, #tpu.memory_space<vmem_shared>>
        tpu.enqueue_indirect_dma source(%arg8 : memref<128x128xf32, #tpu.memory_space<vmem>>) target(%dma_start3A_525 : memref<10128x128xf32, #tpu.memory_space<vmem_shared>>) offsets(%dma_start3A_522 : memref<128xi32, #tpu.memory_space<vmem>>) semaphore(%run_scoped3A_519 : memref<!tpu.dma_semaphore, #tpu.memory_space<semaphore_mem>>) {add = true}
        %dma_wait3A_526 = arith.constant 0 : i32
        %dma_wait3A_527 = tpu.memref_slice %arg7[%run_scoped3A_299, %run_scoped3A_300, %dma_wait3A_526] : memref<2x10x128xi32, #tpu.memory_space<vmem>> -> memref<1x1x128xi32, #tpu.memory_space<vmem>>
        %dma_wait3A_528 = tpu.memref_squeeze %dma_wait3A_527 : memref<1x1x128xi32, #tpu.memory_space<vmem>> -> memref<128xi32, #tpu.memory_space<vmem>>
        %dma_wait3A_529 = arith.constant 0 : i32
        %dma_wait3A_530 = arith.constant 0 : i32
        %dma_wait3A_531 = tpu.memref_slice %arg10[%dma_wait3A_529, %dma_wait3A_530] : memref<10128x128xf32, #tpu.memory_space<vmem_shared>> -> memref<10128x128xf32, #tpu.memory_space<vmem_shared>>
        tpu.wait_indirect_dma semaphore(%run_scoped3A_519 : memref<!tpu.dma_semaphore, #tpu.memory_space<semaphore_mem>>) src(%arg8 : memref<128x128xf32, #tpu.memory_space<vmem>>) dst(%dma_wait3A_531 : memref<10128x128xf32, #tpu.memory_space<vmem_shared>>)
        tpu.yield
      }) : () -> ()
      %dma_start3A_301 = arith.constant 0 : i32
      %dma_start3A_302 = arith.constant 2 : i32
      %dma_start3A_303 = arith.constant 0 : i32
      %dma_start3A_304 = tpu.memref_slice %arg7[%dma_start3A_301, %dma_start3A_302, %dma_start3A_303] : memref<2x10x128xi32, #tpu.memory_space<vmem>> -> memref<1x1x128xi32, #tpu.memory_space<vmem>>
      %dma_start3A_305 = tpu.memref_squeeze %dma_start3A_304 : memref<1x1x128xi32, #tpu.memory_space<vmem>> -> memref<128xi32, #tpu.memory_space<vmem>>
      %dma_start3A_306 = arith.constant 0 : i32
      %dma_start3A_307 = arith.constant 0 : i32
      %dma_start3A_308 = tpu.memref_slice %arg2[%dma_start3A_306, %dma_start3A_307] : memref<10000x128xf32, #tpu.memory_space<hbm>> -> memref<10000x128xf32, #tpu.memory_space<hbm>>
      tpu.enqueue_indirect_dma source(%dma_start3A_308 : memref<10000x128xf32, #tpu.memory_space<hbm>>) target(%arg8 : memref<128x128xf32, #tpu.memory_space<vmem>>) offsets(%dma_start3A_305 : memref<128xi32, #tpu.memory_space<vmem>>) semaphore(%arg11 : memref<!tpu.dma_semaphore, #tpu.memory_space<semaphore_mem>>)
      %mul3A_309 = arith.constant 10 : i32
      %mul3A_310 = arith.muli %add3A_286, %mul3A_309 : i32
      %add3A_311 = arith.constant 1 : i32
      %add3A_312 = arith.addi %mul3A_310, %add3A_311 : i32
      %dma_wait3A_313 = arith.constant 0 : i32
      %dma_wait3A_314 = arith.constant 1 : i32
      %dma_wait3A_315 = arith.constant 0 : i32
      %dma_wait3A_316 = tpu.memref_slice %arg7[%dma_wait3A_313, %dma_wait3A_314, %dma_wait3A_315] : memref<2x10x128xi32, #tpu.memory_space<vmem>> -> memref<1x1x128xi32, #tpu.memory_space<vmem>>
      %dma_wait3A_317 = tpu.memref_squeeze %dma_wait3A_316 : memref<1x1x128xi32, #tpu.memory_space<vmem>> -> memref<128xi32, #tpu.memory_space<vmem>>
      %dma_wait3A_318 = arith.constant 0 : i32
      %dma_wait3A_319 = arith.constant 0 : i32
      %dma_wait3A_320 = tpu.memref_slice %arg2[%dma_wait3A_318, %dma_wait3A_319] : memref<10000x128xf32, #tpu.memory_space<hbm>> -> memref<10000x128xf32, #tpu.memory_space<hbm>>
      tpu.wait_indirect_dma semaphore(%arg12 : memref<!tpu.dma_semaphore, #tpu.memory_space<semaphore_mem>>) src(%dma_wait3A_320 : memref<10000x128xf32, #tpu.memory_space<hbm>>) dst(%arg9 : memref<128x128xf32, #tpu.memory_space<vmem>>)
      %run_scoped3A_321 = arith.constant 1 : i32
      %run_scoped3A_322 = arith.constant 1 : i32
      "tpu.region"() ({
        %run_scoped3A_519 = tpu.sem_alloc : memref<!tpu.dma_semaphore, #tpu.memory_space<semaphore_mem>>
        %dma_start3A_520 = arith.constant 0 : i32
        %dma_start3A_521 = tpu.memref_slice %arg7[%run_scoped3A_321, %run_scoped3A_322, %dma_start3A_520] : memref<2x10x128xi32, #tpu.memory_space<vmem>> -> memref<1x1x128xi32, #tpu.memory_space<vmem>>
        %dma_start3A_522 = tpu.memref_squeeze %dma_start3A_521 : memref<1x1x128xi32, #tpu.memory_space<vmem>> -> memref<128xi32, #tpu.memory_space<vmem>>
        %dma_start3A_523 = arith.constant 0 : i32
        %dma_start3A_524 = arith.constant 0 : i32
        %dma_start3A_525 = tpu.memref_slice %arg10[%dma_start3A_523, %dma_start3A_524] : memref<10128x128xf32, #tpu.memory_space<vmem_shared>> -> memref<10128x128xf32, #tpu.memory_space<vmem_shared>>
        tpu.enqueue_indirect_dma source(%arg9 : memref<128x128xf32, #tpu.memory_space<vmem>>) target(%dma_start3A_525 : memref<10128x128xf32, #tpu.memory_space<vmem_shared>>) offsets(%dma_start3A_522 : memref<128xi32, #tpu.memory_space<vmem>>) semaphore(%run_scoped3A_519 : memref<!tpu.dma_semaphore, #tpu.memory_space<semaphore_mem>>) {add = true}
        %dma_wait3A_526 = arith.constant 0 : i32
        %dma_wait3A_527 = tpu.memref_slice %arg7[%run_scoped3A_321, %run_scoped3A_322, %dma_wait3A_526] : memref<2x10x128xi32, #tpu.memory_space<vmem>> -> memref<1x1x128xi32, #tpu.memory_space<vmem>>
        %dma_wait3A_528 = tpu.memref_squeeze %dma_wait3A_527 : memref<1x1x128xi32, #tpu.memory_space<vmem>> -> memref<128xi32, #tpu.memory_space<vmem>>
        %dma_wait3A_529 = arith.constant 0 : i32
        %dma_wait3A_530 = arith.constant 0 : i32
        %dma_wait3A_531 = tpu.memref_slice %arg10[%dma_wait3A_529, %dma_wait3A_530] : memref<10128x128xf32, #tpu.memory_space<vmem_shared>> -> memref<10128x128xf32, #tpu.memory_space<vmem_shared>>
        tpu.wait_indirect_dma semaphore(%run_scoped3A_519 : memref<!tpu.dma_semaphore, #tpu.memory_space<semaphore_mem>>) src(%arg9 : memref<128x128xf32, #tpu.memory_space<vmem>>) dst(%dma_wait3A_531 : memref<10128x128xf32, #tpu.memory_space<vmem_shared>>)
        tpu.yield
      }) : () -> ()
      %dma_start3A_323 = arith.constant 0 : i32
      %dma_start3A_324 = arith.constant 3 : i32
      %dma_start3A_325 = arith.constant 0 : i32
      %dma_start3A_326 = tpu.memref_slice %arg7[%dma_start3A_323, %dma_start3A_324, %dma_start3A_325] : memref<2x10x128xi32, #tpu.memory_space<vmem>> -> memref<1x1x128xi32, #tpu.memory_space<vmem>>
      %dma_start3A_327 = tpu.memref_squeeze %dma_start3A_326 : memref<1x1x128xi32, #tpu.memory_space<vmem>> -> memref<128xi32, #tpu.memory_space<vmem>>
      %dma_start3A_328 = arith.constant 0 : i32
      %dma_start3A_329 = arith.constant 0 : i32
      %dma_start3A_330 = tpu.memref_slice %arg2[%dma_start3A_328, %dma_start3A_329] : memref<10000x128xf32, #tpu.memory_space<hbm>> -> memref<10000x128xf32, #tpu.memory_space<hbm>>
      tpu.enqueue_indirect_dma source(%dma_start3A_330 : memref<10000x128xf32, #tpu.memory_space<hbm>>) target(%arg9 : memref<128x128xf32, #tpu.memory_space<vmem>>) offsets(%dma_start3A_327 : memref<128xi32, #tpu.memory_space<vmem>>) semaphore(%arg12 : memref<!tpu.dma_semaphore, #tpu.memory_space<semaphore_mem>>)
      %mul3A_331 = arith.constant 10 : i32
      %mul3A_332 = arith.muli %add3A_286, %mul3A_331 : i32
      %add3A_333 = arith.constant 2 : i32
      %add3A_334 = arith.addi %mul3A_332, %add3A_333 : i32
      %dma_wait3A_335 = arith.constant 0 : i32
      %dma_wait3A_336 = arith.constant 2 : i32
      %dma_wait3A_337 = arith.constant 0 : i32
      %dma_wait3A_338 = tpu.memref_slice %arg7[%dma_wait3A_335, %dma_wait3A_336, %dma_wait3A_337] : memref<2x10x128xi32, #tpu.memory_space<vmem>> -> memref<1x1x128xi32, #tpu.memory_space<vmem>>
      %dma_wait3A_339 = tpu.memref_squeeze %dma_wait3A_338 : memref<1x1x128xi32, #tpu.memory_space<vmem>> -> memref<128xi32, #tpu.memory_space<vmem>>
      %dma_wait3A_340 = arith.constant 0 : i32
      %dma_wait3A_341 = arith.constant 0 : i32
      %dma_wait3A_342 = tpu.memref_slice %arg2[%dma_wait3A_340, %dma_wait3A_341] : memref<10000x128xf32, #tpu.memory_space<hbm>> -> memref<10000x128xf32, #tpu.memory_space<hbm>>
      tpu.wait_indirect_dma semaphore(%arg11 : memref<!tpu.dma_semaphore, #tpu.memory_space<semaphore_mem>>) src(%dma_wait3A_342 : memref<10000x128xf32, #tpu.memory_space<hbm>>) dst(%arg8 : memref<128x128xf32, #tpu.memory_space<vmem>>)
      %run_scoped3A_343 = arith.constant 1 : i32
      %run_scoped3A_344 = arith.constant 2 : i32
      "tpu.region"() ({
        %run_scoped3A_519 = tpu.sem_alloc : memref<!tpu.dma_semaphore, #tpu.memory_space<semaphore_mem>>
        %dma_start3A_520 = arith.constant 0 : i32
        %dma_start3A_521 = tpu.memref_slice %arg7[%run_scoped3A_343, %run_scoped3A_344, %dma_start3A_520] : memref<2x10x128xi32, #tpu.memory_space<vmem>> -> memref<1x1x128xi32, #tpu.memory_space<vmem>>
        %dma_start3A_522 = tpu.memref_squeeze %dma_start3A_521 : memref<1x1x128xi32, #tpu.memory_space<vmem>> -> memref<128xi32, #tpu.memory_space<vmem>>
        %dma_start3A_523 = arith.constant 0 : i32
        %dma_start3A_524 = arith.constant 0 : i32
        %dma_start3A_525 = tpu.memref_slice %arg10[%dma_start3A_523, %dma_start3A_524] : memref<10128x128xf32, #tpu.memory_space<vmem_shared>> -> memref<10128x128xf32, #tpu.memory_space<vmem_shared>>
        tpu.enqueue_indirect_dma source(%arg8 : memref<128x128xf32, #tpu.memory_space<vmem>>) target(%dma_start3A_525 : memref<10128x128xf32, #tpu.memory_space<vmem_shared>>) offsets(%dma_start3A_522 : memref<128xi32, #tpu.memory_space<vmem>>) semaphore(%run_scoped3A_519 : memref<!tpu.dma_semaphore, #tpu.memory_space<semaphore_mem>>) {add = true}
        %dma_wait3A_526 = arith.constant 0 : i32
        %dma_wait3A_527 = tpu.memref_slice %arg7[%run_scoped3A_343, %run_scoped3A_344, %dma_wait3A_526] : memref<2x10x128xi32, #tpu.memory_space<vmem>> -> memref<1x1x128xi32, #tpu.memory_space<vmem>>
        %dma_wait3A_528 = tpu.memref_squeeze %dma_wait3A_527 : memref<1x1x128xi32, #tpu.memory_space<vmem>> -> memref<128xi32, #tpu.memory_space<vmem>>
        %dma_wait3A_529 = arith.constant 0 : i32
        %dma_wait3A_530 = arith.constant 0 : i32
        %dma_wait3A_531 = tpu.memref_slice %arg10[%dma_wait3A_529, %dma_wait3A_530] : memref<10128x128xf32, #tpu.memory_space<vmem_shared>> -> memref<10128x128xf32, #tpu.memory_space<vmem_shared>>
        tpu.wait_indirect_dma semaphore(%run_scoped3A_519 : memref<!tpu.dma_semaphore, #tpu.memory_space<semaphore_mem>>) src(%arg8 : memref<128x128xf32, #tpu.memory_space<vmem>>) dst(%dma_wait3A_531 : memref<10128x128xf32, #tpu.memory_space<vmem_shared>>)
        tpu.yield
      }) : () -> ()
      %dma_start3A_345 = arith.constant 0 : i32
      %dma_start3A_346 = arith.constant 4 : i32
      %dma_start3A_347 = arith.constant 0 : i32
      %dma_start3A_348 = tpu.memref_slice %arg7[%dma_start3A_345, %dma_start3A_346, %dma_start3A_347] : memref<2x10x128xi32, #tpu.memory_space<vmem>> -> memref<1x1x128xi32, #tpu.memory_space<vmem>>
      %dma_start3A_349 = tpu.memref_squeeze %dma_start3A_348 : memref<1x1x128xi32, #tpu.memory_space<vmem>> -> memref<128xi32, #tpu.memory_space<vmem>>
      %dma_start3A_350 = arith.constant 0 : i32
      %dma_start3A_351 = arith.constant 0 : i32
      %dma_start3A_352 = tpu.memref_slice %arg2[%dma_start3A_350, %dma_start3A_351] : memref<10000x128xf32, #tpu.memory_space<hbm>> -> memref<10000x128xf32, #tpu.memory_space<hbm>>
      tpu.enqueue_indirect_dma source(%dma_start3A_352 : memref<10000x128xf32, #tpu.memory_space<hbm>>) target(%arg8 : memref<128x128xf32, #tpu.memory_space<vmem>>) offsets(%dma_start3A_349 : memref<128xi32, #tpu.memory_space<vmem>>) semaphore(%arg11 : memref<!tpu.dma_semaphore, #tpu.memory_space<semaphore_mem>>)
      %mul3A_353 = arith.constant 10 : i32
      %mul3A_354 = arith.muli %add3A_286, %mul3A_353 : i32
      %add3A_355 = arith.constant 3 : i32
      %add3A_356 = arith.addi %mul3A_354, %add3A_355 : i32
      %dma_wait3A_357 = arith.constant 0 : i32
      %dma_wait3A_358 = arith.constant 3 : i32
      %dma_wait3A_359 = arith.constant 0 : i32
      %dma_wait3A_360 = tpu.memref_slice %arg7[%dma_wait3A_357, %dma_wait3A_358, %dma_wait3A_359] : memref<2x10x128xi32, #tpu.memory_space<vmem>> -> memref<1x1x128xi32, #tpu.memory_space<vmem>>
      %dma_wait3A_361 = tpu.memref_squeeze %dma_wait3A_360 : memref<1x1x128xi32, #tpu.memory_space<vmem>> -> memref<128xi32, #tpu.memory_space<vmem>>
      %dma_wait3A_362 = arith.constant 0 : i32
      %dma_wait3A_363 = arith.constant 0 : i32
      %dma_wait3A_364 = tpu.memref_slice %arg2[%dma_wait3A_362, %dma_wait3A_363] : memref<10000x128xf32, #tpu.memory_space<hbm>> -> memref<10000x128xf32, #tpu.memory_space<hbm>>
      tpu.wait_indirect_dma semaphore(%arg12 : memref<!tpu.dma_semaphore, #tpu.memory_space<semaphore_mem>>) src(%dma_wait3A_364 : memref<10000x128xf32, #tpu.memory_space<hbm>>) dst(%arg9 : memref<128x128xf32, #tpu.memory_space<vmem>>)
      %run_scoped3A_365 = arith.constant 1 : i32
      %run_scoped3A_366 = arith.constant 3 : i32
      "tpu.region"() ({
        %run_scoped3A_519 = tpu.sem_alloc : memref<!tpu.dma_semaphore, #tpu.memory_space<semaphore_mem>>
        %dma_start3A_520 = arith.constant 0 : i32
        %dma_start3A_521 = tpu.memref_slice %arg7[%run_scoped3A_365, %run_scoped3A_366, %dma_start3A_520] : memref<2x10x128xi32, #tpu.memory_space<vmem>> -> memref<1x1x128xi32, #tpu.memory_space<vmem>>
        %dma_start3A_522 = tpu.memref_squeeze %dma_start3A_521 : memref<1x1x128xi32, #tpu.memory_space<vmem>> -> memref<128xi32, #tpu.memory_space<vmem>>
        %dma_start3A_523 = arith.constant 0 : i32
        %dma_start3A_524 = arith.constant 0 : i32
        %dma_start3A_525 = tpu.memref_slice %arg10[%dma_start3A_523, %dma_start3A_524] : memref<10128x128xf32, #tpu.memory_space<vmem_shared>> -> memref<10128x128xf32, #tpu.memory_space<vmem_shared>>
        tpu.enqueue_indirect_dma source(%arg9 : memref<128x128xf32, #tpu.memory_space<vmem>>) target(%dma_start3A_525 : memref<10128x128xf32, #tpu.memory_space<vmem_shared>>) offsets(%dma_start3A_522 : memref<128xi32, #tpu.memory_space<vmem>>) semaphore(%run_scoped3A_519 : memref<!tpu.dma_semaphore, #tpu.memory_space<semaphore_mem>>) {add = true}
        %dma_wait3A_526 = arith.constant 0 : i32
        %dma_wait3A_527 = tpu.memref_slice %arg7[%run_scoped3A_365, %run_scoped3A_366, %dma_wait3A_526] : memref<2x10x128xi32, #tpu.memory_space<vmem>> -> memref<1x1x128xi32, #tpu.memory_space<vmem>>
        %dma_wait3A_528 = tpu.memref_squeeze %dma_wait3A_527 : memref<1x1x128xi32, #tpu.memory_space<vmem>> -> memref<128xi32, #tpu.memory_space<vmem>>
        %dma_wait3A_529 = arith.constant 0 : i32
        %dma_wait3A_530 = arith.constant 0 : i32
        %dma_wait3A_531 = tpu.memref_slice %arg10[%dma_wait3A_529, %dma_wait3A_530] : memref<10128x128xf32, #tpu.memory_space<vmem_shared>> -> memref<10128x128xf32, #tpu.memory_space<vmem_shared>>
        tpu.wait_indirect_dma semaphore(%run_scoped3A_519 : memref<!tpu.dma_semaphore, #tpu.memory_space<semaphore_mem>>) src(%arg9 : memref<128x128xf32, #tpu.memory_space<vmem>>) dst(%dma_wait3A_531 : memref<10128x128xf32, #tpu.memory_space<vmem_shared>>)
        tpu.yield
      }) : () -> ()
      %dma_start3A_367 = arith.constant 0 : i32
      %dma_start3A_368 = arith.constant 5 : i32
      %dma_start3A_369 = arith.constant 0 : i32
      %dma_start3A_370 = tpu.memref_slice %arg7[%dma_start3A_367, %dma_start3A_368, %dma_start3A_369] : memref<2x10x128xi32, #tpu.memory_space<vmem>> -> memref<1x1x128xi32, #tpu.memory_space<vmem>>
      %dma_start3A_371 = tpu.memref_squeeze %dma_start3A_370 : memref<1x1x128xi32, #tpu.memory_space<vmem>> -> memref<128xi32, #tpu.memory_space<vmem>>
      %dma_start3A_372 = arith.constant 0 : i32
      %dma_start3A_373 = arith.constant 0 : i32
      %dma_start3A_374 = tpu.memref_slice %arg2[%dma_start3A_372, %dma_start3A_373] : memref<10000x128xf32, #tpu.memory_space<hbm>> -> memref<10000x128xf32, #tpu.memory_space<hbm>>
      tpu.enqueue_indirect_dma source(%dma_start3A_374 : memref<10000x128xf32, #tpu.memory_space<hbm>>) target(%arg9 : memref<128x128xf32, #tpu.memory_space<vmem>>) offsets(%dma_start3A_371 : memref<128xi32, #tpu.memory_space<vmem>>) semaphore(%arg12 : memref<!tpu.dma_semaphore, #tpu.memory_space<semaphore_mem>>)
      %mul3A_375 = arith.constant 10 : i32
      %mul3A_376 = arith.muli %add3A_286, %mul3A_375 : i32
      %add3A_377 = arith.constant 4 : i32
      %add3A_378 = arith.addi %mul3A_376, %add3A_377 : i32
      %dma_wait3A_379 = arith.constant 0 : i32
      %dma_wait3A_380 = arith.constant 4 : i32
      %dma_wait3A_381 = arith.constant 0 : i32
      %dma_wait3A_382 = tpu.memref_slice %arg7[%dma_wait3A_379, %dma_wait3A_380, %dma_wait3A_381] : memref<2x10x128xi32, #tpu.memory_space<vmem>> -> memref<1x1x128xi32, #tpu.memory_space<vmem>>
      %dma_wait3A_383 = tpu.memref_squeeze %dma_wait3A_382 : memref<1x1x128xi32, #tpu.memory_space<vmem>> -> memref<128xi32, #tpu.memory_space<vmem>>
      %dma_wait3A_384 = arith.constant 0 : i32
      %dma_wait3A_385 = arith.constant 0 : i32
      %dma_wait3A_386 = tpu.memref_slice %arg2[%dma_wait3A_384, %dma_wait3A_385] : memref<10000x128xf32, #tpu.memory_space<hbm>> -> memref<10000x128xf32, #tpu.memory_space<hbm>>
      tpu.wait_indirect_dma semaphore(%arg11 : memref<!tpu.dma_semaphore, #tpu.memory_space<semaphore_mem>>) src(%dma_wait3A_386 : memref<10000x128xf32, #tpu.memory_space<hbm>>) dst(%arg8 : memref<128x128xf32, #tpu.memory_space<vmem>>)
      %run_scoped3A_387 = arith.constant 1 : i32
      %run_scoped3A_388 = arith.constant 4 : i32
      "tpu.region"() ({
        %run_scoped3A_519 = tpu.sem_alloc : memref<!tpu.dma_semaphore, #tpu.memory_space<semaphore_mem>>
        %dma_start3A_520 = arith.constant 0 : i32
        %dma_start3A_521 = tpu.memref_slice %arg7[%run_scoped3A_387, %run_scoped3A_388, %dma_start3A_520] : memref<2x10x128xi32, #tpu.memory_space<vmem>> -> memref<1x1x128xi32, #tpu.memory_space<vmem>>
        %dma_start3A_522 = tpu.memref_squeeze %dma_start3A_521 : memref<1x1x128xi32, #tpu.memory_space<vmem>> -> memref<128xi32, #tpu.memory_space<vmem>>
        %dma_start3A_523 = arith.constant 0 : i32
        %dma_start3A_524 = arith.constant 0 : i32
        %dma_start3A_525 = tpu.memref_slice %arg10[%dma_start3A_523, %dma_start3A_524] : memref<10128x128xf32, #tpu.memory_space<vmem_shared>> -> memref<10128x128xf32, #tpu.memory_space<vmem_shared>>
        tpu.enqueue_indirect_dma source(%arg8 : memref<128x128xf32, #tpu.memory_space<vmem>>) target(%dma_start3A_525 : memref<10128x128xf32, #tpu.memory_space<vmem_shared>>) offsets(%dma_start3A_522 : memref<128xi32, #tpu.memory_space<vmem>>) semaphore(%run_scoped3A_519 : memref<!tpu.dma_semaphore, #tpu.memory_space<semaphore_mem>>) {add = true}
        %dma_wait3A_526 = arith.constant 0 : i32
        %dma_wait3A_527 = tpu.memref_slice %arg7[%run_scoped3A_387, %run_scoped3A_388, %dma_wait3A_526] : memref<2x10x128xi32, #tpu.memory_space<vmem>> -> memref<1x1x128xi32, #tpu.memory_space<vmem>>
        %dma_wait3A_528 = tpu.memref_squeeze %dma_wait3A_527 : memref<1x1x128xi32, #tpu.memory_space<vmem>> -> memref<128xi32, #tpu.memory_space<vmem>>
        %dma_wait3A_529 = arith.constant 0 : i32
        %dma_wait3A_530 = arith.constant 0 : i32
        %dma_wait3A_531 = tpu.memref_slice %arg10[%dma_wait3A_529, %dma_wait3A_530] : memref<10128x128xf32, #tpu.memory_space<vmem_shared>> -> memref<10128x128xf32, #tpu.memory_space<vmem_shared>>
        tpu.wait_indirect_dma semaphore(%run_scoped3A_519 : memref<!tpu.dma_semaphore, #tpu.memory_space<semaphore_mem>>) src(%arg8 : memref<128x128xf32, #tpu.memory_space<vmem>>) dst(%dma_wait3A_531 : memref<10128x128xf32, #tpu.memory_space<vmem_shared>>)
        tpu.yield
      }) : () -> ()
      %dma_start3A_389 = arith.constant 0 : i32
      %dma_start3A_390 = arith.constant 6 : i32
      %dma_start3A_391 = arith.constant 0 : i32
      %dma_start3A_392 = tpu.memref_slice %arg7[%dma_start3A_389, %dma_start3A_390, %dma_start3A_391] : memref<2x10x128xi32, #tpu.memory_space<vmem>> -> memref<1x1x128xi32, #tpu.memory_space<vmem>>
      %dma_start3A_393 = tpu.memref_squeeze %dma_start3A_392 : memref<1x1x128xi32, #tpu.memory_space<vmem>> -> memref<128xi32, #tpu.memory_space<vmem>>
      %dma_start3A_394 = arith.constant 0 : i32
      %dma_start3A_395 = arith.constant 0 : i32
      %dma_start3A_396 = tpu.memref_slice %arg2[%dma_start3A_394, %dma_start3A_395] : memref<10000x128xf32, #tpu.memory_space<hbm>> -> memref<10000x128xf32, #tpu.memory_space<hbm>>
      tpu.enqueue_indirect_dma source(%dma_start3A_396 : memref<10000x128xf32, #tpu.memory_space<hbm>>) target(%arg8 : memref<128x128xf32, #tpu.memory_space<vmem>>) offsets(%dma_start3A_393 : memref<128xi32, #tpu.memory_space<vmem>>) semaphore(%arg11 : memref<!tpu.dma_semaphore, #tpu.memory_space<semaphore_mem>>)
      %mul3A_397 = arith.constant 10 : i32
      %mul3A_398 = arith.muli %add3A_286, %mul3A_397 : i32
      %add3A_399 = arith.constant 5 : i32
      %add3A_400 = arith.addi %mul3A_398, %add3A_399 : i32
      %dma_wait3A_401 = arith.constant 0 : i32
      %dma_wait3A_402 = arith.constant 5 : i32
      %dma_wait3A_403 = arith.constant 0 : i32
      %dma_wait3A_404 = tpu.memref_slice %arg7[%dma_wait3A_401, %dma_wait3A_402, %dma_wait3A_403] : memref<2x10x128xi32, #tpu.memory_space<vmem>> -> memref<1x1x128xi32, #tpu.memory_space<vmem>>
      %dma_wait3A_405 = tpu.memref_squeeze %dma_wait3A_404 : memref<1x1x128xi32, #tpu.memory_space<vmem>> -> memref<128xi32, #tpu.memory_space<vmem>>
      %dma_wait3A_406 = arith.constant 0 : i32
      %dma_wait3A_407 = arith.constant 0 : i32
      %dma_wait3A_408 = tpu.memref_slice %arg2[%dma_wait3A_406, %dma_wait3A_407] : memref<10000x128xf32, #tpu.memory_space<hbm>> -> memref<10000x128xf32, #tpu.memory_space<hbm>>
      tpu.wait_indirect_dma semaphore(%arg12 : memref<!tpu.dma_semaphore, #tpu.memory_space<semaphore_mem>>) src(%dma_wait3A_408 : memref<10000x128xf32, #tpu.memory_space<hbm>>) dst(%arg9 : memref<128x128xf32, #tpu.memory_space<vmem>>)
      %run_scoped3A_409 = arith.constant 1 : i32
      %run_scoped3A_410 = arith.constant 5 : i32
      "tpu.region"() ({
        %run_scoped3A_519 = tpu.sem_alloc : memref<!tpu.dma_semaphore, #tpu.memory_space<semaphore_mem>>
        %dma_start3A_520 = arith.constant 0 : i32
        %dma_start3A_521 = tpu.memref_slice %arg7[%run_scoped3A_409, %run_scoped3A_410, %dma_start3A_520] : memref<2x10x128xi32, #tpu.memory_space<vmem>> -> memref<1x1x128xi32, #tpu.memory_space<vmem>>
        %dma_start3A_522 = tpu.memref_squeeze %dma_start3A_521 : memref<1x1x128xi32, #tpu.memory_space<vmem>> -> memref<128xi32, #tpu.memory_space<vmem>>
        %dma_start3A_523 = arith.constant 0 : i32
        %dma_start3A_524 = arith.constant 0 : i32
        %dma_start3A_525 = tpu.memref_slice %arg10[%dma_start3A_523, %dma_start3A_524] : memref<10128x128xf32, #tpu.memory_space<vmem_shared>> -> memref<10128x128xf32, #tpu.memory_space<vmem_shared>>
        tpu.enqueue_indirect_dma source(%arg9 : memref<128x128xf32, #tpu.memory_space<vmem>>) target(%dma_start3A_525 : memref<10128x128xf32, #tpu.memory_space<vmem_shared>>) offsets(%dma_start3A_522 : memref<128xi32, #tpu.memory_space<vmem>>) semaphore(%run_scoped3A_519 : memref<!tpu.dma_semaphore, #tpu.memory_space<semaphore_mem>>) {add = true}
        %dma_wait3A_526 = arith.constant 0 : i32
        %dma_wait3A_527 = tpu.memref_slice %arg7[%run_scoped3A_409, %run_scoped3A_410, %dma_wait3A_526] : memref<2x10x128xi32, #tpu.memory_space<vmem>> -> memref<1x1x128xi32, #tpu.memory_space<vmem>>
        %dma_wait3A_528 = tpu.memref_squeeze %dma_wait3A_527 : memref<1x1x128xi32, #tpu.memory_space<vmem>> -> memref<128xi32, #tpu.memory_space<vmem>>
        %dma_wait3A_529 = arith.constant 0 : i32
        %dma_wait3A_530 = arith.constant 0 : i32
        %dma_wait3A_531 = tpu.memref_slice %arg10[%dma_wait3A_529, %dma_wait3A_530] : memref<10128x128xf32, #tpu.memory_space<vmem_shared>> -> memref<10128x128xf32, #tpu.memory_space<vmem_shared>>
        tpu.wait_indirect_dma semaphore(%run_scoped3A_519 : memref<!tpu.dma_semaphore, #tpu.memory_space<semaphore_mem>>) src(%arg9 : memref<128x128xf32, #tpu.memory_space<vmem>>) dst(%dma_wait3A_531 : memref<10128x128xf32, #tpu.memory_space<vmem_shared>>)
        tpu.yield
      }) : () -> ()
      %dma_start3A_411 = arith.constant 0 : i32
      %dma_start3A_412 = arith.constant 7 : i32
      %dma_start3A_413 = arith.constant 0 : i32
      %dma_start3A_414 = tpu.memref_slice %arg7[%dma_start3A_411, %dma_start3A_412, %dma_start3A_413] : memref<2x10x128xi32, #tpu.memory_space<vmem>> -> memref<1x1x128xi32, #tpu.memory_space<vmem>>
      %dma_start3A_415 = tpu.memref_squeeze %dma_start3A_414 : memref<1x1x128xi32, #tpu.memory_space<vmem>> -> memref<128xi32, #tpu.memory_space<vmem>>
      %dma_start3A_416 = arith.constant 0 : i32
      %dma_start3A_417 = arith.constant 0 : i32
      %dma_start3A_418 = tpu.memref_slice %arg2[%dma_start3A_416, %dma_start3A_417] : memref<10000x128xf32, #tpu.memory_space<hbm>> -> memref<10000x128xf32, #tpu.memory_space<hbm>>
      tpu.enqueue_indirect_dma source(%dma_start3A_418 : memref<10000x128xf32, #tpu.memory_space<hbm>>) target(%arg9 : memref<128x128xf32, #tpu.memory_space<vmem>>) offsets(%dma_start3A_415 : memref<128xi32, #tpu.memory_space<vmem>>) semaphore(%arg12 : memref<!tpu.dma_semaphore, #tpu.memory_space<semaphore_mem>>)
      %mul3A_419 = arith.constant 10 : i32
      %mul3A_420 = arith.muli %add3A_286, %mul3A_419 : i32
      %add3A_421 = arith.constant 6 : i32
      %add3A_422 = arith.addi %mul3A_420, %add3A_421 : i32
      %dma_wait3A_423 = arith.constant 0 : i32
      %dma_wait3A_424 = arith.constant 6 : i32
      %dma_wait3A_425 = arith.constant 0 : i32
      %dma_wait3A_426 = tpu.memref_slice %arg7[%dma_wait3A_423, %dma_wait3A_424, %dma_wait3A_425] : memref<2x10x128xi32, #tpu.memory_space<vmem>> -> memref<1x1x128xi32, #tpu.memory_space<vmem>>
      %dma_wait3A_427 = tpu.memref_squeeze %dma_wait3A_426 : memref<1x1x128xi32, #tpu.memory_space<vmem>> -> memref<128xi32, #tpu.memory_space<vmem>>
      %dma_wait3A_428 = arith.constant 0 : i32
      %dma_wait3A_429 = arith.constant 0 : i32
      %dma_wait3A_430 = tpu.memref_slice %arg2[%dma_wait3A_428, %dma_wait3A_429] : memref<10000x128xf32, #tpu.memory_space<hbm>> -> memref<10000x128xf32, #tpu.memory_space<hbm>>
      tpu.wait_indirect_dma semaphore(%arg11 : memref<!tpu.dma_semaphore, #tpu.memory_space<semaphore_mem>>) src(%dma_wait3A_430 : memref<10000x128xf32, #tpu.memory_space<hbm>>) dst(%arg8 : memref<128x128xf32, #tpu.memory_space<vmem>>)
      %run_scoped3A_431 = arith.constant 1 : i32
      %run_scoped3A_432 = arith.constant 6 : i32
      "tpu.region"() ({
        %run_scoped3A_519 = tpu.sem_alloc : memref<!tpu.dma_semaphore, #tpu.memory_space<semaphore_mem>>
        %dma_start3A_520 = arith.constant 0 : i32
        %dma_start3A_521 = tpu.memref_slice %arg7[%run_scoped3A_431, %run_scoped3A_432, %dma_start3A_520] : memref<2x10x128xi32, #tpu.memory_space<vmem>> -> memref<1x1x128xi32, #tpu.memory_space<vmem>>
        %dma_start3A_522 = tpu.memref_squeeze %dma_start3A_521 : memref<1x1x128xi32, #tpu.memory_space<vmem>> -> memref<128xi32, #tpu.memory_space<vmem>>
        %dma_start3A_523 = arith.constant 0 : i32
        %dma_start3A_524 = arith.constant 0 : i32
        %dma_start3A_525 = tpu.memref_slice %arg10[%dma_start3A_523, %dma_start3A_524] : memref<10128x128xf32, #tpu.memory_space<vmem_shared>> -> memref<10128x128xf32, #tpu.memory_space<vmem_shared>>
        tpu.enqueue_indirect_dma source(%arg8 : memref<128x128xf32, #tpu.memory_space<vmem>>) target(%dma_start3A_525 : memref<10128x128xf32, #tpu.memory_space<vmem_shared>>) offsets(%dma_start3A_522 : memref<128xi32, #tpu.memory_space<vmem>>) semaphore(%run_scoped3A_519 : memref<!tpu.dma_semaphore, #tpu.memory_space<semaphore_mem>>) {add = true}
        %dma_wait3A_526 = arith.constant 0 : i32
        %dma_wait3A_527 = tpu.memref_slice %arg7[%run_scoped3A_431, %run_scoped3A_432, %dma_wait3A_526] : memref<2x10x128xi32, #tpu.memory_space<vmem>> -> memref<1x1x128xi32, #tpu.memory_space<vmem>>
        %dma_wait3A_528 = tpu.memref_squeeze %dma_wait3A_527 : memref<1x1x128xi32, #tpu.memory_space<vmem>> -> memref<128xi32, #tpu.memory_space<vmem>>
        %dma_wait3A_529 = arith.constant 0 : i32
        %dma_wait3A_530 = arith.constant 0 : i32
        %dma_wait3A_531 = tpu.memref_slice %arg10[%dma_wait3A_529, %dma_wait3A_530] : memref<10128x128xf32, #tpu.memory_space<vmem_shared>> -> memref<10128x128xf32, #tpu.memory_space<vmem_shared>>
        tpu.wait_indirect_dma semaphore(%run_scoped3A_519 : memref<!tpu.dma_semaphore, #tpu.memory_space<semaphore_mem>>) src(%arg8 : memref<128x128xf32, #tpu.memory_space<vmem>>) dst(%dma_wait3A_531 : memref<10128x128xf32, #tpu.memory_space<vmem_shared>>)
        tpu.yield
      }) : () -> ()
      %dma_start3A_433 = arith.constant 0 : i32
      %dma_start3A_434 = arith.constant 8 : i32
      %dma_start3A_435 = arith.constant 0 : i32
      %dma_start3A_436 = tpu.memref_slice %arg7[%dma_start3A_433, %dma_start3A_434, %dma_start3A_435] : memref<2x10x128xi32, #tpu.memory_space<vmem>> -> memref<1x1x128xi32, #tpu.memory_space<vmem>>
      %dma_start3A_437 = tpu.memref_squeeze %dma_start3A_436 : memref<1x1x128xi32, #tpu.memory_space<vmem>> -> memref<128xi32, #tpu.memory_space<vmem>>
      %dma_start3A_438 = arith.constant 0 : i32
      %dma_start3A_439 = arith.constant 0 : i32
      %dma_start3A_440 = tpu.memref_slice %arg2[%dma_start3A_438, %dma_start3A_439] : memref<10000x128xf32, #tpu.memory_space<hbm>> -> memref<10000x128xf32, #tpu.memory_space<hbm>>
      tpu.enqueue_indirect_dma source(%dma_start3A_440 : memref<10000x128xf32, #tpu.memory_space<hbm>>) target(%arg8 : memref<128x128xf32, #tpu.memory_space<vmem>>) offsets(%dma_start3A_437 : memref<128xi32, #tpu.memory_space<vmem>>) semaphore(%arg11 : memref<!tpu.dma_semaphore, #tpu.memory_space<semaphore_mem>>)
      %mul3A_441 = arith.constant 10 : i32
      %mul3A_442 = arith.muli %add3A_286, %mul3A_441 : i32
      %add3A_443 = arith.constant 7 : i32
      %add3A_444 = arith.addi %mul3A_442, %add3A_443 : i32
      %dma_wait3A_445 = arith.constant 0 : i32
      %dma_wait3A_446 = arith.constant 7 : i32
      %dma_wait3A_447 = arith.constant 0 : i32
      %dma_wait3A_448 = tpu.memref_slice %arg7[%dma_wait3A_445, %dma_wait3A_446, %dma_wait3A_447] : memref<2x10x128xi32, #tpu.memory_space<vmem>> -> memref<1x1x128xi32, #tpu.memory_space<vmem>>
      %dma_wait3A_449 = tpu.memref_squeeze %dma_wait3A_448 : memref<1x1x128xi32, #tpu.memory_space<vmem>> -> memref<128xi32, #tpu.memory_space<vmem>>
      %dma_wait3A_450 = arith.constant 0 : i32
      %dma_wait3A_451 = arith.constant 0 : i32
      %dma_wait3A_452 = tpu.memref_slice %arg2[%dma_wait3A_450, %dma_wait3A_451] : memref<10000x128xf32, #tpu.memory_space<hbm>> -> memref<10000x128xf32, #tpu.memory_space<hbm>>
      tpu.wait_indirect_dma semaphore(%arg12 : memref<!tpu.dma_semaphore, #tpu.memory_space<semaphore_mem>>) src(%dma_wait3A_452 : memref<10000x128xf32, #tpu.memory_space<hbm>>) dst(%arg9 : memref<128x128xf32, #tpu.memory_space<vmem>>)
      %run_scoped3A_453 = arith.constant 1 : i32
      %run_scoped3A_454 = arith.constant 7 : i32
      "tpu.region"() ({
        %run_scoped3A_519 = tpu.sem_alloc : memref<!tpu.dma_semaphore, #tpu.memory_space<semaphore_mem>>
        %dma_start3A_520 = arith.constant 0 : i32
        %dma_start3A_521 = tpu.memref_slice %arg7[%run_scoped3A_453, %run_scoped3A_454, %dma_start3A_520] : memref<2x10x128xi32, #tpu.memory_space<vmem>> -> memref<1x1x128xi32, #tpu.memory_space<vmem>>
        %dma_start3A_522 = tpu.memref_squeeze %dma_start3A_521 : memref<1x1x128xi32, #tpu.memory_space<vmem>> -> memref<128xi32, #tpu.memory_space<vmem>>
        %dma_start3A_523 = arith.constant 0 : i32
        %dma_start3A_524 = arith.constant 0 : i32
        %dma_start3A_525 = tpu.memref_slice %arg10[%dma_start3A_523, %dma_start3A_524] : memref<10128x128xf32, #tpu.memory_space<vmem_shared>> -> memref<10128x128xf32, #tpu.memory_space<vmem_shared>>
        tpu.enqueue_indirect_dma source(%arg9 : memref<128x128xf32, #tpu.memory_space<vmem>>) target(%dma_start3A_525 : memref<10128x128xf32, #tpu.memory_space<vmem_shared>>) offsets(%dma_start3A_522 : memref<128xi32, #tpu.memory_space<vmem>>) semaphore(%run_scoped3A_519 : memref<!tpu.dma_semaphore, #tpu.memory_space<semaphore_mem>>) {add = true}
        %dma_wait3A_526 = arith.constant 0 : i32
        %dma_wait3A_527 = tpu.memref_slice %arg7[%run_scoped3A_453, %run_scoped3A_454, %dma_wait3A_526] : memref<2x10x128xi32, #tpu.memory_space<vmem>> -> memref<1x1x128xi32, #tpu.memory_space<vmem>>
        %dma_wait3A_528 = tpu.memref_squeeze %dma_wait3A_527 : memref<1x1x128xi32, #tpu.memory_space<vmem>> -> memref<128xi32, #tpu.memory_space<vmem>>
        %dma_wait3A_529 = arith.constant 0 : i32
        %dma_wait3A_530 = arith.constant 0 : i32
        %dma_wait3A_531 = tpu.memref_slice %arg10[%dma_wait3A_529, %dma_wait3A_530] : memref<10128x128xf32, #tpu.memory_space<vmem_shared>> -> memref<10128x128xf32, #tpu.memory_space<vmem_shared>>
        tpu.wait_indirect_dma semaphore(%run_scoped3A_519 : memref<!tpu.dma_semaphore, #tpu.memory_space<semaphore_mem>>) src(%arg9 : memref<128x128xf32, #tpu.memory_space<vmem>>) dst(%dma_wait3A_531 : memref<10128x128xf32, #tpu.memory_space<vmem_shared>>)
        tpu.yield
      }) : () -> ()
      %dma_start3A_455 = arith.constant 0 : i32
      %dma_start3A_456 = arith.constant 9 : i32
      %dma_start3A_457 = arith.constant 0 : i32
      %dma_start3A_458 = tpu.memref_slice %arg7[%dma_start3A_455, %dma_start3A_456, %dma_start3A_457] : memref<2x10x128xi32, #tpu.memory_space<vmem>> -> memref<1x1x128xi32, #tpu.memory_space<vmem>>
      %dma_start3A_459 = tpu.memref_squeeze %dma_start3A_458 : memref<1x1x128xi32, #tpu.memory_space<vmem>> -> memref<128xi32, #tpu.memory_space<vmem>>
      %dma_start3A_460 = arith.constant 0 : i32
      %dma_start3A_461 = arith.constant 0 : i32
      %dma_start3A_462 = tpu.memref_slice %arg2[%dma_start3A_460, %dma_start3A_461] : memref<10000x128xf32, #tpu.memory_space<hbm>> -> memref<10000x128xf32, #tpu.memory_space<hbm>>
      tpu.enqueue_indirect_dma source(%dma_start3A_462 : memref<10000x128xf32, #tpu.memory_space<hbm>>) target(%arg9 : memref<128x128xf32, #tpu.memory_space<vmem>>) offsets(%dma_start3A_459 : memref<128xi32, #tpu.memory_space<vmem>>) semaphore(%arg12 : memref<!tpu.dma_semaphore, #tpu.memory_space<semaphore_mem>>)
      %mul3A_463 = arith.constant 10 : i32
      %mul3A_464 = arith.muli %add3A_286, %mul3A_463 : i32
      %add3A_465 = arith.constant 8 : i32
      %add3A_466 = arith.addi %mul3A_464, %add3A_465 : i32
      %dma_wait3A_467 = arith.constant 0 : i32
      %dma_wait3A_468 = arith.constant 8 : i32
      %dma_wait3A_469 = arith.constant 0 : i32
      %dma_wait3A_470 = tpu.memref_slice %arg7[%dma_wait3A_467, %dma_wait3A_468, %dma_wait3A_469] : memref<2x10x128xi32, #tpu.memory_space<vmem>> -> memref<1x1x128xi32, #tpu.memory_space<vmem>>
      %dma_wait3A_471 = tpu.memref_squeeze %dma_wait3A_470 : memref<1x1x128xi32, #tpu.memory_space<vmem>> -> memref<128xi32, #tpu.memory_space<vmem>>
      %dma_wait3A_472 = arith.constant 0 : i32
      %dma_wait3A_473 = arith.constant 0 : i32
      %dma_wait3A_474 = tpu.memref_slice %arg2[%dma_wait3A_472, %dma_wait3A_473] : memref<10000x128xf32, #tpu.memory_space<hbm>> -> memref<10000x128xf32, #tpu.memory_space<hbm>>
      tpu.wait_indirect_dma semaphore(%arg11 : memref<!tpu.dma_semaphore, #tpu.memory_space<semaphore_mem>>) src(%dma_wait3A_474 : memref<10000x128xf32, #tpu.memory_space<hbm>>) dst(%arg8 : memref<128x128xf32, #tpu.memory_space<vmem>>)
      %run_scoped3A_475 = arith.constant 1 : i32
      %run_scoped3A_476 = arith.constant 8 : i32
      "tpu.region"() ({
        %run_scoped3A_519 = tpu.sem_alloc : memref<!tpu.dma_semaphore, #tpu.memory_space<semaphore_mem>>
        %dma_start3A_520 = arith.constant 0 : i32
        %dma_start3A_521 = tpu.memref_slice %arg7[%run_scoped3A_475, %run_scoped3A_476, %dma_start3A_520] : memref<2x10x128xi32, #tpu.memory_space<vmem>> -> memref<1x1x128xi32, #tpu.memory_space<vmem>>
        %dma_start3A_522 = tpu.memref_squeeze %dma_start3A_521 : memref<1x1x128xi32, #tpu.memory_space<vmem>> -> memref<128xi32, #tpu.memory_space<vmem>>
        %dma_start3A_523 = arith.constant 0 : i32
        %dma_start3A_524 = arith.constant 0 : i32
        %dma_start3A_525 = tpu.memref_slice %arg10[%dma_start3A_523, %dma_start3A_524] : memref<10128x128xf32, #tpu.memory_space<vmem_shared>> -> memref<10128x128xf32, #tpu.memory_space<vmem_shared>>
        tpu.enqueue_indirect_dma source(%arg8 : memref<128x128xf32, #tpu.memory_space<vmem>>) target(%dma_start3A_525 : memref<10128x128xf32, #tpu.memory_space<vmem_shared>>) offsets(%dma_start3A_522 : memref<128xi32, #tpu.memory_space<vmem>>) semaphore(%run_scoped3A_519 : memref<!tpu.dma_semaphore, #tpu.memory_space<semaphore_mem>>) {add = true}
        %dma_wait3A_526 = arith.constant 0 : i32
        %dma_wait3A_527 = tpu.memref_slice %arg7[%run_scoped3A_475, %run_scoped3A_476, %dma_wait3A_526] : memref<2x10x128xi32, #tpu.memory_space<vmem>> -> memref<1x1x128xi32, #tpu.memory_space<vmem>>
        %dma_wait3A_528 = tpu.memref_squeeze %dma_wait3A_527 : memref<1x1x128xi32, #tpu.memory_space<vmem>> -> memref<128xi32, #tpu.memory_space<vmem>>
        %dma_wait3A_529 = arith.constant 0 : i32
        %dma_wait3A_530 = arith.constant 0 : i32
        %dma_wait3A_531 = tpu.memref_slice %arg10[%dma_wait3A_529, %dma_wait3A_530] : memref<10128x128xf32, #tpu.memory_space<vmem_shared>> -> memref<10128x128xf32, #tpu.memory_space<vmem_shared>>
        tpu.wait_indirect_dma semaphore(%run_scoped3A_519 : memref<!tpu.dma_semaphore, #tpu.memory_space<semaphore_mem>>) src(%arg8 : memref<128x128xf32, #tpu.memory_space<vmem>>) dst(%dma_wait3A_531 : memref<10128x128xf32, #tpu.memory_space<vmem_shared>>)
        tpu.yield
      }) : () -> ()
      %add3A_477 = arith.constant 1 : i32
      %add3A_478 = arith.addi %add3A_286, %add3A_477 : i32
      %lt3A_479 = arith.constant 8 : i32
      %lt3A_480 = arith.cmpi slt, %add3A_478, %lt3A_479 : i32
      %convert_element_type3A_481 = arith.extui %lt3A_480 : i1 to i32
      %cond3A_482 = arith.constant 0 : i32
      %cond3A_483 = arith.cmpi ne, %convert_element_type3A_481, %cond3A_482 : i32
      scf.if %cond3A_483 {
        %add3A_519 = arith.constant 1 : i32
        %add3A_520 = arith.addi %add3A_286, %add3A_519 : i32
        %dma_wait3A_521 = arith.constant 0 : i32
        %dma_wait3A_522 = arith.constant 0 : i32
        %dma_wait3A_523 = arith.constant 0 : i32
        %dma_wait3A_524 = tpu.memref_slice %arg3[%add3A, %add3A_520, %dma_wait3A_521, %dma_wait3A_522, %dma_wait3A_523] : memref<32x8x2x10x128xi32, #tpu.memory_space<hbm>> -> memref<1x1x2x10x128xi32, #tpu.memory_space<hbm>>
        %dma_wait3A_525 = tpu.memref_squeeze %dma_wait3A_524 : memref<1x1x2x10x128xi32, #tpu.memory_space<hbm>> -> memref<2x10x128xi32, #tpu.memory_space<hbm>>
        %dma_wait3A_526 = arith.constant 0 : i32
        %dma_wait3A_527 = arith.constant 0 : i32
        %dma_wait3A_528 = arith.constant 0 : i32
        %dma_wait3A_529 = tpu.memref_slice %arg3[%add3A, %add3A_520, %dma_wait3A_526, %dma_wait3A_527, %dma_wait3A_528] : memref<32x8x2x10x128xi32, #tpu.memory_space<hbm>> -> memref<1x1x2x10x128xi32, #tpu.memory_space<hbm>>
        %dma_wait3A_530 = tpu.memref_squeeze %dma_wait3A_529 : memref<1x1x2x10x128xi32, #tpu.memory_space<hbm>> -> memref<2x10x128xi32, #tpu.memory_space<hbm>>
        tpu.wait_dma2 semaphore(%arg13 : memref<!tpu.dma_semaphore, #tpu.memory_space<semaphore_mem>>) src(%dma_wait3A_530 : memref<2x10x128xi32, #tpu.memory_space<hbm>>) dst(%arg6 : memref<2x10x128xi32, #tpu.memory_space<vmem>>)
      } else {
      }
      %add3A_484 = arith.constant 2 : i32
      %add3A_485 = arith.addi %add3A_466, %add3A_484 : i32
      %lt3A_486 = arith.constant 80 : i32
      %lt3A_487 = arith.cmpi slt, %add3A_485, %lt3A_486 : i32
      %convert_element_type3A_488 = arith.extui %lt3A_487 : i1 to i32
      %cond3A_489 = arith.constant 0 : i32
      %cond3A_490 = arith.cmpi ne, %convert_element_type3A_488, %cond3A_489 : i32
      scf.if %cond3A_490 {
        %dma_start3A_519 = arith.constant 0 : i32
        %dma_start3A_520 = arith.constant 0 : i32
        %dma_start3A_521 = arith.constant 0 : i32
        %dma_start3A_522 = tpu.memref_slice %arg6[%dma_start3A_519, %dma_start3A_520, %dma_start3A_521] : memref<2x10x128xi32, #tpu.memory_space<vmem>> -> memref<1x1x128xi32, #tpu.memory_space<vmem>>
        %dma_start3A_523 = tpu.memref_squeeze %dma_start3A_522 : memref<1x1x128xi32, #tpu.memory_space<vmem>> -> memref<128xi32, #tpu.memory_space<vmem>>
        %dma_start3A_524 = arith.constant 0 : i32
        %dma_start3A_525 = arith.constant 0 : i32
        %dma_start3A_526 = tpu.memref_slice %arg2[%dma_start3A_524, %dma_start3A_525] : memref<10000x128xf32, #tpu.memory_space<hbm>> -> memref<10000x128xf32, #tpu.memory_space<hbm>>
        tpu.enqueue_indirect_dma source(%dma_start3A_526 : memref<10000x128xf32, #tpu.memory_space<hbm>>) target(%arg8 : memref<128x128xf32, #tpu.memory_space<vmem>>) offsets(%dma_start3A_523 : memref<128xi32, #tpu.memory_space<vmem>>) semaphore(%arg11 : memref<!tpu.dma_semaphore, #tpu.memory_space<semaphore_mem>>)
      } else {
      }
      %mul3A_491 = arith.constant 10 : i32
      %mul3A_492 = arith.muli %add3A_286, %mul3A_491 : i32
      %add3A_493 = arith.constant 9 : i32
      %add3A_494 = arith.addi %mul3A_492, %add3A_493 : i32
      %dma_wait3A_495 = arith.constant 0 : i32
      %dma_wait3A_496 = arith.constant 9 : i32
      %dma_wait3A_497 = arith.constant 0 : i32
      %dma_wait3A_498 = tpu.memref_slice %arg7[%dma_wait3A_495, %dma_wait3A_496, %dma_wait3A_497] : memref<2x10x128xi32, #tpu.memory_space<vmem>> -> memref<1x1x128xi32, #tpu.memory_space<vmem>>
      %dma_wait3A_499 = tpu.memref_squeeze %dma_wait3A_498 : memref<1x1x128xi32, #tpu.memory_space<vmem>> -> memref<128xi32, #tpu.memory_space<vmem>>
      %dma_wait3A_500 = arith.constant 0 : i32
      %dma_wait3A_501 = arith.constant 0 : i32
      %dma_wait3A_502 = tpu.memref_slice %arg2[%dma_wait3A_500, %dma_wait3A_501] : memref<10000x128xf32, #tpu.memory_space<hbm>> -> memref<10000x128xf32, #tpu.memory_space<hbm>>
      tpu.wait_indirect_dma semaphore(%arg12 : memref<!tpu.dma_semaphore, #tpu.memory_space<semaphore_mem>>) src(%dma_wait3A_502 : memref<10000x128xf32, #tpu.memory_space<hbm>>) dst(%arg9 : memref<128x128xf32, #tpu.memory_space<vmem>>)
      %run_scoped3A_503 = arith.constant 1 : i32
      %run_scoped3A_504 = arith.constant 9 : i32
      "tpu.region"() ({
        %run_scoped3A_519 = tpu.sem_alloc : memref<!tpu.dma_semaphore, #tpu.memory_space<semaphore_mem>>
        %dma_start3A_520 = arith.constant 0 : i32
        %dma_start3A_521 = tpu.memref_slice %arg7[%run_scoped3A_503, %run_scoped3A_504, %dma_start3A_520] : memref<2x10x128xi32, #tpu.memory_space<vmem>> -> memref<1x1x128xi32, #tpu.memory_space<vmem>>
        %dma_start3A_522 = tpu.memref_squeeze %dma_start3A_521 : memref<1x1x128xi32, #tpu.memory_space<vmem>> -> memref<128xi32, #tpu.memory_space<vmem>>
        %dma_start3A_523 = arith.constant 0 : i32
        %dma_start3A_524 = arith.constant 0 : i32
        %dma_start3A_525 = tpu.memref_slice %arg10[%dma_start3A_523, %dma_start3A_524] : memref<10128x128xf32, #tpu.memory_space<vmem_shared>> -> memref<10128x128xf32, #tpu.memory_space<vmem_shared>>
        tpu.enqueue_indirect_dma source(%arg9 : memref<128x128xf32, #tpu.memory_space<vmem>>) target(%dma_start3A_525 : memref<10128x128xf32, #tpu.memory_space<vmem_shared>>) offsets(%dma_start3A_522 : memref<128xi32, #tpu.memory_space<vmem>>) semaphore(%run_scoped3A_519 : memref<!tpu.dma_semaphore, #tpu.memory_space<semaphore_mem>>) {add = true}
        %dma_wait3A_526 = arith.constant 0 : i32
        %dma_wait3A_527 = tpu.memref_slice %arg7[%run_scoped3A_503, %run_scoped3A_504, %dma_wait3A_526] : memref<2x10x128xi32, #tpu.memory_space<vmem>> -> memref<1x1x128xi32, #tpu.memory_space<vmem>>
        %dma_wait3A_528 = tpu.memref_squeeze %dma_wait3A_527 : memref<1x1x128xi32, #tpu.memory_space<vmem>> -> memref<128xi32, #tpu.memory_space<vmem>>
        %dma_wait3A_529 = arith.constant 0 : i32
        %dma_wait3A_530 = arith.constant 0 : i32
        %dma_wait3A_531 = tpu.memref_slice %arg10[%dma_wait3A_529, %dma_wait3A_530] : memref<10128x128xf32, #tpu.memory_space<vmem_shared>> -> memref<10128x128xf32, #tpu.memory_space<vmem_shared>>
        tpu.wait_indirect_dma semaphore(%run_scoped3A_519 : memref<!tpu.dma_semaphore, #tpu.memory_space<semaphore_mem>>) src(%arg9 : memref<128x128xf32, #tpu.memory_space<vmem>>) dst(%dma_wait3A_531 : memref<10128x128xf32, #tpu.memory_space<vmem_shared>>)
        tpu.yield
      }) : () -> ()
      %add3A_505 = arith.constant 2 : i32
      %add3A_506 = arith.addi %add3A_494, %add3A_505 : i32
      %lt3A_507 = arith.constant 80 : i32
      %lt3A_508 = arith.cmpi slt, %add3A_506, %lt3A_507 : i32
      %convert_element_type3A_509 = arith.extui %lt3A_508 : i1 to i32
      %cond3A_510 = arith.constant 0 : i32
      %cond3A_511 = arith.cmpi ne, %convert_element_type3A_509, %cond3A_510 : i32
      scf.if %cond3A_511 {
        %dma_start3A_519 = arith.constant 0 : i32
        %dma_start3A_520 = arith.constant 1 : i32
        %dma_start3A_521 = arith.constant 0 : i32
        %dma_start3A_522 = tpu.memref_slice %arg6[%dma_start3A_519, %dma_start3A_520, %dma_start3A_521] : memref<2x10x128xi32, #tpu.memory_space<vmem>> -> memref<1x1x128xi32, #tpu.memory_space<vmem>>
        %dma_start3A_523 = tpu.memref_squeeze %dma_start3A_522 : memref<1x1x128xi32, #tpu.memory_space<vmem>> -> memref<128xi32, #tpu.memory_space<vmem>>
        %dma_start3A_524 = arith.constant 0 : i32
        %dma_start3A_525 = arith.constant 0 : i32
        %dma_start3A_526 = tpu.memref_slice %arg2[%dma_start3A_524, %dma_start3A_525] : memref<10000x128xf32, #tpu.memory_space<hbm>> -> memref<10000x128xf32, #tpu.memory_space<hbm>>
        tpu.enqueue_indirect_dma source(%dma_start3A_526 : memref<10000x128xf32, #tpu.memory_space<hbm>>) target(%arg9 : memref<128x128xf32, #tpu.memory_space<vmem>>) offsets(%dma_start3A_523 : memref<128xi32, #tpu.memory_space<vmem>>) semaphore(%arg12 : memref<!tpu.dma_semaphore, #tpu.memory_space<semaphore_mem>>)
      } else {
      }
      %add3A_512 = arith.constant 2 : i32
      %add3A_513 = arith.addi %add3A_286, %add3A_512 : i32
      %lt3A_514 = arith.constant 8 : i32
      %lt3A_515 = arith.cmpi slt, %add3A_513, %lt3A_514 : i32
      %convert_element_type3A_516 = arith.extui %lt3A_515 : i1 to i32
      %cond3A_517 = arith.constant 0 : i32
      %cond3A_518 = arith.cmpi ne, %convert_element_type3A_516, %cond3A_517 : i32
      scf.if %cond3A_518 {
        %add3A_519 = arith.constant 2 : i32
        %add3A_520 = arith.addi %add3A_286, %add3A_519 : i32
        %dma_start3A_521 = arith.constant 0 : i32
        %dma_start3A_522 = arith.constant 0 : i32
        %dma_start3A_523 = arith.constant 0 : i32
        %dma_start3A_524 = tpu.memref_slice %arg3[%add3A, %add3A_520, %dma_start3A_521, %dma_start3A_522, %dma_start3A_523] : memref<32x8x2x10x128xi32, #tpu.memory_space<hbm>> -> memref<1x1x2x10x128xi32, #tpu.memory_space<hbm>>
        %dma_start3A_525 = tpu.memref_squeeze %dma_start3A_524 : memref<1x1x2x10x128xi32, #tpu.memory_space<hbm>> -> memref<2x10x128xi32, #tpu.memory_space<hbm>>
        %dma_start3A_526 = arith.constant 0 : i32
        %dma_start3A_527 = arith.constant 0 : i32
        %dma_start3A_528 = arith.constant 0 : i32
        %dma_start3A_529 = tpu.memref_slice %arg3[%add3A, %add3A_520, %dma_start3A_526, %dma_start3A_527, %dma_start3A_528] : memref<32x8x2x10x128xi32, #tpu.memory_space<hbm>> -> memref<1x1x2x10x128xi32, #tpu.memory_space<hbm>>
        %dma_start3A_530 = tpu.memref_squeeze %dma_start3A_529 : memref<1x1x2x10x128xi32, #tpu.memory_space<hbm>> -> memref<2x10x128xi32, #tpu.memory_space<hbm>>
        tpu.enqueue_dma source(%dma_start3A_530 : memref<2x10x128xi32, #tpu.memory_space<hbm>>) target(%arg7 : memref<2x10x128xi32, #tpu.memory_space<vmem>>) target_semaphore(%arg14 : memref<!tpu.dma_semaphore, #tpu.memory_space<semaphore_mem>>)
      } else {
      }
    }
    %scan3A_38 = arith.constant 4 : i32
    %barrier3A_39 = arith.constant 0 : index
    tpu.barrier barrier_id(%barrier3A_39)
    %mul3A_40 = arith.constant 624 : i32
    %mul3A_41 = arith.muli %arg1, %mul3A_40 : i32
    "tpu.region"() ({
      %run_scoped3A_47 = tpu.sem_alloc : memref<!tpu.dma_semaphore, #tpu.memory_space<semaphore_mem>>
      %dma_start3A_48 = arith.constant 0 : i32
      %dma_start3A_49 = tpu.memref_slice %arg5[%arg0, %mul3A_41, %dma_start3A_48] : memref<2x10000x128xf32, #tpu.memory_space<hbm>> -> memref<1x624x128xf32, #tpu.memory_space<hbm>>
      %dma_start3A_50 = tpu.memref_squeeze %dma_start3A_49 : memref<1x624x128xf32, #tpu.memory_space<hbm>> -> memref<624x128xf32, #tpu.memory_space<hbm>>
      %dma_start3A_51 = arith.constant 0 : i32
      %dma_start3A_52 = tpu.memref_slice %arg10[%mul3A_41, %dma_start3A_51] : memref<10128x128xf32, #tpu.memory_space<vmem_shared>> -> memref<624x128xf32, #tpu.memory_space<vmem_shared>>
      tpu.enqueue_dma source(%dma_start3A_52 : memref<624x128xf32, #tpu.memory_space<vmem_shared>>) target(%dma_start3A_50 : memref<624x128xf32, #tpu.memory_space<hbm>>) target_semaphore(%run_scoped3A_47 : memref<!tpu.dma_semaphore, #tpu.memory_space<semaphore_mem>>)
      %dma_wait3A_53 = arith.constant 0 : i32
      %dma_wait3A_54 = tpu.memref_slice %arg5[%arg0, %mul3A_41, %dma_wait3A_53] : memref<2x10000x128xf32, #tpu.memory_space<hbm>> -> memref<1x624x128xf32, #tpu.memory_space<hbm>>
      %dma_wait3A_55 = tpu.memref_squeeze %dma_wait3A_54 : memref<1x624x128xf32, #tpu.memory_space<hbm>> -> memref<624x128xf32, #tpu.memory_space<hbm>>
      %dma_wait3A_56 = arith.constant 0 : i32
      %dma_wait3A_57 = tpu.memref_slice %arg10[%mul3A_41, %dma_wait3A_56] : memref<10128x128xf32, #tpu.memory_space<vmem_shared>> -> memref<624x128xf32, #tpu.memory_space<vmem_shared>>
      tpu.wait_dma2 semaphore(%run_scoped3A_47 : memref<!tpu.dma_semaphore, #tpu.memory_space<semaphore_mem>>) src(%dma_wait3A_57 : memref<624x128xf32, #tpu.memory_space<vmem_shared>>) dst(%dma_wait3A_55 : memref<624x128xf32, #tpu.memory_space<hbm>>)
      tpu.yield
    }) : () -> ()
    %eq3A_42 = arith.constant 15 : i32
    %eq3A_43 = arith.cmpi eq, %arg1, %eq3A_42 : i32
    %convert_element_type3A_44 = arith.extui %eq3A_43 : i1 to i32
    %cond3A_45 = arith.constant 0 : i32
    %cond3A_46 = arith.cmpi ne, %convert_element_type3A_44, %cond3A_45 : i32
    scf.if %cond3A_46 {
      "tpu.region"() ({
        %run_scoped3A_47 = tpu.sem_alloc : memref<!tpu.dma_semaphore, #tpu.memory_space<semaphore_mem>>
        %dma_start3A_48 = arith.constant 9984 : i32
        %dma_start3A_49 = arith.constant 0 : i32
        %dma_start3A_50 = tpu.memref_slice %arg5[%arg0, %dma_start3A_48, %dma_start3A_49] : memref<2x10000x128xf32, #tpu.memory_space<hbm>> -> memref<1x16x128xf32, #tpu.memory_space<hbm>>
        %dma_start3A_51 = tpu.memref_squeeze %dma_start3A_50 : memref<1x16x128xf32, #tpu.memory_space<hbm>> -> memref<16x128xf32, #tpu.memory_space<hbm>>
        %dma_start3A_52 = arith.constant 9984 : i32
        %dma_start3A_53 = arith.constant 0 : i32
        %dma_start3A_54 = tpu.memref_slice %arg10[%dma_start3A_52, %dma_start3A_53] : memref<10128x128xf32, #tpu.memory_space<vmem_shared>> -> memref<16x128xf32, #tpu.memory_space<vmem_shared>>
        tpu.enqueue_dma source(%dma_start3A_54 : memref<16x128xf32, #tpu.memory_space<vmem_shared>>) target(%dma_start3A_51 : memref<16x128xf32, #tpu.memory_space<hbm>>) target_semaphore(%run_scoped3A_47 : memref<!tpu.dma_semaphore, #tpu.memory_space<semaphore_mem>>)
        %dma_wait3A_55 = arith.constant 9984 : i32
        %dma_wait3A_56 = arith.constant 0 : i32
        %dma_wait3A_57 = tpu.memref_slice %arg5[%arg0, %dma_wait3A_55, %dma_wait3A_56] : memref<2x10000x128xf32, #tpu.memory_space<hbm>> -> memref<1x16x128xf32, #tpu.memory_space<hbm>>
        %dma_wait3A_58 = tpu.memref_squeeze %dma_wait3A_57 : memref<1x16x128xf32, #tpu.memory_space<hbm>> -> memref<16x128xf32, #tpu.memory_space<hbm>>
        %dma_wait3A_59 = arith.constant 9984 : i32
        %dma_wait3A_60 = arith.constant 0 : i32
        %dma_wait3A_61 = tpu.memref_slice %arg10[%dma_wait3A_59, %dma_wait3A_60] : memref<10128x128xf32, #tpu.memory_space<vmem_shared>> -> memref<16x128xf32, #tpu.memory_space<vmem_shared>>
        tpu.wait_dma2 semaphore(%run_scoped3A_47 : memref<!tpu.dma_semaphore, #tpu.memory_space<semaphore_mem>>) src(%dma_wait3A_61 : memref<16x128xf32, #tpu.memory_space<vmem_shared>>) dst(%dma_wait3A_58 : memref<16x128xf32, #tpu.memory_space<hbm>>)
        tpu.yield
      }) : () -> ()
    } else {
    }
    return
  }
}

#map = affine_map<(d0, d1) -> (0, 0)>
#map1 = affine_map<(d0, d1) -> (0, 0, 0, 0, 0)>
#map2 = affine_map<(d0, d1) -> (0, 0, 0)>
module attributes {stable_mosaic.version = 14 : i64} {
  func.func @_segsum_body(%arg0: i32, %arg1: i32, %arg2: memref<10000x128xf32, #tpu.memory_space<hbm>>, %arg3: memref<32x8x2x10x128xi32, #tpu.memory_space<hbm>>, %arg4: memref<624x128xf32, #tpu.memory_space<hbm>>, %arg5: memref<2x10000x128xf32, #tpu.memory_space<hbm>>, %arg6: memref<2x10x128xi32, #tpu.memory_space<vmem>>, %arg7: memref<2x10x128xi32, #tpu.memory_space<vmem>>, %arg8: memref<128x128xf32, #tpu.memory_space<vmem>>, %arg9: memref<128x128xf32, #tpu.memory_space<vmem>>, %arg10: memref<10128x128xf32, #tpu.memory_space<vmem_shared>>, %arg11: memref<!tpu.dma_semaphore, #tpu.memory_space<semaphore_mem>>, %arg12: memref<!tpu.dma_semaphore, #tpu.memory_space<semaphore_mem>>, %arg13: memref<!tpu.dma_semaphore, #tpu.memory_space<semaphore_mem>>, %arg14: memref<!tpu.dma_semaphore, #tpu.memory_space<semaphore_mem>>) attributes {dimension_semantics = [#tpu.dimension_semantics<core_parallel>, #tpu.dimension_semantics<subcore_parallel>], iteration_bounds = array<i64: 2, 16>, scalar_prefetch = 0 : i64, scratch_operands = 9 : i64, tpu.core_type = #tpu.core_type<sc_vector_subcore>, window_params = [{transform_indices = #map}, {transform_indices = #map1}, {transform_indices = #map}, {transform_indices = #map2}]} {
    %mul3A = arith.constant 2 : i32
    %mul3A_0 = arith.muli %arg1, %mul3A : i32
    %add3A = arith.addi %mul3A_0, %arg0 : i32
    %mul3A_1 = arith.constant 624 : i32
    %mul3A_2 = arith.muli %arg1, %mul3A_1 : i32
    %dma_start3A = arith.constant 0 : i32
    %dma_start3A_3 = tpu.memref_slice %arg10[%mul3A_2, %dma_start3A] : memref<10128x128xf32, #tpu.memory_space<vmem_shared>> -> memref<624x128xf32, #tpu.memory_space<vmem_shared>>
    tpu.enqueue_dma source(%arg4 : memref<624x128xf32, #tpu.memory_space<hbm>>) target(%dma_start3A_3 : memref<624x128xf32, #tpu.memory_space<vmem_shared>>) target_semaphore(%arg13 : memref<!tpu.dma_semaphore, #tpu.memory_space<semaphore_mem>>)
    %eq3A = arith.constant 15 : i32
    %eq3A_4 = arith.cmpi eq, %arg1, %eq3A : i32
    %convert_element_type3A = arith.extui %eq3A_4 : i1 to i32
    %cond3A = arith.constant 0 : i32
    %cond3A_5 = arith.cmpi ne, %convert_element_type3A, %cond3A : i32
    scf.if %cond3A_5 {
      "tpu.region"() ({
        %run_scoped3A_47 = tpu.sem_alloc : memref<!tpu.dma_semaphore, #tpu.memory_space<semaphore_mem>>
        %dma_start3A_48 = arith.constant 9984 : i32
        %dma_start3A_49 = arith.constant 0 : i32
        %dma_start3A_50 = tpu.memref_slice %arg10[%dma_start3A_48, %dma_start3A_49] : memref<10128x128xf32, #tpu.memory_space<vmem_shared>> -> memref<144x128xf32, #tpu.memory_space<vmem_shared>>
        %dma_start3A_51 = arith.constant 0 : i32
        %dma_start3A_52 = arith.constant 0 : i32
        %dma_start3A_53 = tpu.memref_slice %arg4[%dma_start3A_51, %dma_start3A_52] : memref<624x128xf32, #tpu.memory_space<hbm>> -> memref<144x128xf32, #tpu.memory_space<hbm>>
        tpu.enqueue_dma source(%dma_start3A_53 : memref<144x128xf32, #tpu.memory_space<hbm>>) target(%dma_start3A_50 : memref<144x128xf32, #tpu.memory_space<vmem_shared>>) target_semaphore(%run_scoped3A_47 : memref<!tpu.dma_semaphore, #tpu.memory_space<semaphore_mem>>)
        %dma_wait3A_54 = arith.constant 9984 : i32
        %dma_wait3A_55 = arith.constant 0 : i32
        %dma_wait3A_56 = tpu.memref_slice %arg10[%dma_wait3A_54, %dma_wait3A_55] : memref<10128x128xf32, #tpu.memory_space<vmem_shared>> -> memref<144x128xf32, #tpu.memory_space<vmem_shared>>
        %dma_wait3A_57 = arith.constant 0 : i32
        %dma_wait3A_58 = arith.constant 0 : i32
        %dma_wait3A_59 = tpu.memref_slice %arg4[%dma_wait3A_57, %dma_wait3A_58] : memref<624x128xf32, #tpu.memory_space<hbm>> -> memref<144x128xf32, #tpu.memory_space<hbm>>
        tpu.wait_dma2 semaphore(%run_scoped3A_47 : memref<!tpu.dma_semaphore, #tpu.memory_space<semaphore_mem>>) src(%dma_wait3A_59 : memref<144x128xf32, #tpu.memory_space<hbm>>) dst(%dma_wait3A_56 : memref<144x128xf32, #tpu.memory_space<vmem_shared>>)
        tpu.yield
      }) : () -> ()
    } else {
    }
    %run_scoped3A = arith.constant 0 : i32
    "tpu.region"() ({
      %run_scoped3A_47 = tpu.sem_alloc : memref<!tpu.dma_semaphore, #tpu.memory_space<semaphore_mem>>
      %dma_start3A_48 = arith.constant 0 : i32
      %dma_start3A_49 = arith.constant 0 : i32
      %dma_start3A_50 = arith.constant 0 : i32
      %dma_start3A_51 = tpu.memref_slice %arg3[%add3A, %run_scoped3A, %dma_start3A_48, %dma_start3A_49, %dma_start3A_50] : memref<32x8x2x10x128xi32, #tpu.memory_space<hbm>> -> memref<1x1x2x10x128xi32, #tpu.memory_space<hbm>>
      %dma_start3A_52 = tpu.memref_squeeze %dma_start3A_51 : memref<1x1x2x10x128xi32, #tpu.memory_space<hbm>> -> memref<2x10x128xi32, #tpu.memory_space<hbm>>
      %dma_start3A_53 = arith.constant 0 : i32
      %dma_start3A_54 = arith.constant 0 : i32
      %dma_start3A_55 = arith.constant 0 : i32
      %dma_start3A_56 = tpu.memref_slice %arg3[%add3A, %run_scoped3A, %dma_start3A_53, %dma_start3A_54, %dma_start3A_55] : memref<32x8x2x10x128xi32, #tpu.memory_space<hbm>> -> memref<1x1x2x10x128xi32, #tpu.memory_space<hbm>>
      %dma_start3A_57 = tpu.memref_squeeze %dma_start3A_56 : memref<1x1x2x10x128xi32, #tpu.memory_space<hbm>> -> memref<2x10x128xi32, #tpu.memory_space<hbm>>
      tpu.enqueue_dma source(%dma_start3A_57 : memref<2x10x128xi32, #tpu.memory_space<hbm>>) target(%arg6 : memref<2x10x128xi32, #tpu.memory_space<vmem>>) target_semaphore(%run_scoped3A_47 : memref<!tpu.dma_semaphore, #tpu.memory_space<semaphore_mem>>)
      %dma_wait3A_58 = arith.constant 0 : i32
      %dma_wait3A_59 = arith.constant 0 : i32
      %dma_wait3A_60 = arith.constant 0 : i32
      %dma_wait3A_61 = tpu.memref_slice %arg3[%add3A, %run_scoped3A, %dma_wait3A_58, %dma_wait3A_59, %dma_wait3A_60] : memref<32x8x2x10x128xi32, #tpu.memory_space<hbm>> -> memref<1x1x2x10x128xi32, #tpu.memory_space<hbm>>
      %dma_wait3A_62 = tpu.memref_squeeze %dma_wait3A_61 : memref<1x1x2x10x128xi32, #tpu.memory_space<hbm>> -> memref<2x10x128xi32, #tpu.memory_space<hbm>>
      %dma_wait3A_63 = arith.constant 0 : i32
      %dma_wait3A_64 = arith.constant 0 : i32
      %dma_wait3A_65 = arith.constant 0 : i32
      %dma_wait3A_66 = tpu.memref_slice %arg3[%add3A, %run_scoped3A, %dma_wait3A_63, %dma_wait3A_64, %dma_wait3A_65] : memref<32x8x2x10x128xi32, #tpu.memory_space<hbm>> -> memref<1x1x2x10x128xi32, #tpu.memory_space<hbm>>
      %dma_wait3A_67 = tpu.memref_squeeze %dma_wait3A_66 : memref<1x1x2x10x128xi32, #tpu.memory_space<hbm>> -> memref<2x10x128xi32, #tpu.memory_space<hbm>>
      tpu.wait_dma2 semaphore(%run_scoped3A_47 : memref<!tpu.dma_semaphore, #tpu.memory_space<semaphore_mem>>) src(%dma_wait3A_67 : memref<2x10x128xi32, #tpu.memory_space<hbm>>) dst(%arg6 : memref<2x10x128xi32, #tpu.memory_space<vmem>>)
      tpu.yield
    }) : () -> ()
    %dma_start3A_6 = arith.constant 1 : i32
    %dma_start3A_7 = arith.constant 0 : i32
    %dma_start3A_8 = arith.constant 0 : i32
    %dma_start3A_9 = arith.constant 0 : i32
    %dma_start3A_10 = tpu.memref_slice %arg3[%add3A, %dma_start3A_6, %dma_start3A_7, %dma_start3A_8, %dma_start3A_9] : memref<32x8x2x10x128xi32, #tpu.memory_space<hbm>> -> memref<1x1x2x10x128xi32, #tpu.memory_space<hbm>>
    %dma_start3A_11 = tpu.memref_squeeze %dma_start3A_10 : memref<1x1x2x10x128xi32, #tpu.memory_space<hbm>> -> memref<2x10x128xi32, #tpu.memory_space<hbm>>
    %dma_start3A_12 = arith.constant 0 : i32
    %dma_start3A_13 = arith.constant 0 : i32
    %dma_start3A_14 = arith.constant 0 : i32
    %dma_start3A_15 = tpu.memref_slice %arg3[%add3A, %dma_start3A_6, %dma_start3A_12, %dma_start3A_13, %dma_start3A_14] : memref<32x8x2x10x128xi32, #tpu.memory_space<hbm>> -> memref<1x1x2x10x128xi32, #tpu.memory_space<hbm>>
    %dma_start3A_16 = tpu.memref_squeeze %dma_start3A_15 : memref<1x1x2x10x128xi32, #tpu.memory_space<hbm>> -> memref<2x10x128xi32, #tpu.memory_space<hbm>>
    tpu.enqueue_dma source(%dma_start3A_16 : memref<2x10x128xi32, #tpu.memory_space<hbm>>) target(%arg7 : memref<2x10x128xi32, #tpu.memory_space<vmem>>) target_semaphore(%arg14 : memref<!tpu.dma_semaphore, #tpu.memory_space<semaphore_mem>>)
    %dma_start3A_17 = arith.constant 0 : i32
    %dma_start3A_18 = arith.constant 0 : i32
    %dma_start3A_19 = arith.constant 0 : i32
    %dma_start3A_20 = tpu.memref_slice %arg6[%dma_start3A_17, %dma_start3A_18, %dma_start3A_19] : memref<2x10x128xi32, #tpu.memory_space<vmem>> -> memref<1x1x128xi32, #tpu.memory_space<vmem>>
    %dma_start3A_21 = tpu.memref_squeeze %dma_start3A_20 : memref<1x1x128xi32, #tpu.memory_space<vmem>> -> memref<128xi32, #tpu.memory_space<vmem>>
    %dma_start3A_22 = arith.constant 0 : i32
    %dma_start3A_23 = arith.constant 0 : i32
    %dma_start3A_24 = tpu.memref_slice %arg2[%dma_start3A_22, %dma_start3A_23] : memref<10000x128xf32, #tpu.memory_space<hbm>> -> memref<10000x128xf32, #tpu.memory_space<hbm>>
    tpu.enqueue_indirect_dma source(%dma_start3A_24 : memref<10000x128xf32, #tpu.memory_space<hbm>>) target(%arg8 : memref<128x128xf32, #tpu.memory_space<vmem>>) offsets(%dma_start3A_21 : memref<128xi32, #tpu.memory_space<vmem>>) semaphore(%arg11 : memref<!tpu.dma_semaphore, #tpu.memory_space<semaphore_mem>>)
    %dma_start3A_25 = arith.constant 0 : i32
    %dma_start3A_26 = arith.constant 1 : i32
    %dma_start3A_27 = arith.constant 0 : i32
    %dma_start3A_28 = tpu.memref_slice %arg6[%dma_start3A_25, %dma_start3A_26, %dma_start3A_27] : memref<2x10x128xi32, #tpu.memory_space<vmem>> -> memref<1x1x128xi32, #tpu.memory_space<vmem>>
    %dma_start3A_29 = tpu.memref_squeeze %dma_start3A_28 : memref<1x1x128xi32, #tpu.memory_space<vmem>> -> memref<128xi32, #tpu.memory_space<vmem>>
    %dma_start3A_30 = arith.constant 0 : i32
    %dma_start3A_31 = arith.constant 0 : i32
    %dma_start3A_32 = tpu.memref_slice %arg2[%dma_start3A_30, %dma_start3A_31] : memref<10000x128xf32, #tpu.memory_space<hbm>> -> memref<10000x128xf32, #tpu.memory_space<hbm>>
    tpu.enqueue_indirect_dma source(%dma_start3A_32 : memref<10000x128xf32, #tpu.memory_space<hbm>>) target(%arg9 : memref<128x128xf32, #tpu.memory_space<vmem>>) offsets(%dma_start3A_29 : memref<128xi32, #tpu.memory_space<vmem>>) semaphore(%arg12 : memref<!tpu.dma_semaphore, #tpu.memory_space<semaphore_mem>>)
    %dma_wait3A = arith.constant 0 : i32
    %dma_wait3A_33 = tpu.memref_slice %arg10[%mul3A_2, %dma_wait3A] : memref<10128x128xf32, #tpu.memory_space<vmem_shared>> -> memref<624x128xf32, #tpu.memory_space<vmem_shared>>
    tpu.wait_dma2 semaphore(%arg13 : memref<!tpu.dma_semaphore, #tpu.memory_space<semaphore_mem>>) src(%arg4 : memref<624x128xf32, #tpu.memory_space<hbm>>) dst(%dma_wait3A_33 : memref<624x128xf32, #tpu.memory_space<vmem_shared>>)
    %barrier3A = arith.constant 0 : index
    tpu.barrier barrier_id(%barrier3A)
    %scan3A = arith.constant 0 : i32
    %scan3A_34 = arith.constant 0 : i32
    %scan3A_35 = arith.constant 4 : i32
    %scan3A_36 = arith.addi %scan3A_34, %scan3A_35 : i32
    %scan3A_37 = arith.constant 1 : i32
    scf.for %scan3A_47 = %scan3A_34 to %scan3A_36 step %scan3A_37  : i32 {
      %mul3A_48 = arith.constant 2 : i32
      %mul3A_49 = arith.muli %scan3A_47, %mul3A_48 : i32
      %add3A_50 = arith.constant 0 : i32
      %add3A_51 = arith.addi %mul3A_49, %add3A_50 : i32
      %mul3A_52 = arith.constant 10 : i32
      %mul3A_53 = arith.muli %add3A_51, %mul3A_52 : i32
      %add3A_54 = arith.constant 0 : i32
      %add3A_55 = arith.addi %mul3A_53, %add3A_54 : i32
      %dma_wait3A_56 = arith.constant 0 : i32
      %dma_wait3A_57 = arith.constant 0 : i32
      %dma_wait3A_58 = arith.constant 0 : i32
      %dma_wait3A_59 = tpu.memref_slice %arg6[%dma_wait3A_56, %dma_wait3A_57, %dma_wait3A_58] : memref<2x10x128xi32, #tpu.memory_space<vmem>> -> memref<1x1x128xi32, #tpu.memory_space<vmem>>
      %dma_wait3A_60 = tpu.memref_squeeze %dma_wait3A_59 : memref<1x1x128xi32, #tpu.memory_space<vmem>> -> memref<128xi32, #tpu.memory_space<vmem>>
      %dma_wait3A_61 = arith.constant 0 : i32
      %dma_wait3A_62 = arith.constant 0 : i32
      %dma_wait3A_63 = tpu.memref_slice %arg2[%dma_wait3A_61, %dma_wait3A_62] : memref<10000x128xf32, #tpu.memory_space<hbm>> -> memref<10000x128xf32, #tpu.memory_space<hbm>>
      tpu.wait_indirect_dma semaphore(%arg11 : memref<!tpu.dma_semaphore, #tpu.memory_space<semaphore_mem>>) src(%dma_wait3A_63 : memref<10000x128xf32, #tpu.memory_space<hbm>>) dst(%arg8 : memref<128x128xf32, #tpu.memory_space<vmem>>)
      %run_scoped3A_64 = arith.constant 1 : i32
      %run_scoped3A_65 = arith.constant 0 : i32
      "tpu.region"() ({
        %run_scoped3A_519 = tpu.sem_alloc : memref<!tpu.dma_semaphore, #tpu.memory_space<semaphore_mem>>
        %dma_start3A_520 = arith.constant 0 : i32
        %dma_start3A_521 = tpu.memref_slice %arg6[%run_scoped3A_64, %run_scoped3A_65, %dma_start3A_520] : memref<2x10x128xi32, #tpu.memory_space<vmem>> -> memref<1x1x128xi32, #tpu.memory_space<vmem>>
        %dma_start3A_522 = tpu.memref_squeeze %dma_start3A_521 : memref<1x1x128xi32, #tpu.memory_space<vmem>> -> memref<128xi32, #tpu.memory_space<vmem>>
        %dma_start3A_523 = arith.constant 0 : i32
        %dma_start3A_524 = arith.constant 0 : i32
        %dma_start3A_525 = tpu.memref_slice %arg10[%dma_start3A_523, %dma_start3A_524] : memref<10128x128xf32, #tpu.memory_space<vmem_shared>> -> memref<10128x128xf32, #tpu.memory_space<vmem_shared>>
        tpu.enqueue_indirect_dma source(%arg8 : memref<128x128xf32, #tpu.memory_space<vmem>>) target(%dma_start3A_525 : memref<10128x128xf32, #tpu.memory_space<vmem_shared>>) offsets(%dma_start3A_522 : memref<128xi32, #tpu.memory_space<vmem>>) semaphore(%run_scoped3A_519 : memref<!tpu.dma_semaphore, #tpu.memory_space<semaphore_mem>>) {add = true}
        %dma_wait3A_526 = arith.constant 0 : i32
        %dma_wait3A_527 = tpu.memref_slice %arg6[%run_scoped3A_64, %run_scoped3A_65, %dma_wait3A_526] : memref<2x10x128xi32, #tpu.memory_space<vmem>> -> memref<1x1x128xi32, #tpu.memory_space<vmem>>
        %dma_wait3A_528 = tpu.memref_squeeze %dma_wait3A_527 : memref<1x1x128xi32, #tpu.memory_space<vmem>> -> memref<128xi32, #tpu.memory_space<vmem>>
        %dma_wait3A_529 = arith.constant 0 : i32
        %dma_wait3A_530 = arith.constant 0 : i32
        %dma_wait3A_531 = tpu.memref_slice %arg10[%dma_wait3A_529, %dma_wait3A_530] : memref<10128x128xf32, #tpu.memory_space<vmem_shared>> -> memref<10128x128xf32, #tpu.memory_space<vmem_shared>>
        tpu.wait_indirect_dma semaphore(%run_scoped3A_519 : memref<!tpu.dma_semaphore, #tpu.memory_space<semaphore_mem>>) src(%arg8 : memref<128x128xf32, #tpu.memory_space<vmem>>) dst(%dma_wait3A_531 : memref<10128x128xf32, #tpu.memory_space<vmem_shared>>)
        tpu.yield
      }) : () -> ()
      %dma_start3A_66 = arith.constant 0 : i32
      %dma_start3A_67 = arith.constant 2 : i32
      %dma_start3A_68 = arith.constant 0 : i32
      %dma_start3A_69 = tpu.memref_slice %arg6[%dma_start3A_66, %dma_start3A_67, %dma_start3A_68] : memref<2x10x128xi32, #tpu.memory_space<vmem>> -> memref<1x1x128xi32, #tpu.memory_space<vmem>>
      %dma_start3A_70 = tpu.memref_squeeze %dma_start3A_69 : memref<1x1x128xi32, #tpu.memory_space<vmem>> -> memref<128xi32, #tpu.memory_space<vmem>>
      %dma_start3A_71 = arith.constant 0 : i32
      %dma_start3A_72 = arith.constant 0 : i32
      %dma_start3A_73 = tpu.memref_slice %arg2[%dma_start3A_71, %dma_start3A_72] : memref<10000x128xf32, #tpu.memory_space<hbm>> -> memref<10000x128xf32, #tpu.memory_space<hbm>>
      tpu.enqueue_indirect_dma source(%dma_start3A_73 : memref<10000x128xf32, #tpu.memory_space<hbm>>) target(%arg8 : memref<128x128xf32, #tpu.memory_space<vmem>>) offsets(%dma_start3A_70 : memref<128xi32, #tpu.memory_space<vmem>>) semaphore(%arg11 : memref<!tpu.dma_semaphore, #tpu.memory_space<semaphore_mem>>)
      %mul3A_74 = arith.constant 10 : i32
      %mul3A_75 = arith.muli %add3A_51, %mul3A_74 : i32
      %add3A_76 = arith.constant 1 : i32
      %add3A_77 = arith.addi %mul3A_75, %add3A_76 : i32
      %dma_wait3A_78 = arith.constant 0 : i32
      %dma_wait3A_79 = arith.constant 1 : i32
      %dma_wait3A_80 = arith.constant 0 : i32
      %dma_wait3A_81 = tpu.memref_slice %arg6[%dma_wait3A_78, %dma_wait3A_79, %dma_wait3A_80] : memref<2x10x128xi32, #tpu.memory_space<vmem>> -> memref<1x1x128xi32, #tpu.memory_space<vmem>>
      %dma_wait3A_82 = tpu.memref_squeeze %dma_wait3A_81 : memref<1x1x128xi32, #tpu.memory_space<vmem>> -> memref<128xi32, #tpu.memory_space<vmem>>
      %dma_wait3A_83 = arith.constant 0 : i32
      %dma_wait3A_84 = arith.constant 0 : i32
      %dma_wait3A_85 = tpu.memref_slice %arg2[%dma_wait3A_83, %dma_wait3A_84] : memref<10000x128xf32, #tpu.memory_space<hbm>> -> memref<10000x128xf32, #tpu.memory_space<hbm>>
      tpu.wait_indirect_dma semaphore(%arg12 : memref<!tpu.dma_semaphore, #tpu.memory_space<semaphore_mem>>) src(%dma_wait3A_85 : memref<10000x128xf32, #tpu.memory_space<hbm>>) dst(%arg9 : memref<128x128xf32, #tpu.memory_space<vmem>>)
      %run_scoped3A_86 = arith.constant 1 : i32
      %run_scoped3A_87 = arith.constant 1 : i32
      "tpu.region"() ({
        %run_scoped3A_519 = tpu.sem_alloc : memref<!tpu.dma_semaphore, #tpu.memory_space<semaphore_mem>>
        %dma_start3A_520 = arith.constant 0 : i32
        %dma_start3A_521 = tpu.memref_slice %arg6[%run_scoped3A_86, %run_scoped3A_87, %dma_start3A_520] : memref<2x10x128xi32, #tpu.memory_space<vmem>> -> memref<1x1x128xi32, #tpu.memory_space<vmem>>
        %dma_start3A_522 = tpu.memref_squeeze %dma_start3A_521 : memref<1x1x128xi32, #tpu.memory_space<vmem>> -> memref<128xi32, #tpu.memory_space<vmem>>
        %dma_start3A_523 = arith.constant 0 : i32
        %dma_start3A_524 = arith.constant 0 : i32
        %dma_start3A_525 = tpu.memref_slice %arg10[%dma_start3A_523, %dma_start3A_524] : memref<10128x128xf32, #tpu.memory_space<vmem_shared>> -> memref<10128x128xf32, #tpu.memory_space<vmem_shared>>
        tpu.enqueue_indirect_dma source(%arg9 : memref<128x128xf32, #tpu.memory_space<vmem>>) target(%dma_start3A_525 : memref<10128x128xf32, #tpu.memory_space<vmem_shared>>) offsets(%dma_start3A_522 : memref<128xi32, #tpu.memory_space<vmem>>) semaphore(%run_scoped3A_519 : memref<!tpu.dma_semaphore, #tpu.memory_space<semaphore_mem>>) {add = true}
        %dma_wait3A_526 = arith.constant 0 : i32
        %dma_wait3A_527 = tpu.memref_slice %arg6[%run_scoped3A_86, %run_scoped3A_87, %dma_wait3A_526] : memref<2x10x128xi32, #tpu.memory_space<vmem>> -> memref<1x1x128xi32, #tpu.memory_space<vmem>>
        %dma_wait3A_528 = tpu.memref_squeeze %dma_wait3A_527 : memref<1x1x128xi32, #tpu.memory_space<vmem>> -> memref<128xi32, #tpu.memory_space<vmem>>
        %dma_wait3A_529 = arith.constant 0 : i32
        %dma_wait3A_530 = arith.constant 0 : i32
        %dma_wait3A_531 = tpu.memref_slice %arg10[%dma_wait3A_529, %dma_wait3A_530] : memref<10128x128xf32, #tpu.memory_space<vmem_shared>> -> memref<10128x128xf32, #tpu.memory_space<vmem_shared>>
        tpu.wait_indirect_dma semaphore(%run_scoped3A_519 : memref<!tpu.dma_semaphore, #tpu.memory_space<semaphore_mem>>) src(%arg9 : memref<128x128xf32, #tpu.memory_space<vmem>>) dst(%dma_wait3A_531 : memref<10128x128xf32, #tpu.memory_space<vmem_shared>>)
        tpu.yield
      }) : () -> ()
      %dma_start3A_88 = arith.constant 0 : i32
      %dma_start3A_89 = arith.constant 3 : i32
      %dma_start3A_90 = arith.constant 0 : i32
      %dma_start3A_91 = tpu.memref_slice %arg6[%dma_start3A_88, %dma_start3A_89, %dma_start3A_90] : memref<2x10x128xi32, #tpu.memory_space<vmem>> -> memref<1x1x128xi32, #tpu.memory_space<vmem>>
      %dma_start3A_92 = tpu.memref_squeeze %dma_start3A_91 : memref<1x1x128xi32, #tpu.memory_space<vmem>> -> memref<128xi32, #tpu.memory_space<vmem>>
      %dma_start3A_93 = arith.constant 0 : i32
      %dma_start3A_94 = arith.constant 0 : i32
      %dma_start3A_95 = tpu.memref_slice %arg2[%dma_start3A_93, %dma_start3A_94] : memref<10000x128xf32, #tpu.memory_space<hbm>> -> memref<10000x128xf32, #tpu.memory_space<hbm>>
      tpu.enqueue_indirect_dma source(%dma_start3A_95 : memref<10000x128xf32, #tpu.memory_space<hbm>>) target(%arg9 : memref<128x128xf32, #tpu.memory_space<vmem>>) offsets(%dma_start3A_92 : memref<128xi32, #tpu.memory_space<vmem>>) semaphore(%arg12 : memref<!tpu.dma_semaphore, #tpu.memory_space<semaphore_mem>>)
      %mul3A_96 = arith.constant 10 : i32
      %mul3A_97 = arith.muli %add3A_51, %mul3A_96 : i32
      %add3A_98 = arith.constant 2 : i32
      %add3A_99 = arith.addi %mul3A_97, %add3A_98 : i32
      %dma_wait3A_100 = arith.constant 0 : i32
      %dma_wait3A_101 = arith.constant 2 : i32
      %dma_wait3A_102 = arith.constant 0 : i32
      %dma_wait3A_103 = tpu.memref_slice %arg6[%dma_wait3A_100, %dma_wait3A_101, %dma_wait3A_102] : memref<2x10x128xi32, #tpu.memory_space<vmem>> -> memref<1x1x128xi32, #tpu.memory_space<vmem>>
      %dma_wait3A_104 = tpu.memref_squeeze %dma_wait3A_103 : memref<1x1x128xi32, #tpu.memory_space<vmem>> -> memref<128xi32, #tpu.memory_space<vmem>>
      %dma_wait3A_105 = arith.constant 0 : i32
      %dma_wait3A_106 = arith.constant 0 : i32
      %dma_wait3A_107 = tpu.memref_slice %arg2[%dma_wait3A_105, %dma_wait3A_106] : memref<10000x128xf32, #tpu.memory_space<hbm>> -> memref<10000x128xf32, #tpu.memory_space<hbm>>
      tpu.wait_indirect_dma semaphore(%arg11 : memref<!tpu.dma_semaphore, #tpu.memory_space<semaphore_mem>>) src(%dma_wait3A_107 : memref<10000x128xf32, #tpu.memory_space<hbm>>) dst(%arg8 : memref<128x128xf32, #tpu.memory_space<vmem>>)
      %run_scoped3A_108 = arith.constant 1 : i32
      %run_scoped3A_109 = arith.constant 2 : i32
      "tpu.region"() ({
        %run_scoped3A_519 = tpu.sem_alloc : memref<!tpu.dma_semaphore, #tpu.memory_space<semaphore_mem>>
        %dma_start3A_520 = arith.constant 0 : i32
        %dma_start3A_521 = tpu.memref_slice %arg6[%run_scoped3A_108, %run_scoped3A_109, %dma_start3A_520] : memref<2x10x128xi32, #tpu.memory_space<vmem>> -> memref<1x1x128xi32, #tpu.memory_space<vmem>>
        %dma_start3A_522 = tpu.memref_squeeze %dma_start3A_521 : memref<1x1x128xi32, #tpu.memory_space<vmem>> -> memref<128xi32, #tpu.memory_space<vmem>>
        %dma_start3A_523 = arith.constant 0 : i32
        %dma_start3A_524 = arith.constant 0 : i32
        %dma_start3A_525 = tpu.memref_slice %arg10[%dma_start3A_523, %dma_start3A_524] : memref<10128x128xf32, #tpu.memory_space<vmem_shared>> -> memref<10128x128xf32, #tpu.memory_space<vmem_shared>>
        tpu.enqueue_indirect_dma source(%arg8 : memref<128x128xf32, #tpu.memory_space<vmem>>) target(%dma_start3A_525 : memref<10128x128xf32, #tpu.memory_space<vmem_shared>>) offsets(%dma_start3A_522 : memref<128xi32, #tpu.memory_space<vmem>>) semaphore(%run_scoped3A_519 : memref<!tpu.dma_semaphore, #tpu.memory_space<semaphore_mem>>) {add = true}
        %dma_wait3A_526 = arith.constant 0 : i32
        %dma_wait3A_527 = tpu.memref_slice %arg6[%run_scoped3A_108, %run_scoped3A_109, %dma_wait3A_526] : memref<2x10x128xi32, #tpu.memory_space<vmem>> -> memref<1x1x128xi32, #tpu.memory_space<vmem>>
        %dma_wait3A_528 = tpu.memref_squeeze %dma_wait3A_527 : memref<1x1x128xi32, #tpu.memory_space<vmem>> -> memref<128xi32, #tpu.memory_space<vmem>>
        %dma_wait3A_529 = arith.constant 0 : i32
        %dma_wait3A_530 = arith.constant 0 : i32
        %dma_wait3A_531 = tpu.memref_slice %arg10[%dma_wait3A_529, %dma_wait3A_530] : memref<10128x128xf32, #tpu.memory_space<vmem_shared>> -> memref<10128x128xf32, #tpu.memory_space<vmem_shared>>
        tpu.wait_indirect_dma semaphore(%run_scoped3A_519 : memref<!tpu.dma_semaphore, #tpu.memory_space<semaphore_mem>>) src(%arg8 : memref<128x128xf32, #tpu.memory_space<vmem>>) dst(%dma_wait3A_531 : memref<10128x128xf32, #tpu.memory_space<vmem_shared>>)
        tpu.yield
      }) : () -> ()
      %dma_start3A_110 = arith.constant 0 : i32
      %dma_start3A_111 = arith.constant 4 : i32
      %dma_start3A_112 = arith.constant 0 : i32
      %dma_start3A_113 = tpu.memref_slice %arg6[%dma_start3A_110, %dma_start3A_111, %dma_start3A_112] : memref<2x10x128xi32, #tpu.memory_space<vmem>> -> memref<1x1x128xi32, #tpu.memory_space<vmem>>
      %dma_start3A_114 = tpu.memref_squeeze %dma_start3A_113 : memref<1x1x128xi32, #tpu.memory_space<vmem>> -> memref<128xi32, #tpu.memory_space<vmem>>
      %dma_start3A_115 = arith.constant 0 : i32
      %dma_start3A_116 = arith.constant 0 : i32
      %dma_start3A_117 = tpu.memref_slice %arg2[%dma_start3A_115, %dma_start3A_116] : memref<10000x128xf32, #tpu.memory_space<hbm>> -> memref<10000x128xf32, #tpu.memory_space<hbm>>
      tpu.enqueue_indirect_dma source(%dma_start3A_117 : memref<10000x128xf32, #tpu.memory_space<hbm>>) target(%arg8 : memref<128x128xf32, #tpu.memory_space<vmem>>) offsets(%dma_start3A_114 : memref<128xi32, #tpu.memory_space<vmem>>) semaphore(%arg11 : memref<!tpu.dma_semaphore, #tpu.memory_space<semaphore_mem>>)
      %mul3A_118 = arith.constant 10 : i32
      %mul3A_119 = arith.muli %add3A_51, %mul3A_118 : i32
      %add3A_120 = arith.constant 3 : i32
      %add3A_121 = arith.addi %mul3A_119, %add3A_120 : i32
      %dma_wait3A_122 = arith.constant 0 : i32
      %dma_wait3A_123 = arith.constant 3 : i32
      %dma_wait3A_124 = arith.constant 0 : i32
      %dma_wait3A_125 = tpu.memref_slice %arg6[%dma_wait3A_122, %dma_wait3A_123, %dma_wait3A_124] : memref<2x10x128xi32, #tpu.memory_space<vmem>> -> memref<1x1x128xi32, #tpu.memory_space<vmem>>
      %dma_wait3A_126 = tpu.memref_squeeze %dma_wait3A_125 : memref<1x1x128xi32, #tpu.memory_space<vmem>> -> memref<128xi32, #tpu.memory_space<vmem>>
      %dma_wait3A_127 = arith.constant 0 : i32
      %dma_wait3A_128 = arith.constant 0 : i32
      %dma_wait3A_129 = tpu.memref_slice %arg2[%dma_wait3A_127, %dma_wait3A_128] : memref<10000x128xf32, #tpu.memory_space<hbm>> -> memref<10000x128xf32, #tpu.memory_space<hbm>>
      tpu.wait_indirect_dma semaphore(%arg12 : memref<!tpu.dma_semaphore, #tpu.memory_space<semaphore_mem>>) src(%dma_wait3A_129 : memref<10000x128xf32, #tpu.memory_space<hbm>>) dst(%arg9 : memref<128x128xf32, #tpu.memory_space<vmem>>)
      %run_scoped3A_130 = arith.constant 1 : i32
      %run_scoped3A_131 = arith.constant 3 : i32
      "tpu.region"() ({
        %run_scoped3A_519 = tpu.sem_alloc : memref<!tpu.dma_semaphore, #tpu.memory_space<semaphore_mem>>
        %dma_start3A_520 = arith.constant 0 : i32
        %dma_start3A_521 = tpu.memref_slice %arg6[%run_scoped3A_130, %run_scoped3A_131, %dma_start3A_520] : memref<2x10x128xi32, #tpu.memory_space<vmem>> -> memref<1x1x128xi32, #tpu.memory_space<vmem>>
        %dma_start3A_522 = tpu.memref_squeeze %dma_start3A_521 : memref<1x1x128xi32, #tpu.memory_space<vmem>> -> memref<128xi32, #tpu.memory_space<vmem>>
        %dma_start3A_523 = arith.constant 0 : i32
        %dma_start3A_524 = arith.constant 0 : i32
        %dma_start3A_525 = tpu.memref_slice %arg10[%dma_start3A_523, %dma_start3A_524] : memref<10128x128xf32, #tpu.memory_space<vmem_shared>> -> memref<10128x128xf32, #tpu.memory_space<vmem_shared>>
        tpu.enqueue_indirect_dma source(%arg9 : memref<128x128xf32, #tpu.memory_space<vmem>>) target(%dma_start3A_525 : memref<10128x128xf32, #tpu.memory_space<vmem_shared>>) offsets(%dma_start3A_522 : memref<128xi32, #tpu.memory_space<vmem>>) semaphore(%run_scoped3A_519 : memref<!tpu.dma_semaphore, #tpu.memory_space<semaphore_mem>>) {add = true}
        %dma_wait3A_526 = arith.constant 0 : i32
        %dma_wait3A_527 = tpu.memref_slice %arg6[%run_scoped3A_130, %run_scoped3A_131, %dma_wait3A_526] : memref<2x10x128xi32, #tpu.memory_space<vmem>> -> memref<1x1x128xi32, #tpu.memory_space<vmem>>
        %dma_wait3A_528 = tpu.memref_squeeze %dma_wait3A_527 : memref<1x1x128xi32, #tpu.memory_space<vmem>> -> memref<128xi32, #tpu.memory_space<vmem>>
        %dma_wait3A_529 = arith.constant 0 : i32
        %dma_wait3A_530 = arith.constant 0 : i32
        %dma_wait3A_531 = tpu.memref_slice %arg10[%dma_wait3A_529, %dma_wait3A_530] : memref<10128x128xf32, #tpu.memory_space<vmem_shared>> -> memref<10128x128xf32, #tpu.memory_space<vmem_shared>>
        tpu.wait_indirect_dma semaphore(%run_scoped3A_519 : memref<!tpu.dma_semaphore, #tpu.memory_space<semaphore_mem>>) src(%arg9 : memref<128x128xf32, #tpu.memory_space<vmem>>) dst(%dma_wait3A_531 : memref<10128x128xf32, #tpu.memory_space<vmem_shared>>)
        tpu.yield
      }) : () -> ()
      %dma_start3A_132 = arith.constant 0 : i32
      %dma_start3A_133 = arith.constant 5 : i32
      %dma_start3A_134 = arith.constant 0 : i32
      %dma_start3A_135 = tpu.memref_slice %arg6[%dma_start3A_132, %dma_start3A_133, %dma_start3A_134] : memref<2x10x128xi32, #tpu.memory_space<vmem>> -> memref<1x1x128xi32, #tpu.memory_space<vmem>>
      %dma_start3A_136 = tpu.memref_squeeze %dma_start3A_135 : memref<1x1x128xi32, #tpu.memory_space<vmem>> -> memref<128xi32, #tpu.memory_space<vmem>>
      %dma_start3A_137 = arith.constant 0 : i32
      %dma_start3A_138 = arith.constant 0 : i32
      %dma_start3A_139 = tpu.memref_slice %arg2[%dma_start3A_137, %dma_start3A_138] : memref<10000x128xf32, #tpu.memory_space<hbm>> -> memref<10000x128xf32, #tpu.memory_space<hbm>>
      tpu.enqueue_indirect_dma source(%dma_start3A_139 : memref<10000x128xf32, #tpu.memory_space<hbm>>) target(%arg9 : memref<128x128xf32, #tpu.memory_space<vmem>>) offsets(%dma_start3A_136 : memref<128xi32, #tpu.memory_space<vmem>>) semaphore(%arg12 : memref<!tpu.dma_semaphore, #tpu.memory_space<semaphore_mem>>)
      %mul3A_140 = arith.constant 10 : i32
      %mul3A_141 = arith.muli %add3A_51, %mul3A_140 : i32
      %add3A_142 = arith.constant 4 : i32
      %add3A_143 = arith.addi %mul3A_141, %add3A_142 : i32
      %dma_wait3A_144 = arith.constant 0 : i32
      %dma_wait3A_145 = arith.constant 4 : i32
      %dma_wait3A_146 = arith.constant 0 : i32
      %dma_wait3A_147 = tpu.memref_slice %arg6[%dma_wait3A_144, %dma_wait3A_145, %dma_wait3A_146] : memref<2x10x128xi32, #tpu.memory_space<vmem>> -> memref<1x1x128xi32, #tpu.memory_space<vmem>>
      %dma_wait3A_148 = tpu.memref_squeeze %dma_wait3A_147 : memref<1x1x128xi32, #tpu.memory_space<vmem>> -> memref<128xi32, #tpu.memory_space<vmem>>
      %dma_wait3A_149 = arith.constant 0 : i32
      %dma_wait3A_150 = arith.constant 0 : i32
      %dma_wait3A_151 = tpu.memref_slice %arg2[%dma_wait3A_149, %dma_wait3A_150] : memref<10000x128xf32, #tpu.memory_space<hbm>> -> memref<10000x128xf32, #tpu.memory_space<hbm>>
      tpu.wait_indirect_dma semaphore(%arg11 : memref<!tpu.dma_semaphore, #tpu.memory_space<semaphore_mem>>) src(%dma_wait3A_151 : memref<10000x128xf32, #tpu.memory_space<hbm>>) dst(%arg8 : memref<128x128xf32, #tpu.memory_space<vmem>>)
      %run_scoped3A_152 = arith.constant 1 : i32
      %run_scoped3A_153 = arith.constant 4 : i32
      "tpu.region"() ({
        %run_scoped3A_519 = tpu.sem_alloc : memref<!tpu.dma_semaphore, #tpu.memory_space<semaphore_mem>>
        %dma_start3A_520 = arith.constant 0 : i32
        %dma_start3A_521 = tpu.memref_slice %arg6[%run_scoped3A_152, %run_scoped3A_153, %dma_start3A_520] : memref<2x10x128xi32, #tpu.memory_space<vmem>> -> memref<1x1x128xi32, #tpu.memory_space<vmem>>
        %dma_start3A_522 = tpu.memref_squeeze %dma_start3A_521 : memref<1x1x128xi32, #tpu.memory_space<vmem>> -> memref<128xi32, #tpu.memory_space<vmem>>
        %dma_start3A_523 = arith.constant 0 : i32
        %dma_start3A_524 = arith.constant 0 : i32
        %dma_start3A_525 = tpu.memref_slice %arg10[%dma_start3A_523, %dma_start3A_524] : memref<10128x128xf32, #tpu.memory_space<vmem_shared>> -> memref<10128x128xf32, #tpu.memory_space<vmem_shared>>
        tpu.enqueue_indirect_dma source(%arg8 : memref<128x128xf32, #tpu.memory_space<vmem>>) target(%dma_start3A_525 : memref<10128x128xf32, #tpu.memory_space<vmem_shared>>) offsets(%dma_start3A_522 : memref<128xi32, #tpu.memory_space<vmem>>) semaphore(%run_scoped3A_519 : memref<!tpu.dma_semaphore, #tpu.memory_space<semaphore_mem>>) {add = true}
        %dma_wait3A_526 = arith.constant 0 : i32
        %dma_wait3A_527 = tpu.memref_slice %arg6[%run_scoped3A_152, %run_scoped3A_153, %dma_wait3A_526] : memref<2x10x128xi32, #tpu.memory_space<vmem>> -> memref<1x1x128xi32, #tpu.memory_space<vmem>>
        %dma_wait3A_528 = tpu.memref_squeeze %dma_wait3A_527 : memref<1x1x128xi32, #tpu.memory_space<vmem>> -> memref<128xi32, #tpu.memory_space<vmem>>
        %dma_wait3A_529 = arith.constant 0 : i32
        %dma_wait3A_530 = arith.constant 0 : i32
        %dma_wait3A_531 = tpu.memref_slice %arg10[%dma_wait3A_529, %dma_wait3A_530] : memref<10128x128xf32, #tpu.memory_space<vmem_shared>> -> memref<10128x128xf32, #tpu.memory_space<vmem_shared>>
        tpu.wait_indirect_dma semaphore(%run_scoped3A_519 : memref<!tpu.dma_semaphore, #tpu.memory_space<semaphore_mem>>) src(%arg8 : memref<128x128xf32, #tpu.memory_space<vmem>>) dst(%dma_wait3A_531 : memref<10128x128xf32, #tpu.memory_space<vmem_shared>>)
        tpu.yield
      }) : () -> ()
      %dma_start3A_154 = arith.constant 0 : i32
      %dma_start3A_155 = arith.constant 6 : i32
      %dma_start3A_156 = arith.constant 0 : i32
      %dma_start3A_157 = tpu.memref_slice %arg6[%dma_start3A_154, %dma_start3A_155, %dma_start3A_156] : memref<2x10x128xi32, #tpu.memory_space<vmem>> -> memref<1x1x128xi32, #tpu.memory_space<vmem>>
      %dma_start3A_158 = tpu.memref_squeeze %dma_start3A_157 : memref<1x1x128xi32, #tpu.memory_space<vmem>> -> memref<128xi32, #tpu.memory_space<vmem>>
      %dma_start3A_159 = arith.constant 0 : i32
      %dma_start3A_160 = arith.constant 0 : i32
      %dma_start3A_161 = tpu.memref_slice %arg2[%dma_start3A_159, %dma_start3A_160] : memref<10000x128xf32, #tpu.memory_space<hbm>> -> memref<10000x128xf32, #tpu.memory_space<hbm>>
      tpu.enqueue_indirect_dma source(%dma_start3A_161 : memref<10000x128xf32, #tpu.memory_space<hbm>>) target(%arg8 : memref<128x128xf32, #tpu.memory_space<vmem>>) offsets(%dma_start3A_158 : memref<128xi32, #tpu.memory_space<vmem>>) semaphore(%arg11 : memref<!tpu.dma_semaphore, #tpu.memory_space<semaphore_mem>>)
      %mul3A_162 = arith.constant 10 : i32
      %mul3A_163 = arith.muli %add3A_51, %mul3A_162 : i32
      %add3A_164 = arith.constant 5 : i32
      %add3A_165 = arith.addi %mul3A_163, %add3A_164 : i32
      %dma_wait3A_166 = arith.constant 0 : i32
      %dma_wait3A_167 = arith.constant 5 : i32
      %dma_wait3A_168 = arith.constant 0 : i32
      %dma_wait3A_169 = tpu.memref_slice %arg6[%dma_wait3A_166, %dma_wait3A_167, %dma_wait3A_168] : memref<2x10x128xi32, #tpu.memory_space<vmem>> -> memref<1x1x128xi32, #tpu.memory_space<vmem>>
      %dma_wait3A_170 = tpu.memref_squeeze %dma_wait3A_169 : memref<1x1x128xi32, #tpu.memory_space<vmem>> -> memref<128xi32, #tpu.memory_space<vmem>>
      %dma_wait3A_171 = arith.constant 0 : i32
      %dma_wait3A_172 = arith.constant 0 : i32
      %dma_wait3A_173 = tpu.memref_slice %arg2[%dma_wait3A_171, %dma_wait3A_172] : memref<10000x128xf32, #tpu.memory_space<hbm>> -> memref<10000x128xf32, #tpu.memory_space<hbm>>
      tpu.wait_indirect_dma semaphore(%arg12 : memref<!tpu.dma_semaphore, #tpu.memory_space<semaphore_mem>>) src(%dma_wait3A_173 : memref<10000x128xf32, #tpu.memory_space<hbm>>) dst(%arg9 : memref<128x128xf32, #tpu.memory_space<vmem>>)
      %run_scoped3A_174 = arith.constant 1 : i32
      %run_scoped3A_175 = arith.constant 5 : i32
      "tpu.region"() ({
        %run_scoped3A_519 = tpu.sem_alloc : memref<!tpu.dma_semaphore, #tpu.memory_space<semaphore_mem>>
        %dma_start3A_520 = arith.constant 0 : i32
        %dma_start3A_521 = tpu.memref_slice %arg6[%run_scoped3A_174, %run_scoped3A_175, %dma_start3A_520] : memref<2x10x128xi32, #tpu.memory_space<vmem>> -> memref<1x1x128xi32, #tpu.memory_space<vmem>>
        %dma_start3A_522 = tpu.memref_squeeze %dma_start3A_521 : memref<1x1x128xi32, #tpu.memory_space<vmem>> -> memref<128xi32, #tpu.memory_space<vmem>>
        %dma_start3A_523 = arith.constant 0 : i32
        %dma_start3A_524 = arith.constant 0 : i32
        %dma_start3A_525 = tpu.memref_slice %arg10[%dma_start3A_523, %dma_start3A_524] : memref<10128x128xf32, #tpu.memory_space<vmem_shared>> -> memref<10128x128xf32, #tpu.memory_space<vmem_shared>>
        tpu.enqueue_indirect_dma source(%arg9 : memref<128x128xf32, #tpu.memory_space<vmem>>) target(%dma_start3A_525 : memref<10128x128xf32, #tpu.memory_space<vmem_shared>>) offsets(%dma_start3A_522 : memref<128xi32, #tpu.memory_space<vmem>>) semaphore(%run_scoped3A_519 : memref<!tpu.dma_semaphore, #tpu.memory_space<semaphore_mem>>) {add = true}
        %dma_wait3A_526 = arith.constant 0 : i32
        %dma_wait3A_527 = tpu.memref_slice %arg6[%run_scoped3A_174, %run_scoped3A_175, %dma_wait3A_526] : memref<2x10x128xi32, #tpu.memory_space<vmem>> -> memref<1x1x128xi32, #tpu.memory_space<vmem>>
        %dma_wait3A_528 = tpu.memref_squeeze %dma_wait3A_527 : memref<1x1x128xi32, #tpu.memory_space<vmem>> -> memref<128xi32, #tpu.memory_space<vmem>>
        %dma_wait3A_529 = arith.constant 0 : i32
        %dma_wait3A_530 = arith.constant 0 : i32
        %dma_wait3A_531 = tpu.memref_slice %arg10[%dma_wait3A_529, %dma_wait3A_530] : memref<10128x128xf32, #tpu.memory_space<vmem_shared>> -> memref<10128x128xf32, #tpu.memory_space<vmem_shared>>
        tpu.wait_indirect_dma semaphore(%run_scoped3A_519 : memref<!tpu.dma_semaphore, #tpu.memory_space<semaphore_mem>>) src(%arg9 : memref<128x128xf32, #tpu.memory_space<vmem>>) dst(%dma_wait3A_531 : memref<10128x128xf32, #tpu.memory_space<vmem_shared>>)
        tpu.yield
      }) : () -> ()
      %dma_start3A_176 = arith.constant 0 : i32
      %dma_start3A_177 = arith.constant 7 : i32
      %dma_start3A_178 = arith.constant 0 : i32
      %dma_start3A_179 = tpu.memref_slice %arg6[%dma_start3A_176, %dma_start3A_177, %dma_start3A_178] : memref<2x10x128xi32, #tpu.memory_space<vmem>> -> memref<1x1x128xi32, #tpu.memory_space<vmem>>
      %dma_start3A_180 = tpu.memref_squeeze %dma_start3A_179 : memref<1x1x128xi32, #tpu.memory_space<vmem>> -> memref<128xi32, #tpu.memory_space<vmem>>
      %dma_start3A_181 = arith.constant 0 : i32
      %dma_start3A_182 = arith.constant 0 : i32
      %dma_start3A_183 = tpu.memref_slice %arg2[%dma_start3A_181, %dma_start3A_182] : memref<10000x128xf32, #tpu.memory_space<hbm>> -> memref<10000x128xf32, #tpu.memory_space<hbm>>
      tpu.enqueue_indirect_dma source(%dma_start3A_183 : memref<10000x128xf32, #tpu.memory_space<hbm>>) target(%arg9 : memref<128x128xf32, #tpu.memory_space<vmem>>) offsets(%dma_start3A_180 : memref<128xi32, #tpu.memory_space<vmem>>) semaphore(%arg12 : memref<!tpu.dma_semaphore, #tpu.memory_space<semaphore_mem>>)
      %mul3A_184 = arith.constant 10 : i32
      %mul3A_185 = arith.muli %add3A_51, %mul3A_184 : i32
      %add3A_186 = arith.constant 6 : i32
      %add3A_187 = arith.addi %mul3A_185, %add3A_186 : i32
      %dma_wait3A_188 = arith.constant 0 : i32
      %dma_wait3A_189 = arith.constant 6 : i32
      %dma_wait3A_190 = arith.constant 0 : i32
      %dma_wait3A_191 = tpu.memref_slice %arg6[%dma_wait3A_188, %dma_wait3A_189, %dma_wait3A_190] : memref<2x10x128xi32, #tpu.memory_space<vmem>> -> memref<1x1x128xi32, #tpu.memory_space<vmem>>
      %dma_wait3A_192 = tpu.memref_squeeze %dma_wait3A_191 : memref<1x1x128xi32, #tpu.memory_space<vmem>> -> memref<128xi32, #tpu.memory_space<vmem>>
      %dma_wait3A_193 = arith.constant 0 : i32
      %dma_wait3A_194 = arith.constant 0 : i32
      %dma_wait3A_195 = tpu.memref_slice %arg2[%dma_wait3A_193, %dma_wait3A_194] : memref<10000x128xf32, #tpu.memory_space<hbm>> -> memref<10000x128xf32, #tpu.memory_space<hbm>>
      tpu.wait_indirect_dma semaphore(%arg11 : memref<!tpu.dma_semaphore, #tpu.memory_space<semaphore_mem>>) src(%dma_wait3A_195 : memref<10000x128xf32, #tpu.memory_space<hbm>>) dst(%arg8 : memref<128x128xf32, #tpu.memory_space<vmem>>)
      %run_scoped3A_196 = arith.constant 1 : i32
      %run_scoped3A_197 = arith.constant 6 : i32
      "tpu.region"() ({
        %run_scoped3A_519 = tpu.sem_alloc : memref<!tpu.dma_semaphore, #tpu.memory_space<semaphore_mem>>
        %dma_start3A_520 = arith.constant 0 : i32
        %dma_start3A_521 = tpu.memref_slice %arg6[%run_scoped3A_196, %run_scoped3A_197, %dma_start3A_520] : memref<2x10x128xi32, #tpu.memory_space<vmem>> -> memref<1x1x128xi32, #tpu.memory_space<vmem>>
        %dma_start3A_522 = tpu.memref_squeeze %dma_start3A_521 : memref<1x1x128xi32, #tpu.memory_space<vmem>> -> memref<128xi32, #tpu.memory_space<vmem>>
        %dma_start3A_523 = arith.constant 0 : i32
        %dma_start3A_524 = arith.constant 0 : i32
        %dma_start3A_525 = tpu.memref_slice %arg10[%dma_start3A_523, %dma_start3A_524] : memref<10128x128xf32, #tpu.memory_space<vmem_shared>> -> memref<10128x128xf32, #tpu.memory_space<vmem_shared>>
        tpu.enqueue_indirect_dma source(%arg8 : memref<128x128xf32, #tpu.memory_space<vmem>>) target(%dma_start3A_525 : memref<10128x128xf32, #tpu.memory_space<vmem_shared>>) offsets(%dma_start3A_522 : memref<128xi32, #tpu.memory_space<vmem>>) semaphore(%run_scoped3A_519 : memref<!tpu.dma_semaphore, #tpu.memory_space<semaphore_mem>>) {add = true}
        %dma_wait3A_526 = arith.constant 0 : i32
        %dma_wait3A_527 = tpu.memref_slice %arg6[%run_scoped3A_196, %run_scoped3A_197, %dma_wait3A_526] : memref<2x10x128xi32, #tpu.memory_space<vmem>> -> memref<1x1x128xi32, #tpu.memory_space<vmem>>
        %dma_wait3A_528 = tpu.memref_squeeze %dma_wait3A_527 : memref<1x1x128xi32, #tpu.memory_space<vmem>> -> memref<128xi32, #tpu.memory_space<vmem>>
        %dma_wait3A_529 = arith.constant 0 : i32
        %dma_wait3A_530 = arith.constant 0 : i32
        %dma_wait3A_531 = tpu.memref_slice %arg10[%dma_wait3A_529, %dma_wait3A_530] : memref<10128x128xf32, #tpu.memory_space<vmem_shared>> -> memref<10128x128xf32, #tpu.memory_space<vmem_shared>>
        tpu.wait_indirect_dma semaphore(%run_scoped3A_519 : memref<!tpu.dma_semaphore, #tpu.memory_space<semaphore_mem>>) src(%arg8 : memref<128x128xf32, #tpu.memory_space<vmem>>) dst(%dma_wait3A_531 : memref<10128x128xf32, #tpu.memory_space<vmem_shared>>)
        tpu.yield
      }) : () -> ()
      %dma_start3A_198 = arith.constant 0 : i32
      %dma_start3A_199 = arith.constant 8 : i32
      %dma_start3A_200 = arith.constant 0 : i32
      %dma_start3A_201 = tpu.memref_slice %arg6[%dma_start3A_198, %dma_start3A_199, %dma_start3A_200] : memref<2x10x128xi32, #tpu.memory_space<vmem>> -> memref<1x1x128xi32, #tpu.memory_space<vmem>>
      %dma_start3A_202 = tpu.memref_squeeze %dma_start3A_201 : memref<1x1x128xi32, #tpu.memory_space<vmem>> -> memref<128xi32, #tpu.memory_space<vmem>>
      %dma_start3A_203 = arith.constant 0 : i32
      %dma_start3A_204 = arith.constant 0 : i32
      %dma_start3A_205 = tpu.memref_slice %arg2[%dma_start3A_203, %dma_start3A_204] : memref<10000x128xf32, #tpu.memory_space<hbm>> -> memref<10000x128xf32, #tpu.memory_space<hbm>>
      tpu.enqueue_indirect_dma source(%dma_start3A_205 : memref<10000x128xf32, #tpu.memory_space<hbm>>) target(%arg8 : memref<128x128xf32, #tpu.memory_space<vmem>>) offsets(%dma_start3A_202 : memref<128xi32, #tpu.memory_space<vmem>>) semaphore(%arg11 : memref<!tpu.dma_semaphore, #tpu.memory_space<semaphore_mem>>)
      %mul3A_206 = arith.constant 10 : i32
      %mul3A_207 = arith.muli %add3A_51, %mul3A_206 : i32
      %add3A_208 = arith.constant 7 : i32
      %add3A_209 = arith.addi %mul3A_207, %add3A_208 : i32
      %dma_wait3A_210 = arith.constant 0 : i32
      %dma_wait3A_211 = arith.constant 7 : i32
      %dma_wait3A_212 = arith.constant 0 : i32
      %dma_wait3A_213 = tpu.memref_slice %arg6[%dma_wait3A_210, %dma_wait3A_211, %dma_wait3A_212] : memref<2x10x128xi32, #tpu.memory_space<vmem>> -> memref<1x1x128xi32, #tpu.memory_space<vmem>>
      %dma_wait3A_214 = tpu.memref_squeeze %dma_wait3A_213 : memref<1x1x128xi32, #tpu.memory_space<vmem>> -> memref<128xi32, #tpu.memory_space<vmem>>
      %dma_wait3A_215 = arith.constant 0 : i32
      %dma_wait3A_216 = arith.constant 0 : i32
      %dma_wait3A_217 = tpu.memref_slice %arg2[%dma_wait3A_215, %dma_wait3A_216] : memref<10000x128xf32, #tpu.memory_space<hbm>> -> memref<10000x128xf32, #tpu.memory_space<hbm>>
      tpu.wait_indirect_dma semaphore(%arg12 : memref<!tpu.dma_semaphore, #tpu.memory_space<semaphore_mem>>) src(%dma_wait3A_217 : memref<10000x128xf32, #tpu.memory_space<hbm>>) dst(%arg9 : memref<128x128xf32, #tpu.memory_space<vmem>>)
      %run_scoped3A_218 = arith.constant 1 : i32
      %run_scoped3A_219 = arith.constant 7 : i32
      "tpu.region"() ({
        %run_scoped3A_519 = tpu.sem_alloc : memref<!tpu.dma_semaphore, #tpu.memory_space<semaphore_mem>>
        %dma_start3A_520 = arith.constant 0 : i32
        %dma_start3A_521 = tpu.memref_slice %arg6[%run_scoped3A_218, %run_scoped3A_219, %dma_start3A_520] : memref<2x10x128xi32, #tpu.memory_space<vmem>> -> memref<1x1x128xi32, #tpu.memory_space<vmem>>
        %dma_start3A_522 = tpu.memref_squeeze %dma_start3A_521 : memref<1x1x128xi32, #tpu.memory_space<vmem>> -> memref<128xi32, #tpu.memory_space<vmem>>
        %dma_start3A_523 = arith.constant 0 : i32
        %dma_start3A_524 = arith.constant 0 : i32
        %dma_start3A_525 = tpu.memref_slice %arg10[%dma_start3A_523, %dma_start3A_524] : memref<10128x128xf32, #tpu.memory_space<vmem_shared>> -> memref<10128x128xf32, #tpu.memory_space<vmem_shared>>
        tpu.enqueue_indirect_dma source(%arg9 : memref<128x128xf32, #tpu.memory_space<vmem>>) target(%dma_start3A_525 : memref<10128x128xf32, #tpu.memory_space<vmem_shared>>) offsets(%dma_start3A_522 : memref<128xi32, #tpu.memory_space<vmem>>) semaphore(%run_scoped3A_519 : memref<!tpu.dma_semaphore, #tpu.memory_space<semaphore_mem>>) {add = true}
        %dma_wait3A_526 = arith.constant 0 : i32
        %dma_wait3A_527 = tpu.memref_slice %arg6[%run_scoped3A_218, %run_scoped3A_219, %dma_wait3A_526] : memref<2x10x128xi32, #tpu.memory_space<vmem>> -> memref<1x1x128xi32, #tpu.memory_space<vmem>>
        %dma_wait3A_528 = tpu.memref_squeeze %dma_wait3A_527 : memref<1x1x128xi32, #tpu.memory_space<vmem>> -> memref<128xi32, #tpu.memory_space<vmem>>
        %dma_wait3A_529 = arith.constant 0 : i32
        %dma_wait3A_530 = arith.constant 0 : i32
        %dma_wait3A_531 = tpu.memref_slice %arg10[%dma_wait3A_529, %dma_wait3A_530] : memref<10128x128xf32, #tpu.memory_space<vmem_shared>> -> memref<10128x128xf32, #tpu.memory_space<vmem_shared>>
        tpu.wait_indirect_dma semaphore(%run_scoped3A_519 : memref<!tpu.dma_semaphore, #tpu.memory_space<semaphore_mem>>) src(%arg9 : memref<128x128xf32, #tpu.memory_space<vmem>>) dst(%dma_wait3A_531 : memref<10128x128xf32, #tpu.memory_space<vmem_shared>>)
        tpu.yield
      }) : () -> ()
      %dma_start3A_220 = arith.constant 0 : i32
      %dma_start3A_221 = arith.constant 9 : i32
      %dma_start3A_222 = arith.constant 0 : i32
      %dma_start3A_223 = tpu.memref_slice %arg6[%dma_start3A_220, %dma_start3A_221, %dma_start3A_222] : memref<2x10x128xi32, #tpu.memory_space<vmem>> -> memref<1x1x128xi32, #tpu.memory_space<vmem>>
      %dma_start3A_224 = tpu.memref_squeeze %dma_start3A_223 : memref<1x1x128xi32, #tpu.memory_space<vmem>> -> memref<128xi32, #tpu.memory_space<vmem>>
      %dma_start3A_225 = arith.constant 0 : i32
      %dma_start3A_226 = arith.constant 0 : i32
      %dma_start3A_227 = tpu.memref_slice %arg2[%dma_start3A_225, %dma_start3A_226] : memref<10000x128xf32, #tpu.memory_space<hbm>> -> memref<10000x128xf32, #tpu.memory_space<hbm>>
      tpu.enqueue_indirect_dma source(%dma_start3A_227 : memref<10000x128xf32, #tpu.memory_space<hbm>>) target(%arg9 : memref<128x128xf32, #tpu.memory_space<vmem>>) offsets(%dma_start3A_224 : memref<128xi32, #tpu.memory_space<vmem>>) semaphore(%arg12 : memref<!tpu.dma_semaphore, #tpu.memory_space<semaphore_mem>>)
      %mul3A_228 = arith.constant 10 : i32
      %mul3A_229 = arith.muli %add3A_51, %mul3A_228 : i32
      %add3A_230 = arith.constant 8 : i32
      %add3A_231 = arith.addi %mul3A_229, %add3A_230 : i32
      %dma_wait3A_232 = arith.constant 0 : i32
      %dma_wait3A_233 = arith.constant 8 : i32
      %dma_wait3A_234 = arith.constant 0 : i32
      %dma_wait3A_235 = tpu.memref_slice %arg6[%dma_wait3A_232, %dma_wait3A_233, %dma_wait3A_234] : memref<2x10x128xi32, #tpu.memory_space<vmem>> -> memref<1x1x128xi32, #tpu.memory_space<vmem>>
      %dma_wait3A_236 = tpu.memref_squeeze %dma_wait3A_235 : memref<1x1x128xi32, #tpu.memory_space<vmem>> -> memref<128xi32, #tpu.memory_space<vmem>>
      %dma_wait3A_237 = arith.constant 0 : i32
      %dma_wait3A_238 = arith.constant 0 : i32
      %dma_wait3A_239 = tpu.memref_slice %arg2[%dma_wait3A_237, %dma_wait3A_238] : memref<10000x128xf32, #tpu.memory_space<hbm>> -> memref<10000x128xf32, #tpu.memory_space<hbm>>
      tpu.wait_indirect_dma semaphore(%arg11 : memref<!tpu.dma_semaphore, #tpu.memory_space<semaphore_mem>>) src(%dma_wait3A_239 : memref<10000x128xf32, #tpu.memory_space<hbm>>) dst(%arg8 : memref<128x128xf32, #tpu.memory_space<vmem>>)
      %run_scoped3A_240 = arith.constant 1 : i32
      %run_scoped3A_241 = arith.constant 8 : i32
      "tpu.region"() ({
        %run_scoped3A_519 = tpu.sem_alloc : memref<!tpu.dma_semaphore, #tpu.memory_space<semaphore_mem>>
        %dma_start3A_520 = arith.constant 0 : i32
        %dma_start3A_521 = tpu.memref_slice %arg6[%run_scoped3A_240, %run_scoped3A_241, %dma_start3A_520] : memref<2x10x128xi32, #tpu.memory_space<vmem>> -> memref<1x1x128xi32, #tpu.memory_space<vmem>>
        %dma_start3A_522 = tpu.memref_squeeze %dma_start3A_521 : memref<1x1x128xi32, #tpu.memory_space<vmem>> -> memref<128xi32, #tpu.memory_space<vmem>>
        %dma_start3A_523 = arith.constant 0 : i32
        %dma_start3A_524 = arith.constant 0 : i32
        %dma_start3A_525 = tpu.memref_slice %arg10[%dma_start3A_523, %dma_start3A_524] : memref<10128x128xf32, #tpu.memory_space<vmem_shared>> -> memref<10128x128xf32, #tpu.memory_space<vmem_shared>>
        tpu.enqueue_indirect_dma source(%arg8 : memref<128x128xf32, #tpu.memory_space<vmem>>) target(%dma_start3A_525 : memref<10128x128xf32, #tpu.memory_space<vmem_shared>>) offsets(%dma_start3A_522 : memref<128xi32, #tpu.memory_space<vmem>>) semaphore(%run_scoped3A_519 : memref<!tpu.dma_semaphore, #tpu.memory_space<semaphore_mem>>) {add = true}
        %dma_wait3A_526 = arith.constant 0 : i32
        %dma_wait3A_527 = tpu.memref_slice %arg6[%run_scoped3A_240, %run_scoped3A_241, %dma_wait3A_526] : memref<2x10x128xi32, #tpu.memory_space<vmem>> -> memref<1x1x128xi32, #tpu.memory_space<vmem>>
        %dma_wait3A_528 = tpu.memref_squeeze %dma_wait3A_527 : memref<1x1x128xi32, #tpu.memory_space<vmem>> -> memref<128xi32, #tpu.memory_space<vmem>>
        %dma_wait3A_529 = arith.constant 0 : i32
        %dma_wait3A_530 = arith.constant 0 : i32
        %dma_wait3A_531 = tpu.memref_slice %arg10[%dma_wait3A_529, %dma_wait3A_530] : memref<10128x128xf32, #tpu.memory_space<vmem_shared>> -> memref<10128x128xf32, #tpu.memory_space<vmem_shared>>
        tpu.wait_indirect_dma semaphore(%run_scoped3A_519 : memref<!tpu.dma_semaphore, #tpu.memory_space<semaphore_mem>>) src(%arg8 : memref<128x128xf32, #tpu.memory_space<vmem>>) dst(%dma_wait3A_531 : memref<10128x128xf32, #tpu.memory_space<vmem_shared>>)
        tpu.yield
      }) : () -> ()
      %add3A_242 = arith.constant 1 : i32
      %add3A_243 = arith.addi %add3A_51, %add3A_242 : i32
      %lt3A = arith.constant 8 : i32
      %lt3A_244 = arith.cmpi slt, %add3A_243, %lt3A : i32
      %convert_element_type3A_245 = arith.extui %lt3A_244 : i1 to i32
      %cond3A_246 = arith.constant 0 : i32
      %cond3A_247 = arith.cmpi ne, %convert_element_type3A_245, %cond3A_246 : i32
      scf.if %cond3A_247 {
        %add3A_519 = arith.constant 1 : i32
        %add3A_520 = arith.addi %add3A_51, %add3A_519 : i32
        %dma_wait3A_521 = arith.constant 0 : i32
        %dma_wait3A_522 = arith.constant 0 : i32
        %dma_wait3A_523 = arith.constant 0 : i32
        %dma_wait3A_524 = tpu.memref_slice %arg3[%add3A, %add3A_520, %dma_wait3A_521, %dma_wait3A_522, %dma_wait3A_523] : memref<32x8x2x10x128xi32, #tpu.memory_space<hbm>> -> memref<1x1x2x10x128xi32, #tpu.memory_space<hbm>>
        %dma_wait3A_525 = tpu.memref_squeeze %dma_wait3A_524 : memref<1x1x2x10x128xi32, #tpu.memory_space<hbm>> -> memref<2x10x128xi32, #tpu.memory_space<hbm>>
        %dma_wait3A_526 = arith.constant 0 : i32
        %dma_wait3A_527 = arith.constant 0 : i32
        %dma_wait3A_528 = arith.constant 0 : i32
        %dma_wait3A_529 = tpu.memref_slice %arg3[%add3A, %add3A_520, %dma_wait3A_526, %dma_wait3A_527, %dma_wait3A_528] : memref<32x8x2x10x128xi32, #tpu.memory_space<hbm>> -> memref<1x1x2x10x128xi32, #tpu.memory_space<hbm>>
        %dma_wait3A_530 = tpu.memref_squeeze %dma_wait3A_529 : memref<1x1x2x10x128xi32, #tpu.memory_space<hbm>> -> memref<2x10x128xi32, #tpu.memory_space<hbm>>
        tpu.wait_dma2 semaphore(%arg14 : memref<!tpu.dma_semaphore, #tpu.memory_space<semaphore_mem>>) src(%dma_wait3A_530 : memref<2x10x128xi32, #tpu.memory_space<hbm>>) dst(%arg7 : memref<2x10x128xi32, #tpu.memory_space<vmem>>)
      } else {
      }
      %add3A_248 = arith.constant 2 : i32
      %add3A_249 = arith.addi %add3A_231, %add3A_248 : i32
      %lt3A_250 = arith.constant 80 : i32
      %lt3A_251 = arith.cmpi slt, %add3A_249, %lt3A_250 : i32
      %convert_element_type3A_252 = arith.extui %lt3A_251 : i1 to i32
      %cond3A_253 = arith.constant 0 : i32
      %cond3A_254 = arith.cmpi ne, %convert_element_type3A_252, %cond3A_253 : i32
      scf.if %cond3A_254 {
        %dma_start3A_519 = arith.constant 0 : i32
        %dma_start3A_520 = arith.constant 0 : i32
        %dma_start3A_521 = arith.constant 0 : i32
        %dma_start3A_522 = tpu.memref_slice %arg7[%dma_start3A_519, %dma_start3A_520, %dma_start3A_521] : memref<2x10x128xi32, #tpu.memory_space<vmem>> -> memref<1x1x128xi32, #tpu.memory_space<vmem>>
        %dma_start3A_523 = tpu.memref_squeeze %dma_start3A_522 : memref<1x1x128xi32, #tpu.memory_space<vmem>> -> memref<128xi32, #tpu.memory_space<vmem>>
        %dma_start3A_524 = arith.constant 0 : i32
        %dma_start3A_525 = arith.constant 0 : i32
        %dma_start3A_526 = tpu.memref_slice %arg2[%dma_start3A_524, %dma_start3A_525] : memref<10000x128xf32, #tpu.memory_space<hbm>> -> memref<10000x128xf32, #tpu.memory_space<hbm>>
        tpu.enqueue_indirect_dma source(%dma_start3A_526 : memref<10000x128xf32, #tpu.memory_space<hbm>>) target(%arg8 : memref<128x128xf32, #tpu.memory_space<vmem>>) offsets(%dma_start3A_523 : memref<128xi32, #tpu.memory_space<vmem>>) semaphore(%arg11 : memref<!tpu.dma_semaphore, #tpu.memory_space<semaphore_mem>>)
      } else {
      }
      %mul3A_255 = arith.constant 10 : i32
      %mul3A_256 = arith.muli %add3A_51, %mul3A_255 : i32
      %add3A_257 = arith.constant 9 : i32
      %add3A_258 = arith.addi %mul3A_256, %add3A_257 : i32
      %dma_wait3A_259 = arith.constant 0 : i32
      %dma_wait3A_260 = arith.constant 9 : i32
      %dma_wait3A_261 = arith.constant 0 : i32
      %dma_wait3A_262 = tpu.memref_slice %arg6[%dma_wait3A_259, %dma_wait3A_260, %dma_wait3A_261] : memref<2x10x128xi32, #tpu.memory_space<vmem>> -> memref<1x1x128xi32, #tpu.memory_space<vmem>>
      %dma_wait3A_263 = tpu.memref_squeeze %dma_wait3A_262 : memref<1x1x128xi32, #tpu.memory_space<vmem>> -> memref<128xi32, #tpu.memory_space<vmem>>
      %dma_wait3A_264 = arith.constant 0 : i32
      %dma_wait3A_265 = arith.constant 0 : i32
      %dma_wait3A_266 = tpu.memref_slice %arg2[%dma_wait3A_264, %dma_wait3A_265] : memref<10000x128xf32, #tpu.memory_space<hbm>> -> memref<10000x128xf32, #tpu.memory_space<hbm>>
      tpu.wait_indirect_dma semaphore(%arg12 : memref<!tpu.dma_semaphore, #tpu.memory_space<semaphore_mem>>) src(%dma_wait3A_266 : memref<10000x128xf32, #tpu.memory_space<hbm>>) dst(%arg9 : memref<128x128xf32, #tpu.memory_space<vmem>>)
      %run_scoped3A_267 = arith.constant 1 : i32
      %run_scoped3A_268 = arith.constant 9 : i32
      "tpu.region"() ({
        %run_scoped3A_519 = tpu.sem_alloc : memref<!tpu.dma_semaphore, #tpu.memory_space<semaphore_mem>>
        %dma_start3A_520 = arith.constant 0 : i32
        %dma_start3A_521 = tpu.memref_slice %arg6[%run_scoped3A_267, %run_scoped3A_268, %dma_start3A_520] : memref<2x10x128xi32, #tpu.memory_space<vmem>> -> memref<1x1x128xi32, #tpu.memory_space<vmem>>
        %dma_start3A_522 = tpu.memref_squeeze %dma_start3A_521 : memref<1x1x128xi32, #tpu.memory_space<vmem>> -> memref<128xi32, #tpu.memory_space<vmem>>
        %dma_start3A_523 = arith.constant 0 : i32
        %dma_start3A_524 = arith.constant 0 : i32
        %dma_start3A_525 = tpu.memref_slice %arg10[%dma_start3A_523, %dma_start3A_524] : memref<10128x128xf32, #tpu.memory_space<vmem_shared>> -> memref<10128x128xf32, #tpu.memory_space<vmem_shared>>
        tpu.enqueue_indirect_dma source(%arg9 : memref<128x128xf32, #tpu.memory_space<vmem>>) target(%dma_start3A_525 : memref<10128x128xf32, #tpu.memory_space<vmem_shared>>) offsets(%dma_start3A_522 : memref<128xi32, #tpu.memory_space<vmem>>) semaphore(%run_scoped3A_519 : memref<!tpu.dma_semaphore, #tpu.memory_space<semaphore_mem>>) {add = true}
        %dma_wait3A_526 = arith.constant 0 : i32
        %dma_wait3A_527 = tpu.memref_slice %arg6[%run_scoped3A_267, %run_scoped3A_268, %dma_wait3A_526] : memref<2x10x128xi32, #tpu.memory_space<vmem>> -> memref<1x1x128xi32, #tpu.memory_space<vmem>>
        %dma_wait3A_528 = tpu.memref_squeeze %dma_wait3A_527 : memref<1x1x128xi32, #tpu.memory_space<vmem>> -> memref<128xi32, #tpu.memory_space<vmem>>
        %dma_wait3A_529 = arith.constant 0 : i32
        %dma_wait3A_530 = arith.constant 0 : i32
        %dma_wait3A_531 = tpu.memref_slice %arg10[%dma_wait3A_529, %dma_wait3A_530] : memref<10128x128xf32, #tpu.memory_space<vmem_shared>> -> memref<10128x128xf32, #tpu.memory_space<vmem_shared>>
        tpu.wait_indirect_dma semaphore(%run_scoped3A_519 : memref<!tpu.dma_semaphore, #tpu.memory_space<semaphore_mem>>) src(%arg9 : memref<128x128xf32, #tpu.memory_space<vmem>>) dst(%dma_wait3A_531 : memref<10128x128xf32, #tpu.memory_space<vmem_shared>>)
        tpu.yield
      }) : () -> ()
      %add3A_269 = arith.constant 2 : i32
      %add3A_270 = arith.addi %add3A_258, %add3A_269 : i32
      %lt3A_271 = arith.constant 80 : i32
      %lt3A_272 = arith.cmpi slt, %add3A_270, %lt3A_271 : i32
      %convert_element_type3A_273 = arith.extui %lt3A_272 : i1 to i32
      %cond3A_274 = arith.constant 0 : i32
      %cond3A_275 = arith.cmpi ne, %convert_element_type3A_273, %cond3A_274 : i32
      scf.if %cond3A_275 {
        %dma_start3A_519 = arith.constant 0 : i32
        %dma_start3A_520 = arith.constant 1 : i32
        %dma_start3A_521 = arith.constant 0 : i32
        %dma_start3A_522 = tpu.memref_slice %arg7[%dma_start3A_519, %dma_start3A_520, %dma_start3A_521] : memref<2x10x128xi32, #tpu.memory_space<vmem>> -> memref<1x1x128xi32, #tpu.memory_space<vmem>>
        %dma_start3A_523 = tpu.memref_squeeze %dma_start3A_522 : memref<1x1x128xi32, #tpu.memory_space<vmem>> -> memref<128xi32, #tpu.memory_space<vmem>>
        %dma_start3A_524 = arith.constant 0 : i32
        %dma_start3A_525 = arith.constant 0 : i32
        %dma_start3A_526 = tpu.memref_slice %arg2[%dma_start3A_524, %dma_start3A_525] : memref<10000x128xf32, #tpu.memory_space<hbm>> -> memref<10000x128xf32, #tpu.memory_space<hbm>>
        tpu.enqueue_indirect_dma source(%dma_start3A_526 : memref<10000x128xf32, #tpu.memory_space<hbm>>) target(%arg9 : memref<128x128xf32, #tpu.memory_space<vmem>>) offsets(%dma_start3A_523 : memref<128xi32, #tpu.memory_space<vmem>>) semaphore(%arg12 : memref<!tpu.dma_semaphore, #tpu.memory_space<semaphore_mem>>)
      } else {
      }
      %add3A_276 = arith.constant 2 : i32
      %add3A_277 = arith.addi %add3A_51, %add3A_276 : i32
      %lt3A_278 = arith.constant 8 : i32
      %lt3A_279 = arith.cmpi slt, %add3A_277, %lt3A_278 : i32
      %convert_element_type3A_280 = arith.extui %lt3A_279 : i1 to i32
      %cond3A_281 = arith.constant 0 : i32
      %cond3A_282 = arith.cmpi ne, %convert_element_type3A_280, %cond3A_281 : i32
      scf.if %cond3A_282 {
        %add3A_519 = arith.constant 2 : i32
        %add3A_520 = arith.addi %add3A_51, %add3A_519 : i32
        %dma_start3A_521 = arith.constant 0 : i32
        %dma_start3A_522 = arith.constant 0 : i32
        %dma_start3A_523 = arith.constant 0 : i32
        %dma_start3A_524 = tpu.memref_slice %arg3[%add3A, %add3A_520, %dma_start3A_521, %dma_start3A_522, %dma_start3A_523] : memref<32x8x2x10x128xi32, #tpu.memory_space<hbm>> -> memref<1x1x2x10x128xi32, #tpu.memory_space<hbm>>
        %dma_start3A_525 = tpu.memref_squeeze %dma_start3A_524 : memref<1x1x2x10x128xi32, #tpu.memory_space<hbm>> -> memref<2x10x128xi32, #tpu.memory_space<hbm>>
        %dma_start3A_526 = arith.constant 0 : i32
        %dma_start3A_527 = arith.constant 0 : i32
        %dma_start3A_528 = arith.constant 0 : i32
        %dma_start3A_529 = tpu.memref_slice %arg3[%add3A, %add3A_520, %dma_start3A_526, %dma_start3A_527, %dma_start3A_528] : memref<32x8x2x10x128xi32, #tpu.memory_space<hbm>> -> memref<1x1x2x10x128xi32, #tpu.memory_space<hbm>>
        %dma_start3A_530 = tpu.memref_squeeze %dma_start3A_529 : memref<1x1x2x10x128xi32, #tpu.memory_space<hbm>> -> memref<2x10x128xi32, #tpu.memory_space<hbm>>
        tpu.enqueue_dma source(%dma_start3A_530 : memref<2x10x128xi32, #tpu.memory_space<hbm>>) target(%arg6 : memref<2x10x128xi32, #tpu.memory_space<vmem>>) target_semaphore(%arg13 : memref<!tpu.dma_semaphore, #tpu.memory_space<semaphore_mem>>)
      } else {
      }
      %mul3A_283 = arith.constant 2 : i32
      %mul3A_284 = arith.muli %scan3A_47, %mul3A_283 : i32
      %add3A_285 = arith.constant 1 : i32
      %add3A_286 = arith.addi %mul3A_284, %add3A_285 : i32
      %mul3A_287 = arith.constant 10 : i32
      %mul3A_288 = arith.muli %add3A_286, %mul3A_287 : i32
      %add3A_289 = arith.constant 0 : i32
      %add3A_290 = arith.addi %mul3A_288, %add3A_289 : i32
      %dma_wait3A_291 = arith.constant 0 : i32
      %dma_wait3A_292 = arith.constant 0 : i32
      %dma_wait3A_293 = arith.constant 0 : i32
      %dma_wait3A_294 = tpu.memref_slice %arg7[%dma_wait3A_291, %dma_wait3A_292, %dma_wait3A_293] : memref<2x10x128xi32, #tpu.memory_space<vmem>> -> memref<1x1x128xi32, #tpu.memory_space<vmem>>
      %dma_wait3A_295 = tpu.memref_squeeze %dma_wait3A_294 : memref<1x1x128xi32, #tpu.memory_space<vmem>> -> memref<128xi32, #tpu.memory_space<vmem>>
      %dma_wait3A_296 = arith.constant 0 : i32
      %dma_wait3A_297 = arith.constant 0 : i32
      %dma_wait3A_298 = tpu.memref_slice %arg2[%dma_wait3A_296, %dma_wait3A_297] : memref<10000x128xf32, #tpu.memory_space<hbm>> -> memref<10000x128xf32, #tpu.memory_space<hbm>>
      tpu.wait_indirect_dma semaphore(%arg11 : memref<!tpu.dma_semaphore, #tpu.memory_space<semaphore_mem>>) src(%dma_wait3A_298 : memref<10000x128xf32, #tpu.memory_space<hbm>>) dst(%arg8 : memref<128x128xf32, #tpu.memory_space<vmem>>)
      %run_scoped3A_299 = arith.constant 1 : i32
      %run_scoped3A_300 = arith.constant 0 : i32
      "tpu.region"() ({
        %run_scoped3A_519 = tpu.sem_alloc : memref<!tpu.dma_semaphore, #tpu.memory_space<semaphore_mem>>
        %dma_start3A_520 = arith.constant 0 : i32
        %dma_start3A_521 = tpu.memref_slice %arg7[%run_scoped3A_299, %run_scoped3A_300, %dma_start3A_520] : memref<2x10x128xi32, #tpu.memory_space<vmem>> -> memref<1x1x128xi32, #tpu.memory_space<vmem>>
        %dma_start3A_522 = tpu.memref_squeeze %dma_start3A_521 : memref<1x1x128xi32, #tpu.memory_space<vmem>> -> memref<128xi32, #tpu.memory_space<vmem>>
        %dma_start3A_523 = arith.constant 0 : i32
        %dma_start3A_524 = arith.constant 0 : i32
        %dma_start3A_525 = tpu.memref_slice %arg10[%dma_start3A_523, %dma_start3A_524] : memref<10128x128xf32, #tpu.memory_space<vmem_shared>> -> memref<10128x128xf32, #tpu.memory_space<vmem_shared>>
        tpu.enqueue_indirect_dma source(%arg8 : memref<128x128xf32, #tpu.memory_space<vmem>>) target(%dma_start3A_525 : memref<10128x128xf32, #tpu.memory_space<vmem_shared>>) offsets(%dma_start3A_522 : memref<128xi32, #tpu.memory_space<vmem>>) semaphore(%run_scoped3A_519 : memref<!tpu.dma_semaphore, #tpu.memory_space<semaphore_mem>>) {add = true}
        %dma_wait3A_526 = arith.constant 0 : i32
        %dma_wait3A_527 = tpu.memref_slice %arg7[%run_scoped3A_299, %run_scoped3A_300, %dma_wait3A_526] : memref<2x10x128xi32, #tpu.memory_space<vmem>> -> memref<1x1x128xi32, #tpu.memory_space<vmem>>
        %dma_wait3A_528 = tpu.memref_squeeze %dma_wait3A_527 : memref<1x1x128xi32, #tpu.memory_space<vmem>> -> memref<128xi32, #tpu.memory_space<vmem>>
        %dma_wait3A_529 = arith.constant 0 : i32
        %dma_wait3A_530 = arith.constant 0 : i32
        %dma_wait3A_531 = tpu.memref_slice %arg10[%dma_wait3A_529, %dma_wait3A_530] : memref<10128x128xf32, #tpu.memory_space<vmem_shared>> -> memref<10128x128xf32, #tpu.memory_space<vmem_shared>>
        tpu.wait_indirect_dma semaphore(%run_scoped3A_519 : memref<!tpu.dma_semaphore, #tpu.memory_space<semaphore_mem>>) src(%arg8 : memref<128x128xf32, #tpu.memory_space<vmem>>) dst(%dma_wait3A_531 : memref<10128x128xf32, #tpu.memory_space<vmem_shared>>)
        tpu.yield
      }) : () -> ()
      %dma_start3A_301 = arith.constant 0 : i32
      %dma_start3A_302 = arith.constant 2 : i32
      %dma_start3A_303 = arith.constant 0 : i32
      %dma_start3A_304 = tpu.memref_slice %arg7[%dma_start3A_301, %dma_start3A_302, %dma_start3A_303] : memref<2x10x128xi32, #tpu.memory_space<vmem>> -> memref<1x1x128xi32, #tpu.memory_space<vmem>>
      %dma_start3A_305 = tpu.memref_squeeze %dma_start3A_304 : memref<1x1x128xi32, #tpu.memory_space<vmem>> -> memref<128xi32, #tpu.memory_space<vmem>>
      %dma_start3A_306 = arith.constant 0 : i32
      %dma_start3A_307 = arith.constant 0 : i32
      %dma_start3A_308 = tpu.memref_slice %arg2[%dma_start3A_306, %dma_start3A_307] : memref<10000x128xf32, #tpu.memory_space<hbm>> -> memref<10000x128xf32, #tpu.memory_space<hbm>>
      tpu.enqueue_indirect_dma source(%dma_start3A_308 : memref<10000x128xf32, #tpu.memory_space<hbm>>) target(%arg8 : memref<128x128xf32, #tpu.memory_space<vmem>>) offsets(%dma_start3A_305 : memref<128xi32, #tpu.memory_space<vmem>>) semaphore(%arg11 : memref<!tpu.dma_semaphore, #tpu.memory_space<semaphore_mem>>)
      %mul3A_309 = arith.constant 10 : i32
      %mul3A_310 = arith.muli %add3A_286, %mul3A_309 : i32
      %add3A_311 = arith.constant 1 : i32
      %add3A_312 = arith.addi %mul3A_310, %add3A_311 : i32
      %dma_wait3A_313 = arith.constant 0 : i32
      %dma_wait3A_314 = arith.constant 1 : i32
      %dma_wait3A_315 = arith.constant 0 : i32
      %dma_wait3A_316 = tpu.memref_slice %arg7[%dma_wait3A_313, %dma_wait3A_314, %dma_wait3A_315] : memref<2x10x128xi32, #tpu.memory_space<vmem>> -> memref<1x1x128xi32, #tpu.memory_space<vmem>>
      %dma_wait3A_317 = tpu.memref_squeeze %dma_wait3A_316 : memref<1x1x128xi32, #tpu.memory_space<vmem>> -> memref<128xi32, #tpu.memory_space<vmem>>
      %dma_wait3A_318 = arith.constant 0 : i32
      %dma_wait3A_319 = arith.constant 0 : i32
      %dma_wait3A_320 = tpu.memref_slice %arg2[%dma_wait3A_318, %dma_wait3A_319] : memref<10000x128xf32, #tpu.memory_space<hbm>> -> memref<10000x128xf32, #tpu.memory_space<hbm>>
      tpu.wait_indirect_dma semaphore(%arg12 : memref<!tpu.dma_semaphore, #tpu.memory_space<semaphore_mem>>) src(%dma_wait3A_320 : memref<10000x128xf32, #tpu.memory_space<hbm>>) dst(%arg9 : memref<128x128xf32, #tpu.memory_space<vmem>>)
      %run_scoped3A_321 = arith.constant 1 : i32
      %run_scoped3A_322 = arith.constant 1 : i32
      "tpu.region"() ({
        %run_scoped3A_519 = tpu.sem_alloc : memref<!tpu.dma_semaphore, #tpu.memory_space<semaphore_mem>>
        %dma_start3A_520 = arith.constant 0 : i32
        %dma_start3A_521 = tpu.memref_slice %arg7[%run_scoped3A_321, %run_scoped3A_322, %dma_start3A_520] : memref<2x10x128xi32, #tpu.memory_space<vmem>> -> memref<1x1x128xi32, #tpu.memory_space<vmem>>
        %dma_start3A_522 = tpu.memref_squeeze %dma_start3A_521 : memref<1x1x128xi32, #tpu.memory_space<vmem>> -> memref<128xi32, #tpu.memory_space<vmem>>
        %dma_start3A_523 = arith.constant 0 : i32
        %dma_start3A_524 = arith.constant 0 : i32
        %dma_start3A_525 = tpu.memref_slice %arg10[%dma_start3A_523, %dma_start3A_524] : memref<10128x128xf32, #tpu.memory_space<vmem_shared>> -> memref<10128x128xf32, #tpu.memory_space<vmem_shared>>
        tpu.enqueue_indirect_dma source(%arg9 : memref<128x128xf32, #tpu.memory_space<vmem>>) target(%dma_start3A_525 : memref<10128x128xf32, #tpu.memory_space<vmem_shared>>) offsets(%dma_start3A_522 : memref<128xi32, #tpu.memory_space<vmem>>) semaphore(%run_scoped3A_519 : memref<!tpu.dma_semaphore, #tpu.memory_space<semaphore_mem>>) {add = true}
        %dma_wait3A_526 = arith.constant 0 : i32
        %dma_wait3A_527 = tpu.memref_slice %arg7[%run_scoped3A_321, %run_scoped3A_322, %dma_wait3A_526] : memref<2x10x128xi32, #tpu.memory_space<vmem>> -> memref<1x1x128xi32, #tpu.memory_space<vmem>>
        %dma_wait3A_528 = tpu.memref_squeeze %dma_wait3A_527 : memref<1x1x128xi32, #tpu.memory_space<vmem>> -> memref<128xi32, #tpu.memory_space<vmem>>
        %dma_wait3A_529 = arith.constant 0 : i32
        %dma_wait3A_530 = arith.constant 0 : i32
        %dma_wait3A_531 = tpu.memref_slice %arg10[%dma_wait3A_529, %dma_wait3A_530] : memref<10128x128xf32, #tpu.memory_space<vmem_shared>> -> memref<10128x128xf32, #tpu.memory_space<vmem_shared>>
        tpu.wait_indirect_dma semaphore(%run_scoped3A_519 : memref<!tpu.dma_semaphore, #tpu.memory_space<semaphore_mem>>) src(%arg9 : memref<128x128xf32, #tpu.memory_space<vmem>>) dst(%dma_wait3A_531 : memref<10128x128xf32, #tpu.memory_space<vmem_shared>>)
        tpu.yield
      }) : () -> ()
      %dma_start3A_323 = arith.constant 0 : i32
      %dma_start3A_324 = arith.constant 3 : i32
      %dma_start3A_325 = arith.constant 0 : i32
      %dma_start3A_326 = tpu.memref_slice %arg7[%dma_start3A_323, %dma_start3A_324, %dma_start3A_325] : memref<2x10x128xi32, #tpu.memory_space<vmem>> -> memref<1x1x128xi32, #tpu.memory_space<vmem>>
      %dma_start3A_327 = tpu.memref_squeeze %dma_start3A_326 : memref<1x1x128xi32, #tpu.memory_space<vmem>> -> memref<128xi32, #tpu.memory_space<vmem>>
      %dma_start3A_328 = arith.constant 0 : i32
      %dma_start3A_329 = arith.constant 0 : i32
      %dma_start3A_330 = tpu.memref_slice %arg2[%dma_start3A_328, %dma_start3A_329] : memref<10000x128xf32, #tpu.memory_space<hbm>> -> memref<10000x128xf32, #tpu.memory_space<hbm>>
      tpu.enqueue_indirect_dma source(%dma_start3A_330 : memref<10000x128xf32, #tpu.memory_space<hbm>>) target(%arg9 : memref<128x128xf32, #tpu.memory_space<vmem>>) offsets(%dma_start3A_327 : memref<128xi32, #tpu.memory_space<vmem>>) semaphore(%arg12 : memref<!tpu.dma_semaphore, #tpu.memory_space<semaphore_mem>>)
      %mul3A_331 = arith.constant 10 : i32
      %mul3A_332 = arith.muli %add3A_286, %mul3A_331 : i32
      %add3A_333 = arith.constant 2 : i32
      %add3A_334 = arith.addi %mul3A_332, %add3A_333 : i32
      %dma_wait3A_335 = arith.constant 0 : i32
      %dma_wait3A_336 = arith.constant 2 : i32
      %dma_wait3A_337 = arith.constant 0 : i32
      %dma_wait3A_338 = tpu.memref_slice %arg7[%dma_wait3A_335, %dma_wait3A_336, %dma_wait3A_337] : memref<2x10x128xi32, #tpu.memory_space<vmem>> -> memref<1x1x128xi32, #tpu.memory_space<vmem>>
      %dma_wait3A_339 = tpu.memref_squeeze %dma_wait3A_338 : memref<1x1x128xi32, #tpu.memory_space<vmem>> -> memref<128xi32, #tpu.memory_space<vmem>>
      %dma_wait3A_340 = arith.constant 0 : i32
      %dma_wait3A_341 = arith.constant 0 : i32
      %dma_wait3A_342 = tpu.memref_slice %arg2[%dma_wait3A_340, %dma_wait3A_341] : memref<10000x128xf32, #tpu.memory_space<hbm>> -> memref<10000x128xf32, #tpu.memory_space<hbm>>
      tpu.wait_indirect_dma semaphore(%arg11 : memref<!tpu.dma_semaphore, #tpu.memory_space<semaphore_mem>>) src(%dma_wait3A_342 : memref<10000x128xf32, #tpu.memory_space<hbm>>) dst(%arg8 : memref<128x128xf32, #tpu.memory_space<vmem>>)
      %run_scoped3A_343 = arith.constant 1 : i32
      %run_scoped3A_344 = arith.constant 2 : i32
      "tpu.region"() ({
        %run_scoped3A_519 = tpu.sem_alloc : memref<!tpu.dma_semaphore, #tpu.memory_space<semaphore_mem>>
        %dma_start3A_520 = arith.constant 0 : i32
        %dma_start3A_521 = tpu.memref_slice %arg7[%run_scoped3A_343, %run_scoped3A_344, %dma_start3A_520] : memref<2x10x128xi32, #tpu.memory_space<vmem>> -> memref<1x1x128xi32, #tpu.memory_space<vmem>>
        %dma_start3A_522 = tpu.memref_squeeze %dma_start3A_521 : memref<1x1x128xi32, #tpu.memory_space<vmem>> -> memref<128xi32, #tpu.memory_space<vmem>>
        %dma_start3A_523 = arith.constant 0 : i32
        %dma_start3A_524 = arith.constant 0 : i32
        %dma_start3A_525 = tpu.memref_slice %arg10[%dma_start3A_523, %dma_start3A_524] : memref<10128x128xf32, #tpu.memory_space<vmem_shared>> -> memref<10128x128xf32, #tpu.memory_space<vmem_shared>>
        tpu.enqueue_indirect_dma source(%arg8 : memref<128x128xf32, #tpu.memory_space<vmem>>) target(%dma_start3A_525 : memref<10128x128xf32, #tpu.memory_space<vmem_shared>>) offsets(%dma_start3A_522 : memref<128xi32, #tpu.memory_space<vmem>>) semaphore(%run_scoped3A_519 : memref<!tpu.dma_semaphore, #tpu.memory_space<semaphore_mem>>) {add = true}
        %dma_wait3A_526 = arith.constant 0 : i32
        %dma_wait3A_527 = tpu.memref_slice %arg7[%run_scoped3A_343, %run_scoped3A_344, %dma_wait3A_526] : memref<2x10x128xi32, #tpu.memory_space<vmem>> -> memref<1x1x128xi32, #tpu.memory_space<vmem>>
        %dma_wait3A_528 = tpu.memref_squeeze %dma_wait3A_527 : memref<1x1x128xi32, #tpu.memory_space<vmem>> -> memref<128xi32, #tpu.memory_space<vmem>>
        %dma_wait3A_529 = arith.constant 0 : i32
        %dma_wait3A_530 = arith.constant 0 : i32
        %dma_wait3A_531 = tpu.memref_slice %arg10[%dma_wait3A_529, %dma_wait3A_530] : memref<10128x128xf32, #tpu.memory_space<vmem_shared>> -> memref<10128x128xf32, #tpu.memory_space<vmem_shared>>
        tpu.wait_indirect_dma semaphore(%run_scoped3A_519 : memref<!tpu.dma_semaphore, #tpu.memory_space<semaphore_mem>>) src(%arg8 : memref<128x128xf32, #tpu.memory_space<vmem>>) dst(%dma_wait3A_531 : memref<10128x128xf32, #tpu.memory_space<vmem_shared>>)
        tpu.yield
      }) : () -> ()
      %dma_start3A_345 = arith.constant 0 : i32
      %dma_start3A_346 = arith.constant 4 : i32
      %dma_start3A_347 = arith.constant 0 : i32
      %dma_start3A_348 = tpu.memref_slice %arg7[%dma_start3A_345, %dma_start3A_346, %dma_start3A_347] : memref<2x10x128xi32, #tpu.memory_space<vmem>> -> memref<1x1x128xi32, #tpu.memory_space<vmem>>
      %dma_start3A_349 = tpu.memref_squeeze %dma_start3A_348 : memref<1x1x128xi32, #tpu.memory_space<vmem>> -> memref<128xi32, #tpu.memory_space<vmem>>
      %dma_start3A_350 = arith.constant 0 : i32
      %dma_start3A_351 = arith.constant 0 : i32
      %dma_start3A_352 = tpu.memref_slice %arg2[%dma_start3A_350, %dma_start3A_351] : memref<10000x128xf32, #tpu.memory_space<hbm>> -> memref<10000x128xf32, #tpu.memory_space<hbm>>
      tpu.enqueue_indirect_dma source(%dma_start3A_352 : memref<10000x128xf32, #tpu.memory_space<hbm>>) target(%arg8 : memref<128x128xf32, #tpu.memory_space<vmem>>) offsets(%dma_start3A_349 : memref<128xi32, #tpu.memory_space<vmem>>) semaphore(%arg11 : memref<!tpu.dma_semaphore, #tpu.memory_space<semaphore_mem>>)
      %mul3A_353 = arith.constant 10 : i32
      %mul3A_354 = arith.muli %add3A_286, %mul3A_353 : i32
      %add3A_355 = arith.constant 3 : i32
      %add3A_356 = arith.addi %mul3A_354, %add3A_355 : i32
      %dma_wait3A_357 = arith.constant 0 : i32
      %dma_wait3A_358 = arith.constant 3 : i32
      %dma_wait3A_359 = arith.constant 0 : i32
      %dma_wait3A_360 = tpu.memref_slice %arg7[%dma_wait3A_357, %dma_wait3A_358, %dma_wait3A_359] : memref<2x10x128xi32, #tpu.memory_space<vmem>> -> memref<1x1x128xi32, #tpu.memory_space<vmem>>
      %dma_wait3A_361 = tpu.memref_squeeze %dma_wait3A_360 : memref<1x1x128xi32, #tpu.memory_space<vmem>> -> memref<128xi32, #tpu.memory_space<vmem>>
      %dma_wait3A_362 = arith.constant 0 : i32
      %dma_wait3A_363 = arith.constant 0 : i32
      %dma_wait3A_364 = tpu.memref_slice %arg2[%dma_wait3A_362, %dma_wait3A_363] : memref<10000x128xf32, #tpu.memory_space<hbm>> -> memref<10000x128xf32, #tpu.memory_space<hbm>>
      tpu.wait_indirect_dma semaphore(%arg12 : memref<!tpu.dma_semaphore, #tpu.memory_space<semaphore_mem>>) src(%dma_wait3A_364 : memref<10000x128xf32, #tpu.memory_space<hbm>>) dst(%arg9 : memref<128x128xf32, #tpu.memory_space<vmem>>)
      %run_scoped3A_365 = arith.constant 1 : i32
      %run_scoped3A_366 = arith.constant 3 : i32
      "tpu.region"() ({
        %run_scoped3A_519 = tpu.sem_alloc : memref<!tpu.dma_semaphore, #tpu.memory_space<semaphore_mem>>
        %dma_start3A_520 = arith.constant 0 : i32
        %dma_start3A_521 = tpu.memref_slice %arg7[%run_scoped3A_365, %run_scoped3A_366, %dma_start3A_520] : memref<2x10x128xi32, #tpu.memory_space<vmem>> -> memref<1x1x128xi32, #tpu.memory_space<vmem>>
        %dma_start3A_522 = tpu.memref_squeeze %dma_start3A_521 : memref<1x1x128xi32, #tpu.memory_space<vmem>> -> memref<128xi32, #tpu.memory_space<vmem>>
        %dma_start3A_523 = arith.constant 0 : i32
        %dma_start3A_524 = arith.constant 0 : i32
        %dma_start3A_525 = tpu.memref_slice %arg10[%dma_start3A_523, %dma_start3A_524] : memref<10128x128xf32, #tpu.memory_space<vmem_shared>> -> memref<10128x128xf32, #tpu.memory_space<vmem_shared>>
        tpu.enqueue_indirect_dma source(%arg9 : memref<128x128xf32, #tpu.memory_space<vmem>>) target(%dma_start3A_525 : memref<10128x128xf32, #tpu.memory_space<vmem_shared>>) offsets(%dma_start3A_522 : memref<128xi32, #tpu.memory_space<vmem>>) semaphore(%run_scoped3A_519 : memref<!tpu.dma_semaphore, #tpu.memory_space<semaphore_mem>>) {add = true}
        %dma_wait3A_526 = arith.constant 0 : i32
        %dma_wait3A_527 = tpu.memref_slice %arg7[%run_scoped3A_365, %run_scoped3A_366, %dma_wait3A_526] : memref<2x10x128xi32, #tpu.memory_space<vmem>> -> memref<1x1x128xi32, #tpu.memory_space<vmem>>
        %dma_wait3A_528 = tpu.memref_squeeze %dma_wait3A_527 : memref<1x1x128xi32, #tpu.memory_space<vmem>> -> memref<128xi32, #tpu.memory_space<vmem>>
        %dma_wait3A_529 = arith.constant 0 : i32
        %dma_wait3A_530 = arith.constant 0 : i32
        %dma_wait3A_531 = tpu.memref_slice %arg10[%dma_wait3A_529, %dma_wait3A_530] : memref<10128x128xf32, #tpu.memory_space<vmem_shared>> -> memref<10128x128xf32, #tpu.memory_space<vmem_shared>>
        tpu.wait_indirect_dma semaphore(%run_scoped3A_519 : memref<!tpu.dma_semaphore, #tpu.memory_space<semaphore_mem>>) src(%arg9 : memref<128x128xf32, #tpu.memory_space<vmem>>) dst(%dma_wait3A_531 : memref<10128x128xf32, #tpu.memory_space<vmem_shared>>)
        tpu.yield
      }) : () -> ()
      %dma_start3A_367 = arith.constant 0 : i32
      %dma_start3A_368 = arith.constant 5 : i32
      %dma_start3A_369 = arith.constant 0 : i32
      %dma_start3A_370 = tpu.memref_slice %arg7[%dma_start3A_367, %dma_start3A_368, %dma_start3A_369] : memref<2x10x128xi32, #tpu.memory_space<vmem>> -> memref<1x1x128xi32, #tpu.memory_space<vmem>>
      %dma_start3A_371 = tpu.memref_squeeze %dma_start3A_370 : memref<1x1x128xi32, #tpu.memory_space<vmem>> -> memref<128xi32, #tpu.memory_space<vmem>>
      %dma_start3A_372 = arith.constant 0 : i32
      %dma_start3A_373 = arith.constant 0 : i32
      %dma_start3A_374 = tpu.memref_slice %arg2[%dma_start3A_372, %dma_start3A_373] : memref<10000x128xf32, #tpu.memory_space<hbm>> -> memref<10000x128xf32, #tpu.memory_space<hbm>>
      tpu.enqueue_indirect_dma source(%dma_start3A_374 : memref<10000x128xf32, #tpu.memory_space<hbm>>) target(%arg9 : memref<128x128xf32, #tpu.memory_space<vmem>>) offsets(%dma_start3A_371 : memref<128xi32, #tpu.memory_space<vmem>>) semaphore(%arg12 : memref<!tpu.dma_semaphore, #tpu.memory_space<semaphore_mem>>)
      %mul3A_375 = arith.constant 10 : i32
      %mul3A_376 = arith.muli %add3A_286, %mul3A_375 : i32
      %add3A_377 = arith.constant 4 : i32
      %add3A_378 = arith.addi %mul3A_376, %add3A_377 : i32
      %dma_wait3A_379 = arith.constant 0 : i32
      %dma_wait3A_380 = arith.constant 4 : i32
      %dma_wait3A_381 = arith.constant 0 : i32
      %dma_wait3A_382 = tpu.memref_slice %arg7[%dma_wait3A_379, %dma_wait3A_380, %dma_wait3A_381] : memref<2x10x128xi32, #tpu.memory_space<vmem>> -> memref<1x1x128xi32, #tpu.memory_space<vmem>>
      %dma_wait3A_383 = tpu.memref_squeeze %dma_wait3A_382 : memref<1x1x128xi32, #tpu.memory_space<vmem>> -> memref<128xi32, #tpu.memory_space<vmem>>
      %dma_wait3A_384 = arith.constant 0 : i32
      %dma_wait3A_385 = arith.constant 0 : i32
      %dma_wait3A_386 = tpu.memref_slice %arg2[%dma_wait3A_384, %dma_wait3A_385] : memref<10000x128xf32, #tpu.memory_space<hbm>> -> memref<10000x128xf32, #tpu.memory_space<hbm>>
      tpu.wait_indirect_dma semaphore(%arg11 : memref<!tpu.dma_semaphore, #tpu.memory_space<semaphore_mem>>) src(%dma_wait3A_386 : memref<10000x128xf32, #tpu.memory_space<hbm>>) dst(%arg8 : memref<128x128xf32, #tpu.memory_space<vmem>>)
      %run_scoped3A_387 = arith.constant 1 : i32
      %run_scoped3A_388 = arith.constant 4 : i32
      "tpu.region"() ({
        %run_scoped3A_519 = tpu.sem_alloc : memref<!tpu.dma_semaphore, #tpu.memory_space<semaphore_mem>>
        %dma_start3A_520 = arith.constant 0 : i32
        %dma_start3A_521 = tpu.memref_slice %arg7[%run_scoped3A_387, %run_scoped3A_388, %dma_start3A_520] : memref<2x10x128xi32, #tpu.memory_space<vmem>> -> memref<1x1x128xi32, #tpu.memory_space<vmem>>
        %dma_start3A_522 = tpu.memref_squeeze %dma_start3A_521 : memref<1x1x128xi32, #tpu.memory_space<vmem>> -> memref<128xi32, #tpu.memory_space<vmem>>
        %dma_start3A_523 = arith.constant 0 : i32
        %dma_start3A_524 = arith.constant 0 : i32
        %dma_start3A_525 = tpu.memref_slice %arg10[%dma_start3A_523, %dma_start3A_524] : memref<10128x128xf32, #tpu.memory_space<vmem_shared>> -> memref<10128x128xf32, #tpu.memory_space<vmem_shared>>
        tpu.enqueue_indirect_dma source(%arg8 : memref<128x128xf32, #tpu.memory_space<vmem>>) target(%dma_start3A_525 : memref<10128x128xf32, #tpu.memory_space<vmem_shared>>) offsets(%dma_start3A_522 : memref<128xi32, #tpu.memory_space<vmem>>) semaphore(%run_scoped3A_519 : memref<!tpu.dma_semaphore, #tpu.memory_space<semaphore_mem>>) {add = true}
        %dma_wait3A_526 = arith.constant 0 : i32
        %dma_wait3A_527 = tpu.memref_slice %arg7[%run_scoped3A_387, %run_scoped3A_388, %dma_wait3A_526] : memref<2x10x128xi32, #tpu.memory_space<vmem>> -> memref<1x1x128xi32, #tpu.memory_space<vmem>>
        %dma_wait3A_528 = tpu.memref_squeeze %dma_wait3A_527 : memref<1x1x128xi32, #tpu.memory_space<vmem>> -> memref<128xi32, #tpu.memory_space<vmem>>
        %dma_wait3A_529 = arith.constant 0 : i32
        %dma_wait3A_530 = arith.constant 0 : i32
        %dma_wait3A_531 = tpu.memref_slice %arg10[%dma_wait3A_529, %dma_wait3A_530] : memref<10128x128xf32, #tpu.memory_space<vmem_shared>> -> memref<10128x128xf32, #tpu.memory_space<vmem_shared>>
        tpu.wait_indirect_dma semaphore(%run_scoped3A_519 : memref<!tpu.dma_semaphore, #tpu.memory_space<semaphore_mem>>) src(%arg8 : memref<128x128xf32, #tpu.memory_space<vmem>>) dst(%dma_wait3A_531 : memref<10128x128xf32, #tpu.memory_space<vmem_shared>>)
        tpu.yield
      }) : () -> ()
      %dma_start3A_389 = arith.constant 0 : i32
      %dma_start3A_390 = arith.constant 6 : i32
      %dma_start3A_391 = arith.constant 0 : i32
      %dma_start3A_392 = tpu.memref_slice %arg7[%dma_start3A_389, %dma_start3A_390, %dma_start3A_391] : memref<2x10x128xi32, #tpu.memory_space<vmem>> -> memref<1x1x128xi32, #tpu.memory_space<vmem>>
      %dma_start3A_393 = tpu.memref_squeeze %dma_start3A_392 : memref<1x1x128xi32, #tpu.memory_space<vmem>> -> memref<128xi32, #tpu.memory_space<vmem>>
      %dma_start3A_394 = arith.constant 0 : i32
      %dma_start3A_395 = arith.constant 0 : i32
      %dma_start3A_396 = tpu.memref_slice %arg2[%dma_start3A_394, %dma_start3A_395] : memref<10000x128xf32, #tpu.memory_space<hbm>> -> memref<10000x128xf32, #tpu.memory_space<hbm>>
      tpu.enqueue_indirect_dma source(%dma_start3A_396 : memref<10000x128xf32, #tpu.memory_space<hbm>>) target(%arg8 : memref<128x128xf32, #tpu.memory_space<vmem>>) offsets(%dma_start3A_393 : memref<128xi32, #tpu.memory_space<vmem>>) semaphore(%arg11 : memref<!tpu.dma_semaphore, #tpu.memory_space<semaphore_mem>>)
      %mul3A_397 = arith.constant 10 : i32
      %mul3A_398 = arith.muli %add3A_286, %mul3A_397 : i32
      %add3A_399 = arith.constant 5 : i32
      %add3A_400 = arith.addi %mul3A_398, %add3A_399 : i32
      %dma_wait3A_401 = arith.constant 0 : i32
      %dma_wait3A_402 = arith.constant 5 : i32
      %dma_wait3A_403 = arith.constant 0 : i32
      %dma_wait3A_404 = tpu.memref_slice %arg7[%dma_wait3A_401, %dma_wait3A_402, %dma_wait3A_403] : memref<2x10x128xi32, #tpu.memory_space<vmem>> -> memref<1x1x128xi32, #tpu.memory_space<vmem>>
      %dma_wait3A_405 = tpu.memref_squeeze %dma_wait3A_404 : memref<1x1x128xi32, #tpu.memory_space<vmem>> -> memref<128xi32, #tpu.memory_space<vmem>>
      %dma_wait3A_406 = arith.constant 0 : i32
      %dma_wait3A_407 = arith.constant 0 : i32
      %dma_wait3A_408 = tpu.memref_slice %arg2[%dma_wait3A_406, %dma_wait3A_407] : memref<10000x128xf32, #tpu.memory_space<hbm>> -> memref<10000x128xf32, #tpu.memory_space<hbm>>
      tpu.wait_indirect_dma semaphore(%arg12 : memref<!tpu.dma_semaphore, #tpu.memory_space<semaphore_mem>>) src(%dma_wait3A_408 : memref<10000x128xf32, #tpu.memory_space<hbm>>) dst(%arg9 : memref<128x128xf32, #tpu.memory_space<vmem>>)
      %run_scoped3A_409 = arith.constant 1 : i32
      %run_scoped3A_410 = arith.constant 5 : i32
      "tpu.region"() ({
        %run_scoped3A_519 = tpu.sem_alloc : memref<!tpu.dma_semaphore, #tpu.memory_space<semaphore_mem>>
        %dma_start3A_520 = arith.constant 0 : i32
        %dma_start3A_521 = tpu.memref_slice %arg7[%run_scoped3A_409, %run_scoped3A_410, %dma_start3A_520] : memref<2x10x128xi32, #tpu.memory_space<vmem>> -> memref<1x1x128xi32, #tpu.memory_space<vmem>>
        %dma_start3A_522 = tpu.memref_squeeze %dma_start3A_521 : memref<1x1x128xi32, #tpu.memory_space<vmem>> -> memref<128xi32, #tpu.memory_space<vmem>>
        %dma_start3A_523 = arith.constant 0 : i32
        %dma_start3A_524 = arith.constant 0 : i32
        %dma_start3A_525 = tpu.memref_slice %arg10[%dma_start3A_523, %dma_start3A_524] : memref<10128x128xf32, #tpu.memory_space<vmem_shared>> -> memref<10128x128xf32, #tpu.memory_space<vmem_shared>>
        tpu.enqueue_indirect_dma source(%arg9 : memref<128x128xf32, #tpu.memory_space<vmem>>) target(%dma_start3A_525 : memref<10128x128xf32, #tpu.memory_space<vmem_shared>>) offsets(%dma_start3A_522 : memref<128xi32, #tpu.memory_space<vmem>>) semaphore(%run_scoped3A_519 : memref<!tpu.dma_semaphore, #tpu.memory_space<semaphore_mem>>) {add = true}
        %dma_wait3A_526 = arith.constant 0 : i32
        %dma_wait3A_527 = tpu.memref_slice %arg7[%run_scoped3A_409, %run_scoped3A_410, %dma_wait3A_526] : memref<2x10x128xi32, #tpu.memory_space<vmem>> -> memref<1x1x128xi32, #tpu.memory_space<vmem>>
        %dma_wait3A_528 = tpu.memref_squeeze %dma_wait3A_527 : memref<1x1x128xi32, #tpu.memory_space<vmem>> -> memref<128xi32, #tpu.memory_space<vmem>>
        %dma_wait3A_529 = arith.constant 0 : i32
        %dma_wait3A_530 = arith.constant 0 : i32
        %dma_wait3A_531 = tpu.memref_slice %arg10[%dma_wait3A_529, %dma_wait3A_530] : memref<10128x128xf32, #tpu.memory_space<vmem_shared>> -> memref<10128x128xf32, #tpu.memory_space<vmem_shared>>
        tpu.wait_indirect_dma semaphore(%run_scoped3A_519 : memref<!tpu.dma_semaphore, #tpu.memory_space<semaphore_mem>>) src(%arg9 : memref<128x128xf32, #tpu.memory_space<vmem>>) dst(%dma_wait3A_531 : memref<10128x128xf32, #tpu.memory_space<vmem_shared>>)
        tpu.yield
      }) : () -> ()
      %dma_start3A_411 = arith.constant 0 : i32
      %dma_start3A_412 = arith.constant 7 : i32
      %dma_start3A_413 = arith.constant 0 : i32
      %dma_start3A_414 = tpu.memref_slice %arg7[%dma_start3A_411, %dma_start3A_412, %dma_start3A_413] : memref<2x10x128xi32, #tpu.memory_space<vmem>> -> memref<1x1x128xi32, #tpu.memory_space<vmem>>
      %dma_start3A_415 = tpu.memref_squeeze %dma_start3A_414 : memref<1x1x128xi32, #tpu.memory_space<vmem>> -> memref<128xi32, #tpu.memory_space<vmem>>
      %dma_start3A_416 = arith.constant 0 : i32
      %dma_start3A_417 = arith.constant 0 : i32
      %dma_start3A_418 = tpu.memref_slice %arg2[%dma_start3A_416, %dma_start3A_417] : memref<10000x128xf32, #tpu.memory_space<hbm>> -> memref<10000x128xf32, #tpu.memory_space<hbm>>
      tpu.enqueue_indirect_dma source(%dma_start3A_418 : memref<10000x128xf32, #tpu.memory_space<hbm>>) target(%arg9 : memref<128x128xf32, #tpu.memory_space<vmem>>) offsets(%dma_start3A_415 : memref<128xi32, #tpu.memory_space<vmem>>) semaphore(%arg12 : memref<!tpu.dma_semaphore, #tpu.memory_space<semaphore_mem>>)
      %mul3A_419 = arith.constant 10 : i32
      %mul3A_420 = arith.muli %add3A_286, %mul3A_419 : i32
      %add3A_421 = arith.constant 6 : i32
      %add3A_422 = arith.addi %mul3A_420, %add3A_421 : i32
      %dma_wait3A_423 = arith.constant 0 : i32
      %dma_wait3A_424 = arith.constant 6 : i32
      %dma_wait3A_425 = arith.constant 0 : i32
      %dma_wait3A_426 = tpu.memref_slice %arg7[%dma_wait3A_423, %dma_wait3A_424, %dma_wait3A_425] : memref<2x10x128xi32, #tpu.memory_space<vmem>> -> memref<1x1x128xi32, #tpu.memory_space<vmem>>
      %dma_wait3A_427 = tpu.memref_squeeze %dma_wait3A_426 : memref<1x1x128xi32, #tpu.memory_space<vmem>> -> memref<128xi32, #tpu.memory_space<vmem>>
      %dma_wait3A_428 = arith.constant 0 : i32
      %dma_wait3A_429 = arith.constant 0 : i32
      %dma_wait3A_430 = tpu.memref_slice %arg2[%dma_wait3A_428, %dma_wait3A_429] : memref<10000x128xf32, #tpu.memory_space<hbm>> -> memref<10000x128xf32, #tpu.memory_space<hbm>>
      tpu.wait_indirect_dma semaphore(%arg11 : memref<!tpu.dma_semaphore, #tpu.memory_space<semaphore_mem>>) src(%dma_wait3A_430 : memref<10000x128xf32, #tpu.memory_space<hbm>>) dst(%arg8 : memref<128x128xf32, #tpu.memory_space<vmem>>)
      %run_scoped3A_431 = arith.constant 1 : i32
      %run_scoped3A_432 = arith.constant 6 : i32
      "tpu.region"() ({
        %run_scoped3A_519 = tpu.sem_alloc : memref<!tpu.dma_semaphore, #tpu.memory_space<semaphore_mem>>
        %dma_start3A_520 = arith.constant 0 : i32
        %dma_start3A_521 = tpu.memref_slice %arg7[%run_scoped3A_431, %run_scoped3A_432, %dma_start3A_520] : memref<2x10x128xi32, #tpu.memory_space<vmem>> -> memref<1x1x128xi32, #tpu.memory_space<vmem>>
        %dma_start3A_522 = tpu.memref_squeeze %dma_start3A_521 : memref<1x1x128xi32, #tpu.memory_space<vmem>> -> memref<128xi32, #tpu.memory_space<vmem>>
        %dma_start3A_523 = arith.constant 0 : i32
        %dma_start3A_524 = arith.constant 0 : i32
        %dma_start3A_525 = tpu.memref_slice %arg10[%dma_start3A_523, %dma_start3A_524] : memref<10128x128xf32, #tpu.memory_space<vmem_shared>> -> memref<10128x128xf32, #tpu.memory_space<vmem_shared>>
        tpu.enqueue_indirect_dma source(%arg8 : memref<128x128xf32, #tpu.memory_space<vmem>>) target(%dma_start3A_525 : memref<10128x128xf32, #tpu.memory_space<vmem_shared>>) offsets(%dma_start3A_522 : memref<128xi32, #tpu.memory_space<vmem>>) semaphore(%run_scoped3A_519 : memref<!tpu.dma_semaphore, #tpu.memory_space<semaphore_mem>>) {add = true}
        %dma_wait3A_526 = arith.constant 0 : i32
        %dma_wait3A_527 = tpu.memref_slice %arg7[%run_scoped3A_431, %run_scoped3A_432, %dma_wait3A_526] : memref<2x10x128xi32, #tpu.memory_space<vmem>> -> memref<1x1x128xi32, #tpu.memory_space<vmem>>
        %dma_wait3A_528 = tpu.memref_squeeze %dma_wait3A_527 : memref<1x1x128xi32, #tpu.memory_space<vmem>> -> memref<128xi32, #tpu.memory_space<vmem>>
        %dma_wait3A_529 = arith.constant 0 : i32
        %dma_wait3A_530 = arith.constant 0 : i32
        %dma_wait3A_531 = tpu.memref_slice %arg10[%dma_wait3A_529, %dma_wait3A_530] : memref<10128x128xf32, #tpu.memory_space<vmem_shared>> -> memref<10128x128xf32, #tpu.memory_space<vmem_shared>>
        tpu.wait_indirect_dma semaphore(%run_scoped3A_519 : memref<!tpu.dma_semaphore, #tpu.memory_space<semaphore_mem>>) src(%arg8 : memref<128x128xf32, #tpu.memory_space<vmem>>) dst(%dma_wait3A_531 : memref<10128x128xf32, #tpu.memory_space<vmem_shared>>)
        tpu.yield
      }) : () -> ()
      %dma_start3A_433 = arith.constant 0 : i32
      %dma_start3A_434 = arith.constant 8 : i32
      %dma_start3A_435 = arith.constant 0 : i32
      %dma_start3A_436 = tpu.memref_slice %arg7[%dma_start3A_433, %dma_start3A_434, %dma_start3A_435] : memref<2x10x128xi32, #tpu.memory_space<vmem>> -> memref<1x1x128xi32, #tpu.memory_space<vmem>>
      %dma_start3A_437 = tpu.memref_squeeze %dma_start3A_436 : memref<1x1x128xi32, #tpu.memory_space<vmem>> -> memref<128xi32, #tpu.memory_space<vmem>>
      %dma_start3A_438 = arith.constant 0 : i32
      %dma_start3A_439 = arith.constant 0 : i32
      %dma_start3A_440 = tpu.memref_slice %arg2[%dma_start3A_438, %dma_start3A_439] : memref<10000x128xf32, #tpu.memory_space<hbm>> -> memref<10000x128xf32, #tpu.memory_space<hbm>>
      tpu.enqueue_indirect_dma source(%dma_start3A_440 : memref<10000x128xf32, #tpu.memory_space<hbm>>) target(%arg8 : memref<128x128xf32, #tpu.memory_space<vmem>>) offsets(%dma_start3A_437 : memref<128xi32, #tpu.memory_space<vmem>>) semaphore(%arg11 : memref<!tpu.dma_semaphore, #tpu.memory_space<semaphore_mem>>)
      %mul3A_441 = arith.constant 10 : i32
      %mul3A_442 = arith.muli %add3A_286, %mul3A_441 : i32
      %add3A_443 = arith.constant 7 : i32
      %add3A_444 = arith.addi %mul3A_442, %add3A_443 : i32
      %dma_wait3A_445 = arith.constant 0 : i32
      %dma_wait3A_446 = arith.constant 7 : i32
      %dma_wait3A_447 = arith.constant 0 : i32
      %dma_wait3A_448 = tpu.memref_slice %arg7[%dma_wait3A_445, %dma_wait3A_446, %dma_wait3A_447] : memref<2x10x128xi32, #tpu.memory_space<vmem>> -> memref<1x1x128xi32, #tpu.memory_space<vmem>>
      %dma_wait3A_449 = tpu.memref_squeeze %dma_wait3A_448 : memref<1x1x128xi32, #tpu.memory_space<vmem>> -> memref<128xi32, #tpu.memory_space<vmem>>
      %dma_wait3A_450 = arith.constant 0 : i32
      %dma_wait3A_451 = arith.constant 0 : i32
      %dma_wait3A_452 = tpu.memref_slice %arg2[%dma_wait3A_450, %dma_wait3A_451] : memref<10000x128xf32, #tpu.memory_space<hbm>> -> memref<10000x128xf32, #tpu.memory_space<hbm>>
      tpu.wait_indirect_dma semaphore(%arg12 : memref<!tpu.dma_semaphore, #tpu.memory_space<semaphore_mem>>) src(%dma_wait3A_452 : memref<10000x128xf32, #tpu.memory_space<hbm>>) dst(%arg9 : memref<128x128xf32, #tpu.memory_space<vmem>>)
      %run_scoped3A_453 = arith.constant 1 : i32
      %run_scoped3A_454 = arith.constant 7 : i32
      "tpu.region"() ({
        %run_scoped3A_519 = tpu.sem_alloc : memref<!tpu.dma_semaphore, #tpu.memory_space<semaphore_mem>>
        %dma_start3A_520 = arith.constant 0 : i32
        %dma_start3A_521 = tpu.memref_slice %arg7[%run_scoped3A_453, %run_scoped3A_454, %dma_start3A_520] : memref<2x10x128xi32, #tpu.memory_space<vmem>> -> memref<1x1x128xi32, #tpu.memory_space<vmem>>
        %dma_start3A_522 = tpu.memref_squeeze %dma_start3A_521 : memref<1x1x128xi32, #tpu.memory_space<vmem>> -> memref<128xi32, #tpu.memory_space<vmem>>
        %dma_start3A_523 = arith.constant 0 : i32
        %dma_start3A_524 = arith.constant 0 : i32
        %dma_start3A_525 = tpu.memref_slice %arg10[%dma_start3A_523, %dma_start3A_524] : memref<10128x128xf32, #tpu.memory_space<vmem_shared>> -> memref<10128x128xf32, #tpu.memory_space<vmem_shared>>
        tpu.enqueue_indirect_dma source(%arg9 : memref<128x128xf32, #tpu.memory_space<vmem>>) target(%dma_start3A_525 : memref<10128x128xf32, #tpu.memory_space<vmem_shared>>) offsets(%dma_start3A_522 : memref<128xi32, #tpu.memory_space<vmem>>) semaphore(%run_scoped3A_519 : memref<!tpu.dma_semaphore, #tpu.memory_space<semaphore_mem>>) {add = true}
        %dma_wait3A_526 = arith.constant 0 : i32
        %dma_wait3A_527 = tpu.memref_slice %arg7[%run_scoped3A_453, %run_scoped3A_454, %dma_wait3A_526] : memref<2x10x128xi32, #tpu.memory_space<vmem>> -> memref<1x1x128xi32, #tpu.memory_space<vmem>>
        %dma_wait3A_528 = tpu.memref_squeeze %dma_wait3A_527 : memref<1x1x128xi32, #tpu.memory_space<vmem>> -> memref<128xi32, #tpu.memory_space<vmem>>
        %dma_wait3A_529 = arith.constant 0 : i32
        %dma_wait3A_530 = arith.constant 0 : i32
        %dma_wait3A_531 = tpu.memref_slice %arg10[%dma_wait3A_529, %dma_wait3A_530] : memref<10128x128xf32, #tpu.memory_space<vmem_shared>> -> memref<10128x128xf32, #tpu.memory_space<vmem_shared>>
        tpu.wait_indirect_dma semaphore(%run_scoped3A_519 : memref<!tpu.dma_semaphore, #tpu.memory_space<semaphore_mem>>) src(%arg9 : memref<128x128xf32, #tpu.memory_space<vmem>>) dst(%dma_wait3A_531 : memref<10128x128xf32, #tpu.memory_space<vmem_shared>>)
        tpu.yield
      }) : () -> ()
      %dma_start3A_455 = arith.constant 0 : i32
      %dma_start3A_456 = arith.constant 9 : i32
      %dma_start3A_457 = arith.constant 0 : i32
      %dma_start3A_458 = tpu.memref_slice %arg7[%dma_start3A_455, %dma_start3A_456, %dma_start3A_457] : memref<2x10x128xi32, #tpu.memory_space<vmem>> -> memref<1x1x128xi32, #tpu.memory_space<vmem>>
      %dma_start3A_459 = tpu.memref_squeeze %dma_start3A_458 : memref<1x1x128xi32, #tpu.memory_space<vmem>> -> memref<128xi32, #tpu.memory_space<vmem>>
      %dma_start3A_460 = arith.constant 0 : i32
      %dma_start3A_461 = arith.constant 0 : i32
      %dma_start3A_462 = tpu.memref_slice %arg2[%dma_start3A_460, %dma_start3A_461] : memref<10000x128xf32, #tpu.memory_space<hbm>> -> memref<10000x128xf32, #tpu.memory_space<hbm>>
      tpu.enqueue_indirect_dma source(%dma_start3A_462 : memref<10000x128xf32, #tpu.memory_space<hbm>>) target(%arg9 : memref<128x128xf32, #tpu.memory_space<vmem>>) offsets(%dma_start3A_459 : memref<128xi32, #tpu.memory_space<vmem>>) semaphore(%arg12 : memref<!tpu.dma_semaphore, #tpu.memory_space<semaphore_mem>>)
      %mul3A_463 = arith.constant 10 : i32
      %mul3A_464 = arith.muli %add3A_286, %mul3A_463 : i32
      %add3A_465 = arith.constant 8 : i32
      %add3A_466 = arith.addi %mul3A_464, %add3A_465 : i32
      %dma_wait3A_467 = arith.constant 0 : i32
      %dma_wait3A_468 = arith.constant 8 : i32
      %dma_wait3A_469 = arith.constant 0 : i32
      %dma_wait3A_470 = tpu.memref_slice %arg7[%dma_wait3A_467, %dma_wait3A_468, %dma_wait3A_469] : memref<2x10x128xi32, #tpu.memory_space<vmem>> -> memref<1x1x128xi32, #tpu.memory_space<vmem>>
      %dma_wait3A_471 = tpu.memref_squeeze %dma_wait3A_470 : memref<1x1x128xi32, #tpu.memory_space<vmem>> -> memref<128xi32, #tpu.memory_space<vmem>>
      %dma_wait3A_472 = arith.constant 0 : i32
      %dma_wait3A_473 = arith.constant 0 : i32
      %dma_wait3A_474 = tpu.memref_slice %arg2[%dma_wait3A_472, %dma_wait3A_473] : memref<10000x128xf32, #tpu.memory_space<hbm>> -> memref<10000x128xf32, #tpu.memory_space<hbm>>
      tpu.wait_indirect_dma semaphore(%arg11 : memref<!tpu.dma_semaphore, #tpu.memory_space<semaphore_mem>>) src(%dma_wait3A_474 : memref<10000x128xf32, #tpu.memory_space<hbm>>) dst(%arg8 : memref<128x128xf32, #tpu.memory_space<vmem>>)
      %run_scoped3A_475 = arith.constant 1 : i32
      %run_scoped3A_476 = arith.constant 8 : i32
      "tpu.region"() ({
        %run_scoped3A_519 = tpu.sem_alloc : memref<!tpu.dma_semaphore, #tpu.memory_space<semaphore_mem>>
        %dma_start3A_520 = arith.constant 0 : i32
        %dma_start3A_521 = tpu.memref_slice %arg7[%run_scoped3A_475, %run_scoped3A_476, %dma_start3A_520] : memref<2x10x128xi32, #tpu.memory_space<vmem>> -> memref<1x1x128xi32, #tpu.memory_space<vmem>>
        %dma_start3A_522 = tpu.memref_squeeze %dma_start3A_521 : memref<1x1x128xi32, #tpu.memory_space<vmem>> -> memref<128xi32, #tpu.memory_space<vmem>>
        %dma_start3A_523 = arith.constant 0 : i32
        %dma_start3A_524 = arith.constant 0 : i32
        %dma_start3A_525 = tpu.memref_slice %arg10[%dma_start3A_523, %dma_start3A_524] : memref<10128x128xf32, #tpu.memory_space<vmem_shared>> -> memref<10128x128xf32, #tpu.memory_space<vmem_shared>>
        tpu.enqueue_indirect_dma source(%arg8 : memref<128x128xf32, #tpu.memory_space<vmem>>) target(%dma_start3A_525 : memref<10128x128xf32, #tpu.memory_space<vmem_shared>>) offsets(%dma_start3A_522 : memref<128xi32, #tpu.memory_space<vmem>>) semaphore(%run_scoped3A_519 : memref<!tpu.dma_semaphore, #tpu.memory_space<semaphore_mem>>) {add = true}
        %dma_wait3A_526 = arith.constant 0 : i32
        %dma_wait3A_527 = tpu.memref_slice %arg7[%run_scoped3A_475, %run_scoped3A_476, %dma_wait3A_526] : memref<2x10x128xi32, #tpu.memory_space<vmem>> -> memref<1x1x128xi32, #tpu.memory_space<vmem>>
        %dma_wait3A_528 = tpu.memref_squeeze %dma_wait3A_527 : memref<1x1x128xi32, #tpu.memory_space<vmem>> -> memref<128xi32, #tpu.memory_space<vmem>>
        %dma_wait3A_529 = arith.constant 0 : i32
        %dma_wait3A_530 = arith.constant 0 : i32
        %dma_wait3A_531 = tpu.memref_slice %arg10[%dma_wait3A_529, %dma_wait3A_530] : memref<10128x128xf32, #tpu.memory_space<vmem_shared>> -> memref<10128x128xf32, #tpu.memory_space<vmem_shared>>
        tpu.wait_indirect_dma semaphore(%run_scoped3A_519 : memref<!tpu.dma_semaphore, #tpu.memory_space<semaphore_mem>>) src(%arg8 : memref<128x128xf32, #tpu.memory_space<vmem>>) dst(%dma_wait3A_531 : memref<10128x128xf32, #tpu.memory_space<vmem_shared>>)
        tpu.yield
      }) : () -> ()
      %add3A_477 = arith.constant 1 : i32
      %add3A_478 = arith.addi %add3A_286, %add3A_477 : i32
      %lt3A_479 = arith.constant 8 : i32
      %lt3A_480 = arith.cmpi slt, %add3A_478, %lt3A_479 : i32
      %convert_element_type3A_481 = arith.extui %lt3A_480 : i1 to i32
      %cond3A_482 = arith.constant 0 : i32
      %cond3A_483 = arith.cmpi ne, %convert_element_type3A_481, %cond3A_482 : i32
      scf.if %cond3A_483 {
        %add3A_519 = arith.constant 1 : i32
        %add3A_520 = arith.addi %add3A_286, %add3A_519 : i32
        %dma_wait3A_521 = arith.constant 0 : i32
        %dma_wait3A_522 = arith.constant 0 : i32
        %dma_wait3A_523 = arith.constant 0 : i32
        %dma_wait3A_524 = tpu.memref_slice %arg3[%add3A, %add3A_520, %dma_wait3A_521, %dma_wait3A_522, %dma_wait3A_523] : memref<32x8x2x10x128xi32, #tpu.memory_space<hbm>> -> memref<1x1x2x10x128xi32, #tpu.memory_space<hbm>>
        %dma_wait3A_525 = tpu.memref_squeeze %dma_wait3A_524 : memref<1x1x2x10x128xi32, #tpu.memory_space<hbm>> -> memref<2x10x128xi32, #tpu.memory_space<hbm>>
        %dma_wait3A_526 = arith.constant 0 : i32
        %dma_wait3A_527 = arith.constant 0 : i32
        %dma_wait3A_528 = arith.constant 0 : i32
        %dma_wait3A_529 = tpu.memref_slice %arg3[%add3A, %add3A_520, %dma_wait3A_526, %dma_wait3A_527, %dma_wait3A_528] : memref<32x8x2x10x128xi32, #tpu.memory_space<hbm>> -> memref<1x1x2x10x128xi32, #tpu.memory_space<hbm>>
        %dma_wait3A_530 = tpu.memref_squeeze %dma_wait3A_529 : memref<1x1x2x10x128xi32, #tpu.memory_space<hbm>> -> memref<2x10x128xi32, #tpu.memory_space<hbm>>
        tpu.wait_dma2 semaphore(%arg13 : memref<!tpu.dma_semaphore, #tpu.memory_space<semaphore_mem>>) src(%dma_wait3A_530 : memref<2x10x128xi32, #tpu.memory_space<hbm>>) dst(%arg6 : memref<2x10x128xi32, #tpu.memory_space<vmem>>)
      } else {
      }
      %add3A_484 = arith.constant 2 : i32
      %add3A_485 = arith.addi %add3A_466, %add3A_484 : i32
      %lt3A_486 = arith.constant 80 : i32
      %lt3A_487 = arith.cmpi slt, %add3A_485, %lt3A_486 : i32
      %convert_element_type3A_488 = arith.extui %lt3A_487 : i1 to i32
      %cond3A_489 = arith.constant 0 : i32
      %cond3A_490 = arith.cmpi ne, %convert_element_type3A_488, %cond3A_489 : i32
      scf.if %cond3A_490 {
        %dma_start3A_519 = arith.constant 0 : i32
        %dma_start3A_520 = arith.constant 0 : i32
        %dma_start3A_521 = arith.constant 0 : i32
        %dma_start3A_522 = tpu.memref_slice %arg6[%dma_start3A_519, %dma_start3A_520, %dma_start3A_521] : memref<2x10x128xi32, #tpu.memory_space<vmem>> -> memref<1x1x128xi32, #tpu.memory_space<vmem>>
        %dma_start3A_523 = tpu.memref_squeeze %dma_start3A_522 : memref<1x1x128xi32, #tpu.memory_space<vmem>> -> memref<128xi32, #tpu.memory_space<vmem>>
        %dma_start3A_524 = arith.constant 0 : i32
        %dma_start3A_525 = arith.constant 0 : i32
        %dma_start3A_526 = tpu.memref_slice %arg2[%dma_start3A_524, %dma_start3A_525] : memref<10000x128xf32, #tpu.memory_space<hbm>> -> memref<10000x128xf32, #tpu.memory_space<hbm>>
        tpu.enqueue_indirect_dma source(%dma_start3A_526 : memref<10000x128xf32, #tpu.memory_space<hbm>>) target(%arg8 : memref<128x128xf32, #tpu.memory_space<vmem>>) offsets(%dma_start3A_523 : memref<128xi32, #tpu.memory_space<vmem>>) semaphore(%arg11 : memref<!tpu.dma_semaphore, #tpu.memory_space<semaphore_mem>>)
      } else {
      }
      %mul3A_491 = arith.constant 10 : i32
      %mul3A_492 = arith.muli %add3A_286, %mul3A_491 : i32
      %add3A_493 = arith.constant 9 : i32
      %add3A_494 = arith.addi %mul3A_492, %add3A_493 : i32
      %dma_wait3A_495 = arith.constant 0 : i32
      %dma_wait3A_496 = arith.constant 9 : i32
      %dma_wait3A_497 = arith.constant 0 : i32
      %dma_wait3A_498 = tpu.memref_slice %arg7[%dma_wait3A_495, %dma_wait3A_496, %dma_wait3A_497] : memref<2x10x128xi32, #tpu.memory_space<vmem>> -> memref<1x1x128xi32, #tpu.memory_space<vmem>>
      %dma_wait3A_499 = tpu.memref_squeeze %dma_wait3A_498 : memref<1x1x128xi32, #tpu.memory_space<vmem>> -> memref<128xi32, #tpu.memory_space<vmem>>
      %dma_wait3A_500 = arith.constant 0 : i32
      %dma_wait3A_501 = arith.constant 0 : i32
      %dma_wait3A_502 = tpu.memref_slice %arg2[%dma_wait3A_500, %dma_wait3A_501] : memref<10000x128xf32, #tpu.memory_space<hbm>> -> memref<10000x128xf32, #tpu.memory_space<hbm>>
      tpu.wait_indirect_dma semaphore(%arg12 : memref<!tpu.dma_semaphore, #tpu.memory_space<semaphore_mem>>) src(%dma_wait3A_502 : memref<10000x128xf32, #tpu.memory_space<hbm>>) dst(%arg9 : memref<128x128xf32, #tpu.memory_space<vmem>>)
      %run_scoped3A_503 = arith.constant 1 : i32
      %run_scoped3A_504 = arith.constant 9 : i32
      "tpu.region"() ({
        %run_scoped3A_519 = tpu.sem_alloc : memref<!tpu.dma_semaphore, #tpu.memory_space<semaphore_mem>>
        %dma_start3A_520 = arith.constant 0 : i32
        %dma_start3A_521 = tpu.memref_slice %arg7[%run_scoped3A_503, %run_scoped3A_504, %dma_start3A_520] : memref<2x10x128xi32, #tpu.memory_space<vmem>> -> memref<1x1x128xi32, #tpu.memory_space<vmem>>
        %dma_start3A_522 = tpu.memref_squeeze %dma_start3A_521 : memref<1x1x128xi32, #tpu.memory_space<vmem>> -> memref<128xi32, #tpu.memory_space<vmem>>
        %dma_start3A_523 = arith.constant 0 : i32
        %dma_start3A_524 = arith.constant 0 : i32
        %dma_start3A_525 = tpu.memref_slice %arg10[%dma_start3A_523, %dma_start3A_524] : memref<10128x128xf32, #tpu.memory_space<vmem_shared>> -> memref<10128x128xf32, #tpu.memory_space<vmem_shared>>
        tpu.enqueue_indirect_dma source(%arg9 : memref<128x128xf32, #tpu.memory_space<vmem>>) target(%dma_start3A_525 : memref<10128x128xf32, #tpu.memory_space<vmem_shared>>) offsets(%dma_start3A_522 : memref<128xi32, #tpu.memory_space<vmem>>) semaphore(%run_scoped3A_519 : memref<!tpu.dma_semaphore, #tpu.memory_space<semaphore_mem>>) {add = true}
        %dma_wait3A_526 = arith.constant 0 : i32
        %dma_wait3A_527 = tpu.memref_slice %arg7[%run_scoped3A_503, %run_scoped3A_504, %dma_wait3A_526] : memref<2x10x128xi32, #tpu.memory_space<vmem>> -> memref<1x1x128xi32, #tpu.memory_space<vmem>>
        %dma_wait3A_528 = tpu.memref_squeeze %dma_wait3A_527 : memref<1x1x128xi32, #tpu.memory_space<vmem>> -> memref<128xi32, #tpu.memory_space<vmem>>
        %dma_wait3A_529 = arith.constant 0 : i32
        %dma_wait3A_530 = arith.constant 0 : i32
        %dma_wait3A_531 = tpu.memref_slice %arg10[%dma_wait3A_529, %dma_wait3A_530] : memref<10128x128xf32, #tpu.memory_space<vmem_shared>> -> memref<10128x128xf32, #tpu.memory_space<vmem_shared>>
        tpu.wait_indirect_dma semaphore(%run_scoped3A_519 : memref<!tpu.dma_semaphore, #tpu.memory_space<semaphore_mem>>) src(%arg9 : memref<128x128xf32, #tpu.memory_space<vmem>>) dst(%dma_wait3A_531 : memref<10128x128xf32, #tpu.memory_space<vmem_shared>>)
        tpu.yield
      }) : () -> ()
      %add3A_505 = arith.constant 2 : i32
      %add3A_506 = arith.addi %add3A_494, %add3A_505 : i32
      %lt3A_507 = arith.constant 80 : i32
      %lt3A_508 = arith.cmpi slt, %add3A_506, %lt3A_507 : i32
      %convert_element_type3A_509 = arith.extui %lt3A_508 : i1 to i32
      %cond3A_510 = arith.constant 0 : i32
      %cond3A_511 = arith.cmpi ne, %convert_element_type3A_509, %cond3A_510 : i32
      scf.if %cond3A_511 {
        %dma_start3A_519 = arith.constant 0 : i32
        %dma_start3A_520 = arith.constant 1 : i32
        %dma_start3A_521 = arith.constant 0 : i32
        %dma_start3A_522 = tpu.memref_slice %arg6[%dma_start3A_519, %dma_start3A_520, %dma_start3A_521] : memref<2x10x128xi32, #tpu.memory_space<vmem>> -> memref<1x1x128xi32, #tpu.memory_space<vmem>>
        %dma_start3A_523 = tpu.memref_squeeze %dma_start3A_522 : memref<1x1x128xi32, #tpu.memory_space<vmem>> -> memref<128xi32, #tpu.memory_space<vmem>>
        %dma_start3A_524 = arith.constant 0 : i32
        %dma_start3A_525 = arith.constant 0 : i32
        %dma_start3A_526 = tpu.memref_slice %arg2[%dma_start3A_524, %dma_start3A_525] : memref<10000x128xf32, #tpu.memory_space<hbm>> -> memref<10000x128xf32, #tpu.memory_space<hbm>>
        tpu.enqueue_indirect_dma source(%dma_start3A_526 : memref<10000x128xf32, #tpu.memory_space<hbm>>) target(%arg9 : memref<128x128xf32, #tpu.memory_space<vmem>>) offsets(%dma_start3A_523 : memref<128xi32, #tpu.memory_space<vmem>>) semaphore(%arg12 : memref<!tpu.dma_semaphore, #tpu.memory_space<semaphore_mem>>)
      } else {
      }
      %add3A_512 = arith.constant 2 : i32
      %add3A_513 = arith.addi %add3A_286, %add3A_512 : i32
      %lt3A_514 = arith.constant 8 : i32
      %lt3A_515 = arith.cmpi slt, %add3A_513, %lt3A_514 : i32
      %convert_element_type3A_516 = arith.extui %lt3A_515 : i1 to i32
      %cond3A_517 = arith.constant 0 : i32
      %cond3A_518 = arith.cmpi ne, %convert_element_type3A_516, %cond3A_517 : i32
      scf.if %cond3A_518 {
        %add3A_519 = arith.constant 2 : i32
        %add3A_520 = arith.addi %add3A_286, %add3A_519 : i32
        %dma_start3A_521 = arith.constant 0 : i32
        %dma_start3A_522 = arith.constant 0 : i32
        %dma_start3A_523 = arith.constant 0 : i32
        %dma_start3A_524 = tpu.memref_slice %arg3[%add3A, %add3A_520, %dma_start3A_521, %dma_start3A_522, %dma_start3A_523] : memref<32x8x2x10x128xi32, #tpu.memory_space<hbm>> -> memref<1x1x2x10x128xi32, #tpu.memory_space<hbm>>
        %dma_start3A_525 = tpu.memref_squeeze %dma_start3A_524 : memref<1x1x2x10x128xi32, #tpu.memory_space<hbm>> -> memref<2x10x128xi32, #tpu.memory_space<hbm>>
        %dma_start3A_526 = arith.constant 0 : i32
        %dma_start3A_527 = arith.constant 0 : i32
        %dma_start3A_528 = arith.constant 0 : i32
        %dma_start3A_529 = tpu.memref_slice %arg3[%add3A, %add3A_520, %dma_start3A_526, %dma_start3A_527, %dma_start3A_528] : memref<32x8x2x10x128xi32, #tpu.memory_space<hbm>> -> memref<1x1x2x10x128xi32, #tpu.memory_space<hbm>>
        %dma_start3A_530 = tpu.memref_squeeze %dma_start3A_529 : memref<1x1x2x10x128xi32, #tpu.memory_space<hbm>> -> memref<2x10x128xi32, #tpu.memory_space<hbm>>
        tpu.enqueue_dma source(%dma_start3A_530 : memref<2x10x128xi32, #tpu.memory_space<hbm>>) target(%arg7 : memref<2x10x128xi32, #tpu.memory_space<vmem>>) target_semaphore(%arg14 : memref<!tpu.dma_semaphore, #tpu.memory_space<semaphore_mem>>)
      } else {
      }
    }
    %scan3A_38 = arith.constant 4 : i32
    %barrier3A_39 = arith.constant 0 : index
    tpu.barrier barrier_id(%barrier3A_39)
    %mul3A_40 = arith.constant 624 : i32
    %mul3A_41 = arith.muli %arg1, %mul3A_40 : i32
    "tpu.region"() ({
      %run_scoped3A_47 = tpu.sem_alloc : memref<!tpu.dma_semaphore, #tpu.memory_space<semaphore_mem>>
      %dma_start3A_48 = arith.constant 0 : i32
      %dma_start3A_49 = tpu.memref_slice %arg5[%arg0, %mul3A_41, %dma_start3A_48] : memref<2x10000x128xf32, #tpu.memory_space<hbm>> -> memref<1x624x128xf32, #tpu.memory_space<hbm>>
      %dma_start3A_50 = tpu.memref_squeeze %dma_start3A_49 : memref<1x624x128xf32, #tpu.memory_space<hbm>> -> memref<624x128xf32, #tpu.memory_space<hbm>>
      %dma_start3A_51 = arith.constant 0 : i32
      %dma_start3A_52 = tpu.memref_slice %arg10[%mul3A_41, %dma_start3A_51] : memref<10128x128xf32, #tpu.memory_space<vmem_shared>> -> memref<624x128xf32, #tpu.memory_space<vmem_shared>>
      tpu.enqueue_dma source(%dma_start3A_52 : memref<624x128xf32, #tpu.memory_space<vmem_shared>>) target(%dma_start3A_50 : memref<624x128xf32, #tpu.memory_space<hbm>>) target_semaphore(%run_scoped3A_47 : memref<!tpu.dma_semaphore, #tpu.memory_space<semaphore_mem>>)
      %dma_wait3A_53 = arith.constant 0 : i32
      %dma_wait3A_54 = tpu.memref_slice %arg5[%arg0, %mul3A_41, %dma_wait3A_53] : memref<2x10000x128xf32, #tpu.memory_space<hbm>> -> memref<1x624x128xf32, #tpu.memory_space<hbm>>
      %dma_wait3A_55 = tpu.memref_squeeze %dma_wait3A_54 : memref<1x624x128xf32, #tpu.memory_space<hbm>> -> memref<624x128xf32, #tpu.memory_space<hbm>>
      %dma_wait3A_56 = arith.constant 0 : i32
      %dma_wait3A_57 = tpu.memref_slice %arg10[%mul3A_41, %dma_wait3A_56] : memref<10128x128xf32, #tpu.memory_space<vmem_shared>> -> memref<624x128xf32, #tpu.memory_space<vmem_shared>>
      tpu.wait_dma2 semaphore(%run_scoped3A_47 : memref<!tpu.dma_semaphore, #tpu.memory_space<semaphore_mem>>) src(%dma_wait3A_57 : memref<624x128xf32, #tpu.memory_space<vmem_shared>>) dst(%dma_wait3A_55 : memref<624x128xf32, #tpu.memory_space<hbm>>)
      tpu.yield
    }) : () -> ()
    %eq3A_42 = arith.constant 15 : i32
    %eq3A_43 = arith.cmpi eq, %arg1, %eq3A_42 : i32
    %convert_element_type3A_44 = arith.extui %eq3A_43 : i1 to i32
    %cond3A_45 = arith.constant 0 : i32
    %cond3A_46 = arith.cmpi ne, %convert_element_type3A_44, %cond3A_45 : i32
    scf.if %cond3A_46 {
      "tpu.region"() ({
        %run_scoped3A_47 = tpu.sem_alloc : memref<!tpu.dma_semaphore, #tpu.memory_space<semaphore_mem>>
        %dma_start3A_48 = arith.constant 9984 : i32
        %dma_start3A_49 = arith.constant 0 : i32
        %dma_start3A_50 = tpu.memref_slice %arg5[%arg0, %dma_start3A_48, %dma_start3A_49] : memref<2x10000x128xf32, #tpu.memory_space<hbm>> -> memref<1x16x128xf32, #tpu.memory_space<hbm>>
        %dma_start3A_51 = tpu.memref_squeeze %dma_start3A_50 : memref<1x16x128xf32, #tpu.memory_space<hbm>> -> memref<16x128xf32, #tpu.memory_space<hbm>>
        %dma_start3A_52 = arith.constant 9984 : i32
        %dma_start3A_53 = arith.constant 0 : i32
        %dma_start3A_54 = tpu.memref_slice %arg10[%dma_start3A_52, %dma_start3A_53] : memref<10128x128xf32, #tpu.memory_space<vmem_shared>> -> memref<16x128xf32, #tpu.memory_space<vmem_shared>>
        tpu.enqueue_dma source(%dma_start3A_54 : memref<16x128xf32, #tpu.memory_space<vmem_shared>>) target(%dma_start3A_51 : memref<16x128xf32, #tpu.memory_space<hbm>>) target_semaphore(%run_scoped3A_47 : memref<!tpu.dma_semaphore, #tpu.memory_space<semaphore_mem>>)
        %dma_wait3A_55 = arith.constant 9984 : i32
        %dma_wait3A_56 = arith.constant 0 : i32
        %dma_wait3A_57 = tpu.memref_slice %arg5[%arg0, %dma_wait3A_55, %dma_wait3A_56] : memref<2x10000x128xf32, #tpu.memory_space<hbm>> -> memref<1x16x128xf32, #tpu.memory_space<hbm>>
        %dma_wait3A_58 = tpu.memref_squeeze %dma_wait3A_57 : memref<1x16x128xf32, #tpu.memory_space<hbm>> -> memref<16x128xf32, #tpu.memory_space<hbm>>
        %dma_wait3A_59 = arith.constant 9984 : i32
        %dma_wait3A_60 = arith.constant 0 : i32
        %dma_wait3A_61 = tpu.memref_slice %arg10[%dma_wait3A_59, %dma_wait3A_60] : memref<10128x128xf32, #tpu.memory_space<vmem_shared>> -> memref<16x128xf32, #tpu.memory_space<vmem_shared>>
        tpu.wait_dma2 semaphore(%run_scoped3A_47 : memref<!tpu.dma_semaphore, #tpu.memory_space<semaphore_mem>>) src(%dma_wait3A_61 : memref<16x128xf32, #tpu.memory_space<vmem_shared>>) dst(%dma_wait3A_58 : memref<16x128xf32, #tpu.memory_space<hbm>>)
        tpu.yield
      }) : () -> ()
    } else {
    }
    return
  }
}

#map = affine_map<(d0, d1) -> (0, 0)>
#map1 = affine_map<(d0, d1) -> (0, 0, 0, 0, 0)>
#map2 = affine_map<(d0, d1) -> (0, 0, 0)>
module attributes {stable_mosaic.version = 14 : i64} {
  func.func @_segsum_body(%arg0: i32, %arg1: i32, %arg2: memref<10000x128xf32, #tpu.memory_space<hbm>>, %arg3: memref<32x8x2x10x128xi32, #tpu.memory_space<hbm>>, %arg4: memref<624x128xf32, #tpu.memory_space<hbm>>, %arg5: memref<2x10000x128xf32, #tpu.memory_space<hbm>>, %arg6: memref<2x10x128xi32, #tpu.memory_space<vmem>>, %arg7: memref<2x10x128xi32, #tpu.memory_space<vmem>>, %arg8: memref<128x128xf32, #tpu.memory_space<vmem>>, %arg9: memref<128x128xf32, #tpu.memory_space<vmem>>, %arg10: memref<10128x128xf32, #tpu.memory_space<vmem_shared>>, %arg11: memref<!tpu.dma_semaphore, #tpu.memory_space<semaphore_mem>>, %arg12: memref<!tpu.dma_semaphore, #tpu.memory_space<semaphore_mem>>, %arg13: memref<!tpu.dma_semaphore, #tpu.memory_space<semaphore_mem>>, %arg14: memref<!tpu.dma_semaphore, #tpu.memory_space<semaphore_mem>>) attributes {dimension_semantics = [#tpu.dimension_semantics<core_parallel>, #tpu.dimension_semantics<subcore_parallel>], iteration_bounds = array<i64: 2, 16>, scalar_prefetch = 0 : i64, scratch_operands = 9 : i64, tpu.core_type = #tpu.core_type<sc_vector_subcore>, window_params = [{transform_indices = #map}, {transform_indices = #map1}, {transform_indices = #map}, {transform_indices = #map2}]} {
    %mul3A = arith.constant 2 : i32
    %mul3A_0 = arith.muli %arg1, %mul3A : i32
    %add3A = arith.addi %mul3A_0, %arg0 : i32
    %mul3A_1 = arith.constant 624 : i32
    %mul3A_2 = arith.muli %arg1, %mul3A_1 : i32
    %dma_start3A = arith.constant 0 : i32
    %dma_start3A_3 = tpu.memref_slice %arg10[%mul3A_2, %dma_start3A] : memref<10128x128xf32, #tpu.memory_space<vmem_shared>> -> memref<624x128xf32, #tpu.memory_space<vmem_shared>>
    tpu.enqueue_dma source(%arg4 : memref<624x128xf32, #tpu.memory_space<hbm>>) target(%dma_start3A_3 : memref<624x128xf32, #tpu.memory_space<vmem_shared>>) target_semaphore(%arg13 : memref<!tpu.dma_semaphore, #tpu.memory_space<semaphore_mem>>)
    %eq3A = arith.constant 15 : i32
    %eq3A_4 = arith.cmpi eq, %arg1, %eq3A : i32
    %convert_element_type3A = arith.extui %eq3A_4 : i1 to i32
    %cond3A = arith.constant 0 : i32
    %cond3A_5 = arith.cmpi ne, %convert_element_type3A, %cond3A : i32
    scf.if %cond3A_5 {
      "tpu.region"() ({
        %run_scoped3A_47 = tpu.sem_alloc : memref<!tpu.dma_semaphore, #tpu.memory_space<semaphore_mem>>
        %dma_start3A_48 = arith.constant 9984 : i32
        %dma_start3A_49 = arith.constant 0 : i32
        %dma_start3A_50 = tpu.memref_slice %arg10[%dma_start3A_48, %dma_start3A_49] : memref<10128x128xf32, #tpu.memory_space<vmem_shared>> -> memref<144x128xf32, #tpu.memory_space<vmem_shared>>
        %dma_start3A_51 = arith.constant 0 : i32
        %dma_start3A_52 = arith.constant 0 : i32
        %dma_start3A_53 = tpu.memref_slice %arg4[%dma_start3A_51, %dma_start3A_52] : memref<624x128xf32, #tpu.memory_space<hbm>> -> memref<144x128xf32, #tpu.memory_space<hbm>>
        tpu.enqueue_dma source(%dma_start3A_53 : memref<144x128xf32, #tpu.memory_space<hbm>>) target(%dma_start3A_50 : memref<144x128xf32, #tpu.memory_space<vmem_shared>>) target_semaphore(%run_scoped3A_47 : memref<!tpu.dma_semaphore, #tpu.memory_space<semaphore_mem>>)
        %dma_wait3A_54 = arith.constant 9984 : i32
        %dma_wait3A_55 = arith.constant 0 : i32
        %dma_wait3A_56 = tpu.memref_slice %arg10[%dma_wait3A_54, %dma_wait3A_55] : memref<10128x128xf32, #tpu.memory_space<vmem_shared>> -> memref<144x128xf32, #tpu.memory_space<vmem_shared>>
        %dma_wait3A_57 = arith.constant 0 : i32
        %dma_wait3A_58 = arith.constant 0 : i32
        %dma_wait3A_59 = tpu.memref_slice %arg4[%dma_wait3A_57, %dma_wait3A_58] : memref<624x128xf32, #tpu.memory_space<hbm>> -> memref<144x128xf32, #tpu.memory_space<hbm>>
        tpu.wait_dma2 semaphore(%run_scoped3A_47 : memref<!tpu.dma_semaphore, #tpu.memory_space<semaphore_mem>>) src(%dma_wait3A_59 : memref<144x128xf32, #tpu.memory_space<hbm>>) dst(%dma_wait3A_56 : memref<144x128xf32, #tpu.memory_space<vmem_shared>>)
        tpu.yield
      }) : () -> ()
    } else {
    }
    %run_scoped3A = arith.constant 0 : i32
    "tpu.region"() ({
      %run_scoped3A_47 = tpu.sem_alloc : memref<!tpu.dma_semaphore, #tpu.memory_space<semaphore_mem>>
      %dma_start3A_48 = arith.constant 0 : i32
      %dma_start3A_49 = arith.constant 0 : i32
      %dma_start3A_50 = arith.constant 0 : i32
      %dma_start3A_51 = tpu.memref_slice %arg3[%add3A, %run_scoped3A, %dma_start3A_48, %dma_start3A_49, %dma_start3A_50] : memref<32x8x2x10x128xi32, #tpu.memory_space<hbm>> -> memref<1x1x2x10x128xi32, #tpu.memory_space<hbm>>
      %dma_start3A_52 = tpu.memref_squeeze %dma_start3A_51 : memref<1x1x2x10x128xi32, #tpu.memory_space<hbm>> -> memref<2x10x128xi32, #tpu.memory_space<hbm>>
      %dma_start3A_53 = arith.constant 0 : i32
      %dma_start3A_54 = arith.constant 0 : i32
      %dma_start3A_55 = arith.constant 0 : i32
      %dma_start3A_56 = tpu.memref_slice %arg3[%add3A, %run_scoped3A, %dma_start3A_53, %dma_start3A_54, %dma_start3A_55] : memref<32x8x2x10x128xi32, #tpu.memory_space<hbm>> -> memref<1x1x2x10x128xi32, #tpu.memory_space<hbm>>
      %dma_start3A_57 = tpu.memref_squeeze %dma_start3A_56 : memref<1x1x2x10x128xi32, #tpu.memory_space<hbm>> -> memref<2x10x128xi32, #tpu.memory_space<hbm>>
      tpu.enqueue_dma source(%dma_start3A_57 : memref<2x10x128xi32, #tpu.memory_space<hbm>>) target(%arg6 : memref<2x10x128xi32, #tpu.memory_space<vmem>>) target_semaphore(%run_scoped3A_47 : memref<!tpu.dma_semaphore, #tpu.memory_space<semaphore_mem>>)
      %dma_wait3A_58 = arith.constant 0 : i32
      %dma_wait3A_59 = arith.constant 0 : i32
      %dma_wait3A_60 = arith.constant 0 : i32
      %dma_wait3A_61 = tpu.memref_slice %arg3[%add3A, %run_scoped3A, %dma_wait3A_58, %dma_wait3A_59, %dma_wait3A_60] : memref<32x8x2x10x128xi32, #tpu.memory_space<hbm>> -> memref<1x1x2x10x128xi32, #tpu.memory_space<hbm>>
      %dma_wait3A_62 = tpu.memref_squeeze %dma_wait3A_61 : memref<1x1x2x10x128xi32, #tpu.memory_space<hbm>> -> memref<2x10x128xi32, #tpu.memory_space<hbm>>
      %dma_wait3A_63 = arith.constant 0 : i32
      %dma_wait3A_64 = arith.constant 0 : i32
      %dma_wait3A_65 = arith.constant 0 : i32
      %dma_wait3A_66 = tpu.memref_slice %arg3[%add3A, %run_scoped3A, %dma_wait3A_63, %dma_wait3A_64, %dma_wait3A_65] : memref<32x8x2x10x128xi32, #tpu.memory_space<hbm>> -> memref<1x1x2x10x128xi32, #tpu.memory_space<hbm>>
      %dma_wait3A_67 = tpu.memref_squeeze %dma_wait3A_66 : memref<1x1x2x10x128xi32, #tpu.memory_space<hbm>> -> memref<2x10x128xi32, #tpu.memory_space<hbm>>
      tpu.wait_dma2 semaphore(%run_scoped3A_47 : memref<!tpu.dma_semaphore, #tpu.memory_space<semaphore_mem>>) src(%dma_wait3A_67 : memref<2x10x128xi32, #tpu.memory_space<hbm>>) dst(%arg6 : memref<2x10x128xi32, #tpu.memory_space<vmem>>)
      tpu.yield
    }) : () -> ()
    %dma_start3A_6 = arith.constant 1 : i32
    %dma_start3A_7 = arith.constant 0 : i32
    %dma_start3A_8 = arith.constant 0 : i32
    %dma_start3A_9 = arith.constant 0 : i32
    %dma_start3A_10 = tpu.memref_slice %arg3[%add3A, %dma_start3A_6, %dma_start3A_7, %dma_start3A_8, %dma_start3A_9] : memref<32x8x2x10x128xi32, #tpu.memory_space<hbm>> -> memref<1x1x2x10x128xi32, #tpu.memory_space<hbm>>
    %dma_start3A_11 = tpu.memref_squeeze %dma_start3A_10 : memref<1x1x2x10x128xi32, #tpu.memory_space<hbm>> -> memref<2x10x128xi32, #tpu.memory_space<hbm>>
    %dma_start3A_12 = arith.constant 0 : i32
    %dma_start3A_13 = arith.constant 0 : i32
    %dma_start3A_14 = arith.constant 0 : i32
    %dma_start3A_15 = tpu.memref_slice %arg3[%add3A, %dma_start3A_6, %dma_start3A_12, %dma_start3A_13, %dma_start3A_14] : memref<32x8x2x10x128xi32, #tpu.memory_space<hbm>> -> memref<1x1x2x10x128xi32, #tpu.memory_space<hbm>>
    %dma_start3A_16 = tpu.memref_squeeze %dma_start3A_15 : memref<1x1x2x10x128xi32, #tpu.memory_space<hbm>> -> memref<2x10x128xi32, #tpu.memory_space<hbm>>
    tpu.enqueue_dma source(%dma_start3A_16 : memref<2x10x128xi32, #tpu.memory_space<hbm>>) target(%arg7 : memref<2x10x128xi32, #tpu.memory_space<vmem>>) target_semaphore(%arg14 : memref<!tpu.dma_semaphore, #tpu.memory_space<semaphore_mem>>)
    %dma_start3A_17 = arith.constant 0 : i32
    %dma_start3A_18 = arith.constant 0 : i32
    %dma_start3A_19 = arith.constant 0 : i32
    %dma_start3A_20 = tpu.memref_slice %arg6[%dma_start3A_17, %dma_start3A_18, %dma_start3A_19] : memref<2x10x128xi32, #tpu.memory_space<vmem>> -> memref<1x1x128xi32, #tpu.memory_space<vmem>>
    %dma_start3A_21 = tpu.memref_squeeze %dma_start3A_20 : memref<1x1x128xi32, #tpu.memory_space<vmem>> -> memref<128xi32, #tpu.memory_space<vmem>>
    %dma_start3A_22 = arith.constant 0 : i32
    %dma_start3A_23 = arith.constant 0 : i32
    %dma_start3A_24 = tpu.memref_slice %arg2[%dma_start3A_22, %dma_start3A_23] : memref<10000x128xf32, #tpu.memory_space<hbm>> -> memref<10000x128xf32, #tpu.memory_space<hbm>>
    tpu.enqueue_indirect_dma source(%dma_start3A_24 : memref<10000x128xf32, #tpu.memory_space<hbm>>) target(%arg8 : memref<128x128xf32, #tpu.memory_space<vmem>>) offsets(%dma_start3A_21 : memref<128xi32, #tpu.memory_space<vmem>>) semaphore(%arg11 : memref<!tpu.dma_semaphore, #tpu.memory_space<semaphore_mem>>)
    %dma_start3A_25 = arith.constant 0 : i32
    %dma_start3A_26 = arith.constant 1 : i32
    %dma_start3A_27 = arith.constant 0 : i32
    %dma_start3A_28 = tpu.memref_slice %arg6[%dma_start3A_25, %dma_start3A_26, %dma_start3A_27] : memref<2x10x128xi32, #tpu.memory_space<vmem>> -> memref<1x1x128xi32, #tpu.memory_space<vmem>>
    %dma_start3A_29 = tpu.memref_squeeze %dma_start3A_28 : memref<1x1x128xi32, #tpu.memory_space<vmem>> -> memref<128xi32, #tpu.memory_space<vmem>>
    %dma_start3A_30 = arith.constant 0 : i32
    %dma_start3A_31 = arith.constant 0 : i32
    %dma_start3A_32 = tpu.memref_slice %arg2[%dma_start3A_30, %dma_start3A_31] : memref<10000x128xf32, #tpu.memory_space<hbm>> -> memref<10000x128xf32, #tpu.memory_space<hbm>>
    tpu.enqueue_indirect_dma source(%dma_start3A_32 : memref<10000x128xf32, #tpu.memory_space<hbm>>) target(%arg9 : memref<128x128xf32, #tpu.memory_space<vmem>>) offsets(%dma_start3A_29 : memref<128xi32, #tpu.memory_space<vmem>>) semaphore(%arg12 : memref<!tpu.dma_semaphore, #tpu.memory_space<semaphore_mem>>)
    %dma_wait3A = arith.constant 0 : i32
    %dma_wait3A_33 = tpu.memref_slice %arg10[%mul3A_2, %dma_wait3A] : memref<10128x128xf32, #tpu.memory_space<vmem_shared>> -> memref<624x128xf32, #tpu.memory_space<vmem_shared>>
    tpu.wait_dma2 semaphore(%arg13 : memref<!tpu.dma_semaphore, #tpu.memory_space<semaphore_mem>>) src(%arg4 : memref<624x128xf32, #tpu.memory_space<hbm>>) dst(%dma_wait3A_33 : memref<624x128xf32, #tpu.memory_space<vmem_shared>>)
    %barrier3A = arith.constant 0 : index
    tpu.barrier barrier_id(%barrier3A)
    %scan3A = arith.constant 0 : i32
    %scan3A_34 = arith.constant 0 : i32
    %scan3A_35 = arith.constant 4 : i32
    %scan3A_36 = arith.addi %scan3A_34, %scan3A_35 : i32
    %scan3A_37 = arith.constant 1 : i32
    scf.for %scan3A_47 = %scan3A_34 to %scan3A_36 step %scan3A_37  : i32 {
      %mul3A_48 = arith.constant 2 : i32
      %mul3A_49 = arith.muli %scan3A_47, %mul3A_48 : i32
      %add3A_50 = arith.constant 0 : i32
      %add3A_51 = arith.addi %mul3A_49, %add3A_50 : i32
      %mul3A_52 = arith.constant 10 : i32
      %mul3A_53 = arith.muli %add3A_51, %mul3A_52 : i32
      %add3A_54 = arith.constant 0 : i32
      %add3A_55 = arith.addi %mul3A_53, %add3A_54 : i32
      %dma_wait3A_56 = arith.constant 0 : i32
      %dma_wait3A_57 = arith.constant 0 : i32
      %dma_wait3A_58 = arith.constant 0 : i32
      %dma_wait3A_59 = tpu.memref_slice %arg6[%dma_wait3A_56, %dma_wait3A_57, %dma_wait3A_58] : memref<2x10x128xi32, #tpu.memory_space<vmem>> -> memref<1x1x128xi32, #tpu.memory_space<vmem>>
      %dma_wait3A_60 = tpu.memref_squeeze %dma_wait3A_59 : memref<1x1x128xi32, #tpu.memory_space<vmem>> -> memref<128xi32, #tpu.memory_space<vmem>>
      %dma_wait3A_61 = arith.constant 0 : i32
      %dma_wait3A_62 = arith.constant 0 : i32
      %dma_wait3A_63 = tpu.memref_slice %arg2[%dma_wait3A_61, %dma_wait3A_62] : memref<10000x128xf32, #tpu.memory_space<hbm>> -> memref<10000x128xf32, #tpu.memory_space<hbm>>
      tpu.wait_indirect_dma semaphore(%arg11 : memref<!tpu.dma_semaphore, #tpu.memory_space<semaphore_mem>>) src(%dma_wait3A_63 : memref<10000x128xf32, #tpu.memory_space<hbm>>) dst(%arg8 : memref<128x128xf32, #tpu.memory_space<vmem>>)
      %run_scoped3A_64 = arith.constant 1 : i32
      %run_scoped3A_65 = arith.constant 0 : i32
      "tpu.region"() ({
        %run_scoped3A_519 = tpu.sem_alloc : memref<!tpu.dma_semaphore, #tpu.memory_space<semaphore_mem>>
        %dma_start3A_520 = arith.constant 0 : i32
        %dma_start3A_521 = tpu.memref_slice %arg6[%run_scoped3A_64, %run_scoped3A_65, %dma_start3A_520] : memref<2x10x128xi32, #tpu.memory_space<vmem>> -> memref<1x1x128xi32, #tpu.memory_space<vmem>>
        %dma_start3A_522 = tpu.memref_squeeze %dma_start3A_521 : memref<1x1x128xi32, #tpu.memory_space<vmem>> -> memref<128xi32, #tpu.memory_space<vmem>>
        %dma_start3A_523 = arith.constant 0 : i32
        %dma_start3A_524 = arith.constant 0 : i32
        %dma_start3A_525 = tpu.memref_slice %arg10[%dma_start3A_523, %dma_start3A_524] : memref<10128x128xf32, #tpu.memory_space<vmem_shared>> -> memref<10128x128xf32, #tpu.memory_space<vmem_shared>>
        tpu.enqueue_indirect_dma source(%arg8 : memref<128x128xf32, #tpu.memory_space<vmem>>) target(%dma_start3A_525 : memref<10128x128xf32, #tpu.memory_space<vmem_shared>>) offsets(%dma_start3A_522 : memref<128xi32, #tpu.memory_space<vmem>>) semaphore(%run_scoped3A_519 : memref<!tpu.dma_semaphore, #tpu.memory_space<semaphore_mem>>) {add = true}
        %dma_wait3A_526 = arith.constant 0 : i32
        %dma_wait3A_527 = tpu.memref_slice %arg6[%run_scoped3A_64, %run_scoped3A_65, %dma_wait3A_526] : memref<2x10x128xi32, #tpu.memory_space<vmem>> -> memref<1x1x128xi32, #tpu.memory_space<vmem>>
        %dma_wait3A_528 = tpu.memref_squeeze %dma_wait3A_527 : memref<1x1x128xi32, #tpu.memory_space<vmem>> -> memref<128xi32, #tpu.memory_space<vmem>>
        %dma_wait3A_529 = arith.constant 0 : i32
        %dma_wait3A_530 = arith.constant 0 : i32
        %dma_wait3A_531 = tpu.memref_slice %arg10[%dma_wait3A_529, %dma_wait3A_530] : memref<10128x128xf32, #tpu.memory_space<vmem_shared>> -> memref<10128x128xf32, #tpu.memory_space<vmem_shared>>
        tpu.wait_indirect_dma semaphore(%run_scoped3A_519 : memref<!tpu.dma_semaphore, #tpu.memory_space<semaphore_mem>>) src(%arg8 : memref<128x128xf32, #tpu.memory_space<vmem>>) dst(%dma_wait3A_531 : memref<10128x128xf32, #tpu.memory_space<vmem_shared>>)
        tpu.yield
      }) : () -> ()
      %dma_start3A_66 = arith.constant 0 : i32
      %dma_start3A_67 = arith.constant 2 : i32
      %dma_start3A_68 = arith.constant 0 : i32
      %dma_start3A_69 = tpu.memref_slice %arg6[%dma_start3A_66, %dma_start3A_67, %dma_start3A_68] : memref<2x10x128xi32, #tpu.memory_space<vmem>> -> memref<1x1x128xi32, #tpu.memory_space<vmem>>
      %dma_start3A_70 = tpu.memref_squeeze %dma_start3A_69 : memref<1x1x128xi32, #tpu.memory_space<vmem>> -> memref<128xi32, #tpu.memory_space<vmem>>
      %dma_start3A_71 = arith.constant 0 : i32
      %dma_start3A_72 = arith.constant 0 : i32
      %dma_start3A_73 = tpu.memref_slice %arg2[%dma_start3A_71, %dma_start3A_72] : memref<10000x128xf32, #tpu.memory_space<hbm>> -> memref<10000x128xf32, #tpu.memory_space<hbm>>
      tpu.enqueue_indirect_dma source(%dma_start3A_73 : memref<10000x128xf32, #tpu.memory_space<hbm>>) target(%arg8 : memref<128x128xf32, #tpu.memory_space<vmem>>) offsets(%dma_start3A_70 : memref<128xi32, #tpu.memory_space<vmem>>) semaphore(%arg11 : memref<!tpu.dma_semaphore, #tpu.memory_space<semaphore_mem>>)
      %mul3A_74 = arith.constant 10 : i32
      %mul3A_75 = arith.muli %add3A_51, %mul3A_74 : i32
      %add3A_76 = arith.constant 1 : i32
      %add3A_77 = arith.addi %mul3A_75, %add3A_76 : i32
      %dma_wait3A_78 = arith.constant 0 : i32
      %dma_wait3A_79 = arith.constant 1 : i32
      %dma_wait3A_80 = arith.constant 0 : i32
      %dma_wait3A_81 = tpu.memref_slice %arg6[%dma_wait3A_78, %dma_wait3A_79, %dma_wait3A_80] : memref<2x10x128xi32, #tpu.memory_space<vmem>> -> memref<1x1x128xi32, #tpu.memory_space<vmem>>
      %dma_wait3A_82 = tpu.memref_squeeze %dma_wait3A_81 : memref<1x1x128xi32, #tpu.memory_space<vmem>> -> memref<128xi32, #tpu.memory_space<vmem>>
      %dma_wait3A_83 = arith.constant 0 : i32
      %dma_wait3A_84 = arith.constant 0 : i32
      %dma_wait3A_85 = tpu.memref_slice %arg2[%dma_wait3A_83, %dma_wait3A_84] : memref<10000x128xf32, #tpu.memory_space<hbm>> -> memref<10000x128xf32, #tpu.memory_space<hbm>>
      tpu.wait_indirect_dma semaphore(%arg12 : memref<!tpu.dma_semaphore, #tpu.memory_space<semaphore_mem>>) src(%dma_wait3A_85 : memref<10000x128xf32, #tpu.memory_space<hbm>>) dst(%arg9 : memref<128x128xf32, #tpu.memory_space<vmem>>)
      %run_scoped3A_86 = arith.constant 1 : i32
      %run_scoped3A_87 = arith.constant 1 : i32
      "tpu.region"() ({
        %run_scoped3A_519 = tpu.sem_alloc : memref<!tpu.dma_semaphore, #tpu.memory_space<semaphore_mem>>
        %dma_start3A_520 = arith.constant 0 : i32
        %dma_start3A_521 = tpu.memref_slice %arg6[%run_scoped3A_86, %run_scoped3A_87, %dma_start3A_520] : memref<2x10x128xi32, #tpu.memory_space<vmem>> -> memref<1x1x128xi32, #tpu.memory_space<vmem>>
        %dma_start3A_522 = tpu.memref_squeeze %dma_start3A_521 : memref<1x1x128xi32, #tpu.memory_space<vmem>> -> memref<128xi32, #tpu.memory_space<vmem>>
        %dma_start3A_523 = arith.constant 0 : i32
        %dma_start3A_524 = arith.constant 0 : i32
        %dma_start3A_525 = tpu.memref_slice %arg10[%dma_start3A_523, %dma_start3A_524] : memref<10128x128xf32, #tpu.memory_space<vmem_shared>> -> memref<10128x128xf32, #tpu.memory_space<vmem_shared>>
        tpu.enqueue_indirect_dma source(%arg9 : memref<128x128xf32, #tpu.memory_space<vmem>>) target(%dma_start3A_525 : memref<10128x128xf32, #tpu.memory_space<vmem_shared>>) offsets(%dma_start3A_522 : memref<128xi32, #tpu.memory_space<vmem>>) semaphore(%run_scoped3A_519 : memref<!tpu.dma_semaphore, #tpu.memory_space<semaphore_mem>>) {add = true}
        %dma_wait3A_526 = arith.constant 0 : i32
        %dma_wait3A_527 = tpu.memref_slice %arg6[%run_scoped3A_86, %run_scoped3A_87, %dma_wait3A_526] : memref<2x10x128xi32, #tpu.memory_space<vmem>> -> memref<1x1x128xi32, #tpu.memory_space<vmem>>
        %dma_wait3A_528 = tpu.memref_squeeze %dma_wait3A_527 : memref<1x1x128xi32, #tpu.memory_space<vmem>> -> memref<128xi32, #tpu.memory_space<vmem>>
        %dma_wait3A_529 = arith.constant 0 : i32
        %dma_wait3A_530 = arith.constant 0 : i32
        %dma_wait3A_531 = tpu.memref_slice %arg10[%dma_wait3A_529, %dma_wait3A_530] : memref<10128x128xf32, #tpu.memory_space<vmem_shared>> -> memref<10128x128xf32, #tpu.memory_space<vmem_shared>>
        tpu.wait_indirect_dma semaphore(%run_scoped3A_519 : memref<!tpu.dma_semaphore, #tpu.memory_space<semaphore_mem>>) src(%arg9 : memref<128x128xf32, #tpu.memory_space<vmem>>) dst(%dma_wait3A_531 : memref<10128x128xf32, #tpu.memory_space<vmem_shared>>)
        tpu.yield
      }) : () -> ()
      %dma_start3A_88 = arith.constant 0 : i32
      %dma_start3A_89 = arith.constant 3 : i32
      %dma_start3A_90 = arith.constant 0 : i32
      %dma_start3A_91 = tpu.memref_slice %arg6[%dma_start3A_88, %dma_start3A_89, %dma_start3A_90] : memref<2x10x128xi32, #tpu.memory_space<vmem>> -> memref<1x1x128xi32, #tpu.memory_space<vmem>>
      %dma_start3A_92 = tpu.memref_squeeze %dma_start3A_91 : memref<1x1x128xi32, #tpu.memory_space<vmem>> -> memref<128xi32, #tpu.memory_space<vmem>>
      %dma_start3A_93 = arith.constant 0 : i32
      %dma_start3A_94 = arith.constant 0 : i32
      %dma_start3A_95 = tpu.memref_slice %arg2[%dma_start3A_93, %dma_start3A_94] : memref<10000x128xf32, #tpu.memory_space<hbm>> -> memref<10000x128xf32, #tpu.memory_space<hbm>>
      tpu.enqueue_indirect_dma source(%dma_start3A_95 : memref<10000x128xf32, #tpu.memory_space<hbm>>) target(%arg9 : memref<128x128xf32, #tpu.memory_space<vmem>>) offsets(%dma_start3A_92 : memref<128xi32, #tpu.memory_space<vmem>>) semaphore(%arg12 : memref<!tpu.dma_semaphore, #tpu.memory_space<semaphore_mem>>)
      %mul3A_96 = arith.constant 10 : i32
      %mul3A_97 = arith.muli %add3A_51, %mul3A_96 : i32
      %add3A_98 = arith.constant 2 : i32
      %add3A_99 = arith.addi %mul3A_97, %add3A_98 : i32
      %dma_wait3A_100 = arith.constant 0 : i32
      %dma_wait3A_101 = arith.constant 2 : i32
      %dma_wait3A_102 = arith.constant 0 : i32
      %dma_wait3A_103 = tpu.memref_slice %arg6[%dma_wait3A_100, %dma_wait3A_101, %dma_wait3A_102] : memref<2x10x128xi32, #tpu.memory_space<vmem>> -> memref<1x1x128xi32, #tpu.memory_space<vmem>>
      %dma_wait3A_104 = tpu.memref_squeeze %dma_wait3A_103 : memref<1x1x128xi32, #tpu.memory_space<vmem>> -> memref<128xi32, #tpu.memory_space<vmem>>
      %dma_wait3A_105 = arith.constant 0 : i32
      %dma_wait3A_106 = arith.constant 0 : i32
      %dma_wait3A_107 = tpu.memref_slice %arg2[%dma_wait3A_105, %dma_wait3A_106] : memref<10000x128xf32, #tpu.memory_space<hbm>> -> memref<10000x128xf32, #tpu.memory_space<hbm>>
      tpu.wait_indirect_dma semaphore(%arg11 : memref<!tpu.dma_semaphore, #tpu.memory_space<semaphore_mem>>) src(%dma_wait3A_107 : memref<10000x128xf32, #tpu.memory_space<hbm>>) dst(%arg8 : memref<128x128xf32, #tpu.memory_space<vmem>>)
      %run_scoped3A_108 = arith.constant 1 : i32
      %run_scoped3A_109 = arith.constant 2 : i32
      "tpu.region"() ({
        %run_scoped3A_519 = tpu.sem_alloc : memref<!tpu.dma_semaphore, #tpu.memory_space<semaphore_mem>>
        %dma_start3A_520 = arith.constant 0 : i32
        %dma_start3A_521 = tpu.memref_slice %arg6[%run_scoped3A_108, %run_scoped3A_109, %dma_start3A_520] : memref<2x10x128xi32, #tpu.memory_space<vmem>> -> memref<1x1x128xi32, #tpu.memory_space<vmem>>
        %dma_start3A_522 = tpu.memref_squeeze %dma_start3A_521 : memref<1x1x128xi32, #tpu.memory_space<vmem>> -> memref<128xi32, #tpu.memory_space<vmem>>
        %dma_start3A_523 = arith.constant 0 : i32
        %dma_start3A_524 = arith.constant 0 : i32
        %dma_start3A_525 = tpu.memref_slice %arg10[%dma_start3A_523, %dma_start3A_524] : memref<10128x128xf32, #tpu.memory_space<vmem_shared>> -> memref<10128x128xf32, #tpu.memory_space<vmem_shared>>
        tpu.enqueue_indirect_dma source(%arg8 : memref<128x128xf32, #tpu.memory_space<vmem>>) target(%dma_start3A_525 : memref<10128x128xf32, #tpu.memory_space<vmem_shared>>) offsets(%dma_start3A_522 : memref<128xi32, #tpu.memory_space<vmem>>) semaphore(%run_scoped3A_519 : memref<!tpu.dma_semaphore, #tpu.memory_space<semaphore_mem>>) {add = true}
        %dma_wait3A_526 = arith.constant 0 : i32
        %dma_wait3A_527 = tpu.memref_slice %arg6[%run_scoped3A_108, %run_scoped3A_109, %dma_wait3A_526] : memref<2x10x128xi32, #tpu.memory_space<vmem>> -> memref<1x1x128xi32, #tpu.memory_space<vmem>>
        %dma_wait3A_528 = tpu.memref_squeeze %dma_wait3A_527 : memref<1x1x128xi32, #tpu.memory_space<vmem>> -> memref<128xi32, #tpu.memory_space<vmem>>
        %dma_wait3A_529 = arith.constant 0 : i32
        %dma_wait3A_530 = arith.constant 0 : i32
        %dma_wait3A_531 = tpu.memref_slice %arg10[%dma_wait3A_529, %dma_wait3A_530] : memref<10128x128xf32, #tpu.memory_space<vmem_shared>> -> memref<10128x128xf32, #tpu.memory_space<vmem_shared>>
        tpu.wait_indirect_dma semaphore(%run_scoped3A_519 : memref<!tpu.dma_semaphore, #tpu.memory_space<semaphore_mem>>) src(%arg8 : memref<128x128xf32, #tpu.memory_space<vmem>>) dst(%dma_wait3A_531 : memref<10128x128xf32, #tpu.memory_space<vmem_shared>>)
        tpu.yield
      }) : () -> ()
      %dma_start3A_110 = arith.constant 0 : i32
      %dma_start3A_111 = arith.constant 4 : i32
      %dma_start3A_112 = arith.constant 0 : i32
      %dma_start3A_113 = tpu.memref_slice %arg6[%dma_start3A_110, %dma_start3A_111, %dma_start3A_112] : memref<2x10x128xi32, #tpu.memory_space<vmem>> -> memref<1x1x128xi32, #tpu.memory_space<vmem>>
      %dma_start3A_114 = tpu.memref_squeeze %dma_start3A_113 : memref<1x1x128xi32, #tpu.memory_space<vmem>> -> memref<128xi32, #tpu.memory_space<vmem>>
      %dma_start3A_115 = arith.constant 0 : i32
      %dma_start3A_116 = arith.constant 0 : i32
      %dma_start3A_117 = tpu.memref_slice %arg2[%dma_start3A_115, %dma_start3A_116] : memref<10000x128xf32, #tpu.memory_space<hbm>> -> memref<10000x128xf32, #tpu.memory_space<hbm>>
      tpu.enqueue_indirect_dma source(%dma_start3A_117 : memref<10000x128xf32, #tpu.memory_space<hbm>>) target(%arg8 : memref<128x128xf32, #tpu.memory_space<vmem>>) offsets(%dma_start3A_114 : memref<128xi32, #tpu.memory_space<vmem>>) semaphore(%arg11 : memref<!tpu.dma_semaphore, #tpu.memory_space<semaphore_mem>>)
      %mul3A_118 = arith.constant 10 : i32
      %mul3A_119 = arith.muli %add3A_51, %mul3A_118 : i32
      %add3A_120 = arith.constant 3 : i32
      %add3A_121 = arith.addi %mul3A_119, %add3A_120 : i32
      %dma_wait3A_122 = arith.constant 0 : i32
      %dma_wait3A_123 = arith.constant 3 : i32
      %dma_wait3A_124 = arith.constant 0 : i32
      %dma_wait3A_125 = tpu.memref_slice %arg6[%dma_wait3A_122, %dma_wait3A_123, %dma_wait3A_124] : memref<2x10x128xi32, #tpu.memory_space<vmem>> -> memref<1x1x128xi32, #tpu.memory_space<vmem>>
      %dma_wait3A_126 = tpu.memref_squeeze %dma_wait3A_125 : memref<1x1x128xi32, #tpu.memory_space<vmem>> -> memref<128xi32, #tpu.memory_space<vmem>>
      %dma_wait3A_127 = arith.constant 0 : i32
      %dma_wait3A_128 = arith.constant 0 : i32
      %dma_wait3A_129 = tpu.memref_slice %arg2[%dma_wait3A_127, %dma_wait3A_128] : memref<10000x128xf32, #tpu.memory_space<hbm>> -> memref<10000x128xf32, #tpu.memory_space<hbm>>
      tpu.wait_indirect_dma semaphore(%arg12 : memref<!tpu.dma_semaphore, #tpu.memory_space<semaphore_mem>>) src(%dma_wait3A_129 : memref<10000x128xf32, #tpu.memory_space<hbm>>) dst(%arg9 : memref<128x128xf32, #tpu.memory_space<vmem>>)
      %run_scoped3A_130 = arith.constant 1 : i32
      %run_scoped3A_131 = arith.constant 3 : i32
      "tpu.region"() ({
        %run_scoped3A_519 = tpu.sem_alloc : memref<!tpu.dma_semaphore, #tpu.memory_space<semaphore_mem>>
        %dma_start3A_520 = arith.constant 0 : i32
        %dma_start3A_521 = tpu.memref_slice %arg6[%run_scoped3A_130, %run_scoped3A_131, %dma_start3A_520] : memref<2x10x128xi32, #tpu.memory_space<vmem>> -> memref<1x1x128xi32, #tpu.memory_space<vmem>>
        %dma_start3A_522 = tpu.memref_squeeze %dma_start3A_521 : memref<1x1x128xi32, #tpu.memory_space<vmem>> -> memref<128xi32, #tpu.memory_space<vmem>>
        %dma_start3A_523 = arith.constant 0 : i32
        %dma_start3A_524 = arith.constant 0 : i32
        %dma_start3A_525 = tpu.memref_slice %arg10[%dma_start3A_523, %dma_start3A_524] : memref<10128x128xf32, #tpu.memory_space<vmem_shared>> -> memref<10128x128xf32, #tpu.memory_space<vmem_shared>>
        tpu.enqueue_indirect_dma source(%arg9 : memref<128x128xf32, #tpu.memory_space<vmem>>) target(%dma_start3A_525 : memref<10128x128xf32, #tpu.memory_space<vmem_shared>>) offsets(%dma_start3A_522 : memref<128xi32, #tpu.memory_space<vmem>>) semaphore(%run_scoped3A_519 : memref<!tpu.dma_semaphore, #tpu.memory_space<semaphore_mem>>) {add = true}
        %dma_wait3A_526 = arith.constant 0 : i32
        %dma_wait3A_527 = tpu.memref_slice %arg6[%run_scoped3A_130, %run_scoped3A_131, %dma_wait3A_526] : memref<2x10x128xi32, #tpu.memory_space<vmem>> -> memref<1x1x128xi32, #tpu.memory_space<vmem>>
        %dma_wait3A_528 = tpu.memref_squeeze %dma_wait3A_527 : memref<1x1x128xi32, #tpu.memory_space<vmem>> -> memref<128xi32, #tpu.memory_space<vmem>>
        %dma_wait3A_529 = arith.constant 0 : i32
        %dma_wait3A_530 = arith.constant 0 : i32
        %dma_wait3A_531 = tpu.memref_slice %arg10[%dma_wait3A_529, %dma_wait3A_530] : memref<10128x128xf32, #tpu.memory_space<vmem_shared>> -> memref<10128x128xf32, #tpu.memory_space<vmem_shared>>
        tpu.wait_indirect_dma semaphore(%run_scoped3A_519 : memref<!tpu.dma_semaphore, #tpu.memory_space<semaphore_mem>>) src(%arg9 : memref<128x128xf32, #tpu.memory_space<vmem>>) dst(%dma_wait3A_531 : memref<10128x128xf32, #tpu.memory_space<vmem_shared>>)
        tpu.yield
      }) : () -> ()
      %dma_start3A_132 = arith.constant 0 : i32
      %dma_start3A_133 = arith.constant 5 : i32
      %dma_start3A_134 = arith.constant 0 : i32
      %dma_start3A_135 = tpu.memref_slice %arg6[%dma_start3A_132, %dma_start3A_133, %dma_start3A_134] : memref<2x10x128xi32, #tpu.memory_space<vmem>> -> memref<1x1x128xi32, #tpu.memory_space<vmem>>
      %dma_start3A_136 = tpu.memref_squeeze %dma_start3A_135 : memref<1x1x128xi32, #tpu.memory_space<vmem>> -> memref<128xi32, #tpu.memory_space<vmem>>
      %dma_start3A_137 = arith.constant 0 : i32
      %dma_start3A_138 = arith.constant 0 : i32
      %dma_start3A_139 = tpu.memref_slice %arg2[%dma_start3A_137, %dma_start3A_138] : memref<10000x128xf32, #tpu.memory_space<hbm>> -> memref<10000x128xf32, #tpu.memory_space<hbm>>
      tpu.enqueue_indirect_dma source(%dma_start3A_139 : memref<10000x128xf32, #tpu.memory_space<hbm>>) target(%arg9 : memref<128x128xf32, #tpu.memory_space<vmem>>) offsets(%dma_start3A_136 : memref<128xi32, #tpu.memory_space<vmem>>) semaphore(%arg12 : memref<!tpu.dma_semaphore, #tpu.memory_space<semaphore_mem>>)
      %mul3A_140 = arith.constant 10 : i32
      %mul3A_141 = arith.muli %add3A_51, %mul3A_140 : i32
      %add3A_142 = arith.constant 4 : i32
      %add3A_143 = arith.addi %mul3A_141, %add3A_142 : i32
      %dma_wait3A_144 = arith.constant 0 : i32
      %dma_wait3A_145 = arith.constant 4 : i32
      %dma_wait3A_146 = arith.constant 0 : i32
      %dma_wait3A_147 = tpu.memref_slice %arg6[%dma_wait3A_144, %dma_wait3A_145, %dma_wait3A_146] : memref<2x10x128xi32, #tpu.memory_space<vmem>> -> memref<1x1x128xi32, #tpu.memory_space<vmem>>
      %dma_wait3A_148 = tpu.memref_squeeze %dma_wait3A_147 : memref<1x1x128xi32, #tpu.memory_space<vmem>> -> memref<128xi32, #tpu.memory_space<vmem>>
      %dma_wait3A_149 = arith.constant 0 : i32
      %dma_wait3A_150 = arith.constant 0 : i32
      %dma_wait3A_151 = tpu.memref_slice %arg2[%dma_wait3A_149, %dma_wait3A_150] : memref<10000x128xf32, #tpu.memory_space<hbm>> -> memref<10000x128xf32, #tpu.memory_space<hbm>>
      tpu.wait_indirect_dma semaphore(%arg11 : memref<!tpu.dma_semaphore, #tpu.memory_space<semaphore_mem>>) src(%dma_wait3A_151 : memref<10000x128xf32, #tpu.memory_space<hbm>>) dst(%arg8 : memref<128x128xf32, #tpu.memory_space<vmem>>)
      %run_scoped3A_152 = arith.constant 1 : i32
      %run_scoped3A_153 = arith.constant 4 : i32
      "tpu.region"() ({
        %run_scoped3A_519 = tpu.sem_alloc : memref<!tpu.dma_semaphore, #tpu.memory_space<semaphore_mem>>
        %dma_start3A_520 = arith.constant 0 : i32
        %dma_start3A_521 = tpu.memref_slice %arg6[%run_scoped3A_152, %run_scoped3A_153, %dma_start3A_520] : memref<2x10x128xi32, #tpu.memory_space<vmem>> -> memref<1x1x128xi32, #tpu.memory_space<vmem>>
        %dma_start3A_522 = tpu.memref_squeeze %dma_start3A_521 : memref<1x1x128xi32, #tpu.memory_space<vmem>> -> memref<128xi32, #tpu.memory_space<vmem>>
        %dma_start3A_523 = arith.constant 0 : i32
        %dma_start3A_524 = arith.constant 0 : i32
        %dma_start3A_525 = tpu.memref_slice %arg10[%dma_start3A_523, %dma_start3A_524] : memref<10128x128xf32, #tpu.memory_space<vmem_shared>> -> memref<10128x128xf32, #tpu.memory_space<vmem_shared>>
        tpu.enqueue_indirect_dma source(%arg8 : memref<128x128xf32, #tpu.memory_space<vmem>>) target(%dma_start3A_525 : memref<10128x128xf32, #tpu.memory_space<vmem_shared>>) offsets(%dma_start3A_522 : memref<128xi32, #tpu.memory_space<vmem>>) semaphore(%run_scoped3A_519 : memref<!tpu.dma_semaphore, #tpu.memory_space<semaphore_mem>>) {add = true}
        %dma_wait3A_526 = arith.constant 0 : i32
        %dma_wait3A_527 = tpu.memref_slice %arg6[%run_scoped3A_152, %run_scoped3A_153, %dma_wait3A_526] : memref<2x10x128xi32, #tpu.memory_space<vmem>> -> memref<1x1x128xi32, #tpu.memory_space<vmem>>
        %dma_wait3A_528 = tpu.memref_squeeze %dma_wait3A_527 : memref<1x1x128xi32, #tpu.memory_space<vmem>> -> memref<128xi32, #tpu.memory_space<vmem>>
        %dma_wait3A_529 = arith.constant 0 : i32
        %dma_wait3A_530 = arith.constant 0 : i32
        %dma_wait3A_531 = tpu.memref_slice %arg10[%dma_wait3A_529, %dma_wait3A_530] : memref<10128x128xf32, #tpu.memory_space<vmem_shared>> -> memref<10128x128xf32, #tpu.memory_space<vmem_shared>>
        tpu.wait_indirect_dma semaphore(%run_scoped3A_519 : memref<!tpu.dma_semaphore, #tpu.memory_space<semaphore_mem>>) src(%arg8 : memref<128x128xf32, #tpu.memory_space<vmem>>) dst(%dma_wait3A_531 : memref<10128x128xf32, #tpu.memory_space<vmem_shared>>)
        tpu.yield
      }) : () -> ()
      %dma_start3A_154 = arith.constant 0 : i32
      %dma_start3A_155 = arith.constant 6 : i32
      %dma_start3A_156 = arith.constant 0 : i32
      %dma_start3A_157 = tpu.memref_slice %arg6[%dma_start3A_154, %dma_start3A_155, %dma_start3A_156] : memref<2x10x128xi32, #tpu.memory_space<vmem>> -> memref<1x1x128xi32, #tpu.memory_space<vmem>>
      %dma_start3A_158 = tpu.memref_squeeze %dma_start3A_157 : memref<1x1x128xi32, #tpu.memory_space<vmem>> -> memref<128xi32, #tpu.memory_space<vmem>>
      %dma_start3A_159 = arith.constant 0 : i32
      %dma_start3A_160 = arith.constant 0 : i32
      %dma_start3A_161 = tpu.memref_slice %arg2[%dma_start3A_159, %dma_start3A_160] : memref<10000x128xf32, #tpu.memory_space<hbm>> -> memref<10000x128xf32, #tpu.memory_space<hbm>>
      tpu.enqueue_indirect_dma source(%dma_start3A_161 : memref<10000x128xf32, #tpu.memory_space<hbm>>) target(%arg8 : memref<128x128xf32, #tpu.memory_space<vmem>>) offsets(%dma_start3A_158 : memref<128xi32, #tpu.memory_space<vmem>>) semaphore(%arg11 : memref<!tpu.dma_semaphore, #tpu.memory_space<semaphore_mem>>)
      %mul3A_162 = arith.constant 10 : i32
      %mul3A_163 = arith.muli %add3A_51, %mul3A_162 : i32
      %add3A_164 = arith.constant 5 : i32
      %add3A_165 = arith.addi %mul3A_163, %add3A_164 : i32
      %dma_wait3A_166 = arith.constant 0 : i32
      %dma_wait3A_167 = arith.constant 5 : i32
      %dma_wait3A_168 = arith.constant 0 : i32
      %dma_wait3A_169 = tpu.memref_slice %arg6[%dma_wait3A_166, %dma_wait3A_167, %dma_wait3A_168] : memref<2x10x128xi32, #tpu.memory_space<vmem>> -> memref<1x1x128xi32, #tpu.memory_space<vmem>>
      %dma_wait3A_170 = tpu.memref_squeeze %dma_wait3A_169 : memref<1x1x128xi32, #tpu.memory_space<vmem>> -> memref<128xi32, #tpu.memory_space<vmem>>
      %dma_wait3A_171 = arith.constant 0 : i32
      %dma_wait3A_172 = arith.constant 0 : i32
      %dma_wait3A_173 = tpu.memref_slice %arg2[%dma_wait3A_171, %dma_wait3A_172] : memref<10000x128xf32, #tpu.memory_space<hbm>> -> memref<10000x128xf32, #tpu.memory_space<hbm>>
      tpu.wait_indirect_dma semaphore(%arg12 : memref<!tpu.dma_semaphore, #tpu.memory_space<semaphore_mem>>) src(%dma_wait3A_173 : memref<10000x128xf32, #tpu.memory_space<hbm>>) dst(%arg9 : memref<128x128xf32, #tpu.memory_space<vmem>>)
      %run_scoped3A_174 = arith.constant 1 : i32
      %run_scoped3A_175 = arith.constant 5 : i32
      "tpu.region"() ({
        %run_scoped3A_519 = tpu.sem_alloc : memref<!tpu.dma_semaphore, #tpu.memory_space<semaphore_mem>>
        %dma_start3A_520 = arith.constant 0 : i32
        %dma_start3A_521 = tpu.memref_slice %arg6[%run_scoped3A_174, %run_scoped3A_175, %dma_start3A_520] : memref<2x10x128xi32, #tpu.memory_space<vmem>> -> memref<1x1x128xi32, #tpu.memory_space<vmem>>
        %dma_start3A_522 = tpu.memref_squeeze %dma_start3A_521 : memref<1x1x128xi32, #tpu.memory_space<vmem>> -> memref<128xi32, #tpu.memory_space<vmem>>
        %dma_start3A_523 = arith.constant 0 : i32
        %dma_start3A_524 = arith.constant 0 : i32
        %dma_start3A_525 = tpu.memref_slice %arg10[%dma_start3A_523, %dma_start3A_524] : memref<10128x128xf32, #tpu.memory_space<vmem_shared>> -> memref<10128x128xf32, #tpu.memory_space<vmem_shared>>
        tpu.enqueue_indirect_dma source(%arg9 : memref<128x128xf32, #tpu.memory_space<vmem>>) target(%dma_start3A_525 : memref<10128x128xf32, #tpu.memory_space<vmem_shared>>) offsets(%dma_start3A_522 : memref<128xi32, #tpu.memory_space<vmem>>) semaphore(%run_scoped3A_519 : memref<!tpu.dma_semaphore, #tpu.memory_space<semaphore_mem>>) {add = true}
        %dma_wait3A_526 = arith.constant 0 : i32
        %dma_wait3A_527 = tpu.memref_slice %arg6[%run_scoped3A_174, %run_scoped3A_175, %dma_wait3A_526] : memref<2x10x128xi32, #tpu.memory_space<vmem>> -> memref<1x1x128xi32, #tpu.memory_space<vmem>>
        %dma_wait3A_528 = tpu.memref_squeeze %dma_wait3A_527 : memref<1x1x128xi32, #tpu.memory_space<vmem>> -> memref<128xi32, #tpu.memory_space<vmem>>
        %dma_wait3A_529 = arith.constant 0 : i32
        %dma_wait3A_530 = arith.constant 0 : i32
        %dma_wait3A_531 = tpu.memref_slice %arg10[%dma_wait3A_529, %dma_wait3A_530] : memref<10128x128xf32, #tpu.memory_space<vmem_shared>> -> memref<10128x128xf32, #tpu.memory_space<vmem_shared>>
        tpu.wait_indirect_dma semaphore(%run_scoped3A_519 : memref<!tpu.dma_semaphore, #tpu.memory_space<semaphore_mem>>) src(%arg9 : memref<128x128xf32, #tpu.memory_space<vmem>>) dst(%dma_wait3A_531 : memref<10128x128xf32, #tpu.memory_space<vmem_shared>>)
        tpu.yield
      }) : () -> ()
      %dma_start3A_176 = arith.constant 0 : i32
      %dma_start3A_177 = arith.constant 7 : i32
      %dma_start3A_178 = arith.constant 0 : i32
      %dma_start3A_179 = tpu.memref_slice %arg6[%dma_start3A_176, %dma_start3A_177, %dma_start3A_178] : memref<2x10x128xi32, #tpu.memory_space<vmem>> -> memref<1x1x128xi32, #tpu.memory_space<vmem>>
      %dma_start3A_180 = tpu.memref_squeeze %dma_start3A_179 : memref<1x1x128xi32, #tpu.memory_space<vmem>> -> memref<128xi32, #tpu.memory_space<vmem>>
      %dma_start3A_181 = arith.constant 0 : i32
      %dma_start3A_182 = arith.constant 0 : i32
      %dma_start3A_183 = tpu.memref_slice %arg2[%dma_start3A_181, %dma_start3A_182] : memref<10000x128xf32, #tpu.memory_space<hbm>> -> memref<10000x128xf32, #tpu.memory_space<hbm>>
      tpu.enqueue_indirect_dma source(%dma_start3A_183 : memref<10000x128xf32, #tpu.memory_space<hbm>>) target(%arg9 : memref<128x128xf32, #tpu.memory_space<vmem>>) offsets(%dma_start3A_180 : memref<128xi32, #tpu.memory_space<vmem>>) semaphore(%arg12 : memref<!tpu.dma_semaphore, #tpu.memory_space<semaphore_mem>>)
      %mul3A_184 = arith.constant 10 : i32
      %mul3A_185 = arith.muli %add3A_51, %mul3A_184 : i32
      %add3A_186 = arith.constant 6 : i32
      %add3A_187 = arith.addi %mul3A_185, %add3A_186 : i32
      %dma_wait3A_188 = arith.constant 0 : i32
      %dma_wait3A_189 = arith.constant 6 : i32
      %dma_wait3A_190 = arith.constant 0 : i32
      %dma_wait3A_191 = tpu.memref_slice %arg6[%dma_wait3A_188, %dma_wait3A_189, %dma_wait3A_190] : memref<2x10x128xi32, #tpu.memory_space<vmem>> -> memref<1x1x128xi32, #tpu.memory_space<vmem>>
      %dma_wait3A_192 = tpu.memref_squeeze %dma_wait3A_191 : memref<1x1x128xi32, #tpu.memory_space<vmem>> -> memref<128xi32, #tpu.memory_space<vmem>>
      %dma_wait3A_193 = arith.constant 0 : i32
      %dma_wait3A_194 = arith.constant 0 : i32
      %dma_wait3A_195 = tpu.memref_slice %arg2[%dma_wait3A_193, %dma_wait3A_194] : memref<10000x128xf32, #tpu.memory_space<hbm>> -> memref<10000x128xf32, #tpu.memory_space<hbm>>
      tpu.wait_indirect_dma semaphore(%arg11 : memref<!tpu.dma_semaphore, #tpu.memory_space<semaphore_mem>>) src(%dma_wait3A_195 : memref<10000x128xf32, #tpu.memory_space<hbm>>) dst(%arg8 : memref<128x128xf32, #tpu.memory_space<vmem>>)
      %run_scoped3A_196 = arith.constant 1 : i32
      %run_scoped3A_197 = arith.constant 6 : i32
      "tpu.region"() ({
        %run_scoped3A_519 = tpu.sem_alloc : memref<!tpu.dma_semaphore, #tpu.memory_space<semaphore_mem>>
        %dma_start3A_520 = arith.constant 0 : i32
        %dma_start3A_521 = tpu.memref_slice %arg6[%run_scoped3A_196, %run_scoped3A_197, %dma_start3A_520] : memref<2x10x128xi32, #tpu.memory_space<vmem>> -> memref<1x1x128xi32, #tpu.memory_space<vmem>>
        %dma_start3A_522 = tpu.memref_squeeze %dma_start3A_521 : memref<1x1x128xi32, #tpu.memory_space<vmem>> -> memref<128xi32, #tpu.memory_space<vmem>>
        %dma_start3A_523 = arith.constant 0 : i32
        %dma_start3A_524 = arith.constant 0 : i32
        %dma_start3A_525 = tpu.memref_slice %arg10[%dma_start3A_523, %dma_start3A_524] : memref<10128x128xf32, #tpu.memory_space<vmem_shared>> -> memref<10128x128xf32, #tpu.memory_space<vmem_shared>>
        tpu.enqueue_indirect_dma source(%arg8 : memref<128x128xf32, #tpu.memory_space<vmem>>) target(%dma_start3A_525 : memref<10128x128xf32, #tpu.memory_space<vmem_shared>>) offsets(%dma_start3A_522 : memref<128xi32, #tpu.memory_space<vmem>>) semaphore(%run_scoped3A_519 : memref<!tpu.dma_semaphore, #tpu.memory_space<semaphore_mem>>) {add = true}
        %dma_wait3A_526 = arith.constant 0 : i32
        %dma_wait3A_527 = tpu.memref_slice %arg6[%run_scoped3A_196, %run_scoped3A_197, %dma_wait3A_526] : memref<2x10x128xi32, #tpu.memory_space<vmem>> -> memref<1x1x128xi32, #tpu.memory_space<vmem>>
        %dma_wait3A_528 = tpu.memref_squeeze %dma_wait3A_527 : memref<1x1x128xi32, #tpu.memory_space<vmem>> -> memref<128xi32, #tpu.memory_space<vmem>>
        %dma_wait3A_529 = arith.constant 0 : i32
        %dma_wait3A_530 = arith.constant 0 : i32
        %dma_wait3A_531 = tpu.memref_slice %arg10[%dma_wait3A_529, %dma_wait3A_530] : memref<10128x128xf32, #tpu.memory_space<vmem_shared>> -> memref<10128x128xf32, #tpu.memory_space<vmem_shared>>
        tpu.wait_indirect_dma semaphore(%run_scoped3A_519 : memref<!tpu.dma_semaphore, #tpu.memory_space<semaphore_mem>>) src(%arg8 : memref<128x128xf32, #tpu.memory_space<vmem>>) dst(%dma_wait3A_531 : memref<10128x128xf32, #tpu.memory_space<vmem_shared>>)
        tpu.yield
      }) : () -> ()
      %dma_start3A_198 = arith.constant 0 : i32
      %dma_start3A_199 = arith.constant 8 : i32
      %dma_start3A_200 = arith.constant 0 : i32
      %dma_start3A_201 = tpu.memref_slice %arg6[%dma_start3A_198, %dma_start3A_199, %dma_start3A_200] : memref<2x10x128xi32, #tpu.memory_space<vmem>> -> memref<1x1x128xi32, #tpu.memory_space<vmem>>
      %dma_start3A_202 = tpu.memref_squeeze %dma_start3A_201 : memref<1x1x128xi32, #tpu.memory_space<vmem>> -> memref<128xi32, #tpu.memory_space<vmem>>
      %dma_start3A_203 = arith.constant 0 : i32
      %dma_start3A_204 = arith.constant 0 : i32
      %dma_start3A_205 = tpu.memref_slice %arg2[%dma_start3A_203, %dma_start3A_204] : memref<10000x128xf32, #tpu.memory_space<hbm>> -> memref<10000x128xf32, #tpu.memory_space<hbm>>
      tpu.enqueue_indirect_dma source(%dma_start3A_205 : memref<10000x128xf32, #tpu.memory_space<hbm>>) target(%arg8 : memref<128x128xf32, #tpu.memory_space<vmem>>) offsets(%dma_start3A_202 : memref<128xi32, #tpu.memory_space<vmem>>) semaphore(%arg11 : memref<!tpu.dma_semaphore, #tpu.memory_space<semaphore_mem>>)
      %mul3A_206 = arith.constant 10 : i32
      %mul3A_207 = arith.muli %add3A_51, %mul3A_206 : i32
      %add3A_208 = arith.constant 7 : i32
      %add3A_209 = arith.addi %mul3A_207, %add3A_208 : i32
      %dma_wait3A_210 = arith.constant 0 : i32
      %dma_wait3A_211 = arith.constant 7 : i32
      %dma_wait3A_212 = arith.constant 0 : i32
      %dma_wait3A_213 = tpu.memref_slice %arg6[%dma_wait3A_210, %dma_wait3A_211, %dma_wait3A_212] : memref<2x10x128xi32, #tpu.memory_space<vmem>> -> memref<1x1x128xi32, #tpu.memory_space<vmem>>
      %dma_wait3A_214 = tpu.memref_squeeze %dma_wait3A_213 : memref<1x1x128xi32, #tpu.memory_space<vmem>> -> memref<128xi32, #tpu.memory_space<vmem>>
      %dma_wait3A_215 = arith.constant 0 : i32
      %dma_wait3A_216 = arith.constant 0 : i32
      %dma_wait3A_217 = tpu.memref_slice %arg2[%dma_wait3A_215, %dma_wait3A_216] : memref<10000x128xf32, #tpu.memory_space<hbm>> -> memref<10000x128xf32, #tpu.memory_space<hbm>>
      tpu.wait_indirect_dma semaphore(%arg12 : memref<!tpu.dma_semaphore, #tpu.memory_space<semaphore_mem>>) src(%dma_wait3A_217 : memref<10000x128xf32, #tpu.memory_space<hbm>>) dst(%arg9 : memref<128x128xf32, #tpu.memory_space<vmem>>)
      %run_scoped3A_218 = arith.constant 1 : i32
      %run_scoped3A_219 = arith.constant 7 : i32
      "tpu.region"() ({
        %run_scoped3A_519 = tpu.sem_alloc : memref<!tpu.dma_semaphore, #tpu.memory_space<semaphore_mem>>
        %dma_start3A_520 = arith.constant 0 : i32
        %dma_start3A_521 = tpu.memref_slice %arg6[%run_scoped3A_218, %run_scoped3A_219, %dma_start3A_520] : memref<2x10x128xi32, #tpu.memory_space<vmem>> -> memref<1x1x128xi32, #tpu.memory_space<vmem>>
        %dma_start3A_522 = tpu.memref_squeeze %dma_start3A_521 : memref<1x1x128xi32, #tpu.memory_space<vmem>> -> memref<128xi32, #tpu.memory_space<vmem>>
        %dma_start3A_523 = arith.constant 0 : i32
        %dma_start3A_524 = arith.constant 0 : i32
        %dma_start3A_525 = tpu.memref_slice %arg10[%dma_start3A_523, %dma_start3A_524] : memref<10128x128xf32, #tpu.memory_space<vmem_shared>> -> memref<10128x128xf32, #tpu.memory_space<vmem_shared>>
        tpu.enqueue_indirect_dma source(%arg9 : memref<128x128xf32, #tpu.memory_space<vmem>>) target(%dma_start3A_525 : memref<10128x128xf32, #tpu.memory_space<vmem_shared>>) offsets(%dma_start3A_522 : memref<128xi32, #tpu.memory_space<vmem>>) semaphore(%run_scoped3A_519 : memref<!tpu.dma_semaphore, #tpu.memory_space<semaphore_mem>>) {add = true}
        %dma_wait3A_526 = arith.constant 0 : i32
        %dma_wait3A_527 = tpu.memref_slice %arg6[%run_scoped3A_218, %run_scoped3A_219, %dma_wait3A_526] : memref<2x10x128xi32, #tpu.memory_space<vmem>> -> memref<1x1x128xi32, #tpu.memory_space<vmem>>
        %dma_wait3A_528 = tpu.memref_squeeze %dma_wait3A_527 : memref<1x1x128xi32, #tpu.memory_space<vmem>> -> memref<128xi32, #tpu.memory_space<vmem>>
        %dma_wait3A_529 = arith.constant 0 : i32
        %dma_wait3A_530 = arith.constant 0 : i32
        %dma_wait3A_531 = tpu.memref_slice %arg10[%dma_wait3A_529, %dma_wait3A_530] : memref<10128x128xf32, #tpu.memory_space<vmem_shared>> -> memref<10128x128xf32, #tpu.memory_space<vmem_shared>>
        tpu.wait_indirect_dma semaphore(%run_scoped3A_519 : memref<!tpu.dma_semaphore, #tpu.memory_space<semaphore_mem>>) src(%arg9 : memref<128x128xf32, #tpu.memory_space<vmem>>) dst(%dma_wait3A_531 : memref<10128x128xf32, #tpu.memory_space<vmem_shared>>)
        tpu.yield
      }) : () -> ()
      %dma_start3A_220 = arith.constant 0 : i32
      %dma_start3A_221 = arith.constant 9 : i32
      %dma_start3A_222 = arith.constant 0 : i32
      %dma_start3A_223 = tpu.memref_slice %arg6[%dma_start3A_220, %dma_start3A_221, %dma_start3A_222] : memref<2x10x128xi32, #tpu.memory_space<vmem>> -> memref<1x1x128xi32, #tpu.memory_space<vmem>>
      %dma_start3A_224 = tpu.memref_squeeze %dma_start3A_223 : memref<1x1x128xi32, #tpu.memory_space<vmem>> -> memref<128xi32, #tpu.memory_space<vmem>>
      %dma_start3A_225 = arith.constant 0 : i32
      %dma_start3A_226 = arith.constant 0 : i32
      %dma_start3A_227 = tpu.memref_slice %arg2[%dma_start3A_225, %dma_start3A_226] : memref<10000x128xf32, #tpu.memory_space<hbm>> -> memref<10000x128xf32, #tpu.memory_space<hbm>>
      tpu.enqueue_indirect_dma source(%dma_start3A_227 : memref<10000x128xf32, #tpu.memory_space<hbm>>) target(%arg9 : memref<128x128xf32, #tpu.memory_space<vmem>>) offsets(%dma_start3A_224 : memref<128xi32, #tpu.memory_space<vmem>>) semaphore(%arg12 : memref<!tpu.dma_semaphore, #tpu.memory_space<semaphore_mem>>)
      %mul3A_228 = arith.constant 10 : i32
      %mul3A_229 = arith.muli %add3A_51, %mul3A_228 : i32
      %add3A_230 = arith.constant 8 : i32
      %add3A_231 = arith.addi %mul3A_229, %add3A_230 : i32
      %dma_wait3A_232 = arith.constant 0 : i32
      %dma_wait3A_233 = arith.constant 8 : i32
      %dma_wait3A_234 = arith.constant 0 : i32
      %dma_wait3A_235 = tpu.memref_slice %arg6[%dma_wait3A_232, %dma_wait3A_233, %dma_wait3A_234] : memref<2x10x128xi32, #tpu.memory_space<vmem>> -> memref<1x1x128xi32, #tpu.memory_space<vmem>>
      %dma_wait3A_236 = tpu.memref_squeeze %dma_wait3A_235 : memref<1x1x128xi32, #tpu.memory_space<vmem>> -> memref<128xi32, #tpu.memory_space<vmem>>
      %dma_wait3A_237 = arith.constant 0 : i32
      %dma_wait3A_238 = arith.constant 0 : i32
      %dma_wait3A_239 = tpu.memref_slice %arg2[%dma_wait3A_237, %dma_wait3A_238] : memref<10000x128xf32, #tpu.memory_space<hbm>> -> memref<10000x128xf32, #tpu.memory_space<hbm>>
      tpu.wait_indirect_dma semaphore(%arg11 : memref<!tpu.dma_semaphore, #tpu.memory_space<semaphore_mem>>) src(%dma_wait3A_239 : memref<10000x128xf32, #tpu.memory_space<hbm>>) dst(%arg8 : memref<128x128xf32, #tpu.memory_space<vmem>>)
      %run_scoped3A_240 = arith.constant 1 : i32
      %run_scoped3A_241 = arith.constant 8 : i32
      "tpu.region"() ({
        %run_scoped3A_519 = tpu.sem_alloc : memref<!tpu.dma_semaphore, #tpu.memory_space<semaphore_mem>>
        %dma_start3A_520 = arith.constant 0 : i32
        %dma_start3A_521 = tpu.memref_slice %arg6[%run_scoped3A_240, %run_scoped3A_241, %dma_start3A_520] : memref<2x10x128xi32, #tpu.memory_space<vmem>> -> memref<1x1x128xi32, #tpu.memory_space<vmem>>
        %dma_start3A_522 = tpu.memref_squeeze %dma_start3A_521 : memref<1x1x128xi32, #tpu.memory_space<vmem>> -> memref<128xi32, #tpu.memory_space<vmem>>
        %dma_start3A_523 = arith.constant 0 : i32
        %dma_start3A_524 = arith.constant 0 : i32
        %dma_start3A_525 = tpu.memref_slice %arg10[%dma_start3A_523, %dma_start3A_524] : memref<10128x128xf32, #tpu.memory_space<vmem_shared>> -> memref<10128x128xf32, #tpu.memory_space<vmem_shared>>
        tpu.enqueue_indirect_dma source(%arg8 : memref<128x128xf32, #tpu.memory_space<vmem>>) target(%dma_start3A_525 : memref<10128x128xf32, #tpu.memory_space<vmem_shared>>) offsets(%dma_start3A_522 : memref<128xi32, #tpu.memory_space<vmem>>) semaphore(%run_scoped3A_519 : memref<!tpu.dma_semaphore, #tpu.memory_space<semaphore_mem>>) {add = true}
        %dma_wait3A_526 = arith.constant 0 : i32
        %dma_wait3A_527 = tpu.memref_slice %arg6[%run_scoped3A_240, %run_scoped3A_241, %dma_wait3A_526] : memref<2x10x128xi32, #tpu.memory_space<vmem>> -> memref<1x1x128xi32, #tpu.memory_space<vmem>>
        %dma_wait3A_528 = tpu.memref_squeeze %dma_wait3A_527 : memref<1x1x128xi32, #tpu.memory_space<vmem>> -> memref<128xi32, #tpu.memory_space<vmem>>
        %dma_wait3A_529 = arith.constant 0 : i32
        %dma_wait3A_530 = arith.constant 0 : i32
        %dma_wait3A_531 = tpu.memref_slice %arg10[%dma_wait3A_529, %dma_wait3A_530] : memref<10128x128xf32, #tpu.memory_space<vmem_shared>> -> memref<10128x128xf32, #tpu.memory_space<vmem_shared>>
        tpu.wait_indirect_dma semaphore(%run_scoped3A_519 : memref<!tpu.dma_semaphore, #tpu.memory_space<semaphore_mem>>) src(%arg8 : memref<128x128xf32, #tpu.memory_space<vmem>>) dst(%dma_wait3A_531 : memref<10128x128xf32, #tpu.memory_space<vmem_shared>>)
        tpu.yield
      }) : () -> ()
      %add3A_242 = arith.constant 1 : i32
      %add3A_243 = arith.addi %add3A_51, %add3A_242 : i32
      %lt3A = arith.constant 8 : i32
      %lt3A_244 = arith.cmpi slt, %add3A_243, %lt3A : i32
      %convert_element_type3A_245 = arith.extui %lt3A_244 : i1 to i32
      %cond3A_246 = arith.constant 0 : i32
      %cond3A_247 = arith.cmpi ne, %convert_element_type3A_245, %cond3A_246 : i32
      scf.if %cond3A_247 {
        %add3A_519 = arith.constant 1 : i32
        %add3A_520 = arith.addi %add3A_51, %add3A_519 : i32
        %dma_wait3A_521 = arith.constant 0 : i32
        %dma_wait3A_522 = arith.constant 0 : i32
        %dma_wait3A_523 = arith.constant 0 : i32
        %dma_wait3A_524 = tpu.memref_slice %arg3[%add3A, %add3A_520, %dma_wait3A_521, %dma_wait3A_522, %dma_wait3A_523] : memref<32x8x2x10x128xi32, #tpu.memory_space<hbm>> -> memref<1x1x2x10x128xi32, #tpu.memory_space<hbm>>
        %dma_wait3A_525 = tpu.memref_squeeze %dma_wait3A_524 : memref<1x1x2x10x128xi32, #tpu.memory_space<hbm>> -> memref<2x10x128xi32, #tpu.memory_space<hbm>>
        %dma_wait3A_526 = arith.constant 0 : i32
        %dma_wait3A_527 = arith.constant 0 : i32
        %dma_wait3A_528 = arith.constant 0 : i32
        %dma_wait3A_529 = tpu.memref_slice %arg3[%add3A, %add3A_520, %dma_wait3A_526, %dma_wait3A_527, %dma_wait3A_528] : memref<32x8x2x10x128xi32, #tpu.memory_space<hbm>> -> memref<1x1x2x10x128xi32, #tpu.memory_space<hbm>>
        %dma_wait3A_530 = tpu.memref_squeeze %dma_wait3A_529 : memref<1x1x2x10x128xi32, #tpu.memory_space<hbm>> -> memref<2x10x128xi32, #tpu.memory_space<hbm>>
        tpu.wait_dma2 semaphore(%arg14 : memref<!tpu.dma_semaphore, #tpu.memory_space<semaphore_mem>>) src(%dma_wait3A_530 : memref<2x10x128xi32, #tpu.memory_space<hbm>>) dst(%arg7 : memref<2x10x128xi32, #tpu.memory_space<vmem>>)
      } else {
      }
      %add3A_248 = arith.constant 2 : i32
      %add3A_249 = arith.addi %add3A_231, %add3A_248 : i32
      %lt3A_250 = arith.constant 80 : i32
      %lt3A_251 = arith.cmpi slt, %add3A_249, %lt3A_250 : i32
      %convert_element_type3A_252 = arith.extui %lt3A_251 : i1 to i32
      %cond3A_253 = arith.constant 0 : i32
      %cond3A_254 = arith.cmpi ne, %convert_element_type3A_252, %cond3A_253 : i32
      scf.if %cond3A_254 {
        %dma_start3A_519 = arith.constant 0 : i32
        %dma_start3A_520 = arith.constant 0 : i32
        %dma_start3A_521 = arith.constant 0 : i32
        %dma_start3A_522 = tpu.memref_slice %arg7[%dma_start3A_519, %dma_start3A_520, %dma_start3A_521] : memref<2x10x128xi32, #tpu.memory_space<vmem>> -> memref<1x1x128xi32, #tpu.memory_space<vmem>>
        %dma_start3A_523 = tpu.memref_squeeze %dma_start3A_522 : memref<1x1x128xi32, #tpu.memory_space<vmem>> -> memref<128xi32, #tpu.memory_space<vmem>>
        %dma_start3A_524 = arith.constant 0 : i32
        %dma_start3A_525 = arith.constant 0 : i32
        %dma_start3A_526 = tpu.memref_slice %arg2[%dma_start3A_524, %dma_start3A_525] : memref<10000x128xf32, #tpu.memory_space<hbm>> -> memref<10000x128xf32, #tpu.memory_space<hbm>>
        tpu.enqueue_indirect_dma source(%dma_start3A_526 : memref<10000x128xf32, #tpu.memory_space<hbm>>) target(%arg8 : memref<128x128xf32, #tpu.memory_space<vmem>>) offsets(%dma_start3A_523 : memref<128xi32, #tpu.memory_space<vmem>>) semaphore(%arg11 : memref<!tpu.dma_semaphore, #tpu.memory_space<semaphore_mem>>)
      } else {
      }
      %mul3A_255 = arith.constant 10 : i32
      %mul3A_256 = arith.muli %add3A_51, %mul3A_255 : i32
      %add3A_257 = arith.constant 9 : i32
      %add3A_258 = arith.addi %mul3A_256, %add3A_257 : i32
      %dma_wait3A_259 = arith.constant 0 : i32
      %dma_wait3A_260 = arith.constant 9 : i32
      %dma_wait3A_261 = arith.constant 0 : i32
      %dma_wait3A_262 = tpu.memref_slice %arg6[%dma_wait3A_259, %dma_wait3A_260, %dma_wait3A_261] : memref<2x10x128xi32, #tpu.memory_space<vmem>> -> memref<1x1x128xi32, #tpu.memory_space<vmem>>
      %dma_wait3A_263 = tpu.memref_squeeze %dma_wait3A_262 : memref<1x1x128xi32, #tpu.memory_space<vmem>> -> memref<128xi32, #tpu.memory_space<vmem>>
      %dma_wait3A_264 = arith.constant 0 : i32
      %dma_wait3A_265 = arith.constant 0 : i32
      %dma_wait3A_266 = tpu.memref_slice %arg2[%dma_wait3A_264, %dma_wait3A_265] : memref<10000x128xf32, #tpu.memory_space<hbm>> -> memref<10000x128xf32, #tpu.memory_space<hbm>>
      tpu.wait_indirect_dma semaphore(%arg12 : memref<!tpu.dma_semaphore, #tpu.memory_space<semaphore_mem>>) src(%dma_wait3A_266 : memref<10000x128xf32, #tpu.memory_space<hbm>>) dst(%arg9 : memref<128x128xf32, #tpu.memory_space<vmem>>)
      %run_scoped3A_267 = arith.constant 1 : i32
      %run_scoped3A_268 = arith.constant 9 : i32
      "tpu.region"() ({
        %run_scoped3A_519 = tpu.sem_alloc : memref<!tpu.dma_semaphore, #tpu.memory_space<semaphore_mem>>
        %dma_start3A_520 = arith.constant 0 : i32
        %dma_start3A_521 = tpu.memref_slice %arg6[%run_scoped3A_267, %run_scoped3A_268, %dma_start3A_520] : memref<2x10x128xi32, #tpu.memory_space<vmem>> -> memref<1x1x128xi32, #tpu.memory_space<vmem>>
        %dma_start3A_522 = tpu.memref_squeeze %dma_start3A_521 : memref<1x1x128xi32, #tpu.memory_space<vmem>> -> memref<128xi32, #tpu.memory_space<vmem>>
        %dma_start3A_523 = arith.constant 0 : i32
        %dma_start3A_524 = arith.constant 0 : i32
        %dma_start3A_525 = tpu.memref_slice %arg10[%dma_start3A_523, %dma_start3A_524] : memref<10128x128xf32, #tpu.memory_space<vmem_shared>> -> memref<10128x128xf32, #tpu.memory_space<vmem_shared>>
        tpu.enqueue_indirect_dma source(%arg9 : memref<128x128xf32, #tpu.memory_space<vmem>>) target(%dma_start3A_525 : memref<10128x128xf32, #tpu.memory_space<vmem_shared>>) offsets(%dma_start3A_522 : memref<128xi32, #tpu.memory_space<vmem>>) semaphore(%run_scoped3A_519 : memref<!tpu.dma_semaphore, #tpu.memory_space<semaphore_mem>>) {add = true}
        %dma_wait3A_526 = arith.constant 0 : i32
        %dma_wait3A_527 = tpu.memref_slice %arg6[%run_scoped3A_267, %run_scoped3A_268, %dma_wait3A_526] : memref<2x10x128xi32, #tpu.memory_space<vmem>> -> memref<1x1x128xi32, #tpu.memory_space<vmem>>
        %dma_wait3A_528 = tpu.memref_squeeze %dma_wait3A_527 : memref<1x1x128xi32, #tpu.memory_space<vmem>> -> memref<128xi32, #tpu.memory_space<vmem>>
        %dma_wait3A_529 = arith.constant 0 : i32
        %dma_wait3A_530 = arith.constant 0 : i32
        %dma_wait3A_531 = tpu.memref_slice %arg10[%dma_wait3A_529, %dma_wait3A_530] : memref<10128x128xf32, #tpu.memory_space<vmem_shared>> -> memref<10128x128xf32, #tpu.memory_space<vmem_shared>>
        tpu.wait_indirect_dma semaphore(%run_scoped3A_519 : memref<!tpu.dma_semaphore, #tpu.memory_space<semaphore_mem>>) src(%arg9 : memref<128x128xf32, #tpu.memory_space<vmem>>) dst(%dma_wait3A_531 : memref<10128x128xf32, #tpu.memory_space<vmem_shared>>)
        tpu.yield
      }) : () -> ()
      %add3A_269 = arith.constant 2 : i32
      %add3A_270 = arith.addi %add3A_258, %add3A_269 : i32
      %lt3A_271 = arith.constant 80 : i32
      %lt3A_272 = arith.cmpi slt, %add3A_270, %lt3A_271 : i32
      %convert_element_type3A_273 = arith.extui %lt3A_272 : i1 to i32
      %cond3A_274 = arith.constant 0 : i32
      %cond3A_275 = arith.cmpi ne, %convert_element_type3A_273, %cond3A_274 : i32
      scf.if %cond3A_275 {
        %dma_start3A_519 = arith.constant 0 : i32
        %dma_start3A_520 = arith.constant 1 : i32
        %dma_start3A_521 = arith.constant 0 : i32
        %dma_start3A_522 = tpu.memref_slice %arg7[%dma_start3A_519, %dma_start3A_520, %dma_start3A_521] : memref<2x10x128xi32, #tpu.memory_space<vmem>> -> memref<1x1x128xi32, #tpu.memory_space<vmem>>
        %dma_start3A_523 = tpu.memref_squeeze %dma_start3A_522 : memref<1x1x128xi32, #tpu.memory_space<vmem>> -> memref<128xi32, #tpu.memory_space<vmem>>
        %dma_start3A_524 = arith.constant 0 : i32
        %dma_start3A_525 = arith.constant 0 : i32
        %dma_start3A_526 = tpu.memref_slice %arg2[%dma_start3A_524, %dma_start3A_525] : memref<10000x128xf32, #tpu.memory_space<hbm>> -> memref<10000x128xf32, #tpu.memory_space<hbm>>
        tpu.enqueue_indirect_dma source(%dma_start3A_526 : memref<10000x128xf32, #tpu.memory_space<hbm>>) target(%arg9 : memref<128x128xf32, #tpu.memory_space<vmem>>) offsets(%dma_start3A_523 : memref<128xi32, #tpu.memory_space<vmem>>) semaphore(%arg12 : memref<!tpu.dma_semaphore, #tpu.memory_space<semaphore_mem>>)
      } else {
      }
      %add3A_276 = arith.constant 2 : i32
      %add3A_277 = arith.addi %add3A_51, %add3A_276 : i32
      %lt3A_278 = arith.constant 8 : i32
      %lt3A_279 = arith.cmpi slt, %add3A_277, %lt3A_278 : i32
      %convert_element_type3A_280 = arith.extui %lt3A_279 : i1 to i32
      %cond3A_281 = arith.constant 0 : i32
      %cond3A_282 = arith.cmpi ne, %convert_element_type3A_280, %cond3A_281 : i32
      scf.if %cond3A_282 {
        %add3A_519 = arith.constant 2 : i32
        %add3A_520 = arith.addi %add3A_51, %add3A_519 : i32
        %dma_start3A_521 = arith.constant 0 : i32
        %dma_start3A_522 = arith.constant 0 : i32
        %dma_start3A_523 = arith.constant 0 : i32
        %dma_start3A_524 = tpu.memref_slice %arg3[%add3A, %add3A_520, %dma_start3A_521, %dma_start3A_522, %dma_start3A_523] : memref<32x8x2x10x128xi32, #tpu.memory_space<hbm>> -> memref<1x1x2x10x128xi32, #tpu.memory_space<hbm>>
        %dma_start3A_525 = tpu.memref_squeeze %dma_start3A_524 : memref<1x1x2x10x128xi32, #tpu.memory_space<hbm>> -> memref<2x10x128xi32, #tpu.memory_space<hbm>>
        %dma_start3A_526 = arith.constant 0 : i32
        %dma_start3A_527 = arith.constant 0 : i32
        %dma_start3A_528 = arith.constant 0 : i32
        %dma_start3A_529 = tpu.memref_slice %arg3[%add3A, %add3A_520, %dma_start3A_526, %dma_start3A_527, %dma_start3A_528] : memref<32x8x2x10x128xi32, #tpu.memory_space<hbm>> -> memref<1x1x2x10x128xi32, #tpu.memory_space<hbm>>
        %dma_start3A_530 = tpu.memref_squeeze %dma_start3A_529 : memref<1x1x2x10x128xi32, #tpu.memory_space<hbm>> -> memref<2x10x128xi32, #tpu.memory_space<hbm>>
        tpu.enqueue_dma source(%dma_start3A_530 : memref<2x10x128xi32, #tpu.memory_space<hbm>>) target(%arg6 : memref<2x10x128xi32, #tpu.memory_space<vmem>>) target_semaphore(%arg13 : memref<!tpu.dma_semaphore, #tpu.memory_space<semaphore_mem>>)
      } else {
      }
      %mul3A_283 = arith.constant 2 : i32
      %mul3A_284 = arith.muli %scan3A_47, %mul3A_283 : i32
      %add3A_285 = arith.constant 1 : i32
      %add3A_286 = arith.addi %mul3A_284, %add3A_285 : i32
      %mul3A_287 = arith.constant 10 : i32
      %mul3A_288 = arith.muli %add3A_286, %mul3A_287 : i32
      %add3A_289 = arith.constant 0 : i32
      %add3A_290 = arith.addi %mul3A_288, %add3A_289 : i32
      %dma_wait3A_291 = arith.constant 0 : i32
      %dma_wait3A_292 = arith.constant 0 : i32
      %dma_wait3A_293 = arith.constant 0 : i32
      %dma_wait3A_294 = tpu.memref_slice %arg7[%dma_wait3A_291, %dma_wait3A_292, %dma_wait3A_293] : memref<2x10x128xi32, #tpu.memory_space<vmem>> -> memref<1x1x128xi32, #tpu.memory_space<vmem>>
      %dma_wait3A_295 = tpu.memref_squeeze %dma_wait3A_294 : memref<1x1x128xi32, #tpu.memory_space<vmem>> -> memref<128xi32, #tpu.memory_space<vmem>>
      %dma_wait3A_296 = arith.constant 0 : i32
      %dma_wait3A_297 = arith.constant 0 : i32
      %dma_wait3A_298 = tpu.memref_slice %arg2[%dma_wait3A_296, %dma_wait3A_297] : memref<10000x128xf32, #tpu.memory_space<hbm>> -> memref<10000x128xf32, #tpu.memory_space<hbm>>
      tpu.wait_indirect_dma semaphore(%arg11 : memref<!tpu.dma_semaphore, #tpu.memory_space<semaphore_mem>>) src(%dma_wait3A_298 : memref<10000x128xf32, #tpu.memory_space<hbm>>) dst(%arg8 : memref<128x128xf32, #tpu.memory_space<vmem>>)
      %run_scoped3A_299 = arith.constant 1 : i32
      %run_scoped3A_300 = arith.constant 0 : i32
      "tpu.region"() ({
        %run_scoped3A_519 = tpu.sem_alloc : memref<!tpu.dma_semaphore, #tpu.memory_space<semaphore_mem>>
        %dma_start3A_520 = arith.constant 0 : i32
        %dma_start3A_521 = tpu.memref_slice %arg7[%run_scoped3A_299, %run_scoped3A_300, %dma_start3A_520] : memref<2x10x128xi32, #tpu.memory_space<vmem>> -> memref<1x1x128xi32, #tpu.memory_space<vmem>>
        %dma_start3A_522 = tpu.memref_squeeze %dma_start3A_521 : memref<1x1x128xi32, #tpu.memory_space<vmem>> -> memref<128xi32, #tpu.memory_space<vmem>>
        %dma_start3A_523 = arith.constant 0 : i32
        %dma_start3A_524 = arith.constant 0 : i32
        %dma_start3A_525 = tpu.memref_slice %arg10[%dma_start3A_523, %dma_start3A_524] : memref<10128x128xf32, #tpu.memory_space<vmem_shared>> -> memref<10128x128xf32, #tpu.memory_space<vmem_shared>>
        tpu.enqueue_indirect_dma source(%arg8 : memref<128x128xf32, #tpu.memory_space<vmem>>) target(%dma_start3A_525 : memref<10128x128xf32, #tpu.memory_space<vmem_shared>>) offsets(%dma_start3A_522 : memref<128xi32, #tpu.memory_space<vmem>>) semaphore(%run_scoped3A_519 : memref<!tpu.dma_semaphore, #tpu.memory_space<semaphore_mem>>) {add = true}
        %dma_wait3A_526 = arith.constant 0 : i32
        %dma_wait3A_527 = tpu.memref_slice %arg7[%run_scoped3A_299, %run_scoped3A_300, %dma_wait3A_526] : memref<2x10x128xi32, #tpu.memory_space<vmem>> -> memref<1x1x128xi32, #tpu.memory_space<vmem>>
        %dma_wait3A_528 = tpu.memref_squeeze %dma_wait3A_527 : memref<1x1x128xi32, #tpu.memory_space<vmem>> -> memref<128xi32, #tpu.memory_space<vmem>>
        %dma_wait3A_529 = arith.constant 0 : i32
        %dma_wait3A_530 = arith.constant 0 : i32
        %dma_wait3A_531 = tpu.memref_slice %arg10[%dma_wait3A_529, %dma_wait3A_530] : memref<10128x128xf32, #tpu.memory_space<vmem_shared>> -> memref<10128x128xf32, #tpu.memory_space<vmem_shared>>
        tpu.wait_indirect_dma semaphore(%run_scoped3A_519 : memref<!tpu.dma_semaphore, #tpu.memory_space<semaphore_mem>>) src(%arg8 : memref<128x128xf32, #tpu.memory_space<vmem>>) dst(%dma_wait3A_531 : memref<10128x128xf32, #tpu.memory_space<vmem_shared>>)
        tpu.yield
      }) : () -> ()
      %dma_start3A_301 = arith.constant 0 : i32
      %dma_start3A_302 = arith.constant 2 : i32
      %dma_start3A_303 = arith.constant 0 : i32
      %dma_start3A_304 = tpu.memref_slice %arg7[%dma_start3A_301, %dma_start3A_302, %dma_start3A_303] : memref<2x10x128xi32, #tpu.memory_space<vmem>> -> memref<1x1x128xi32, #tpu.memory_space<vmem>>
      %dma_start3A_305 = tpu.memref_squeeze %dma_start3A_304 : memref<1x1x128xi32, #tpu.memory_space<vmem>> -> memref<128xi32, #tpu.memory_space<vmem>>
      %dma_start3A_306 = arith.constant 0 : i32
      %dma_start3A_307 = arith.constant 0 : i32
      %dma_start3A_308 = tpu.memref_slice %arg2[%dma_start3A_306, %dma_start3A_307] : memref<10000x128xf32, #tpu.memory_space<hbm>> -> memref<10000x128xf32, #tpu.memory_space<hbm>>
      tpu.enqueue_indirect_dma source(%dma_start3A_308 : memref<10000x128xf32, #tpu.memory_space<hbm>>) target(%arg8 : memref<128x128xf32, #tpu.memory_space<vmem>>) offsets(%dma_start3A_305 : memref<128xi32, #tpu.memory_space<vmem>>) semaphore(%arg11 : memref<!tpu.dma_semaphore, #tpu.memory_space<semaphore_mem>>)
      %mul3A_309 = arith.constant 10 : i32
      %mul3A_310 = arith.muli %add3A_286, %mul3A_309 : i32
      %add3A_311 = arith.constant 1 : i32
      %add3A_312 = arith.addi %mul3A_310, %add3A_311 : i32
      %dma_wait3A_313 = arith.constant 0 : i32
      %dma_wait3A_314 = arith.constant 1 : i32
      %dma_wait3A_315 = arith.constant 0 : i32
      %dma_wait3A_316 = tpu.memref_slice %arg7[%dma_wait3A_313, %dma_wait3A_314, %dma_wait3A_315] : memref<2x10x128xi32, #tpu.memory_space<vmem>> -> memref<1x1x128xi32, #tpu.memory_space<vmem>>
      %dma_wait3A_317 = tpu.memref_squeeze %dma_wait3A_316 : memref<1x1x128xi32, #tpu.memory_space<vmem>> -> memref<128xi32, #tpu.memory_space<vmem>>
      %dma_wait3A_318 = arith.constant 0 : i32
      %dma_wait3A_319 = arith.constant 0 : i32
      %dma_wait3A_320 = tpu.memref_slice %arg2[%dma_wait3A_318, %dma_wait3A_319] : memref<10000x128xf32, #tpu.memory_space<hbm>> -> memref<10000x128xf32, #tpu.memory_space<hbm>>
      tpu.wait_indirect_dma semaphore(%arg12 : memref<!tpu.dma_semaphore, #tpu.memory_space<semaphore_mem>>) src(%dma_wait3A_320 : memref<10000x128xf32, #tpu.memory_space<hbm>>) dst(%arg9 : memref<128x128xf32, #tpu.memory_space<vmem>>)
      %run_scoped3A_321 = arith.constant 1 : i32
      %run_scoped3A_322 = arith.constant 1 : i32
      "tpu.region"() ({
        %run_scoped3A_519 = tpu.sem_alloc : memref<!tpu.dma_semaphore, #tpu.memory_space<semaphore_mem>>
        %dma_start3A_520 = arith.constant 0 : i32
        %dma_start3A_521 = tpu.memref_slice %arg7[%run_scoped3A_321, %run_scoped3A_322, %dma_start3A_520] : memref<2x10x128xi32, #tpu.memory_space<vmem>> -> memref<1x1x128xi32, #tpu.memory_space<vmem>>
        %dma_start3A_522 = tpu.memref_squeeze %dma_start3A_521 : memref<1x1x128xi32, #tpu.memory_space<vmem>> -> memref<128xi32, #tpu.memory_space<vmem>>
        %dma_start3A_523 = arith.constant 0 : i32
        %dma_start3A_524 = arith.constant 0 : i32
        %dma_start3A_525 = tpu.memref_slice %arg10[%dma_start3A_523, %dma_start3A_524] : memref<10128x128xf32, #tpu.memory_space<vmem_shared>> -> memref<10128x128xf32, #tpu.memory_space<vmem_shared>>
        tpu.enqueue_indirect_dma source(%arg9 : memref<128x128xf32, #tpu.memory_space<vmem>>) target(%dma_start3A_525 : memref<10128x128xf32, #tpu.memory_space<vmem_shared>>) offsets(%dma_start3A_522 : memref<128xi32, #tpu.memory_space<vmem>>) semaphore(%run_scoped3A_519 : memref<!tpu.dma_semaphore, #tpu.memory_space<semaphore_mem>>) {add = true}
        %dma_wait3A_526 = arith.constant 0 : i32
        %dma_wait3A_527 = tpu.memref_slice %arg7[%run_scoped3A_321, %run_scoped3A_322, %dma_wait3A_526] : memref<2x10x128xi32, #tpu.memory_space<vmem>> -> memref<1x1x128xi32, #tpu.memory_space<vmem>>
        %dma_wait3A_528 = tpu.memref_squeeze %dma_wait3A_527 : memref<1x1x128xi32, #tpu.memory_space<vmem>> -> memref<128xi32, #tpu.memory_space<vmem>>
        %dma_wait3A_529 = arith.constant 0 : i32
        %dma_wait3A_530 = arith.constant 0 : i32
        %dma_wait3A_531 = tpu.memref_slice %arg10[%dma_wait3A_529, %dma_wait3A_530] : memref<10128x128xf32, #tpu.memory_space<vmem_shared>> -> memref<10128x128xf32, #tpu.memory_space<vmem_shared>>
        tpu.wait_indirect_dma semaphore(%run_scoped3A_519 : memref<!tpu.dma_semaphore, #tpu.memory_space<semaphore_mem>>) src(%arg9 : memref<128x128xf32, #tpu.memory_space<vmem>>) dst(%dma_wait3A_531 : memref<10128x128xf32, #tpu.memory_space<vmem_shared>>)
        tpu.yield
      }) : () -> ()
      %dma_start3A_323 = arith.constant 0 : i32
      %dma_start3A_324 = arith.constant 3 : i32
      %dma_start3A_325 = arith.constant 0 : i32
      %dma_start3A_326 = tpu.memref_slice %arg7[%dma_start3A_323, %dma_start3A_324, %dma_start3A_325] : memref<2x10x128xi32, #tpu.memory_space<vmem>> -> memref<1x1x128xi32, #tpu.memory_space<vmem>>
      %dma_start3A_327 = tpu.memref_squeeze %dma_start3A_326 : memref<1x1x128xi32, #tpu.memory_space<vmem>> -> memref<128xi32, #tpu.memory_space<vmem>>
      %dma_start3A_328 = arith.constant 0 : i32
      %dma_start3A_329 = arith.constant 0 : i32
      %dma_start3A_330 = tpu.memref_slice %arg2[%dma_start3A_328, %dma_start3A_329] : memref<10000x128xf32, #tpu.memory_space<hbm>> -> memref<10000x128xf32, #tpu.memory_space<hbm>>
      tpu.enqueue_indirect_dma source(%dma_start3A_330 : memref<10000x128xf32, #tpu.memory_space<hbm>>) target(%arg9 : memref<128x128xf32, #tpu.memory_space<vmem>>) offsets(%dma_start3A_327 : memref<128xi32, #tpu.memory_space<vmem>>) semaphore(%arg12 : memref<!tpu.dma_semaphore, #tpu.memory_space<semaphore_mem>>)
      %mul3A_331 = arith.constant 10 : i32
      %mul3A_332 = arith.muli %add3A_286, %mul3A_331 : i32
      %add3A_333 = arith.constant 2 : i32
      %add3A_334 = arith.addi %mul3A_332, %add3A_333 : i32
      %dma_wait3A_335 = arith.constant 0 : i32
      %dma_wait3A_336 = arith.constant 2 : i32
      %dma_wait3A_337 = arith.constant 0 : i32
      %dma_wait3A_338 = tpu.memref_slice %arg7[%dma_wait3A_335, %dma_wait3A_336, %dma_wait3A_337] : memref<2x10x128xi32, #tpu.memory_space<vmem>> -> memref<1x1x128xi32, #tpu.memory_space<vmem>>
      %dma_wait3A_339 = tpu.memref_squeeze %dma_wait3A_338 : memref<1x1x128xi32, #tpu.memory_space<vmem>> -> memref<128xi32, #tpu.memory_space<vmem>>
      %dma_wait3A_340 = arith.constant 0 : i32
      %dma_wait3A_341 = arith.constant 0 : i32
      %dma_wait3A_342 = tpu.memref_slice %arg2[%dma_wait3A_340, %dma_wait3A_341] : memref<10000x128xf32, #tpu.memory_space<hbm>> -> memref<10000x128xf32, #tpu.memory_space<hbm>>
      tpu.wait_indirect_dma semaphore(%arg11 : memref<!tpu.dma_semaphore, #tpu.memory_space<semaphore_mem>>) src(%dma_wait3A_342 : memref<10000x128xf32, #tpu.memory_space<hbm>>) dst(%arg8 : memref<128x128xf32, #tpu.memory_space<vmem>>)
      %run_scoped3A_343 = arith.constant 1 : i32
      %run_scoped3A_344 = arith.constant 2 : i32
      "tpu.region"() ({
        %run_scoped3A_519 = tpu.sem_alloc : memref<!tpu.dma_semaphore, #tpu.memory_space<semaphore_mem>>
        %dma_start3A_520 = arith.constant 0 : i32
        %dma_start3A_521 = tpu.memref_slice %arg7[%run_scoped3A_343, %run_scoped3A_344, %dma_start3A_520] : memref<2x10x128xi32, #tpu.memory_space<vmem>> -> memref<1x1x128xi32, #tpu.memory_space<vmem>>
        %dma_start3A_522 = tpu.memref_squeeze %dma_start3A_521 : memref<1x1x128xi32, #tpu.memory_space<vmem>> -> memref<128xi32, #tpu.memory_space<vmem>>
        %dma_start3A_523 = arith.constant 0 : i32
        %dma_start3A_524 = arith.constant 0 : i32
        %dma_start3A_525 = tpu.memref_slice %arg10[%dma_start3A_523, %dma_start3A_524] : memref<10128x128xf32, #tpu.memory_space<vmem_shared>> -> memref<10128x128xf32, #tpu.memory_space<vmem_shared>>
        tpu.enqueue_indirect_dma source(%arg8 : memref<128x128xf32, #tpu.memory_space<vmem>>) target(%dma_start3A_525 : memref<10128x128xf32, #tpu.memory_space<vmem_shared>>) offsets(%dma_start3A_522 : memref<128xi32, #tpu.memory_space<vmem>>) semaphore(%run_scoped3A_519 : memref<!tpu.dma_semaphore, #tpu.memory_space<semaphore_mem>>) {add = true}
        %dma_wait3A_526 = arith.constant 0 : i32
        %dma_wait3A_527 = tpu.memref_slice %arg7[%run_scoped3A_343, %run_scoped3A_344, %dma_wait3A_526] : memref<2x10x128xi32, #tpu.memory_space<vmem>> -> memref<1x1x128xi32, #tpu.memory_space<vmem>>
        %dma_wait3A_528 = tpu.memref_squeeze %dma_wait3A_527 : memref<1x1x128xi32, #tpu.memory_space<vmem>> -> memref<128xi32, #tpu.memory_space<vmem>>
        %dma_wait3A_529 = arith.constant 0 : i32
        %dma_wait3A_530 = arith.constant 0 : i32
        %dma_wait3A_531 = tpu.memref_slice %arg10[%dma_wait3A_529, %dma_wait3A_530] : memref<10128x128xf32, #tpu.memory_space<vmem_shared>> -> memref<10128x128xf32, #tpu.memory_space<vmem_shared>>
        tpu.wait_indirect_dma semaphore(%run_scoped3A_519 : memref<!tpu.dma_semaphore, #tpu.memory_space<semaphore_mem>>) src(%arg8 : memref<128x128xf32, #tpu.memory_space<vmem>>) dst(%dma_wait3A_531 : memref<10128x128xf32, #tpu.memory_space<vmem_shared>>)
        tpu.yield
      }) : () -> ()
      %dma_start3A_345 = arith.constant 0 : i32
      %dma_start3A_346 = arith.constant 4 : i32
      %dma_start3A_347 = arith.constant 0 : i32
      %dma_start3A_348 = tpu.memref_slice %arg7[%dma_start3A_345, %dma_start3A_346, %dma_start3A_347] : memref<2x10x128xi32, #tpu.memory_space<vmem>> -> memref<1x1x128xi32, #tpu.memory_space<vmem>>
      %dma_start3A_349 = tpu.memref_squeeze %dma_start3A_348 : memref<1x1x128xi32, #tpu.memory_space<vmem>> -> memref<128xi32, #tpu.memory_space<vmem>>
      %dma_start3A_350 = arith.constant 0 : i32
      %dma_start3A_351 = arith.constant 0 : i32
      %dma_start3A_352 = tpu.memref_slice %arg2[%dma_start3A_350, %dma_start3A_351] : memref<10000x128xf32, #tpu.memory_space<hbm>> -> memref<10000x128xf32, #tpu.memory_space<hbm>>
      tpu.enqueue_indirect_dma source(%dma_start3A_352 : memref<10000x128xf32, #tpu.memory_space<hbm>>) target(%arg8 : memref<128x128xf32, #tpu.memory_space<vmem>>) offsets(%dma_start3A_349 : memref<128xi32, #tpu.memory_space<vmem>>) semaphore(%arg11 : memref<!tpu.dma_semaphore, #tpu.memory_space<semaphore_mem>>)
      %mul3A_353 = arith.constant 10 : i32
      %mul3A_354 = arith.muli %add3A_286, %mul3A_353 : i32
      %add3A_355 = arith.constant 3 : i32
      %add3A_356 = arith.addi %mul3A_354, %add3A_355 : i32
      %dma_wait3A_357 = arith.constant 0 : i32
      %dma_wait3A_358 = arith.constant 3 : i32
      %dma_wait3A_359 = arith.constant 0 : i32
      %dma_wait3A_360 = tpu.memref_slice %arg7[%dma_wait3A_357, %dma_wait3A_358, %dma_wait3A_359] : memref<2x10x128xi32, #tpu.memory_space<vmem>> -> memref<1x1x128xi32, #tpu.memory_space<vmem>>
      %dma_wait3A_361 = tpu.memref_squeeze %dma_wait3A_360 : memref<1x1x128xi32, #tpu.memory_space<vmem>> -> memref<128xi32, #tpu.memory_space<vmem>>
      %dma_wait3A_362 = arith.constant 0 : i32
      %dma_wait3A_363 = arith.constant 0 : i32
      %dma_wait3A_364 = tpu.memref_slice %arg2[%dma_wait3A_362, %dma_wait3A_363] : memref<10000x128xf32, #tpu.memory_space<hbm>> -> memref<10000x128xf32, #tpu.memory_space<hbm>>
      tpu.wait_indirect_dma semaphore(%arg12 : memref<!tpu.dma_semaphore, #tpu.memory_space<semaphore_mem>>) src(%dma_wait3A_364 : memref<10000x128xf32, #tpu.memory_space<hbm>>) dst(%arg9 : memref<128x128xf32, #tpu.memory_space<vmem>>)
      %run_scoped3A_365 = arith.constant 1 : i32
      %run_scoped3A_366 = arith.constant 3 : i32
      "tpu.region"() ({
        %run_scoped3A_519 = tpu.sem_alloc : memref<!tpu.dma_semaphore, #tpu.memory_space<semaphore_mem>>
        %dma_start3A_520 = arith.constant 0 : i32
        %dma_start3A_521 = tpu.memref_slice %arg7[%run_scoped3A_365, %run_scoped3A_366, %dma_start3A_520] : memref<2x10x128xi32, #tpu.memory_space<vmem>> -> memref<1x1x128xi32, #tpu.memory_space<vmem>>
        %dma_start3A_522 = tpu.memref_squeeze %dma_start3A_521 : memref<1x1x128xi32, #tpu.memory_space<vmem>> -> memref<128xi32, #tpu.memory_space<vmem>>
        %dma_start3A_523 = arith.constant 0 : i32
        %dma_start3A_524 = arith.constant 0 : i32
        %dma_start3A_525 = tpu.memref_slice %arg10[%dma_start3A_523, %dma_start3A_524] : memref<10128x128xf32, #tpu.memory_space<vmem_shared>> -> memref<10128x128xf32, #tpu.memory_space<vmem_shared>>
        tpu.enqueue_indirect_dma source(%arg9 : memref<128x128xf32, #tpu.memory_space<vmem>>) target(%dma_start3A_525 : memref<10128x128xf32, #tpu.memory_space<vmem_shared>>) offsets(%dma_start3A_522 : memref<128xi32, #tpu.memory_space<vmem>>) semaphore(%run_scoped3A_519 : memref<!tpu.dma_semaphore, #tpu.memory_space<semaphore_mem>>) {add = true}
        %dma_wait3A_526 = arith.constant 0 : i32
        %dma_wait3A_527 = tpu.memref_slice %arg7[%run_scoped3A_365, %run_scoped3A_366, %dma_wait3A_526] : memref<2x10x128xi32, #tpu.memory_space<vmem>> -> memref<1x1x128xi32, #tpu.memory_space<vmem>>
        %dma_wait3A_528 = tpu.memref_squeeze %dma_wait3A_527 : memref<1x1x128xi32, #tpu.memory_space<vmem>> -> memref<128xi32, #tpu.memory_space<vmem>>
        %dma_wait3A_529 = arith.constant 0 : i32
        %dma_wait3A_530 = arith.constant 0 : i32
        %dma_wait3A_531 = tpu.memref_slice %arg10[%dma_wait3A_529, %dma_wait3A_530] : memref<10128x128xf32, #tpu.memory_space<vmem_shared>> -> memref<10128x128xf32, #tpu.memory_space<vmem_shared>>
        tpu.wait_indirect_dma semaphore(%run_scoped3A_519 : memref<!tpu.dma_semaphore, #tpu.memory_space<semaphore_mem>>) src(%arg9 : memref<128x128xf32, #tpu.memory_space<vmem>>) dst(%dma_wait3A_531 : memref<10128x128xf32, #tpu.memory_space<vmem_shared>>)
        tpu.yield
      }) : () -> ()
      %dma_start3A_367 = arith.constant 0 : i32
      %dma_start3A_368 = arith.constant 5 : i32
      %dma_start3A_369 = arith.constant 0 : i32
      %dma_start3A_370 = tpu.memref_slice %arg7[%dma_start3A_367, %dma_start3A_368, %dma_start3A_369] : memref<2x10x128xi32, #tpu.memory_space<vmem>> -> memref<1x1x128xi32, #tpu.memory_space<vmem>>
      %dma_start3A_371 = tpu.memref_squeeze %dma_start3A_370 : memref<1x1x128xi32, #tpu.memory_space<vmem>> -> memref<128xi32, #tpu.memory_space<vmem>>
      %dma_start3A_372 = arith.constant 0 : i32
      %dma_start3A_373 = arith.constant 0 : i32
      %dma_start3A_374 = tpu.memref_slice %arg2[%dma_start3A_372, %dma_start3A_373] : memref<10000x128xf32, #tpu.memory_space<hbm>> -> memref<10000x128xf32, #tpu.memory_space<hbm>>
      tpu.enqueue_indirect_dma source(%dma_start3A_374 : memref<10000x128xf32, #tpu.memory_space<hbm>>) target(%arg9 : memref<128x128xf32, #tpu.memory_space<vmem>>) offsets(%dma_start3A_371 : memref<128xi32, #tpu.memory_space<vmem>>) semaphore(%arg12 : memref<!tpu.dma_semaphore, #tpu.memory_space<semaphore_mem>>)
      %mul3A_375 = arith.constant 10 : i32
      %mul3A_376 = arith.muli %add3A_286, %mul3A_375 : i32
      %add3A_377 = arith.constant 4 : i32
      %add3A_378 = arith.addi %mul3A_376, %add3A_377 : i32
      %dma_wait3A_379 = arith.constant 0 : i32
      %dma_wait3A_380 = arith.constant 4 : i32
      %dma_wait3A_381 = arith.constant 0 : i32
      %dma_wait3A_382 = tpu.memref_slice %arg7[%dma_wait3A_379, %dma_wait3A_380, %dma_wait3A_381] : memref<2x10x128xi32, #tpu.memory_space<vmem>> -> memref<1x1x128xi32, #tpu.memory_space<vmem>>
      %dma_wait3A_383 = tpu.memref_squeeze %dma_wait3A_382 : memref<1x1x128xi32, #tpu.memory_space<vmem>> -> memref<128xi32, #tpu.memory_space<vmem>>
      %dma_wait3A_384 = arith.constant 0 : i32
      %dma_wait3A_385 = arith.constant 0 : i32
      %dma_wait3A_386 = tpu.memref_slice %arg2[%dma_wait3A_384, %dma_wait3A_385] : memref<10000x128xf32, #tpu.memory_space<hbm>> -> memref<10000x128xf32, #tpu.memory_space<hbm>>
      tpu.wait_indirect_dma semaphore(%arg11 : memref<!tpu.dma_semaphore, #tpu.memory_space<semaphore_mem>>) src(%dma_wait3A_386 : memref<10000x128xf32, #tpu.memory_space<hbm>>) dst(%arg8 : memref<128x128xf32, #tpu.memory_space<vmem>>)
      %run_scoped3A_387 = arith.constant 1 : i32
      %run_scoped3A_388 = arith.constant 4 : i32
      "tpu.region"() ({
        %run_scoped3A_519 = tpu.sem_alloc : memref<!tpu.dma_semaphore, #tpu.memory_space<semaphore_mem>>
        %dma_start3A_520 = arith.constant 0 : i32
        %dma_start3A_521 = tpu.memref_slice %arg7[%run_scoped3A_387, %run_scoped3A_388, %dma_start3A_520] : memref<2x10x128xi32, #tpu.memory_space<vmem>> -> memref<1x1x128xi32, #tpu.memory_space<vmem>>
        %dma_start3A_522 = tpu.memref_squeeze %dma_start3A_521 : memref<1x1x128xi32, #tpu.memory_space<vmem>> -> memref<128xi32, #tpu.memory_space<vmem>>
        %dma_start3A_523 = arith.constant 0 : i32
        %dma_start3A_524 = arith.constant 0 : i32
        %dma_start3A_525 = tpu.memref_slice %arg10[%dma_start3A_523, %dma_start3A_524] : memref<10128x128xf32, #tpu.memory_space<vmem_shared>> -> memref<10128x128xf32, #tpu.memory_space<vmem_shared>>
        tpu.enqueue_indirect_dma source(%arg8 : memref<128x128xf32, #tpu.memory_space<vmem>>) target(%dma_start3A_525 : memref<10128x128xf32, #tpu.memory_space<vmem_shared>>) offsets(%dma_start3A_522 : memref<128xi32, #tpu.memory_space<vmem>>) semaphore(%run_scoped3A_519 : memref<!tpu.dma_semaphore, #tpu.memory_space<semaphore_mem>>) {add = true}
        %dma_wait3A_526 = arith.constant 0 : i32
        %dma_wait3A_527 = tpu.memref_slice %arg7[%run_scoped3A_387, %run_scoped3A_388, %dma_wait3A_526] : memref<2x10x128xi32, #tpu.memory_space<vmem>> -> memref<1x1x128xi32, #tpu.memory_space<vmem>>
        %dma_wait3A_528 = tpu.memref_squeeze %dma_wait3A_527 : memref<1x1x128xi32, #tpu.memory_space<vmem>> -> memref<128xi32, #tpu.memory_space<vmem>>
        %dma_wait3A_529 = arith.constant 0 : i32
        %dma_wait3A_530 = arith.constant 0 : i32
        %dma_wait3A_531 = tpu.memref_slice %arg10[%dma_wait3A_529, %dma_wait3A_530] : memref<10128x128xf32, #tpu.memory_space<vmem_shared>> -> memref<10128x128xf32, #tpu.memory_space<vmem_shared>>
        tpu.wait_indirect_dma semaphore(%run_scoped3A_519 : memref<!tpu.dma_semaphore, #tpu.memory_space<semaphore_mem>>) src(%arg8 : memref<128x128xf32, #tpu.memory_space<vmem>>) dst(%dma_wait3A_531 : memref<10128x128xf32, #tpu.memory_space<vmem_shared>>)
        tpu.yield
      }) : () -> ()
      %dma_start3A_389 = arith.constant 0 : i32
      %dma_start3A_390 = arith.constant 6 : i32
      %dma_start3A_391 = arith.constant 0 : i32
      %dma_start3A_392 = tpu.memref_slice %arg7[%dma_start3A_389, %dma_start3A_390, %dma_start3A_391] : memref<2x10x128xi32, #tpu.memory_space<vmem>> -> memref<1x1x128xi32, #tpu.memory_space<vmem>>
      %dma_start3A_393 = tpu.memref_squeeze %dma_start3A_392 : memref<1x1x128xi32, #tpu.memory_space<vmem>> -> memref<128xi32, #tpu.memory_space<vmem>>
      %dma_start3A_394 = arith.constant 0 : i32
      %dma_start3A_395 = arith.constant 0 : i32
      %dma_start3A_396 = tpu.memref_slice %arg2[%dma_start3A_394, %dma_start3A_395] : memref<10000x128xf32, #tpu.memory_space<hbm>> -> memref<10000x128xf32, #tpu.memory_space<hbm>>
      tpu.enqueue_indirect_dma source(%dma_start3A_396 : memref<10000x128xf32, #tpu.memory_space<hbm>>) target(%arg8 : memref<128x128xf32, #tpu.memory_space<vmem>>) offsets(%dma_start3A_393 : memref<128xi32, #tpu.memory_space<vmem>>) semaphore(%arg11 : memref<!tpu.dma_semaphore, #tpu.memory_space<semaphore_mem>>)
      %mul3A_397 = arith.constant 10 : i32
      %mul3A_398 = arith.muli %add3A_286, %mul3A_397 : i32
      %add3A_399 = arith.constant 5 : i32
      %add3A_400 = arith.addi %mul3A_398, %add3A_399 : i32
      %dma_wait3A_401 = arith.constant 0 : i32
      %dma_wait3A_402 = arith.constant 5 : i32
      %dma_wait3A_403 = arith.constant 0 : i32
      %dma_wait3A_404 = tpu.memref_slice %arg7[%dma_wait3A_401, %dma_wait3A_402, %dma_wait3A_403] : memref<2x10x128xi32, #tpu.memory_space<vmem>> -> memref<1x1x128xi32, #tpu.memory_space<vmem>>
      %dma_wait3A_405 = tpu.memref_squeeze %dma_wait3A_404 : memref<1x1x128xi32, #tpu.memory_space<vmem>> -> memref<128xi32, #tpu.memory_space<vmem>>
      %dma_wait3A_406 = arith.constant 0 : i32
      %dma_wait3A_407 = arith.constant 0 : i32
      %dma_wait3A_408 = tpu.memref_slice %arg2[%dma_wait3A_406, %dma_wait3A_407] : memref<10000x128xf32, #tpu.memory_space<hbm>> -> memref<10000x128xf32, #tpu.memory_space<hbm>>
      tpu.wait_indirect_dma semaphore(%arg12 : memref<!tpu.dma_semaphore, #tpu.memory_space<semaphore_mem>>) src(%dma_wait3A_408 : memref<10000x128xf32, #tpu.memory_space<hbm>>) dst(%arg9 : memref<128x128xf32, #tpu.memory_space<vmem>>)
      %run_scoped3A_409 = arith.constant 1 : i32
      %run_scoped3A_410 = arith.constant 5 : i32
      "tpu.region"() ({
        %run_scoped3A_519 = tpu.sem_alloc : memref<!tpu.dma_semaphore, #tpu.memory_space<semaphore_mem>>
        %dma_start3A_520 = arith.constant 0 : i32
        %dma_start3A_521 = tpu.memref_slice %arg7[%run_scoped3A_409, %run_scoped3A_410, %dma_start3A_520] : memref<2x10x128xi32, #tpu.memory_space<vmem>> -> memref<1x1x128xi32, #tpu.memory_space<vmem>>
        %dma_start3A_522 = tpu.memref_squeeze %dma_start3A_521 : memref<1x1x128xi32, #tpu.memory_space<vmem>> -> memref<128xi32, #tpu.memory_space<vmem>>
        %dma_start3A_523 = arith.constant 0 : i32
        %dma_start3A_524 = arith.constant 0 : i32
        %dma_start3A_525 = tpu.memref_slice %arg10[%dma_start3A_523, %dma_start3A_524] : memref<10128x128xf32, #tpu.memory_space<vmem_shared>> -> memref<10128x128xf32, #tpu.memory_space<vmem_shared>>
        tpu.enqueue_indirect_dma source(%arg9 : memref<128x128xf32, #tpu.memory_space<vmem>>) target(%dma_start3A_525 : memref<10128x128xf32, #tpu.memory_space<vmem_shared>>) offsets(%dma_start3A_522 : memref<128xi32, #tpu.memory_space<vmem>>) semaphore(%run_scoped3A_519 : memref<!tpu.dma_semaphore, #tpu.memory_space<semaphore_mem>>) {add = true}
        %dma_wait3A_526 = arith.constant 0 : i32
        %dma_wait3A_527 = tpu.memref_slice %arg7[%run_scoped3A_409, %run_scoped3A_410, %dma_wait3A_526] : memref<2x10x128xi32, #tpu.memory_space<vmem>> -> memref<1x1x128xi32, #tpu.memory_space<vmem>>
        %dma_wait3A_528 = tpu.memref_squeeze %dma_wait3A_527 : memref<1x1x128xi32, #tpu.memory_space<vmem>> -> memref<128xi32, #tpu.memory_space<vmem>>
        %dma_wait3A_529 = arith.constant 0 : i32
        %dma_wait3A_530 = arith.constant 0 : i32
        %dma_wait3A_531 = tpu.memref_slice %arg10[%dma_wait3A_529, %dma_wait3A_530] : memref<10128x128xf32, #tpu.memory_space<vmem_shared>> -> memref<10128x128xf32, #tpu.memory_space<vmem_shared>>
        tpu.wait_indirect_dma semaphore(%run_scoped3A_519 : memref<!tpu.dma_semaphore, #tpu.memory_space<semaphore_mem>>) src(%arg9 : memref<128x128xf32, #tpu.memory_space<vmem>>) dst(%dma_wait3A_531 : memref<10128x128xf32, #tpu.memory_space<vmem_shared>>)
        tpu.yield
      }) : () -> ()
      %dma_start3A_411 = arith.constant 0 : i32
      %dma_start3A_412 = arith.constant 7 : i32
      %dma_start3A_413 = arith.constant 0 : i32
      %dma_start3A_414 = tpu.memref_slice %arg7[%dma_start3A_411, %dma_start3A_412, %dma_start3A_413] : memref<2x10x128xi32, #tpu.memory_space<vmem>> -> memref<1x1x128xi32, #tpu.memory_space<vmem>>
      %dma_start3A_415 = tpu.memref_squeeze %dma_start3A_414 : memref<1x1x128xi32, #tpu.memory_space<vmem>> -> memref<128xi32, #tpu.memory_space<vmem>>
      %dma_start3A_416 = arith.constant 0 : i32
      %dma_start3A_417 = arith.constant 0 : i32
      %dma_start3A_418 = tpu.memref_slice %arg2[%dma_start3A_416, %dma_start3A_417] : memref<10000x128xf32, #tpu.memory_space<hbm>> -> memref<10000x128xf32, #tpu.memory_space<hbm>>
      tpu.enqueue_indirect_dma source(%dma_start3A_418 : memref<10000x128xf32, #tpu.memory_space<hbm>>) target(%arg9 : memref<128x128xf32, #tpu.memory_space<vmem>>) offsets(%dma_start3A_415 : memref<128xi32, #tpu.memory_space<vmem>>) semaphore(%arg12 : memref<!tpu.dma_semaphore, #tpu.memory_space<semaphore_mem>>)
      %mul3A_419 = arith.constant 10 : i32
      %mul3A_420 = arith.muli %add3A_286, %mul3A_419 : i32
      %add3A_421 = arith.constant 6 : i32
      %add3A_422 = arith.addi %mul3A_420, %add3A_421 : i32
      %dma_wait3A_423 = arith.constant 0 : i32
      %dma_wait3A_424 = arith.constant 6 : i32
      %dma_wait3A_425 = arith.constant 0 : i32
      %dma_wait3A_426 = tpu.memref_slice %arg7[%dma_wait3A_423, %dma_wait3A_424, %dma_wait3A_425] : memref<2x10x128xi32, #tpu.memory_space<vmem>> -> memref<1x1x128xi32, #tpu.memory_space<vmem>>
      %dma_wait3A_427 = tpu.memref_squeeze %dma_wait3A_426 : memref<1x1x128xi32, #tpu.memory_space<vmem>> -> memref<128xi32, #tpu.memory_space<vmem>>
      %dma_wait3A_428 = arith.constant 0 : i32
      %dma_wait3A_429 = arith.constant 0 : i32
      %dma_wait3A_430 = tpu.memref_slice %arg2[%dma_wait3A_428, %dma_wait3A_429] : memref<10000x128xf32, #tpu.memory_space<hbm>> -> memref<10000x128xf32, #tpu.memory_space<hbm>>
      tpu.wait_indirect_dma semaphore(%arg11 : memref<!tpu.dma_semaphore, #tpu.memory_space<semaphore_mem>>) src(%dma_wait3A_430 : memref<10000x128xf32, #tpu.memory_space<hbm>>) dst(%arg8 : memref<128x128xf32, #tpu.memory_space<vmem>>)
      %run_scoped3A_431 = arith.constant 1 : i32
      %run_scoped3A_432 = arith.constant 6 : i32
      "tpu.region"() ({
        %run_scoped3A_519 = tpu.sem_alloc : memref<!tpu.dma_semaphore, #tpu.memory_space<semaphore_mem>>
        %dma_start3A_520 = arith.constant 0 : i32
        %dma_start3A_521 = tpu.memref_slice %arg7[%run_scoped3A_431, %run_scoped3A_432, %dma_start3A_520] : memref<2x10x128xi32, #tpu.memory_space<vmem>> -> memref<1x1x128xi32, #tpu.memory_space<vmem>>
        %dma_start3A_522 = tpu.memref_squeeze %dma_start3A_521 : memref<1x1x128xi32, #tpu.memory_space<vmem>> -> memref<128xi32, #tpu.memory_space<vmem>>
        %dma_start3A_523 = arith.constant 0 : i32
        %dma_start3A_524 = arith.constant 0 : i32
        %dma_start3A_525 = tpu.memref_slice %arg10[%dma_start3A_523, %dma_start3A_524] : memref<10128x128xf32, #tpu.memory_space<vmem_shared>> -> memref<10128x128xf32, #tpu.memory_space<vmem_shared>>
        tpu.enqueue_indirect_dma source(%arg8 : memref<128x128xf32, #tpu.memory_space<vmem>>) target(%dma_start3A_525 : memref<10128x128xf32, #tpu.memory_space<vmem_shared>>) offsets(%dma_start3A_522 : memref<128xi32, #tpu.memory_space<vmem>>) semaphore(%run_scoped3A_519 : memref<!tpu.dma_semaphore, #tpu.memory_space<semaphore_mem>>) {add = true}
        %dma_wait3A_526 = arith.constant 0 : i32
        %dma_wait3A_527 = tpu.memref_slice %arg7[%run_scoped3A_431, %run_scoped3A_432, %dma_wait3A_526] : memref<2x10x128xi32, #tpu.memory_space<vmem>> -> memref<1x1x128xi32, #tpu.memory_space<vmem>>
        %dma_wait3A_528 = tpu.memref_squeeze %dma_wait3A_527 : memref<1x1x128xi32, #tpu.memory_space<vmem>> -> memref<128xi32, #tpu.memory_space<vmem>>
        %dma_wait3A_529 = arith.constant 0 : i32
        %dma_wait3A_530 = arith.constant 0 : i32
        %dma_wait3A_531 = tpu.memref_slice %arg10[%dma_wait3A_529, %dma_wait3A_530] : memref<10128x128xf32, #tpu.memory_space<vmem_shared>> -> memref<10128x128xf32, #tpu.memory_space<vmem_shared>>
        tpu.wait_indirect_dma semaphore(%run_scoped3A_519 : memref<!tpu.dma_semaphore, #tpu.memory_space<semaphore_mem>>) src(%arg8 : memref<128x128xf32, #tpu.memory_space<vmem>>) dst(%dma_wait3A_531 : memref<10128x128xf32, #tpu.memory_space<vmem_shared>>)
        tpu.yield
      }) : () -> ()
      %dma_start3A_433 = arith.constant 0 : i32
      %dma_start3A_434 = arith.constant 8 : i32
      %dma_start3A_435 = arith.constant 0 : i32
      %dma_start3A_436 = tpu.memref_slice %arg7[%dma_start3A_433, %dma_start3A_434, %dma_start3A_435] : memref<2x10x128xi32, #tpu.memory_space<vmem>> -> memref<1x1x128xi32, #tpu.memory_space<vmem>>
      %dma_start3A_437 = tpu.memref_squeeze %dma_start3A_436 : memref<1x1x128xi32, #tpu.memory_space<vmem>> -> memref<128xi32, #tpu.memory_space<vmem>>
      %dma_start3A_438 = arith.constant 0 : i32
      %dma_start3A_439 = arith.constant 0 : i32
      %dma_start3A_440 = tpu.memref_slice %arg2[%dma_start3A_438, %dma_start3A_439] : memref<10000x128xf32, #tpu.memory_space<hbm>> -> memref<10000x128xf32, #tpu.memory_space<hbm>>
      tpu.enqueue_indirect_dma source(%dma_start3A_440 : memref<10000x128xf32, #tpu.memory_space<hbm>>) target(%arg8 : memref<128x128xf32, #tpu.memory_space<vmem>>) offsets(%dma_start3A_437 : memref<128xi32, #tpu.memory_space<vmem>>) semaphore(%arg11 : memref<!tpu.dma_semaphore, #tpu.memory_space<semaphore_mem>>)
      %mul3A_441 = arith.constant 10 : i32
      %mul3A_442 = arith.muli %add3A_286, %mul3A_441 : i32
      %add3A_443 = arith.constant 7 : i32
      %add3A_444 = arith.addi %mul3A_442, %add3A_443 : i32
      %dma_wait3A_445 = arith.constant 0 : i32
      %dma_wait3A_446 = arith.constant 7 : i32
      %dma_wait3A_447 = arith.constant 0 : i32
      %dma_wait3A_448 = tpu.memref_slice %arg7[%dma_wait3A_445, %dma_wait3A_446, %dma_wait3A_447] : memref<2x10x128xi32, #tpu.memory_space<vmem>> -> memref<1x1x128xi32, #tpu.memory_space<vmem>>
      %dma_wait3A_449 = tpu.memref_squeeze %dma_wait3A_448 : memref<1x1x128xi32, #tpu.memory_space<vmem>> -> memref<128xi32, #tpu.memory_space<vmem>>
      %dma_wait3A_450 = arith.constant 0 : i32
      %dma_wait3A_451 = arith.constant 0 : i32
      %dma_wait3A_452 = tpu.memref_slice %arg2[%dma_wait3A_450, %dma_wait3A_451] : memref<10000x128xf32, #tpu.memory_space<hbm>> -> memref<10000x128xf32, #tpu.memory_space<hbm>>
      tpu.wait_indirect_dma semaphore(%arg12 : memref<!tpu.dma_semaphore, #tpu.memory_space<semaphore_mem>>) src(%dma_wait3A_452 : memref<10000x128xf32, #tpu.memory_space<hbm>>) dst(%arg9 : memref<128x128xf32, #tpu.memory_space<vmem>>)
      %run_scoped3A_453 = arith.constant 1 : i32
      %run_scoped3A_454 = arith.constant 7 : i32
      "tpu.region"() ({
        %run_scoped3A_519 = tpu.sem_alloc : memref<!tpu.dma_semaphore, #tpu.memory_space<semaphore_mem>>
        %dma_start3A_520 = arith.constant 0 : i32
        %dma_start3A_521 = tpu.memref_slice %arg7[%run_scoped3A_453, %run_scoped3A_454, %dma_start3A_520] : memref<2x10x128xi32, #tpu.memory_space<vmem>> -> memref<1x1x128xi32, #tpu.memory_space<vmem>>
        %dma_start3A_522 = tpu.memref_squeeze %dma_start3A_521 : memref<1x1x128xi32, #tpu.memory_space<vmem>> -> memref<128xi32, #tpu.memory_space<vmem>>
        %dma_start3A_523 = arith.constant 0 : i32
        %dma_start3A_524 = arith.constant 0 : i32
        %dma_start3A_525 = tpu.memref_slice %arg10[%dma_start3A_523, %dma_start3A_524] : memref<10128x128xf32, #tpu.memory_space<vmem_shared>> -> memref<10128x128xf32, #tpu.memory_space<vmem_shared>>
        tpu.enqueue_indirect_dma source(%arg9 : memref<128x128xf32, #tpu.memory_space<vmem>>) target(%dma_start3A_525 : memref<10128x128xf32, #tpu.memory_space<vmem_shared>>) offsets(%dma_start3A_522 : memref<128xi32, #tpu.memory_space<vmem>>) semaphore(%run_scoped3A_519 : memref<!tpu.dma_semaphore, #tpu.memory_space<semaphore_mem>>) {add = true}
        %dma_wait3A_526 = arith.constant 0 : i32
        %dma_wait3A_527 = tpu.memref_slice %arg7[%run_scoped3A_453, %run_scoped3A_454, %dma_wait3A_526] : memref<2x10x128xi32, #tpu.memory_space<vmem>> -> memref<1x1x128xi32, #tpu.memory_space<vmem>>
        %dma_wait3A_528 = tpu.memref_squeeze %dma_wait3A_527 : memref<1x1x128xi32, #tpu.memory_space<vmem>> -> memref<128xi32, #tpu.memory_space<vmem>>
        %dma_wait3A_529 = arith.constant 0 : i32
        %dma_wait3A_530 = arith.constant 0 : i32
        %dma_wait3A_531 = tpu.memref_slice %arg10[%dma_wait3A_529, %dma_wait3A_530] : memref<10128x128xf32, #tpu.memory_space<vmem_shared>> -> memref<10128x128xf32, #tpu.memory_space<vmem_shared>>
        tpu.wait_indirect_dma semaphore(%run_scoped3A_519 : memref<!tpu.dma_semaphore, #tpu.memory_space<semaphore_mem>>) src(%arg9 : memref<128x128xf32, #tpu.memory_space<vmem>>) dst(%dma_wait3A_531 : memref<10128x128xf32, #tpu.memory_space<vmem_shared>>)
        tpu.yield
      }) : () -> ()
      %dma_start3A_455 = arith.constant 0 : i32
      %dma_start3A_456 = arith.constant 9 : i32
      %dma_start3A_457 = arith.constant 0 : i32
      %dma_start3A_458 = tpu.memref_slice %arg7[%dma_start3A_455, %dma_start3A_456, %dma_start3A_457] : memref<2x10x128xi32, #tpu.memory_space<vmem>> -> memref<1x1x128xi32, #tpu.memory_space<vmem>>
      %dma_start3A_459 = tpu.memref_squeeze %dma_start3A_458 : memref<1x1x128xi32, #tpu.memory_space<vmem>> -> memref<128xi32, #tpu.memory_space<vmem>>
      %dma_start3A_460 = arith.constant 0 : i32
      %dma_start3A_461 = arith.constant 0 : i32
      %dma_start3A_462 = tpu.memref_slice %arg2[%dma_start3A_460, %dma_start3A_461] : memref<10000x128xf32, #tpu.memory_space<hbm>> -> memref<10000x128xf32, #tpu.memory_space<hbm>>
      tpu.enqueue_indirect_dma source(%dma_start3A_462 : memref<10000x128xf32, #tpu.memory_space<hbm>>) target(%arg9 : memref<128x128xf32, #tpu.memory_space<vmem>>) offsets(%dma_start3A_459 : memref<128xi32, #tpu.memory_space<vmem>>) semaphore(%arg12 : memref<!tpu.dma_semaphore, #tpu.memory_space<semaphore_mem>>)
      %mul3A_463 = arith.constant 10 : i32
      %mul3A_464 = arith.muli %add3A_286, %mul3A_463 : i32
      %add3A_465 = arith.constant 8 : i32
      %add3A_466 = arith.addi %mul3A_464, %add3A_465 : i32
      %dma_wait3A_467 = arith.constant 0 : i32
      %dma_wait3A_468 = arith.constant 8 : i32
      %dma_wait3A_469 = arith.constant 0 : i32
      %dma_wait3A_470 = tpu.memref_slice %arg7[%dma_wait3A_467, %dma_wait3A_468, %dma_wait3A_469] : memref<2x10x128xi32, #tpu.memory_space<vmem>> -> memref<1x1x128xi32, #tpu.memory_space<vmem>>
      %dma_wait3A_471 = tpu.memref_squeeze %dma_wait3A_470 : memref<1x1x128xi32, #tpu.memory_space<vmem>> -> memref<128xi32, #tpu.memory_space<vmem>>
      %dma_wait3A_472 = arith.constant 0 : i32
      %dma_wait3A_473 = arith.constant 0 : i32
      %dma_wait3A_474 = tpu.memref_slice %arg2[%dma_wait3A_472, %dma_wait3A_473] : memref<10000x128xf32, #tpu.memory_space<hbm>> -> memref<10000x128xf32, #tpu.memory_space<hbm>>
      tpu.wait_indirect_dma semaphore(%arg11 : memref<!tpu.dma_semaphore, #tpu.memory_space<semaphore_mem>>) src(%dma_wait3A_474 : memref<10000x128xf32, #tpu.memory_space<hbm>>) dst(%arg8 : memref<128x128xf32, #tpu.memory_space<vmem>>)
      %run_scoped3A_475 = arith.constant 1 : i32
      %run_scoped3A_476 = arith.constant 8 : i32
      "tpu.region"() ({
        %run_scoped3A_519 = tpu.sem_alloc : memref<!tpu.dma_semaphore, #tpu.memory_space<semaphore_mem>>
        %dma_start3A_520 = arith.constant 0 : i32
        %dma_start3A_521 = tpu.memref_slice %arg7[%run_scoped3A_475, %run_scoped3A_476, %dma_start3A_520] : memref<2x10x128xi32, #tpu.memory_space<vmem>> -> memref<1x1x128xi32, #tpu.memory_space<vmem>>
        %dma_start3A_522 = tpu.memref_squeeze %dma_start3A_521 : memref<1x1x128xi32, #tpu.memory_space<vmem>> -> memref<128xi32, #tpu.memory_space<vmem>>
        %dma_start3A_523 = arith.constant 0 : i32
        %dma_start3A_524 = arith.constant 0 : i32
        %dma_start3A_525 = tpu.memref_slice %arg10[%dma_start3A_523, %dma_start3A_524] : memref<10128x128xf32, #tpu.memory_space<vmem_shared>> -> memref<10128x128xf32, #tpu.memory_space<vmem_shared>>
        tpu.enqueue_indirect_dma source(%arg8 : memref<128x128xf32, #tpu.memory_space<vmem>>) target(%dma_start3A_525 : memref<10128x128xf32, #tpu.memory_space<vmem_shared>>) offsets(%dma_start3A_522 : memref<128xi32, #tpu.memory_space<vmem>>) semaphore(%run_scoped3A_519 : memref<!tpu.dma_semaphore, #tpu.memory_space<semaphore_mem>>) {add = true}
        %dma_wait3A_526 = arith.constant 0 : i32
        %dma_wait3A_527 = tpu.memref_slice %arg7[%run_scoped3A_475, %run_scoped3A_476, %dma_wait3A_526] : memref<2x10x128xi32, #tpu.memory_space<vmem>> -> memref<1x1x128xi32, #tpu.memory_space<vmem>>
        %dma_wait3A_528 = tpu.memref_squeeze %dma_wait3A_527 : memref<1x1x128xi32, #tpu.memory_space<vmem>> -> memref<128xi32, #tpu.memory_space<vmem>>
        %dma_wait3A_529 = arith.constant 0 : i32
        %dma_wait3A_530 = arith.constant 0 : i32
        %dma_wait3A_531 = tpu.memref_slice %arg10[%dma_wait3A_529, %dma_wait3A_530] : memref<10128x128xf32, #tpu.memory_space<vmem_shared>> -> memref<10128x128xf32, #tpu.memory_space<vmem_shared>>
        tpu.wait_indirect_dma semaphore(%run_scoped3A_519 : memref<!tpu.dma_semaphore, #tpu.memory_space<semaphore_mem>>) src(%arg8 : memref<128x128xf32, #tpu.memory_space<vmem>>) dst(%dma_wait3A_531 : memref<10128x128xf32, #tpu.memory_space<vmem_shared>>)
        tpu.yield
      }) : () -> ()
      %add3A_477 = arith.constant 1 : i32
      %add3A_478 = arith.addi %add3A_286, %add3A_477 : i32
      %lt3A_479 = arith.constant 8 : i32
      %lt3A_480 = arith.cmpi slt, %add3A_478, %lt3A_479 : i32
      %convert_element_type3A_481 = arith.extui %lt3A_480 : i1 to i32
      %cond3A_482 = arith.constant 0 : i32
      %cond3A_483 = arith.cmpi ne, %convert_element_type3A_481, %cond3A_482 : i32
      scf.if %cond3A_483 {
        %add3A_519 = arith.constant 1 : i32
        %add3A_520 = arith.addi %add3A_286, %add3A_519 : i32
        %dma_wait3A_521 = arith.constant 0 : i32
        %dma_wait3A_522 = arith.constant 0 : i32
        %dma_wait3A_523 = arith.constant 0 : i32
        %dma_wait3A_524 = tpu.memref_slice %arg3[%add3A, %add3A_520, %dma_wait3A_521, %dma_wait3A_522, %dma_wait3A_523] : memref<32x8x2x10x128xi32, #tpu.memory_space<hbm>> -> memref<1x1x2x10x128xi32, #tpu.memory_space<hbm>>
        %dma_wait3A_525 = tpu.memref_squeeze %dma_wait3A_524 : memref<1x1x2x10x128xi32, #tpu.memory_space<hbm>> -> memref<2x10x128xi32, #tpu.memory_space<hbm>>
        %dma_wait3A_526 = arith.constant 0 : i32
        %dma_wait3A_527 = arith.constant 0 : i32
        %dma_wait3A_528 = arith.constant 0 : i32
        %dma_wait3A_529 = tpu.memref_slice %arg3[%add3A, %add3A_520, %dma_wait3A_526, %dma_wait3A_527, %dma_wait3A_528] : memref<32x8x2x10x128xi32, #tpu.memory_space<hbm>> -> memref<1x1x2x10x128xi32, #tpu.memory_space<hbm>>
        %dma_wait3A_530 = tpu.memref_squeeze %dma_wait3A_529 : memref<1x1x2x10x128xi32, #tpu.memory_space<hbm>> -> memref<2x10x128xi32, #tpu.memory_space<hbm>>
        tpu.wait_dma2 semaphore(%arg13 : memref<!tpu.dma_semaphore, #tpu.memory_space<semaphore_mem>>) src(%dma_wait3A_530 : memref<2x10x128xi32, #tpu.memory_space<hbm>>) dst(%arg6 : memref<2x10x128xi32, #tpu.memory_space<vmem>>)
      } else {
      }
      %add3A_484 = arith.constant 2 : i32
      %add3A_485 = arith.addi %add3A_466, %add3A_484 : i32
      %lt3A_486 = arith.constant 80 : i32
      %lt3A_487 = arith.cmpi slt, %add3A_485, %lt3A_486 : i32
      %convert_element_type3A_488 = arith.extui %lt3A_487 : i1 to i32
      %cond3A_489 = arith.constant 0 : i32
      %cond3A_490 = arith.cmpi ne, %convert_element_type3A_488, %cond3A_489 : i32
      scf.if %cond3A_490 {
        %dma_start3A_519 = arith.constant 0 : i32
        %dma_start3A_520 = arith.constant 0 : i32
        %dma_start3A_521 = arith.constant 0 : i32
        %dma_start3A_522 = tpu.memref_slice %arg6[%dma_start3A_519, %dma_start3A_520, %dma_start3A_521] : memref<2x10x128xi32, #tpu.memory_space<vmem>> -> memref<1x1x128xi32, #tpu.memory_space<vmem>>
        %dma_start3A_523 = tpu.memref_squeeze %dma_start3A_522 : memref<1x1x128xi32, #tpu.memory_space<vmem>> -> memref<128xi32, #tpu.memory_space<vmem>>
        %dma_start3A_524 = arith.constant 0 : i32
        %dma_start3A_525 = arith.constant 0 : i32
        %dma_start3A_526 = tpu.memref_slice %arg2[%dma_start3A_524, %dma_start3A_525] : memref<10000x128xf32, #tpu.memory_space<hbm>> -> memref<10000x128xf32, #tpu.memory_space<hbm>>
        tpu.enqueue_indirect_dma source(%dma_start3A_526 : memref<10000x128xf32, #tpu.memory_space<hbm>>) target(%arg8 : memref<128x128xf32, #tpu.memory_space<vmem>>) offsets(%dma_start3A_523 : memref<128xi32, #tpu.memory_space<vmem>>) semaphore(%arg11 : memref<!tpu.dma_semaphore, #tpu.memory_space<semaphore_mem>>)
      } else {
      }
      %mul3A_491 = arith.constant 10 : i32
      %mul3A_492 = arith.muli %add3A_286, %mul3A_491 : i32
      %add3A_493 = arith.constant 9 : i32
      %add3A_494 = arith.addi %mul3A_492, %add3A_493 : i32
      %dma_wait3A_495 = arith.constant 0 : i32
      %dma_wait3A_496 = arith.constant 9 : i32
      %dma_wait3A_497 = arith.constant 0 : i32
      %dma_wait3A_498 = tpu.memref_slice %arg7[%dma_wait3A_495, %dma_wait3A_496, %dma_wait3A_497] : memref<2x10x128xi32, #tpu.memory_space<vmem>> -> memref<1x1x128xi32, #tpu.memory_space<vmem>>
      %dma_wait3A_499 = tpu.memref_squeeze %dma_wait3A_498 : memref<1x1x128xi32, #tpu.memory_space<vmem>> -> memref<128xi32, #tpu.memory_space<vmem>>
      %dma_wait3A_500 = arith.constant 0 : i32
      %dma_wait3A_501 = arith.constant 0 : i32
      %dma_wait3A_502 = tpu.memref_slice %arg2[%dma_wait3A_500, %dma_wait3A_501] : memref<10000x128xf32, #tpu.memory_space<hbm>> -> memref<10000x128xf32, #tpu.memory_space<hbm>>
      tpu.wait_indirect_dma semaphore(%arg12 : memref<!tpu.dma_semaphore, #tpu.memory_space<semaphore_mem>>) src(%dma_wait3A_502 : memref<10000x128xf32, #tpu.memory_space<hbm>>) dst(%arg9 : memref<128x128xf32, #tpu.memory_space<vmem>>)
      %run_scoped3A_503 = arith.constant 1 : i32
      %run_scoped3A_504 = arith.constant 9 : i32
      "tpu.region"() ({
        %run_scoped3A_519 = tpu.sem_alloc : memref<!tpu.dma_semaphore, #tpu.memory_space<semaphore_mem>>
        %dma_start3A_520 = arith.constant 0 : i32
        %dma_start3A_521 = tpu.memref_slice %arg7[%run_scoped3A_503, %run_scoped3A_504, %dma_start3A_520] : memref<2x10x128xi32, #tpu.memory_space<vmem>> -> memref<1x1x128xi32, #tpu.memory_space<vmem>>
        %dma_start3A_522 = tpu.memref_squeeze %dma_start3A_521 : memref<1x1x128xi32, #tpu.memory_space<vmem>> -> memref<128xi32, #tpu.memory_space<vmem>>
        %dma_start3A_523 = arith.constant 0 : i32
        %dma_start3A_524 = arith.constant 0 : i32
        %dma_start3A_525 = tpu.memref_slice %arg10[%dma_start3A_523, %dma_start3A_524] : memref<10128x128xf32, #tpu.memory_space<vmem_shared>> -> memref<10128x128xf32, #tpu.memory_space<vmem_shared>>
        tpu.enqueue_indirect_dma source(%arg9 : memref<128x128xf32, #tpu.memory_space<vmem>>) target(%dma_start3A_525 : memref<10128x128xf32, #tpu.memory_space<vmem_shared>>) offsets(%dma_start3A_522 : memref<128xi32, #tpu.memory_space<vmem>>) semaphore(%run_scoped3A_519 : memref<!tpu.dma_semaphore, #tpu.memory_space<semaphore_mem>>) {add = true}
        %dma_wait3A_526 = arith.constant 0 : i32
        %dma_wait3A_527 = tpu.memref_slice %arg7[%run_scoped3A_503, %run_scoped3A_504, %dma_wait3A_526] : memref<2x10x128xi32, #tpu.memory_space<vmem>> -> memref<1x1x128xi32, #tpu.memory_space<vmem>>
        %dma_wait3A_528 = tpu.memref_squeeze %dma_wait3A_527 : memref<1x1x128xi32, #tpu.memory_space<vmem>> -> memref<128xi32, #tpu.memory_space<vmem>>
        %dma_wait3A_529 = arith.constant 0 : i32
        %dma_wait3A_530 = arith.constant 0 : i32
        %dma_wait3A_531 = tpu.memref_slice %arg10[%dma_wait3A_529, %dma_wait3A_530] : memref<10128x128xf32, #tpu.memory_space<vmem_shared>> -> memref<10128x128xf32, #tpu.memory_space<vmem_shared>>
        tpu.wait_indirect_dma semaphore(%run_scoped3A_519 : memref<!tpu.dma_semaphore, #tpu.memory_space<semaphore_mem>>) src(%arg9 : memref<128x128xf32, #tpu.memory_space<vmem>>) dst(%dma_wait3A_531 : memref<10128x128xf32, #tpu.memory_space<vmem_shared>>)
        tpu.yield
      }) : () -> ()
      %add3A_505 = arith.constant 2 : i32
      %add3A_506 = arith.addi %add3A_494, %add3A_505 : i32
      %lt3A_507 = arith.constant 80 : i32
      %lt3A_508 = arith.cmpi slt, %add3A_506, %lt3A_507 : i32
      %convert_element_type3A_509 = arith.extui %lt3A_508 : i1 to i32
      %cond3A_510 = arith.constant 0 : i32
      %cond3A_511 = arith.cmpi ne, %convert_element_type3A_509, %cond3A_510 : i32
      scf.if %cond3A_511 {
        %dma_start3A_519 = arith.constant 0 : i32
        %dma_start3A_520 = arith.constant 1 : i32
        %dma_start3A_521 = arith.constant 0 : i32
        %dma_start3A_522 = tpu.memref_slice %arg6[%dma_start3A_519, %dma_start3A_520, %dma_start3A_521] : memref<2x10x128xi32, #tpu.memory_space<vmem>> -> memref<1x1x128xi32, #tpu.memory_space<vmem>>
        %dma_start3A_523 = tpu.memref_squeeze %dma_start3A_522 : memref<1x1x128xi32, #tpu.memory_space<vmem>> -> memref<128xi32, #tpu.memory_space<vmem>>
        %dma_start3A_524 = arith.constant 0 : i32
        %dma_start3A_525 = arith.constant 0 : i32
        %dma_start3A_526 = tpu.memref_slice %arg2[%dma_start3A_524, %dma_start3A_525] : memref<10000x128xf32, #tpu.memory_space<hbm>> -> memref<10000x128xf32, #tpu.memory_space<hbm>>
        tpu.enqueue_indirect_dma source(%dma_start3A_526 : memref<10000x128xf32, #tpu.memory_space<hbm>>) target(%arg9 : memref<128x128xf32, #tpu.memory_space<vmem>>) offsets(%dma_start3A_523 : memref<128xi32, #tpu.memory_space<vmem>>) semaphore(%arg12 : memref<!tpu.dma_semaphore, #tpu.memory_space<semaphore_mem>>)
      } else {
      }
      %add3A_512 = arith.constant 2 : i32
      %add3A_513 = arith.addi %add3A_286, %add3A_512 : i32
      %lt3A_514 = arith.constant 8 : i32
      %lt3A_515 = arith.cmpi slt, %add3A_513, %lt3A_514 : i32
      %convert_element_type3A_516 = arith.extui %lt3A_515 : i1 to i32
      %cond3A_517 = arith.constant 0 : i32
      %cond3A_518 = arith.cmpi ne, %convert_element_type3A_516, %cond3A_517 : i32
      scf.if %cond3A_518 {
        %add3A_519 = arith.constant 2 : i32
        %add3A_520 = arith.addi %add3A_286, %add3A_519 : i32
        %dma_start3A_521 = arith.constant 0 : i32
        %dma_start3A_522 = arith.constant 0 : i32
        %dma_start3A_523 = arith.constant 0 : i32
        %dma_start3A_524 = tpu.memref_slice %arg3[%add3A, %add3A_520, %dma_start3A_521, %dma_start3A_522, %dma_start3A_523] : memref<32x8x2x10x128xi32, #tpu.memory_space<hbm>> -> memref<1x1x2x10x128xi32, #tpu.memory_space<hbm>>
        %dma_start3A_525 = tpu.memref_squeeze %dma_start3A_524 : memref<1x1x2x10x128xi32, #tpu.memory_space<hbm>> -> memref<2x10x128xi32, #tpu.memory_space<hbm>>
        %dma_start3A_526 = arith.constant 0 : i32
        %dma_start3A_527 = arith.constant 0 : i32
        %dma_start3A_528 = arith.constant 0 : i32
        %dma_start3A_529 = tpu.memref_slice %arg3[%add3A, %add3A_520, %dma_start3A_526, %dma_start3A_527, %dma_start3A_528] : memref<32x8x2x10x128xi32, #tpu.memory_space<hbm>> -> memref<1x1x2x10x128xi32, #tpu.memory_space<hbm>>
        %dma_start3A_530 = tpu.memref_squeeze %dma_start3A_529 : memref<1x1x2x10x128xi32, #tpu.memory_space<hbm>> -> memref<2x10x128xi32, #tpu.memory_space<hbm>>
        tpu.enqueue_dma source(%dma_start3A_530 : memref<2x10x128xi32, #tpu.memory_space<hbm>>) target(%arg7 : memref<2x10x128xi32, #tpu.memory_space<vmem>>) target_semaphore(%arg14 : memref<!tpu.dma_semaphore, #tpu.memory_space<semaphore_mem>>)
      } else {
      }
    }
    %scan3A_38 = arith.constant 4 : i32
    %barrier3A_39 = arith.constant 0 : index
    tpu.barrier barrier_id(%barrier3A_39)
    %mul3A_40 = arith.constant 624 : i32
    %mul3A_41 = arith.muli %arg1, %mul3A_40 : i32
    "tpu.region"() ({
      %run_scoped3A_47 = tpu.sem_alloc : memref<!tpu.dma_semaphore, #tpu.memory_space<semaphore_mem>>
      %dma_start3A_48 = arith.constant 0 : i32
      %dma_start3A_49 = tpu.memref_slice %arg5[%arg0, %mul3A_41, %dma_start3A_48] : memref<2x10000x128xf32, #tpu.memory_space<hbm>> -> memref<1x624x128xf32, #tpu.memory_space<hbm>>
      %dma_start3A_50 = tpu.memref_squeeze %dma_start3A_49 : memref<1x624x128xf32, #tpu.memory_space<hbm>> -> memref<624x128xf32, #tpu.memory_space<hbm>>
      %dma_start3A_51 = arith.constant 0 : i32
      %dma_start3A_52 = tpu.memref_slice %arg10[%mul3A_41, %dma_start3A_51] : memref<10128x128xf32, #tpu.memory_space<vmem_shared>> -> memref<624x128xf32, #tpu.memory_space<vmem_shared>>
      tpu.enqueue_dma source(%dma_start3A_52 : memref<624x128xf32, #tpu.memory_space<vmem_shared>>) target(%dma_start3A_50 : memref<624x128xf32, #tpu.memory_space<hbm>>) target_semaphore(%run_scoped3A_47 : memref<!tpu.dma_semaphore, #tpu.memory_space<semaphore_mem>>)
      %dma_wait3A_53 = arith.constant 0 : i32
      %dma_wait3A_54 = tpu.memref_slice %arg5[%arg0, %mul3A_41, %dma_wait3A_53] : memref<2x10000x128xf32, #tpu.memory_space<hbm>> -> memref<1x624x128xf32, #tpu.memory_space<hbm>>
      %dma_wait3A_55 = tpu.memref_squeeze %dma_wait3A_54 : memref<1x624x128xf32, #tpu.memory_space<hbm>> -> memref<624x128xf32, #tpu.memory_space<hbm>>
      %dma_wait3A_56 = arith.constant 0 : i32
      %dma_wait3A_57 = tpu.memref_slice %arg10[%mul3A_41, %dma_wait3A_56] : memref<10128x128xf32, #tpu.memory_space<vmem_shared>> -> memref<624x128xf32, #tpu.memory_space<vmem_shared>>
      tpu.wait_dma2 semaphore(%run_scoped3A_47 : memref<!tpu.dma_semaphore, #tpu.memory_space<semaphore_mem>>) src(%dma_wait3A_57 : memref<624x128xf32, #tpu.memory_space<vmem_shared>>) dst(%dma_wait3A_55 : memref<624x128xf32, #tpu.memory_space<hbm>>)
      tpu.yield
    }) : () -> ()
    %eq3A_42 = arith.constant 15 : i32
    %eq3A_43 = arith.cmpi eq, %arg1, %eq3A_42 : i32
    %convert_element_type3A_44 = arith.extui %eq3A_43 : i1 to i32
    %cond3A_45 = arith.constant 0 : i32
    %cond3A_46 = arith.cmpi ne, %convert_element_type3A_44, %cond3A_45 : i32
    scf.if %cond3A_46 {
      "tpu.region"() ({
        %run_scoped3A_47 = tpu.sem_alloc : memref<!tpu.dma_semaphore, #tpu.memory_space<semaphore_mem>>
        %dma_start3A_48 = arith.constant 9984 : i32
        %dma_start3A_49 = arith.constant 0 : i32
        %dma_start3A_50 = tpu.memref_slice %arg5[%arg0, %dma_start3A_48, %dma_start3A_49] : memref<2x10000x128xf32, #tpu.memory_space<hbm>> -> memref<1x16x128xf32, #tpu.memory_space<hbm>>
        %dma_start3A_51 = tpu.memref_squeeze %dma_start3A_50 : memref<1x16x128xf32, #tpu.memory_space<hbm>> -> memref<16x128xf32, #tpu.memory_space<hbm>>
        %dma_start3A_52 = arith.constant 9984 : i32
        %dma_start3A_53 = arith.constant 0 : i32
        %dma_start3A_54 = tpu.memref_slice %arg10[%dma_start3A_52, %dma_start3A_53] : memref<10128x128xf32, #tpu.memory_space<vmem_shared>> -> memref<16x128xf32, #tpu.memory_space<vmem_shared>>
        tpu.enqueue_dma source(%dma_start3A_54 : memref<16x128xf32, #tpu.memory_space<vmem_shared>>) target(%dma_start3A_51 : memref<16x128xf32, #tpu.memory_space<hbm>>) target_semaphore(%run_scoped3A_47 : memref<!tpu.dma_semaphore, #tpu.memory_space<semaphore_mem>>)
        %dma_wait3A_55 = arith.constant 9984 : i32
        %dma_wait3A_56 = arith.constant 0 : i32
        %dma_wait3A_57 = tpu.memref_slice %arg5[%arg0, %dma_wait3A_55, %dma_wait3A_56] : memref<2x10000x128xf32, #tpu.memory_space<hbm>> -> memref<1x16x128xf32, #tpu.memory_space<hbm>>
        %dma_wait3A_58 = tpu.memref_squeeze %dma_wait3A_57 : memref<1x16x128xf32, #tpu.memory_space<hbm>> -> memref<16x128xf32, #tpu.memory_space<hbm>>
        %dma_wait3A_59 = arith.constant 9984 : i32
        %dma_wait3A_60 = arith.constant 0 : i32
        %dma_wait3A_61 = tpu.memref_slice %arg10[%dma_wait3A_59, %dma_wait3A_60] : memref<10128x128xf32, #tpu.memory_space<vmem_shared>> -> memref<16x128xf32, #tpu.memory_space<vmem_shared>>
        tpu.wait_dma2 semaphore(%run_scoped3A_47 : memref<!tpu.dma_semaphore, #tpu.memory_space<semaphore_mem>>) src(%dma_wait3A_61 : memref<16x128xf32, #tpu.memory_space<vmem_shared>>) dst(%dma_wait3A_58 : memref<16x128xf32, #tpu.memory_space<hbm>>)
        tpu.yield
      }) : () -> ()
    } else {
    }
    return
  }
}

module attributes {stable_mosaic.version = 14 : i64} {
  func.func @_mlp_body(%arg0: memref<10000x128xf32, #tpu.memory_space<vmem>>, %arg1: memref<2x10000x128xf32, #tpu.memory_space<vmem>>, %arg2: memref<10000x1xi32, #tpu.memory_space<vmem>>, %arg3: memref<128x128xf32, #tpu.memory_space<vmem>>, %arg4: memref<1x128xf32, #tpu.memory_space<vmem>>, %arg5: memref<1x128xf32, #tpu.memory_space<vmem>>, %arg6: memref<1x128xf32, #tpu.memory_space<vmem>>, %arg7: memref<128x128xf32, #tpu.memory_space<vmem>>, %arg8: memref<1x128xf32, #tpu.memory_space<vmem>>, %arg9: memref<10000x128xf32, #tpu.memory_space<vmem>>, %arg10: memref<64x128xf32, #tpu.memory_space<vmem>>) attributes {dimension_semantics = [], scalar_prefetch = 0 : i64, scratch_operands = 0 : i64, tpu.core_type = #tpu.core_type<tc>} {
    %get3A = arith.constant 0 : index
    %get3A_0 = arith.constant 0 : index
    %get3A_1 = vector.load %arg0[%get3A, %get3A_0] : memref<10000x128xf32, #tpu.memory_space<vmem>>, vector<10000x128xf32>
    %get3A_2 = arith.constant 0 : index
    %get3A_3 = arith.constant 0 : index
    %get3A_4 = arith.constant 0 : index
    %get3A_5 = vector.load %arg1[%get3A_2, %get3A_3, %get3A_4] : memref<2x10000x128xf32, #tpu.memory_space<vmem>>, vector<1x10000x128xf32>
    %get3A_6 = vector.shape_cast %get3A_5 : vector<1x10000x128xf32> to vector<10000x128xf32>
    %add3A = arith.addf %get3A_1, %get3A_6 : vector<10000x128xf32>
    %get3A_7 = arith.constant 1 : index
    %get3A_8 = arith.constant 0 : index
    %get3A_9 = arith.constant 0 : index
    %get3A_10 = vector.load %arg1[%get3A_7, %get3A_8, %get3A_9] : memref<2x10000x128xf32, #tpu.memory_space<vmem>>, vector<1x10000x128xf32>
    %get3A_11 = vector.shape_cast %get3A_10 : vector<1x10000x128xf32> to vector<10000x128xf32>
    %add3A_12 = arith.addf %add3A, %get3A_11 : vector<10000x128xf32>
    %get3A_13 = arith.constant 0 : index
    %get3A_14 = arith.constant 0 : index
    %get3A_15 = vector.load %arg3[%get3A_13, %get3A_14] : memref<128x128xf32, #tpu.memory_space<vmem>>, vector<128x128xf32>
    %dot_general3A = arith.constant dense<0.000000e+00> : vector<10000x128xf32>
    %dot_general3A_16 = tpu.matmul %add3A_12, %get3A_15, %dot_general3A {dimension_numbers = #tpu.dot_dimension_numbers<[1], [0], [0], [1], [0, 0, 1, 1], [], []>, transpose_lhs_hint = false} : vector<10000x128xf32>, vector<128x128xf32>, vector<10000x128xf32> -> vector<10000x128xf32>
    %get3A_17 = arith.constant 0 : index
    %get3A_18 = arith.constant 0 : index
    %get3A_19 = vector.load %arg4[%get3A_17, %get3A_18] : memref<1x128xf32, #tpu.memory_space<vmem>>, vector<1x128xf32>
    %add3A_20 = vector.broadcast %get3A_19 : vector<1x128xf32> to vector<10000x128xf32>
    %add3A_21 = arith.addf %dot_general3A_16, %add3A_20 : vector<10000x128xf32>
    %reduce_sum3A = arith.constant dense<0.000000e+00> : vector<128xf32>
    %reduce_sum3A_22 = vector.multi_reduction <add>, %add3A_21, %reduce_sum3A [0] : vector<10000x128xf32> to vector<128xf32>
    %broadcast_in_dim3A = vector.shape_cast %reduce_sum3A_22 : vector<128xf32> to vector<1x128xf32>
    %div3A = arith.constant 1.000000e+04 : f32
    %div3A_23 = vector.broadcast %div3A : f32 to vector<1x128xf32>
    %div3A_24 = arith.divf %broadcast_in_dim3A, %div3A_23 : vector<1x128xf32>
    %sub3A = vector.broadcast %div3A_24 : vector<1x128xf32> to vector<10000x128xf32>
    %sub3A_25 = arith.subf %add3A_21, %sub3A : vector<10000x128xf32>
    %square3A = arith.mulf %sub3A_25, %sub3A_25 : vector<10000x128xf32>
    %reduce_sum3A_26 = arith.constant dense<0.000000e+00> : vector<128xf32>
    %reduce_sum3A_27 = vector.multi_reduction <add>, %square3A, %reduce_sum3A_26 [0] : vector<10000x128xf32> to vector<128xf32>
    %broadcast_in_dim3A_28 = vector.shape_cast %reduce_sum3A_27 : vector<128xf32> to vector<1x128xf32>
    %div3A_29 = arith.constant 1.000000e+04 : f32
    %div3A_30 = vector.broadcast %div3A_29 : f32 to vector<1x128xf32>
    %div3A_31 = arith.divf %broadcast_in_dim3A_28, %div3A_30 : vector<1x128xf32>
    %sub3A_32 = vector.broadcast %div3A_24 : vector<1x128xf32> to vector<10000x128xf32>
    %sub3A_33 = arith.subf %add3A_21, %sub3A_32 : vector<10000x128xf32>
    %add3A_34 = arith.constant 9.99999974E-6 : f32
    %add3A_35 = vector.broadcast %add3A_34 : f32 to vector<1x128xf32>
    %add3A_36 = arith.addf %div3A_31, %add3A_35 : vector<1x128xf32>
    %rsqrt3A = math.rsqrt %add3A_36 : vector<1x128xf32>
    %mul3A = vector.broadcast %rsqrt3A : vector<1x128xf32> to vector<10000x128xf32>
    %mul3A_37 = arith.mulf %sub3A_33, %mul3A : vector<10000x128xf32>
    %get3A_38 = arith.constant 0 : index
    %get3A_39 = arith.constant 0 : index
    %get3A_40 = vector.load %arg5[%get3A_38, %get3A_39] : memref<1x128xf32, #tpu.memory_space<vmem>>, vector<1x128xf32>
    %mul3A_41 = vector.broadcast %get3A_40 : vector<1x128xf32> to vector<10000x128xf32>
    %mul3A_42 = arith.mulf %mul3A_37, %mul3A_41 : vector<10000x128xf32>
    %get3A_43 = arith.constant 0 : index
    %get3A_44 = arith.constant 0 : index
    %get3A_45 = vector.load %arg6[%get3A_43, %get3A_44] : memref<1x128xf32, #tpu.memory_space<vmem>>, vector<1x128xf32>
    %add3A_46 = vector.broadcast %get3A_45 : vector<1x128xf32> to vector<10000x128xf32>
    %add3A_47 = arith.addf %mul3A_42, %add3A_46 : vector<10000x128xf32>
    %max3A = arith.constant 0.000000e+00 : f32
    %max3A_48 = vector.broadcast %max3A : f32 to vector<10000x128xf32>
    %max3A_49 = arith.maximumf %add3A_47, %max3A_48 : vector<10000x128xf32>
    %get3A_50 = arith.constant 0 : index
    %get3A_51 = arith.constant 0 : index
    %get3A_52 = vector.load %arg7[%get3A_50, %get3A_51] : memref<128x128xf32, #tpu.memory_space<vmem>>, vector<128x128xf32>
    %dot_general3A_53 = arith.constant dense<0.000000e+00> : vector<10000x128xf32>
    %dot_general3A_54 = tpu.matmul %max3A_49, %get3A_52, %dot_general3A_53 {dimension_numbers = #tpu.dot_dimension_numbers<[1], [0], [0], [1], [0, 0, 1, 1], [], []>, transpose_lhs_hint = false} : vector<10000x128xf32>, vector<128x128xf32>, vector<10000x128xf32> -> vector<10000x128xf32>
    %get3A_55 = arith.constant 0 : index
    %get3A_56 = arith.constant 0 : index
    %get3A_57 = vector.load %arg8[%get3A_55, %get3A_56] : memref<1x128xf32, #tpu.memory_space<vmem>>, vector<1x128xf32>
    %add3A_58 = vector.broadcast %get3A_57 : vector<1x128xf32> to vector<10000x128xf32>
    %add3A_59 = arith.addf %dot_general3A_54, %add3A_58 : vector<10000x128xf32>
    %max3A_60 = arith.constant 0.000000e+00 : f32
    %max3A_61 = vector.broadcast %max3A_60 : f32 to vector<10000x128xf32>
    %max3A_62 = arith.maximumf %add3A_59, %max3A_61 : vector<10000x128xf32>
    %swap3A = arith.constant 0 : index
    %swap3A_63 = arith.constant 0 : index
    %swap3A_64 = vector.load %arg9[%swap3A, %swap3A_63] : memref<10000x128xf32, #tpu.memory_space<vmem>>, vector<10000x128xf32>
    tpu.vector_store %arg9[%swap3A, %swap3A_63], %max3A_62 {strides = array<i32>} : memref<10000x128xf32, #tpu.memory_space<vmem>>, vector<10000x128xf32>,
    %iota3A = tpu.iota {dimensions = array<i32: 1>} : vector<10000x64xi32>
    %get3A_65 = arith.constant 0 : index
    %get3A_66 = arith.constant 0 : index
    %get3A_67 = vector.load %arg2[%get3A_65, %get3A_66] : memref<10000x1xi32, #tpu.memory_space<vmem>>, vector<10000x1xi32>
    %eq3A = vector.broadcast %get3A_67 : vector<10000x1xi32> to vector<10000x64xi32>
    %eq3A_68 = arith.cmpi eq, %eq3A, %iota3A : vector<10000x64xi32>
    %convert_element_type3A = arith.extui %eq3A_68 : vector<10000x64xi1> to vector<10000x64xi32>
    %convert_element_type3A_69 = arith.sitofp %convert_element_type3A : vector<10000x64xi32> to vector<10000x64xf32>
    %dot_general3A_70 = arith.constant dense<0.000000e+00> : vector<64x128xf32>
    %dot_general3A_71 = tpu.matmul %convert_element_type3A_69, %max3A_62, %dot_general3A_70 {dimension_numbers = #tpu.dot_dimension_numbers<[0], [0], [1], [1], [0, 1, 1, 1], [], []>, transpose_lhs_hint = false} : vector<10000x64xf32>, vector<10000x128xf32>, vector<64x128xf32> -> vector<64x128xf32>
    %reduce_sum3A_72 = arith.constant dense<0.000000e+00> : vector<64xf32>
    %reduce_sum3A_73 = vector.multi_reduction <add>, %convert_element_type3A_69, %reduce_sum3A_72 [0] : vector<10000x64xf32> to vector<64xf32>
    %broadcast_in_dim3A_74 = vector.shape_cast %reduce_sum3A_73 : vector<64xf32> to vector<64x1xf32>
    %max3A_75 = arith.constant 1.000000e+00 : f32
    %max3A_76 = vector.broadcast %max3A_75 : f32 to vector<64x1xf32>
    %max3A_77 = arith.maximumf %broadcast_in_dim3A_74, %max3A_76 : vector<64x1xf32>
    %div3A_78 = vector.broadcast %max3A_77 : vector<64x1xf32> to vector<64x128xf32>
    %div3A_79 = arith.divf %dot_general3A_71, %div3A_78 : vector<64x128xf32>
    %swap3A_80 = arith.constant 0 : index
    %swap3A_81 = arith.constant 0 : index
    %swap3A_82 = vector.load %arg10[%swap3A_80, %swap3A_81] : memref<64x128xf32, #tpu.memory_space<vmem>>, vector<64x128xf32>
    tpu.vector_store %arg10[%swap3A_80, %swap3A_81], %div3A_79 {strides = array<i32>} : memref<64x128xf32, #tpu.memory_space<vmem>>, vector<64x128xf32>,
    return
  }
}

module attributes {stable_mosaic.version = 14 : i64} {
  func.func @_mlp3_body(%arg0: memref<10000x128xf32, #tpu.memory_space<vmem>>, %arg1: memref<2x10000x128xf32, #tpu.memory_space<vmem>>, %arg2: memref<10000x1xi32, #tpu.memory_space<vmem>>, %arg3: memref<128x128xf32, #tpu.memory_space<vmem>>, %arg4: memref<1x128xf32, #tpu.memory_space<vmem>>, %arg5: memref<1x128xf32, #tpu.memory_space<vmem>>, %arg6: memref<1x128xf32, #tpu.memory_space<vmem>>, %arg7: memref<128x128xf32, #tpu.memory_space<vmem>>, %arg8: memref<1x128xf32, #tpu.memory_space<vmem>>, %arg9: memref<64x128xf32, #tpu.memory_space<vmem>>, %arg10: memref<64x128xf32, #tpu.memory_space<vmem>>, %arg11: memref<384x128xf32, #tpu.memory_space<vmem>>, %arg12: memref<1x128xf32, #tpu.memory_space<vmem>>, %arg13: memref<128x16xf32, #tpu.memory_space<vmem>>, %arg14: memref<1x16xf32, #tpu.memory_space<vmem>>, %arg15: memref<64x128xf32, #tpu.memory_space<vmem>>, %arg16: memref<64x16xf32, #tpu.memory_space<vmem>>) attributes {dimension_semantics = [], scalar_prefetch = 0 : i64, scratch_operands = 0 : i64, tpu.core_type = #tpu.core_type<tc>} {
    %get3A = arith.constant 0 : index
    %get3A_0 = arith.constant 0 : index
    %get3A_1 = vector.load %arg0[%get3A, %get3A_0] : memref<10000x128xf32, #tpu.memory_space<vmem>>, vector<10000x128xf32>
    %get3A_2 = arith.constant 0 : index
    %get3A_3 = arith.constant 0 : index
    %get3A_4 = arith.constant 0 : index
    %get3A_5 = vector.load %arg1[%get3A_2, %get3A_3, %get3A_4] : memref<2x10000x128xf32, #tpu.memory_space<vmem>>, vector<1x10000x128xf32>
    %get3A_6 = vector.shape_cast %get3A_5 : vector<1x10000x128xf32> to vector<10000x128xf32>
    %add3A = arith.addf %get3A_1, %get3A_6 : vector<10000x128xf32>
    %get3A_7 = arith.constant 1 : index
    %get3A_8 = arith.constant 0 : index
    %get3A_9 = arith.constant 0 : index
    %get3A_10 = vector.load %arg1[%get3A_7, %get3A_8, %get3A_9] : memref<2x10000x128xf32, #tpu.memory_space<vmem>>, vector<1x10000x128xf32>
    %get3A_11 = vector.shape_cast %get3A_10 : vector<1x10000x128xf32> to vector<10000x128xf32>
    %add3A_12 = arith.addf %add3A, %get3A_11 : vector<10000x128xf32>
    %get3A_13 = arith.constant 0 : index
    %get3A_14 = arith.constant 0 : index
    %get3A_15 = vector.load %arg3[%get3A_13, %get3A_14] : memref<128x128xf32, #tpu.memory_space<vmem>>, vector<128x128xf32>
    %dot_general3A = arith.constant dense<0.000000e+00> : vector<10000x128xf32>
    %dot_general3A_16 = tpu.matmul %add3A_12, %get3A_15, %dot_general3A {dimension_numbers = #tpu.dot_dimension_numbers<[1], [0], [0], [1], [0, 0, 1, 1], [], []>, transpose_lhs_hint = false} : vector<10000x128xf32>, vector<128x128xf32>, vector<10000x128xf32> -> vector<10000x128xf32>
    %get3A_17 = arith.constant 0 : index
    %get3A_18 = arith.constant 0 : index
    %get3A_19 = vector.load %arg4[%get3A_17, %get3A_18] : memref<1x128xf32, #tpu.memory_space<vmem>>, vector<1x128xf32>
    %add3A_20 = vector.broadcast %get3A_19 : vector<1x128xf32> to vector<10000x128xf32>
    %add3A_21 = arith.addf %dot_general3A_16, %add3A_20 : vector<10000x128xf32>
    %reduce_sum3A = arith.constant dense<0.000000e+00> : vector<128xf32>
    %reduce_sum3A_22 = vector.multi_reduction <add>, %add3A_21, %reduce_sum3A [0] : vector<10000x128xf32> to vector<128xf32>
    %broadcast_in_dim3A = vector.shape_cast %reduce_sum3A_22 : vector<128xf32> to vector<1x128xf32>
    %div3A = arith.constant 1.000000e+04 : f32
    %div3A_23 = vector.broadcast %div3A : f32 to vector<1x128xf32>
    %div3A_24 = arith.divf %broadcast_in_dim3A, %div3A_23 : vector<1x128xf32>
    %sub3A = vector.broadcast %div3A_24 : vector<1x128xf32> to vector<10000x128xf32>
    %sub3A_25 = arith.subf %add3A_21, %sub3A : vector<10000x128xf32>
    %square3A = arith.mulf %sub3A_25, %sub3A_25 : vector<10000x128xf32>
    %reduce_sum3A_26 = arith.constant dense<0.000000e+00> : vector<128xf32>
    %reduce_sum3A_27 = vector.multi_reduction <add>, %square3A, %reduce_sum3A_26 [0] : vector<10000x128xf32> to vector<128xf32>
    %broadcast_in_dim3A_28 = vector.shape_cast %reduce_sum3A_27 : vector<128xf32> to vector<1x128xf32>
    %div3A_29 = arith.constant 1.000000e+04 : f32
    %div3A_30 = vector.broadcast %div3A_29 : f32 to vector<1x128xf32>
    %div3A_31 = arith.divf %broadcast_in_dim3A_28, %div3A_30 : vector<1x128xf32>
    %sub3A_32 = vector.broadcast %div3A_24 : vector<1x128xf32> to vector<10000x128xf32>
    %sub3A_33 = arith.subf %add3A_21, %sub3A_32 : vector<10000x128xf32>
    %add3A_34 = arith.constant 9.99999974E-6 : f32
    %add3A_35 = vector.broadcast %add3A_34 : f32 to vector<1x128xf32>
    %add3A_36 = arith.addf %div3A_31, %add3A_35 : vector<1x128xf32>
    %rsqrt3A = math.rsqrt %add3A_36 : vector<1x128xf32>
    %mul3A = vector.broadcast %rsqrt3A : vector<1x128xf32> to vector<10000x128xf32>
    %mul3A_37 = arith.mulf %sub3A_33, %mul3A : vector<10000x128xf32>
    %get3A_38 = arith.constant 0 : index
    %get3A_39 = arith.constant 0 : index
    %get3A_40 = vector.load %arg5[%get3A_38, %get3A_39] : memref<1x128xf32, #tpu.memory_space<vmem>>, vector<1x128xf32>
    %mul3A_41 = vector.broadcast %get3A_40 : vector<1x128xf32> to vector<10000x128xf32>
    %mul3A_42 = arith.mulf %mul3A_37, %mul3A_41 : vector<10000x128xf32>
    %get3A_43 = arith.constant 0 : index
    %get3A_44 = arith.constant 0 : index
    %get3A_45 = vector.load %arg6[%get3A_43, %get3A_44] : memref<1x128xf32, #tpu.memory_space<vmem>>, vector<1x128xf32>
    %add3A_46 = vector.broadcast %get3A_45 : vector<1x128xf32> to vector<10000x128xf32>
    %add3A_47 = arith.addf %mul3A_42, %add3A_46 : vector<10000x128xf32>
    %max3A = arith.constant 0.000000e+00 : f32
    %max3A_48 = vector.broadcast %max3A : f32 to vector<10000x128xf32>
    %max3A_49 = arith.maximumf %add3A_47, %max3A_48 : vector<10000x128xf32>
    %get3A_50 = arith.constant 0 : index
    %get3A_51 = arith.constant 0 : index
    %get3A_52 = vector.load %arg7[%get3A_50, %get3A_51] : memref<128x128xf32, #tpu.memory_space<vmem>>, vector<128x128xf32>
    %dot_general3A_53 = arith.constant dense<0.000000e+00> : vector<10000x128xf32>
    %dot_general3A_54 = tpu.matmul %max3A_49, %get3A_52, %dot_general3A_53 {dimension_numbers = #tpu.dot_dimension_numbers<[1], [0], [0], [1], [0, 0, 1, 1], [], []>, transpose_lhs_hint = false} : vector<10000x128xf32>, vector<128x128xf32>, vector<10000x128xf32> -> vector<10000x128xf32>
    %get3A_55 = arith.constant 0 : index
    %get3A_56 = arith.constant 0 : index
    %get3A_57 = vector.load %arg8[%get3A_55, %get3A_56] : memref<1x128xf32, #tpu.memory_space<vmem>>, vector<1x128xf32>
    %add3A_58 = vector.broadcast %get3A_57 : vector<1x128xf32> to vector<10000x128xf32>
    %add3A_59 = arith.addf %dot_general3A_54, %add3A_58 : vector<10000x128xf32>
    %max3A_60 = arith.constant 0.000000e+00 : f32
    %max3A_61 = vector.broadcast %max3A_60 : f32 to vector<10000x128xf32>
    %max3A_62 = arith.maximumf %add3A_59, %max3A_61 : vector<10000x128xf32>
    %iota3A = tpu.iota {dimensions = array<i32: 1>} : vector<10000x64xi32>
    %get3A_63 = arith.constant 0 : index
    %get3A_64 = arith.constant 0 : index
    %get3A_65 = vector.load %arg2[%get3A_63, %get3A_64] : memref<10000x1xi32, #tpu.memory_space<vmem>>, vector<10000x1xi32>
    %eq3A = vector.broadcast %get3A_65 : vector<10000x1xi32> to vector<10000x64xi32>
    %eq3A_66 = arith.cmpi eq, %eq3A, %iota3A : vector<10000x64xi32>
    %convert_element_type3A = arith.extui %eq3A_66 : vector<10000x64xi1> to vector<10000x64xi32>
    %convert_element_type3A_67 = arith.sitofp %convert_element_type3A : vector<10000x64xi32> to vector<10000x64xf32>
    %dot_general3A_68 = arith.constant dense<0.000000e+00> : vector<64x128xf32>
    %dot_general3A_69 = tpu.matmul %convert_element_type3A_67, %max3A_62, %dot_general3A_68 {dimension_numbers = #tpu.dot_dimension_numbers<[0], [0], [1], [1], [0, 1, 1, 1], [], []>, transpose_lhs_hint = false} : vector<10000x64xf32>, vector<10000x128xf32>, vector<64x128xf32> -> vector<64x128xf32>
    %reduce_sum3A_70 = arith.constant dense<0.000000e+00> : vector<64xf32>
    %reduce_sum3A_71 = vector.multi_reduction <add>, %convert_element_type3A_67, %reduce_sum3A_70 [0] : vector<10000x64xf32> to vector<64xf32>
    %broadcast_in_dim3A_72 = vector.shape_cast %reduce_sum3A_71 : vector<64xf32> to vector<64x1xf32>
    %max3A_73 = arith.constant 1.000000e+00 : f32
    %max3A_74 = vector.broadcast %max3A_73 : f32 to vector<64x1xf32>
    %max3A_75 = arith.maximumf %broadcast_in_dim3A_72, %max3A_74 : vector<64x1xf32>
    %div3A_76 = vector.broadcast %max3A_75 : vector<64x1xf32> to vector<64x128xf32>
    %div3A_77 = arith.divf %dot_general3A_69, %div3A_76 : vector<64x128xf32>
    %get3A_78 = arith.constant 0 : index
    %get3A_79 = arith.constant 0 : index
    %get3A_80 = vector.load %arg9[%get3A_78, %get3A_79] : memref<64x128xf32, #tpu.memory_space<vmem>>, vector<64x128xf32>
    %get3A_81 = arith.constant 0 : index
    %get3A_82 = arith.constant 0 : index
    %get3A_83 = vector.load %arg10[%get3A_81, %get3A_82] : memref<64x128xf32, #tpu.memory_space<vmem>>, vector<64x128xf32>
    %concatenate3A = tpu.concatenate %get3A_80, %get3A_83, %div3A_77 in 1 : vector<64x128xf32>, vector<64x128xf32>, vector<64x128xf32> -> vector<64x384xf32>
    %get3A_84 = arith.constant 0 : index
    %get3A_85 = arith.constant 0 : index
    %get3A_86 = vector.load %arg11[%get3A_84, %get3A_85] : memref<384x128xf32, #tpu.memory_space<vmem>>, vector<384x128xf32>
    %dot_general3A_87 = arith.constant dense<0.000000e+00> : vector<64x128xf32>
    %dot_general3A_88 = tpu.matmul %concatenate3A, %get3A_86, %dot_general3A_87 {dimension_numbers = #tpu.dot_dimension_numbers<[1], [0], [0], [1], [0, 0, 1, 1], [], []>, transpose_lhs_hint = false} : vector<64x384xf32>, vector<384x128xf32>, vector<64x128xf32> -> vector<64x128xf32>
    %get3A_89 = arith.constant 0 : index
    %get3A_90 = arith.constant 0 : index
    %get3A_91 = vector.load %arg12[%get3A_89, %get3A_90] : memref<1x128xf32, #tpu.memory_space<vmem>>, vector<1x128xf32>
    %add3A_92 = vector.broadcast %get3A_91 : vector<1x128xf32> to vector<64x128xf32>
    %add3A_93 = arith.addf %dot_general3A_88, %add3A_92 : vector<64x128xf32>
    %swap3A = arith.constant 0 : index
    %swap3A_94 = arith.constant 0 : index
    %swap3A_95 = vector.load %arg15[%swap3A, %swap3A_94] : memref<64x128xf32, #tpu.memory_space<vmem>>, vector<64x128xf32>
    tpu.vector_store %arg15[%swap3A, %swap3A_94], %add3A_93 {strides = array<i32>} : memref<64x128xf32, #tpu.memory_space<vmem>>, vector<64x128xf32>,
    %get3A_96 = arith.constant 0 : index
    %get3A_97 = arith.constant 0 : index
    %get3A_98 = vector.load %arg13[%get3A_96, %get3A_97] : memref<128x16xf32, #tpu.memory_space<vmem>>, vector<128x16xf32>
    %dot_general3A_99 = arith.constant dense<0.000000e+00> : vector<64x16xf32>
    %dot_general3A_100 = tpu.matmul %add3A_93, %get3A_98, %dot_general3A_99 {dimension_numbers = #tpu.dot_dimension_numbers<[1], [0], [0], [1], [0, 0, 1, 1], [], []>, transpose_lhs_hint = false} : vector<64x128xf32>, vector<128x16xf32>, vector<64x16xf32> -> vector<64x16xf32>
    %get3A_101 = arith.constant 0 : index
    %get3A_102 = arith.constant 0 : index
    %get3A_103 = vector.load %arg14[%get3A_101, %get3A_102] : memref<1x16xf32, #tpu.memory_space<vmem>>, vector<1x16xf32>
    %add3A_104 = vector.broadcast %get3A_103 : vector<1x16xf32> to vector<64x16xf32>
    %add3A_105 = arith.addf %dot_general3A_100, %add3A_104 : vector<64x16xf32>
    %swap3A_106 = arith.constant 0 : index
    %swap3A_107 = arith.constant 0 : index
    %swap3A_108 = vector.load %arg16[%swap3A_106, %swap3A_107] : memref<64x16xf32, #tpu.memory_space<vmem>>, vector<64x16xf32>
    tpu.vector_store %arg16[%swap3A_106, %swap3A_107], %add3A_105 {strides = array<i32>} : memref<64x16xf32, #tpu.memory_space<vmem>>, vector<64x16xf32>,
    return
  }
}

</mosaic_0001>

<sc_bundles>
// kernel: kernel.11.cloned.1.call-start
scs
__scs_entry_jumppad:
0x0: {  	(pc) =	sbr.rel $0x88, $3  }
0x1: {  	(tag) =	ssettag $0x0;
	lr =	simm.s32 $0x1  }
0x2: {  	[smem:$0x3F88] =	sst lr;
	_ =	strace $0xD0000000  }
0x3: {  	_ = 	snop  }
0x4: {  	_ = 	snop  }
0x5: {  	_ = 	snop  }
0x6: {  	_ = 	snop  }
0x7: {  	_ = 	snop  }
__scs_overlays_trampoline_lowered:
0x8: {  	[smem:$0x3F97] =	sst s0  }
0x9: {  	[smem:$0x3F98] =	sst s1  }
0xa: {  	[smem:$0x3F99] =	sst s2  }
0xb: {  	[smem:$0x3F9A] =	sst s3  }
0xc: {  	[smem:$0x3F9B] =	sst s4  }
0xd: {  	[smem:$0x3F9C] =	sst s5  }
0xe: {  	[smem:$0x3F9D] =	sst s6  }
0xf: {  	[smem:$0x3F9E] =	sst s7  }
0x10: {  	[smem:$0x3F9F] =	sst s8  }
0x11: {  	[smem:$0x3FA0] =	sst s9;
	s0 =	simm.s32 @!p0 $0x0  }
0x12: {  	s1 =	sld [smem:$0x3F86];
	s0 =	simm.s32 @p0 $0x1  }
0x13: {  	[smem:$0x3FA1] =	sst s0;
	s0 =	simm.s32 @!p1 $0x0  }
0x14: {  	s2 =	sld [smem:$0x3F85];
	s0 =	simm.s32 @p1 $0x1  }
0x15: {  	[smem:$0x3FA2] =	sst s0;
	s0 =	simm.s32 @!p2 $0x0  }
0x16: {  	s3 =	sld [smem:$0x3FDB];
	s0 =	simm.s32 @p2 $0x1  }
0x17: {  	s4 =	simm.s32 $0x1BF5;
	[smem:$0x3FA4] =	sst s0  }
0x18: {  	s0 =	sld [smem:$0x3F87];
	_ =	swait.ge [sflag:s4], $0x0  }
0x19: {  	s7 =	sld [smem:$0x3F88]  }
0x1a: {  	s8 =	sadd.s32 $0xFFFFE003, lr  }
0x1b: {  	s9 =	sadd.s32 $0xFFFFFEF7, lr;
	s5 =	simm.s32 $0xFFFFFFFF;
	p2 =	slt.u32 s8, $0xFFFFF086  }
0x1c: {  	p1 =	slt.u32 s9, $0xF7A;
	s5 =	simm.s32 @!p2 $0x0  }
0x1d: {  	s5 =	simm.s32 @p1 $0x1;
	p0 =	seq.s32 s7, s2  }
0x1e: {  	s7 =	smul.u32 @!p0 $0xF7A, s2;
	p2 =	seq.s32 @!p0 s5, $0x0  }
0x1f: {  	s9 =	smul.u32 $0xF7A, s1;
	s8 =	simm.s32 @!p0 $0x1BF5;
	p2 =	por !p2, p0  }
0x20: {  	[sflag:s8] =	ssyncset.s32 @!p0 $0xFFFFF086;
	s6 =	sadd.s32 @!p0 s3, s7;
	s7 =	simm.s32 @!p0 $0x108  }
0x21: {  	s3 =	sadd.s32 s3, s9;
	s6 =	sadd.s32 @!p0 $0x88, s6;
	s7 =	simm.s32 @p2 $0x1082  }
0x22: {  	[simem:s7], [sflag:s8] =	dma.local @!p0 [hbm:s6], $0xF7A  }
0x23: {  	s9 =	sor.u32 $0xD0000000, s2;
	s6 =	simm.s32 $0x108;
	_ =	swait.ge @!p0 [sflag:s8], $0x0  }
0x24: {  	s3 =	sadd.s32 $0x88, s3;
	s6 =	simm.s32 @!p1 $0x1082;
	[sflag:s4] =	ssyncset.s32 $0xFFFFF086  }
0x25: {  	[simem:s6], [sflag:s4] =	dma.local [hbm:s3], $0xF7A  }
0x26: {  	[smem:$0x3F88] =	sst s1;
	(tag) =	ssettag s2;
	_ =	strace s9  }
0x27: {  	s1 =	sld [smem:$0x3F98]  }
0x28: {  	s2 =	sld [smem:$0x3F99]  }
0x29: {  	s4 =	sld [smem:$0x3F9B]  }
0x2a: {  	p0 =	seq.s32 s5, $0x0;
	s5 =	sld [smem:$0x3F9C]  }
0x2b: {  	s6 =	sld [smem:$0x3F9D]  }
0x2c: {  	s7 =	sld [smem:$0x3F9E]  }
0x2d: {  	s3 =	simm.s32 $0x108;
	s8 =	sld [smem:$0x3F9F]  }
0x2e: {  	s3 =	simm.s32 @!p0 $0x1082;
	s9 =	sld [smem:$0x3FA0]  }
0x2f: {  	lr =	sadd.s32 s0, s3;
	s0 =	sld [smem:$0x3F97]  }
0x30: {  	s3 =	sld [smem:$0x3F9A]  }
0x31: {  	[smem:$0x3FA3] =	sst s10  }
0x32: {  	s10 =	sld [smem:$0x3FA1];
	_ =	sdelay $0x3  }
0x33: {  	p0 =	seq.s32 s10, $0x1;
	s10 =	sld [smem:$0x3FA3];
	_ =	sdelay $0x3  }
0x34: {  	[smem:$0x3FA3] =	sst s10  }
0x35: {  	s10 =	sld [smem:$0x3FA2];
	_ =	sdelay $0x3  }
0x36: {  	p1 =	seq.s32 s10, $0x1;
	s10 =	sld [smem:$0x3FA3];
	_ =	sdelay $0x3  }
0x37: {  	[smem:$0x3FA3] =	sst s10  }
0x38: {  	s10 =	sld [smem:$0x3FA4]  }
0x39: {  	_ = 	snop;
	(pc) =	sbr.ind lr, $3  }
0x3a: {  	_ = 	snop  }
0x3b: {  	_ = 	snop  }
0x3c: {  	p2 =	seq.s32 s10, $0x1;
	s10 =	sld [smem:$0x3FA3]  }
0x3d: {  	_ =	shalt  }
0x3e: {  	_ =	shalt  }
0x3f: {  	_ =	shalt  }
0x40: {  	_ =	shalt  }
0x41: {  	_ =	shalt  }
0x42: {  	_ =	shalt  }
0x43: {  	_ =	shalt  }
0x44: {  	_ =	shalt  }
0x45: {  	_ =	shalt  }
0x46: {  	_ =	shalt  }
0x47: {  	_ =	shalt  }
0x48: {  	_ =	shalt  }
0x49: {  	_ =	shalt  }
0x4a: {  	_ =	shalt  }
0x4b: {  	_ =	shalt  }
0x4c: {  	_ =	shalt  }
0x4d: {  	_ =	shalt  }
0x4e: {  	_ =	shalt  }
0x4f: {  	_ =	shalt  }
0x50: {  	_ =	shalt  }
0x51: {  	_ =	shalt  }
0x52: {  	_ =	shalt  }
0x53: {  	_ =	shalt  }
0x54: {  	_ =	shalt  }
0x55: {  	_ =	shalt  }
0x56: {  	_ =	shalt  }
0x57: {  	_ =	shalt  }
0x58: {  	_ =	shalt  }
0x59: {  	_ =	shalt  }
0x5a: {  	_ =	shalt  }
0x5b: {  	_ =	shalt  }
0x5c: {  	_ =	shalt  }
0x5d: {  	_ =	shalt  }
0x5e: {  	_ =	shalt  }
0x5f: {  	_ =	shalt  }
0x60: {  	_ =	shalt  }
0x61: {  	_ =	shalt  }
0x62: {  	_ =	shalt  }
0x63: {  	_ =	shalt  }
0x64: {  	_ =	shalt  }
0x65: {  	_ =	shalt  }
0x66: {  	_ =	shalt  }
0x67: {  	_ =	shalt  }
0x68: {  	_ =	shalt  }
0x69: {  	_ =	shalt  }
0x6a: {  	_ =	shalt  }
0x6b: {  	_ =	shalt  }
0x6c: {  	_ =	shalt  }
0x6d: {  	_ =	shalt  }
0x6e: {  	_ =	shalt  }
0x6f: {  	_ =	shalt  }
0x70: {  	_ =	shalt  }
0x71: {  	_ =	shalt  }
0x72: {  	_ =	shalt  }
0x73: {  	_ =	shalt  }
0x74: {  	_ =	shalt  }
0x75: {  	_ =	shalt  }
0x76: {  	_ =	shalt  }
0x77: {  	_ =	shalt  }
0x78: {  	_ =	shalt  }
0x79: {  	_ =	shalt  }
0x7a: {  	_ =	shalt  }
0x7b: {  	_ =	shalt  }
0x7c: {  	_ =	shalt  }
0x7d: {  	_ =	shalt  }
0x7e: {  	_ =	shalt  }
0x7f: {  	_ =	shalt  }
0x80: {  	_ =	shalt  }
0x81: {  	_ =	shalt  }
0x82: {  	_ =	shalt  }
0x83: {  	_ =	shalt  }
0x84: {  	_ =	shalt  }
0x85: {  	_ =	shalt  }
0x86: {  	_ =	shalt  }
0x87: {  	_ =	shalt  }
.Lfunc_end0:
.L_simem_size_0:
called_computation.1_lowered:
.L_overlay_start_0:
0x88: {  	s2 =	sld [smem:$0x3FD9]  }
0x89: {  	s3 =	sld [smem:$0x3FFE];
	_ =	sdelay $0x1  }
0x8a: {  	s1 =	srdreg.scid  }
0x8b: {  	s0 =	sand.u32 $0x1, s1  }
0x8c: {  	s16 =	sshll.u32 s0, $0xA;
	s2 =	sadd.s32 s3, s2  }
0x8d: {  	s2 =	sadd.s32 s2, s16  }
0x8e: {  	[smem:$0x3FAF] =	sst s2  }
0x8f: {  	_ = 	snop  }
0x90: {  	(tm) =	ssettm $0x1  }
0x91: {  	s17 =	sld [smem:$0x3FFB];
	_ =	sdelay $0x3  }
0x92: {  	_ =	strace s17  }
0x93: {  	s2 =	sld [smem:$0x3FFC];
	_ =	sdelay $0x3  }
0x94: {  	_ =	strace s2  }
0x95: {  	s2 =	sld [smem:$0x3FFD];
	_ =	sdelay $0x3  }
0x96: {  	_ =	strace s2  }
0x97: {  	_ =	strace $0x8FFFFFFF  }
0x98: {  	s18 =	sld [smem:$0x3FDB];
	_ =	sdelay $0x1  }
0x99: {  	s19 =	simm.s32 $_scs_section_size  }
0x9a: {  	s4 =	simm.s32 $_size__tile_overlayer_lowered;
	s5 =	simm.s32 $_tile_overlayer_lowered  }
0x9b: {  	s22 =	simm.s32 $0x1BFF;
	s21 =	sshll.u32 s5, $0x1;
	s2 =	sadd.s32 s19, s18  }
0x9c: {  	s6 =	simm.s32 $0x0;
	s20 =	sshll.u32 s4, $0x1;
	s4 =	sadd.s32 s21, s2  }
0x9d: {  	[timem:s6], [sflag:s22] =	dma.local [hbm:s4], s20  }
0x9e: {  	_ =	swait.ge [sflag:s22], s20  }
0x9f: {  	s3 =	ssub.s32 $0x0, s20;
	[sflag:s22] =	ssyncset.done $0x0  }
0xa0: {  	[sflag:s22] =	ssyncadd.s32 s3;
	_ =	sdelay $0x1  }
0xa1: {  	s23 =	simm.s32 $0x1B8B  }
0xa2: {  	_ =	swait.ge [sflag:s23], $0x1  }
0xa3: {  	[sflag:s23] =	ssyncset.done $0x0  }
0xa4: {  	s25 =	simm.s32 $0x1B8E;
	s24 =	sld [smem:$0x3FFE];
	[sflag:s23] =	ssyncadd.s32 $0xFFFFFFFF  }
0xa5: {  	s26 =	simm.s32 $execute0_lowered;
	[smem:$0x3FD2] =	sst s25  }
0xa6: {  	s4 =	sshll.u32 s26, $0x1;
	_ =	strace $0x80000049;
	[dreg:$0x1] =	wrdreg $0xFFFFFFFF  }
0xa7: {  	s28 =	simm.s32 $_size_execute0_lowered;
	s2 =	sadd.s32 s2, s4;
	[dreg:$0x0] =	wrdreg $0x0  }
0xa8: {  	s4 =	sshll.u32 s28, $0x1;
	[dreg:$0x2] =	wrdreg s2  }
0xa9: {  	[dreg:$0x3] =	wrdreg s4  }
0xaa: {  	[dreg:$0x4] =	wrdreg $0xC0  }
0xab: {  	_ =	task [dreg:s6], $0x5FFFF  }
0xac: {  	[dreg:$0x1] =	wrdreg $0xFFFFFFFF  }
0xad: {  	[dreg:$0x0] =	wrdreg $0x60  }
0xae: {  	[dreg:$0x2] =	wrdreg s24  }
0xaf: {  	[dreg:$0x3] =	wrdreg $0xA0000  }
0xb0: {  	[dreg:$0x4] =	wrdreg $0x9  }
0xb1: {  	_ =	task.clear_ibuf [dreg:s6], $0x5FFFF;
	_ =	strace $0x90000049  }
0xb2: {  	s29 =	simm.s32 $0x9;
	_ =	strace $0x8000004B  }
0xb3: {  	_ =	swait.ge [sflag:s29], $0x1  }
0xb4: {  	[sflag:s29] =	ssyncadd.s32 $0xFFFFFFFF  }
0xb5: {  	_ =	strace $0x9000004B  }
0xb6: {  	_ =	sfence  }
0xb7: {  	s30 =	sld [smem:$0x0];
	_ =	sdelay $0x2  }
0xb8: {  	s31 =	sshll.u32 s1, $0xD;
	s1 =	sshrl.u32 s1, $0x2  }
0xb9: {  	s3 =	sand.u32 $0x4000, s31;
	s1 =	sadd.s32 s1, s30  }
0xba: {  	s0 =	sor.u32 s3, s0;
	s1 =	sshll.u32 s1, $0x11  }
0xbb: {  	s0 =	sor.u32 s1, s0  }
0xbc: {  	s0 =	sadd.s32 $0x8F2B, s0  }
0xbd: {  	[sflag:s0] =	ssyncadd.remote.s32 $0x1  }
0xbe: {  	_ =	sfence.sel $0xFFFF  }
0xbf: {  	[dreg:$0x0] =	wrdreg $0xFFFFFFFF;
	(pc) =	sbr.abs _section_cstart, $3  }
0xc0: {  	[dreg:$0x1] =	wrdreg $0xFFFFFFFF  }
0xc1: {  	_ =	task.clear_ibuf [dreg:s6], $0x2FFFF;
	_ =	strace $0x9FFFFFFF  }
0xc2: {  	(tm) =	ssettm $0x7FFFFFFF  }
0xc3: {  	_ =	shalt  }
tec
execute0_lowered:
.L_overlay_start_1:
0x0: {  	(tag) =	ssettag $0x1  }
0x1: {  	s0 =	rddreg [dreg:$0x0]  }
0x2: {  	s1 =	rddreg [dreg:$0x1];
	s2 =	simm.s32 $0x0  }
0x3: {  	s3 =	srdreg.scid;
	s12 =	stileid.u32;
	s19 =	simm.s32 $0x5  }
0x4: {  	s20 =	simm.s32 $0x1000;
	s28 =	simm.s32 $0x1;
	s30 =	simm.s32 $0x2  }
0x5: {  	s18 =	simm.s32 $0x4;
	s17 =	simm.s32 $0x1300;
	s21 =	simm.s32 $0x1380  }
0x6: {  	s16 =	simm.s32 $0x1B80;
	s29 =	simm.s32 $0x1480;
	s31 =	simm.s32 $0x1C00  }
0x7: {  	[smem:$0x7FF] =	sst s2;
	s3 =	sand.u32 $0x1, s3;
	s4 =	sadd.s32 $0x28000, s0  }
0x8: {  	s6 =	sadd.s32 $0x5800, s0;
	s8 =	smul.u32 $0x4E000, s12;
	s9 =	sadd.s32 $0x25800, s0  }
0x9: {  	s0 =	sadd.s32 $0x4F200, s0;
	s11 =	sshll.u32 s12, $0x6;
	s24 =	sshll.u32 s12, $0x10  }
0xa: {  	s10 =	smul.u32 $0x13800, s12;
	p0 =	sne.s32 s12, $0xF;
	s12 =	simm.s32 $0x1280  }
0xb: {  	_ =	strace $0x8000004A;
	s5 =	ssub.s32 $0x2, s3;
	[dreg:$0x3] =	wrdreg s9  }
0xc: {  	s23 =	smul.u32 $0x138800, s3;
	s3 =	sshll.u32 s3, $0xF;
	[dreg:$0x4] =	wrdreg s11  }
0xd: {  	s11 =	sor.u32 $0x1C03, s11;
	s9 =	sadd.s32 $0x138000, s1;
	s7 =	sshrl.u32 s5, $0x1  }
0xe: {  	s22 =	sshrl.u32 s8, $0x2;
	[dreg:$0x5] =	wrdreg s11;
	s3 =	sor.u32 s3, s24  }
0xf: {  	s24 =	simm.s32 $0x2000;
	s5 =	ssub.s32 s5, s7;
	s7 =	sadd.s32 s22, s1  }
0x10: {  	s25 =	sshrl.u32 s3, $0x3;
	s10 =	sadd.s32 s10, s23;
	s8 =	sshrl.u32 s23, $0x3  }
0x11: {  	s26 =	sor.u32 $0x3000, s3;
	s3 =	sor.u32 $0x2000, s3;
	s22 =	simm.s32 $0x1800  }
0x12: {  	s23 =	simm.s32 $0x80;
	s11 =	sadd.s32 s6, s25;
	s10 =	sshrl.u32 s10, $0x3  }
0x13: {  	s5 =	smax.u32 s5, $0x1;
	s3 =	sshrl.u32 s3, $0x3;
	s7 =	sshrl.u32 s7, $0x3  }
0x14: {  	s25 =	simm.s32 $0x6000;
	s15 =	sadd.s32 $0x200, s11;
	[dreg:$0xa] =	wrdreg s5  }
0x15: {  	s10 =	sadd.s32 s0, s10;
	s0 =	sadd.s32 s0, s8;
	[dreg:$0x6] =	wrdreg s11  }
0x16: {  	s14 =	sadd.s32 s3, s6;
	s3 =	sadd.s32 $0x100, s11;
	[dreg:$0xb] =	wrdreg s7  }
0x17: {  	s11 =	simm.s32 $0x1980;
	s8 =	simm.s32 $0x1A80;
	[dreg:$0x8] =	wrdreg s10  }
0x18: {  	s0 =	sadd.s32 $0x27000, s0;
	s10 =	sshrl.u32 @!p0 s9, $0x3;
	[dreg:$0xd] =	wrdreg s3  }
.Ltmp0:
0x19: {  	[dreg:$0x7] =	wrdreg s15;
	s5 =	sadd.s32 $0x100, s15;
	(pc) =	sbr.rel .LBB2_1-.Ltmp0, $4  }
0x1a: {  	s9 =	simm.s32 $0x1A00;
	s15 =	simm.s32 $0x1400;
	[dreg:$0x9] =	wrdreg s0  }
0x1b: {  	s0 =	sshrl.u32 s26, $0x3;
	[dreg:$0xe] =	wrdreg s5;
	s26 =	simm.s32 $0x3  }
0x1c: {  	[dreg:$0xc] =	wrdreg s10;
	s13 =	sadd.s32 s0, s6;
	s6 =	simm.s32 $0x0  }
0x1d: {  	s5 =	simm.s32 $0x1B00;
	s0 =	simm.s32 $0x1C80;
	[dreg:$0xf] =	wrdreg s6  }
.LBB2_4:
0x1e: {  	_ =	swait.ge [sflag:s30], $0x4000  }
0x1f: {  	[sflag:s30] =	ssyncset.done $0x0  }
0x20: {  	[sflag:s30] =	ssyncadd.s32 $0xFFFFC000  }
0x21: {  	[spmem:s1] =	stream.indirect.scatter.add.f32 [tilespmem:s25], [sflag:$0x5], $0x80, s0, s23, $0xb8;
	[tilespmem:$0x1DC80] =	vst v63  }
0x22: {  	_ =	swait.ge [sflag:s19], $0x4000  }
0x23: {  	[sflag:s19] =	ssyncset.done $0x0  }
0x24: {  	[sflag:s19] =	ssyncadd.s32 $0xFFFFC000  }
0x25: {  	[bflag:$0x0] =	sbarrier.arrive $0xFFFF  }
0x26: {  	s3 =	rddreg [dreg:$0x4]  }
0x27: {  	s6 =	rddreg [dreg:$0x8]  }
0x28: {  	s7 =	rddreg [dreg:$0xb];
	s3 =	sor.u32 $0x1C05, s3  }
0x29: {  	[hbm:s6], [sflag:s3] =	dma.local [spmem:s7], $0x2700  }
0x2a: {  	_ =	swait.ge [sflag:s19], $0x2700  }
0x2b: {  	[sflag:s19] =	ssyncset.done $0x0;
	s6 =	rddreg [dreg:$0x9]  }
0x2c: {  	s10 =	rddreg [dreg:$0xc];
	[sflag:s19] =	ssyncadd.s32 $0xFFFFD900  }
0x2d: {  	[hbm:s6], [sflag:s3] =	dma.local @!p0 [spmem:s10], $0x100  }
0x2e: {  	s3 =	simm.s32 @!p0 $0x5  }
0x2f: {  	_ =	swait.ge @!p0 [sflag:s3], $0x100  }
0x30: {  	s11 =	rddreg [dreg:$0xf]  }
0x31: {  	s6 =	rddreg [dreg:$0xa];
	s11 =	sadd.s32 $0x1, s11  }
0x32: {  	p1 =	sne.s32 s11, s6  }
.Ltmp1:
0x33: {  	_ = 	snop;
	(pc) =	sbr.rel @!p1 .LBB2_5-.Ltmp1, $3  }
0x34: {  	_ =	sdelay $0x1  }
0x35: {  	[sflag:s3] =	ssyncset.done @!p0 $0x0  }
0x36: {  	[sflag:s3] =	ssyncadd.s32 @!p0 $0xFFFFFF00;
	[dreg:$0xf] =	wrdreg s11;
	s11 =	simm.s32 $0x1980  }
.LBB2_1:
0x37: {  	s6 =	rddreg [dreg:$0x3]  }
0x38: {  	s3 =	rddreg [dreg:$0x5]  }
0x39: {  	[spmem:s7], [sflag:s3] =	dma.local [hbm:s6], $0x2700  }
0x3a: {  	s3 =	simm.s32 @!p0 $0x1FC5  }
0x3b: {  	[spmem:s10], [sflag:s3] =	dma.local @!p0 [hbm:s6], $0x900  }
0x3c: {  	s3 =	simm.s32 @!p0 $0x5  }
0x3d: {  	_ =	swait.ge @!p0 [sflag:s3], $0x900  }
0x3e: {  	[sflag:s3] =	ssyncset.done @!p0 $0x0  }
0x3f: {  	s6 =	rddreg [dreg:$0x6];
	[sflag:s3] =	ssyncadd.s32 @!p0 $0xFFFFF700  }
0x40: {  	[tilespmem:s2], [sflag:$0x5] =	stream.linear.gather [hbm4b:s6+s2], $0x500, $0x38;
	[tilespmem:$0x1DC80] =	vst v63  }
0x41: {  	s10 =	simm.s32 $0x800;
	s7 =	rddreg [dreg:$0xd]  }
0x42: {  	[tilespmem:s10], [sflag:$0x5] =	stream.linear.gather [hbm4b:s7+s2], $0x500, $0x38;
	[tilespmem:$0x1DC80] =	vst v63  }
0x43: {  	_ =	swait.ge [sflag:s19], $0xA00  }
0x44: {  	[sflag:s19] =	ssyncset.done $0x0  }
0x45: {  	s7 =	rddreg [dreg:$0x7];
	[sflag:s19] =	ssyncadd.s32 $0xFFFFF600  }
0x46: {  	[tilespmem:s20], [sflag:$0x4] =	stream.linear.gather [hbm4b:s7+s2], $0x500, $0x38;
	[tilespmem:$0x1DC80] =	vst v63  }
0x47: {  	s10 =	rddreg [dreg:$0xe]  }
0x48: {  	[tilespmem:s22], [sflag:$0x4] =	stream.linear.gather [hbm4b:s10+s2], $0x500, $0x38;
	[tilespmem:$0x1DC80] =	vst v63  }
0x49: {  	_ = 	snop  }
0x4a: {  	[tilespmem:s24], [sflag:$0x1] =	stream.indirect.gather [hbm4b:s4+s23], $0x80, s2, s23, $0xb8;
	[tilespmem:$0x1DC80] =	vst v63  }
0x4b: {  	_ = 	snop  }
0x4c: {  	[tilespmem:s25], [sflag:$0x2] =	stream.indirect.gather [hbm4b:s4+s23], $0x80, s23, s23, $0xb8;
	[tilespmem:$0x1DC80] =	vst v63  }
0x4d: {  	_ =	swait.ge [sflag:s26], $0x2700  }
0x4e: {  	[sflag:s26] =	ssyncset.done $0x0  }
0x4f: {  	[sflag:s26] =	ssyncadd.s32 $0xFFFFD900  }
0x50: {  	s3 =	simm.s32 $0x0;
	[bflag:$0x0] =	sbarrier.arrive $0xFFFF  }
.LBB2_2:
0x51: {  	_ =	swait.ge [sflag:s28], $0x4000  }
0x52: {  	[sflag:s28] =	ssyncset.done $0x0  }
0x53: {  	s6 =	simm.s32 $0x800;
	[sflag:s28] =	ssyncadd.s32 $0xFFFFC000  }
0x54: {  	[spmem:s1] =	stream.indirect.scatter.add.f32 [tilespmem:s24], [sflag:$0x5], $0x80, s6, s23, $0xb8;
	[tilespmem:$0x1DC80] =	vst v63  }
0x55: {  	_ =	swait.ge [sflag:s19], $0x4000  }
0x56: {  	[sflag:s19] =	ssyncset.done $0x0  }
0x57: {  	s10 =	simm.s32 $0x100;
	[sflag:s19] =	ssyncadd.s32 $0xFFFFC000  }
0x58: {  	[tilespmem:s24], [sflag:$0x1] =	stream.indirect.gather [hbm4b:s4+s23], $0x80, s10, s23, $0xb8;
	[tilespmem:$0x1DC80] =	vst v63  }
0x59: {  	_ =	swait.ge [sflag:s30], $0x4000  }
0x5a: {  	[sflag:s30] =	ssyncset.done $0x0  }
0x5b: {  	s7 =	simm.s32 $0x880;
	[sflag:s30] =	ssyncadd.s32 $0xFFFFC000  }
0x5c: {  	[spmem:s1] =	stream.indirect.scatter.add.f32 [tilespmem:s25], [sflag:$0x5], $0x80, s7, s23, $0xb8;
	[tilespmem:$0x1DC80] =	vst v63  }
0x5d: {  	_ =	swait.ge [sflag:s19], $0x4000  }
0x5e: {  	[sflag:s19] =	ssyncset.done $0x0  }
0x5f: {  	s10 =	simm.s32 $0x180;
	[sflag:s19] =	ssyncadd.s32 $0xFFFFC000  }
0x60: {  	[tilespmem:s25], [sflag:$0x2] =	stream.indirect.gather [hbm4b:s4+s23], $0x80, s10, s23, $0xb8;
	[tilespmem:$0x1DC80] =	vst v63  }
0x61: {  	_ =	swait.ge [sflag:s28], $0x4000  }
0x62: {  	[sflag:s28] =	ssyncset.done $0x0  }
0x63: {  	s7 =	simm.s32 $0x900;
	[sflag:s28] =	ssyncadd.s32 $0xFFFFC000  }
0x64: {  	[spmem:s1] =	stream.indirect.scatter.add.f32 [tilespmem:s24], [sflag:$0x5], $0x80, s7, s23, $0xb8;
	[tilespmem:$0x1DC80] =	vst v63  }
0x65: {  	_ =	swait.ge [sflag:s19], $0x4000  }
0x66: {  	[sflag:s19] =	ssyncset.done $0x0  }
0x67: {  	s10 =	simm.s32 $0x200;
	[sflag:s19] =	ssyncadd.s32 $0xFFFFC000  }
0x68: {  	[tilespmem:s24], [sflag:$0x1] =	stream.indirect.gather [hbm4b:s4+s23], $0x80, s10, s23, $0xb8;
	[tilespmem:$0x1DC80] =	vst v63  }
0x69: {  	_ =	swait.ge [sflag:s30], $0x4000  }
0x6a: {  	[sflag:s30] =	ssyncset.done $0x0  }
0x6b: {  	s7 =	simm.s32 $0x980;
	[sflag:s30] =	ssyncadd.s32 $0xFFFFC000  }
0x6c: {  	[spmem:s1] =	stream.indirect.scatter.add.f32 [tilespmem:s25], [sflag:$0x5], $0x80, s7, s23, $0xb8;
	[tilespmem:$0x1DC80] =	vst v63  }
0x6d: {  	_ =	swait.ge [sflag:s19], $0x4000  }
0x6e: {  	[sflag:s19] =	ssyncset.done $0x0  }
0x6f: {  	s10 =	simm.s32 $0x280;
	[sflag:s19] =	ssyncadd.s32 $0xFFFFC000  }
0x70: {  	[tilespmem:s25], [sflag:$0x2] =	stream.indirect.gather [hbm4b:s4+s23], $0x80, s10, s23, $0xb8;
	[tilespmem:$0x1DC80] =	vst v63  }
0x71: {  	_ =	swait.ge [sflag:s28], $0x4000  }
0x72: {  	[sflag:s28] =	ssyncset.done $0x0  }
0x73: {  	s7 =	simm.s32 $0xA00;
	[sflag:s28] =	ssyncadd.s32 $0xFFFFC000  }
0x74: {  	[spmem:s1] =	stream.indirect.scatter.add.f32 [tilespmem:s24], [sflag:$0x5], $0x80, s7, s23, $0xb8;
	[tilespmem:$0x1DC80] =	vst v63  }
0x75: {  	_ =	swait.ge [sflag:s19], $0x4000  }
0x76: {  	[sflag:s19] =	ssyncset.done $0x0  }
0x77: {  	s10 =	simm.s32 $0x300;
	[sflag:s19] =	ssyncadd.s32 $0xFFFFC000  }
0x78: {  	[tilespmem:s24], [sflag:$0x1] =	stream.indirect.gather [hbm4b:s4+s23], $0x80, s10, s23, $0xb8;
	[tilespmem:$0x1DC80] =	vst v63  }
0x79: {  	_ =	swait.ge [sflag:s30], $0x4000  }
0x7a: {  	[sflag:s30] =	ssyncset.done $0x0  }
0x7b: {  	s7 =	simm.s32 $0xA80;
	[sflag:s30] =	ssyncadd.s32 $0xFFFFC000  }
0x7c: {  	[spmem:s1] =	stream.indirect.scatter.add.f32 [tilespmem:s25], [sflag:$0x5], $0x80, s7, s23, $0xb8;
	[tilespmem:$0x1DC80] =	vst v63  }
0x7d: {  	_ =	swait.ge [sflag:s19], $0x4000  }
0x7e: {  	[sflag:s19] =	ssyncset.done $0x0  }
0x7f: {  	s10 =	simm.s32 $0x380;
	[sflag:s19] =	ssyncadd.s32 $0xFFFFC000  }
0x80: {  	[tilespmem:s25], [sflag:$0x2] =	stream.indirect.gather [hbm4b:s4+s23], $0x80, s10, s23, $0xb8;
	[tilespmem:$0x1DC80] =	vst v63  }
0x81: {  	_ =	swait.ge [sflag:s28], $0x4000  }
0x82: {  	[sflag:s28] =	ssyncset.done $0x0  }
0x83: {  	s7 =	simm.s32 $0xB00;
	[sflag:s28] =	ssyncadd.s32 $0xFFFFC000  }
0x84: {  	[spmem:s1] =	stream.indirect.scatter.add.f32 [tilespmem:s24], [sflag:$0x5], $0x80, s7, s23, $0xb8;
	[tilespmem:$0x1DC80] =	vst v63  }
0x85: {  	_ =	swait.ge [sflag:s19], $0x4000  }
0x86: {  	[sflag:s19] =	ssyncset.done $0x0  }
0x87: {  	s10 =	simm.s32 $0x400;
	[sflag:s19] =	ssyncadd.s32 $0xFFFFC000  }
0x88: {  	[tilespmem:s24], [sflag:$0x1] =	stream.indirect.gather [hbm4b:s4+s23], $0x80, s10, s23, $0xb8;
	[tilespmem:$0x1DC80] =	vst v63  }
0x89: {  	_ =	swait.ge [sflag:s30], $0x4000  }
0x8a: {  	[sflag:s30] =	ssyncset.done $0x0  }
0x8b: {  	s7 =	simm.s32 $0xB80;
	[sflag:s30] =	ssyncadd.s32 $0xFFFFC000  }
0x8c: {  	[spmem:s1] =	stream.indirect.scatter.add.f32 [tilespmem:s25], [sflag:$0x5], $0x80, s7, s23, $0xb8;
	[tilespmem:$0x1DC80] =	vst v63  }
0x8d: {  	_ =	swait.ge [sflag:s19], $0x4000  }
0x8e: {  	[sflag:s19] =	ssyncset.done $0x0  }
0x8f: {  	s10 =	simm.s32 $0x480;
	[sflag:s19] =	ssyncadd.s32 $0xFFFFC000  }
0x90: {  	[tilespmem:s25], [sflag:$0x2] =	stream.indirect.gather [hbm4b:s4+s23], $0x80, s10, s23, $0xb8;
	[tilespmem:$0x1DC80] =	vst v63  }
0x91: {  	_ =	swait.ge [sflag:s28], $0x4000  }
0x92: {  	[sflag:s28] =	ssyncset.done $0x0  }
0x93: {  	s7 =	simm.s32 $0xC00;
	[sflag:s28] =	ssyncadd.s32 $0xFFFFC000  }
0x94: {  	[spmem:s1] =	stream.indirect.scatter.add.f32 [tilespmem:s24], [sflag:$0x5], $0x80, s7, s23, $0xb8;
	[tilespmem:$0x1DC80] =	vst v63  }
0x95: {  	_ =	swait.ge [sflag:s19], $0x4000  }
0x96: {  	[sflag:s19] =	ssyncset.done $0x0  }
0x97: {  	[sflag:s19] =	ssyncadd.s32 $0xFFFFC000  }
0x98: {  	_ =	swait.ge [sflag:s18], $0xA00  }
0x99: {  	[sflag:s18] =	ssyncset.done $0x0  }
0x9a: {  	[sflag:s18] =	ssyncadd.s32 $0xFFFFF600  }
0x9b: {  	[tilespmem:s24], [sflag:$0x1] =	stream.indirect.gather [hbm4b:s4+s23], $0x80, s20, s23, $0xb8;
	[tilespmem:$0x1DC80] =	vst v63  }
0x9c: {  	_ =	swait.ge [sflag:s30], $0x4000  }
0x9d: {  	[sflag:s30] =	ssyncset.done $0x0  }
0x9e: {  	s10 =	simm.s32 $0xC80;
	[sflag:s30] =	ssyncadd.s32 $0xFFFFC000  }
0x9f: {  	[spmem:s1] =	stream.indirect.scatter.add.f32 [tilespmem:s25], [sflag:$0x5], $0x80, s10, s23, $0xb8;
	[tilespmem:$0x1DC80] =	vst v63  }
0xa0: {  	_ =	swait.ge [sflag:s19], $0x4000  }
0xa1: {  	[sflag:s19] =	ssyncset.done $0x0  }
0xa2: {  	p1 =	seq.s32 s3, $0xC00;
	s7 =	simm.s32 $0x1080;
	[sflag:s19] =	ssyncadd.s32 $0xFFFFC000  }
0xa3: {  	[tilespmem:s25], [sflag:$0x2] =	stream.indirect.gather [hbm4b:s4+s23], $0x80, s7, s23, $0xb8;
	[tilespmem:$0x1DC80] =	vst v63  }
0xa4: {  	s6 =	simm.s32 @!p1 $0x0;
	s7 =	sadd.s32 @!p1 s3, s14  }
0xa5: {  	[tilespmem:s6], [sflag:$0x3] =	stream.linear.gather @!p1 [hbm4b:s7+s6], $0x500, $0x38;
	[tilespmem:$0x1DC80] =	vst v63  }
0xa6: {  	s10 =	simm.s32 @!p1 $0x800;
	s7 =	sadd.s32 @!p1 $0x100, s7  }
0xa7: {  	[tilespmem:s10], [sflag:$0x3] =	stream.linear.gather @!p1 [hbm4b:s7+s6], $0x500, $0x38;
	[tilespmem:$0x1DC80] =	vst v63  }
0xa8: {  	_ =	swait.ge [sflag:s28], $0x4000  }
0xa9: {  	[sflag:s28] =	ssyncset.done $0x0  }
0xaa: {  	[sflag:s28] =	ssyncadd.s32 $0xFFFFC000  }
0xab: {  	[spmem:s1] =	stream.indirect.scatter.add.f32 [tilespmem:s24], [sflag:$0x5], $0x80, s22, s23, $0xb8;
	[tilespmem:$0x1DC80] =	vst v63  }
0xac: {  	_ =	swait.ge [sflag:s19], $0x4000  }
0xad: {  	[sflag:s19] =	ssyncset.done $0x0  }
0xae: {  	s10 =	simm.s32 $0x1100;
	[sflag:s19] =	ssyncadd.s32 $0xFFFFC000  }
0xaf: {  	[tilespmem:s24], [sflag:$0x1] =	stream.indirect.gather [hbm4b:s4+s23], $0x80, s10, s23, $0xb8;
	[tilespmem:$0x1DC80] =	vst v63  }
0xb0: {  	_ =	swait.ge [sflag:s30], $0x4000  }
0xb1: {  	[sflag:s30] =	ssyncset.done $0x0  }
0xb2: {  	s7 =	simm.s32 $0x1880;
	[sflag:s30] =	ssyncadd.s32 $0xFFFFC000  }
0xb3: {  	[spmem:s1] =	stream.indirect.scatter.add.f32 [tilespmem:s25], [sflag:$0x5], $0x80, s7, s23, $0xb8;
	[tilespmem:$0x1DC80] =	vst v63  }
0xb4: {  	_ =	swait.ge [sflag:s19], $0x4000  }
0xb5: {  	[sflag:s19] =	ssyncset.done $0x0  }
0xb6: {  	s10 =	simm.s32 $0x1180;
	[sflag:s19] =	ssyncadd.s32 $0xFFFFC000  }
0xb7: {  	[tilespmem:s25], [sflag:$0x2] =	stream.indirect.gather [hbm4b:s4+s23], $0x80, s10, s23, $0xb8;
	[tilespmem:$0x1DC80] =	vst v63  }
0xb8: {  	_ =	swait.ge [sflag:s28], $0x4000  }
0xb9: {  	[sflag:s28] =	ssyncset.done $0x0  }
0xba: {  	s7 =	simm.s32 $0x1900;
	[sflag:s28] =	ssyncadd.s32 $0xFFFFC000  }
0xbb: {  	[spmem:s1] =	stream.indirect.scatter.add.f32 [tilespmem:s24], [sflag:$0x5], $0x80, s7, s23, $0xb8;
	[tilespmem:$0x1DC80] =	vst v63  }
0xbc: {  	_ =	swait.ge [sflag:s19], $0x4000  }
0xbd: {  	[sflag:s19] =	ssyncset.done $0x0  }
0xbe: {  	s10 =	simm.s32 $0x1200;
	[sflag:s19] =	ssyncadd.s32 $0xFFFFC000  }
0xbf: {  	[tilespmem:s24], [sflag:$0x1] =	stream.indirect.gather [hbm4b:s4+s23], $0x80, s10, s23, $0xb8;
	[tilespmem:$0x1DC80] =	vst v63  }
0xc0: {  	_ =	swait.ge [sflag:s30], $0x4000  }
0xc1: {  	[sflag:s30] =	ssyncset.done $0x0  }
0xc2: {  	[sflag:s30] =	ssyncadd.s32 $0xFFFFC000  }
0xc3: {  	[spmem:s1] =	stream.indirect.scatter.add.f32 [tilespmem:s25], [sflag:$0x5], $0x80, s11, s23, $0xb8;
	[tilespmem:$0x1DC80] =	vst v63  }
0xc4: {  	_ =	swait.ge [sflag:s19], $0x4000  }
0xc5: {  	[sflag:s19] =	ssyncset.done $0x0  }
0xc6: {  	[sflag:s19] =	ssyncadd.s32 $0xFFFFC000  }
0xc7: {  	[tilespmem:s25], [sflag:$0x2] =	stream.indirect.gather [hbm4b:s4+s23], $0x80, s12, s23, $0xb8;
	[tilespmem:$0x1DC80] =	vst v63  }
0xc8: {  	_ =	swait.ge [sflag:s28], $0x4000  }
0xc9: {  	[sflag:s28] =	ssyncset.done $0x0  }
0xca: {  	[sflag:s28] =	ssyncadd.s32 $0xFFFFC000  }
0xcb: {  	[spmem:s1] =	stream.indirect.scatter.add.f32 [tilespmem:s24], [sflag:$0x5], $0x80, s9, s23, $0xb8;
	[tilespmem:$0x1DC80] =	vst v63  }
0xcc: {  	_ =	swait.ge [sflag:s19], $0x4000  }
0xcd: {  	[sflag:s19] =	ssyncset.done $0x0  }
0xce: {  	[sflag:s19] =	ssyncadd.s32 $0xFFFFC000  }
0xcf: {  	[tilespmem:s24], [sflag:$0x1] =	stream.indirect.gather [hbm4b:s4+s23], $0x80, s17, s23, $0xb8;
	[tilespmem:$0x1DC80] =	vst v63  }
0xd0: {  	_ =	swait.ge [sflag:s30], $0x4000  }
0xd1: {  	[sflag:s30] =	ssyncset.done $0x0  }
0xd2: {  	[sflag:s30] =	ssyncadd.s32 $0xFFFFC000  }
0xd3: {  	[spmem:s1] =	stream.indirect.scatter.add.f32 [tilespmem:s25], [sflag:$0x5], $0x80, s8, s23, $0xb8;
	[tilespmem:$0x1DC80] =	vst v63  }
0xd4: {  	_ =	swait.ge [sflag:s19], $0x4000  }
0xd5: {  	[sflag:s19] =	ssyncset.done $0x0  }
0xd6: {  	[sflag:s19] =	ssyncadd.s32 $0xFFFFC000  }
0xd7: {  	[tilespmem:s25], [sflag:$0x2] =	stream.indirect.gather [hbm4b:s4+s23], $0x80, s21, s23, $0xb8;
	[tilespmem:$0x1DC80] =	vst v63  }
0xd8: {  	_ =	swait.ge [sflag:s28], $0x4000  }
0xd9: {  	[sflag:s28] =	ssyncset.done $0x0  }
0xda: {  	[sflag:s28] =	ssyncadd.s32 $0xFFFFC000  }
0xdb: {  	[spmem:s1] =	stream.indirect.scatter.add.f32 [tilespmem:s24], [sflag:$0x5], $0x80, s5, s23, $0xb8;
	[tilespmem:$0x1DC80] =	vst v63  }
0xdc: {  	_ =	swait.ge [sflag:s19], $0x4000  }
0xdd: {  	[sflag:s19] =	ssyncset.done $0x0  }
0xde: {  	[sflag:s19] =	ssyncadd.s32 $0xFFFFC000  }
0xdf: {  	[tilespmem:s24], [sflag:$0x1] =	stream.indirect.gather [hbm4b:s4+s23], $0x80, s15, s23, $0xb8;
	[tilespmem:$0x1DC80] =	vst v63  }
0xe0: {  	_ =	swait.ge [sflag:s30], $0x4000  }
0xe1: {  	[sflag:s30] =	ssyncset.done $0x0  }
0xe2: {  	[sflag:s30] =	ssyncadd.s32 $0xFFFFC000  }
0xe3: {  	[spmem:s1] =	stream.indirect.scatter.add.f32 [tilespmem:s25], [sflag:$0x5], $0x80, s16, s23, $0xb8;
	[tilespmem:$0x1DC80] =	vst v63  }
0xe4: {  	_ =	swait.ge [sflag:s19], $0x4000  }
0xe5: {  	[sflag:s19] =	ssyncset.done $0x0  }
0xe6: {  	[sflag:s19] =	ssyncadd.s32 $0xFFFFC000  }
0xe7: {  	[tilespmem:s25], [sflag:$0x2] =	stream.indirect.gather [hbm4b:s4+s23], $0x80, s29, s23, $0xb8;
	[tilespmem:$0x1DC80] =	vst v63  }
0xe8: {  	_ =	swait.ge [sflag:s28], $0x4000  }
0xe9: {  	[sflag:s28] =	ssyncset.done $0x0  }
.Ltmp2:
0xea: {  	[sflag:s28] =	ssyncadd.s32 $0xFFFFC000;
	(pc) =	sbr.rel @p1 .LBB2_4-.Ltmp2, $4  }
0xeb: {  	[spmem:s1] =	stream.indirect.scatter.add.f32 [tilespmem:s24], [sflag:$0x5], $0x80, s31, s23, $0xb8;
	[tilespmem:$0x1DC80] =	vst v63  }
0xec: {  	_ =	swait.ge [sflag:s19], $0x4000  }
0xed: {  	[sflag:s19] =	ssyncset.done $0x0  }
0xee: {  	[sflag:s19] =	ssyncadd.s32 $0xFFFFC000  }
0xef: {  	_ =	swait.ge [sflag:s26], $0xA00  }
0xf0: {  	[sflag:s26] =	ssyncset.done $0x0  }
0xf1: {  	[sflag:s26] =	ssyncadd.s32 $0xFFFFF600  }
0xf2: {  	[tilespmem:s24], [sflag:$0x1] =	stream.indirect.gather [hbm4b:s4+s23], $0x80, s2, s23, $0xb8;
	[tilespmem:$0x1DC80] =	vst v63  }
0xf3: {  	_ =	swait.ge [sflag:s30], $0x4000  }
0xf4: {  	[sflag:s30] =	ssyncset.done $0x0  }
0xf5: {  	[sflag:s30] =	ssyncadd.s32 $0xFFFFC000  }
0xf6: {  	[spmem:s1] =	stream.indirect.scatter.add.f32 [tilespmem:s25], [sflag:$0x5], $0x80, s0, s23, $0xb8;
	[tilespmem:$0x1DC80] =	vst v63  }
0xf7: {  	_ =	swait.ge [sflag:s19], $0x4000  }
0xf8: {  	[sflag:s19] =	ssyncset.done $0x0  }
0xf9: {  	[sflag:s19] =	ssyncadd.s32 $0xFFFFC000  }
0xfa: {  	[tilespmem:s25], [sflag:$0x2] =	stream.indirect.gather [hbm4b:s4+s23], $0x80, s23, s23, $0xb8;
	[tilespmem:$0x1DC80] =	vst v63  }
.Ltmp3:
0xfb: {  	_ = 	snop;
	(pc) =	sbr.rel .LBB2_2-.Ltmp3, $4  }
0xfc: {  	s6 =	sadd.s32 s3, s13  }
0xfd: {  	[tilespmem:s20], [sflag:$0x4] =	stream.linear.gather [hbm4b:s6+s2], $0x500, $0x38;
	[tilespmem:$0x1DC80] =	vst v63  }
0xfe: {  	s3 =	sadd.s32 $0x400, s3;
	s6 =	sadd.s32 $0x100, s6  }
0xff: {  	[tilespmem:s22], [sflag:$0x4] =	stream.linear.gather [hbm4b:s6+s2], $0x500, $0x38;
	[tilespmem:$0x1DC80] =	vst v63  }
.LBB2_5:
0x100: {  	_ =	sfence.sel $0x180000  }
0x101: {  	[bflag:$0x0] =	sbarrier.arrive $0xFFFF  }
0x102: {  	_ =	strace $0x9000004A  }
0x103: {  	s0 =	stileid.u32;
	[bflag:$0x2] =	sbarrier.arrive $0xFFFF  }
0x104: {  	p0 =	sne.s32 s0, $0x0;
	s0 =	rddreg [dreg:$0x2]  }
0x105: {  	s0 =	sadd.s32 @!p0 $0x100000, s0  }
0x106: {  	[sflag:s0] =	ssyncadd.tile.s32 @!p0 $0x1;
	_ =	shalt  }
.Lfunc_end2:
_tile_overlayer_lowered:
.L_overlay_start_2:
0x107: {  	(tag) =	ssettag $0x2  }
0x108: {  	s0 =	rddreg [dreg:$0x0];
	s2 =	stileid.u32  }
0x109: {  	s1 =	rddreg [dreg:$0x1];
	p0 =	sne.s32 s2, $0x0  }
0x10a: {  	s3 =	rddreg [dreg:$0x2];
	[bflag:$0x3] =	sbarrier.arrive $0xFFFF;
	s2 =	simm.s32 @!p0 $0x1C05  }
0x10b: {  	[timem:s3], [sflag:s2] =	dma.local @!p0 [hbm:s0], s1  }
0x10c: {  	s0 =	simm.s32 @!p0 $0x5  }
0x10d: {  	_ =	swait.ge @!p0 [sflag:s0], s1  }
0x10e: {  	s1 =	ssub.s32 @!p0 $0x0, s1;
	[sflag:s0] =	ssyncset.done @!p0 $0x0  }
0x10f: {  	[sflag:s0] =	ssyncadd.s32 @!p0 s1  }
0x110: {  	[bflag:$0x3] =	sbarrier.arrive $0xFFFF  }
0x111: {  	_ =	shalt  }

// kernel: kernel.14.cloned.1.call-start
scs
__scs_entry_jumppad:
0x0: {  	(pc) =	sbr.rel $0x88, $3  }
0x1: {  	(tag) =	ssettag $0x0;
	lr =	simm.s32 $0x1  }
0x2: {  	[smem:$0x3F88] =	sst lr;
	_ =	strace $0xD0000000  }
0x3: {  	_ = 	snop  }
0x4: {  	_ = 	snop  }
0x5: {  	_ = 	snop  }
0x6: {  	_ = 	snop  }
0x7: {  	_ = 	snop  }
__scs_overlays_trampoline_lowered:
0x8: {  	[smem:$0x3F97] =	sst s0  }
0x9: {  	[smem:$0x3F98] =	sst s1  }
0xa: {  	[smem:$0x3F99] =	sst s2  }
0xb: {  	[smem:$0x3F9A] =	sst s3  }
0xc: {  	[smem:$0x3F9B] =	sst s4  }
0xd: {  	[smem:$0x3F9C] =	sst s5  }
0xe: {  	[smem:$0x3F9D] =	sst s6  }
0xf: {  	[smem:$0x3F9E] =	sst s7  }
0x10: {  	[smem:$0x3F9F] =	sst s8  }
0x11: {  	[smem:$0x3FA0] =	sst s9;
	s0 =	simm.s32 @!p0 $0x0  }
0x12: {  	s1 =	sld [smem:$0x3F86];
	s0 =	simm.s32 @p0 $0x1  }
0x13: {  	[smem:$0x3FA1] =	sst s0;
	s0 =	simm.s32 @!p1 $0x0  }
0x14: {  	s2 =	sld [smem:$0x3F85];
	s0 =	simm.s32 @p1 $0x1  }
0x15: {  	[smem:$0x3FA2] =	sst s0;
	s0 =	simm.s32 @!p2 $0x0  }
0x16: {  	s3 =	sld [smem:$0x3FDB];
	s0 =	simm.s32 @p2 $0x1  }
0x17: {  	s4 =	simm.s32 $0x1BF5;
	[smem:$0x3FA4] =	sst s0  }
0x18: {  	s0 =	sld [smem:$0x3F87];
	_ =	swait.ge [sflag:s4], $0x0  }
0x19: {  	s7 =	sld [smem:$0x3F88]  }
0x1a: {  	s8 =	sadd.s32 $0xFFFFE003, lr  }
0x1b: {  	s9 =	sadd.s32 $0xFFFFFEF7, lr;
	s5 =	simm.s32 $0xFFFFFFFF;
	p2 =	slt.u32 s8, $0xFFFFF086  }
0x1c: {  	p1 =	slt.u32 s9, $0xF7A;
	s5 =	simm.s32 @!p2 $0x0  }
0x1d: {  	s5 =	simm.s32 @p1 $0x1;
	p0 =	seq.s32 s7, s2  }
0x1e: {  	s7 =	smul.u32 @!p0 $0xF7A, s2;
	p2 =	seq.s32 @!p0 s5, $0x0  }
0x1f: {  	s9 =	smul.u32 $0xF7A, s1;
	s8 =	simm.s32 @!p0 $0x1BF5;
	p2 =	por !p2, p0  }
0x20: {  	[sflag:s8] =	ssyncset.s32 @!p0 $0xFFFFF086;
	s6 =	sadd.s32 @!p0 s3, s7;
	s7 =	simm.s32 @!p0 $0x108  }
0x21: {  	s3 =	sadd.s32 s3, s9;
	s6 =	sadd.s32 @!p0 $0x88, s6;
	s7 =	simm.s32 @p2 $0x1082  }
0x22: {  	[simem:s7], [sflag:s8] =	dma.local @!p0 [hbm:s6], $0xF7A  }
0x23: {  	s9 =	sor.u32 $0xD0000000, s2;
	s6 =	simm.s32 $0x108;
	_ =	swait.ge @!p0 [sflag:s8], $0x0  }
0x24: {  	s3 =	sadd.s32 $0x88, s3;
	s6 =	simm.s32 @!p1 $0x1082;
	[sflag:s4] =	ssyncset.s32 $0xFFFFF086  }
0x25: {  	[simem:s6], [sflag:s4] =	dma.local [hbm:s3], $0xF7A  }
0x26: {  	[smem:$0x3F88] =	sst s1;
	(tag) =	ssettag s2;
	_ =	strace s9  }
0x27: {  	s1 =	sld [smem:$0x3F98]  }
0x28: {  	s2 =	sld [smem:$0x3F99]  }
0x29: {  	s4 =	sld [smem:$0x3F9B]  }
0x2a: {  	p0 =	seq.s32 s5, $0x0;
	s5 =	sld [smem:$0x3F9C]  }
0x2b: {  	s6 =	sld [smem:$0x3F9D]  }
0x2c: {  	s7 =	sld [smem:$0x3F9E]  }
0x2d: {  	s3 =	simm.s32 $0x108;
	s8 =	sld [smem:$0x3F9F]  }
0x2e: {  	s3 =	simm.s32 @!p0 $0x1082;
	s9 =	sld [smem:$0x3FA0]  }
0x2f: {  	lr =	sadd.s32 s0, s3;
	s0 =	sld [smem:$0x3F97]  }
0x30: {  	s3 =	sld [smem:$0x3F9A]  }
0x31: {  	[smem:$0x3FA3] =	sst s10  }
0x32: {  	s10 =	sld [smem:$0x3FA1];
	_ =	sdelay $0x3  }
0x33: {  	p0 =	seq.s32 s10, $0x1;
	s10 =	sld [smem:$0x3FA3];
	_ =	sdelay $0x3  }
0x34: {  	[smem:$0x3FA3] =	sst s10  }
0x35: {  	s10 =	sld [smem:$0x3FA2];
	_ =	sdelay $0x3  }
0x36: {  	p1 =	seq.s32 s10, $0x1;
	s10 =	sld [smem:$0x3FA3];
	_ =	sdelay $0x3  }
0x37: {  	[smem:$0x3FA3] =	sst s10  }
0x38: {  	s10 =	sld [smem:$0x3FA4]  }
0x39: {  	_ = 	snop;
	(pc) =	sbr.ind lr, $3  }
0x3a: {  	_ = 	snop  }
0x3b: {  	_ = 	snop  }
0x3c: {  	p2 =	seq.s32 s10, $0x1;
	s10 =	sld [smem:$0x3FA3]  }
0x3d: {  	_ =	shalt  }
0x3e: {  	_ =	shalt  }
0x3f: {  	_ =	shalt  }
0x40: {  	_ =	shalt  }
0x41: {  	_ =	shalt  }
0x42: {  	_ =	shalt  }
0x43: {  	_ =	shalt  }
0x44: {  	_ =	shalt  }
0x45: {  	_ =	shalt  }
0x46: {  	_ =	shalt  }
0x47: {  	_ =	shalt  }
0x48: {  	_ =	shalt  }
0x49: {  	_ =	shalt  }
0x4a: {  	_ =	shalt  }
0x4b: {  	_ =	shalt  }
0x4c: {  	_ =	shalt  }
0x4d: {  	_ =	shalt  }
0x4e: {  	_ =	shalt  }
0x4f: {  	_ =	shalt  }
0x50: {  	_ =	shalt  }
0x51: {  	_ =	shalt  }
0x52: {  	_ =	shalt  }
0x53: {  	_ =	shalt  }
0x54: {  	_ =	shalt  }
0x55: {  	_ =	shalt  }
0x56: {  	_ =	shalt  }
0x57: {  	_ =	shalt  }
0x58: {  	_ =	shalt  }
0x59: {  	_ =	shalt  }
0x5a: {  	_ =	shalt  }
0x5b: {  	_ =	shalt  }
0x5c: {  	_ =	shalt  }
0x5d: {  	_ =	shalt  }
0x5e: {  	_ =	shalt  }
0x5f: {  	_ =	shalt  }
0x60: {  	_ =	shalt  }
0x61: {  	_ =	shalt  }
0x62: {  	_ =	shalt  }
0x63: {  	_ =	shalt  }
0x64: {  	_ =	shalt  }
0x65: {  	_ =	shalt  }
0x66: {  	_ =	shalt  }
0x67: {  	_ =	shalt  }
0x68: {  	_ =	shalt  }
0x69: {  	_ =	shalt  }
0x6a: {  	_ =	shalt  }
0x6b: {  	_ =	shalt  }
0x6c: {  	_ =	shalt  }
0x6d: {  	_ =	shalt  }
0x6e: {  	_ =	shalt  }
0x6f: {  	_ =	shalt  }
0x70: {  	_ =	shalt  }
0x71: {  	_ =	shalt  }
0x72: {  	_ =	shalt  }
0x73: {  	_ =	shalt  }
0x74: {  	_ =	shalt  }
0x75: {  	_ =	shalt  }
0x76: {  	_ =	shalt  }
0x77: {  	_ =	shalt  }
0x78: {  	_ =	shalt  }
0x79: {  	_ =	shalt  }
0x7a: {  	_ =	shalt  }
0x7b: {  	_ =	shalt  }
0x7c: {  	_ =	shalt  }
0x7d: {  	_ =	shalt  }
0x7e: {  	_ =	shalt  }
0x7f: {  	_ =	shalt  }
0x80: {  	_ =	shalt  }
0x81: {  	_ =	shalt  }
0x82: {  	_ =	shalt  }
0x83: {  	_ =	shalt  }
0x84: {  	_ =	shalt  }
0x85: {  	_ =	shalt  }
0x86: {  	_ =	shalt  }
0x87: {  	_ =	shalt  }
.Lfunc_end0:
.L_simem_size_0:
called_computation.2_lowered:
.L_overlay_start_0:
0x88: {  	s2 =	sld [smem:$0x3FD9]  }
0x89: {  	s3 =	sld [smem:$0x3FFE];
	_ =	sdelay $0x1  }
0x8a: {  	s1 =	srdreg.scid  }
0x8b: {  	s0 =	sand.u32 $0x1, s1  }
0x8c: {  	s16 =	sshll.u32 s0, $0xA;
	s2 =	sadd.s32 s3, s2  }
0x8d: {  	s2 =	sadd.s32 s2, s16  }
0x8e: {  	[smem:$0x3FAF] =	sst s2  }
0x8f: {  	_ = 	snop  }
0x90: {  	(tm) =	ssettm $0x1  }
0x91: {  	s17 =	sld [smem:$0x3FFB];
	_ =	sdelay $0x3  }
0x92: {  	_ =	strace s17  }
0x93: {  	s2 =	sld [smem:$0x3FFC];
	_ =	sdelay $0x3  }
0x94: {  	_ =	strace s2  }
0x95: {  	s2 =	sld [smem:$0x3FFD];
	_ =	sdelay $0x3  }
0x96: {  	_ =	strace s2  }
0x97: {  	_ =	strace $0x8FFFFFFF  }
0x98: {  	s18 =	sld [smem:$0x3FDB];
	_ =	sdelay $0x1  }
0x99: {  	s19 =	simm.s32 $_scs_section_size  }
0x9a: {  	s4 =	simm.s32 $_size__tile_overlayer_lowered;
	s5 =	simm.s32 $_tile_overlayer_lowered  }
0x9b: {  	s22 =	simm.s32 $0x1BFF;
	s21 =	sshll.u32 s5, $0x1;
	s2 =	sadd.s32 s19, s18  }
0x9c: {  	s6 =	simm.s32 $0x0;
	s20 =	sshll.u32 s4, $0x1;
	s4 =	sadd.s32 s21, s2  }
0x9d: {  	[timem:s6], [sflag:s22] =	dma.local [hbm:s4], s20  }
0x9e: {  	_ =	swait.ge [sflag:s22], s20  }
0x9f: {  	s3 =	ssub.s32 $0x0, s20;
	[sflag:s22] =	ssyncset.done $0x0  }
0xa0: {  	[sflag:s22] =	ssyncadd.s32 s3;
	_ =	sdelay $0x1  }
0xa1: {  	s23 =	simm.s32 $0x1B8B  }
0xa2: {  	_ =	swait.ge [sflag:s23], $0x1  }
0xa3: {  	[sflag:s23] =	ssyncset.done $0x0  }
0xa4: {  	s25 =	simm.s32 $0x1B8E;
	s24 =	sld [smem:$0x3FFE];
	[sflag:s23] =	ssyncadd.s32 $0xFFFFFFFF  }
0xa5: {  	s26 =	simm.s32 $execute0_lowered;
	[smem:$0x3FD2] =	sst s25  }
0xa6: {  	s4 =	sshll.u32 s26, $0x1;
	_ =	strace $0x8000004C;
	[dreg:$0x1] =	wrdreg $0xFFFFFFFF  }
0xa7: {  	s28 =	simm.s32 $_size_execute0_lowered;
	s2 =	sadd.s32 s2, s4;
	[dreg:$0x0] =	wrdreg $0x0  }
0xa8: {  	s4 =	sshll.u32 s28, $0x1;
	[dreg:$0x2] =	wrdreg s2  }
0xa9: {  	[dreg:$0x3] =	wrdreg s4  }
0xaa: {  	[dreg:$0x4] =	wrdreg $0xC0  }
0xab: {  	_ =	task [dreg:s6], $0x5FFFF  }
0xac: {  	[dreg:$0x1] =	wrdreg $0xFFFFFFFF  }
0xad: {  	[dreg:$0x0] =	wrdreg $0x60  }
0xae: {  	[dreg:$0x2] =	wrdreg s24  }
0xaf: {  	[dreg:$0x3] =	wrdreg $0xA0000  }
0xb0: {  	[dreg:$0x4] =	wrdreg $0x9  }
0xb1: {  	_ =	task.clear_ibuf [dreg:s6], $0x5FFFF;
	_ =	strace $0x9000004C  }
0xb2: {  	s29 =	simm.s32 $0x9;
	_ =	strace $0x8000004E  }
0xb3: {  	_ =	swait.ge [sflag:s29], $0x1  }
0xb4: {  	[sflag:s29] =	ssyncadd.s32 $0xFFFFFFFF  }
0xb5: {  	_ =	strace $0x9000004E  }
0xb6: {  	_ =	sfence  }
0xb7: {  	s30 =	sld [smem:$0x0];
	_ =	sdelay $0x2  }
0xb8: {  	s31 =	sshll.u32 s1, $0xD;
	s1 =	sshrl.u32 s1, $0x2  }
0xb9: {  	s3 =	sand.u32 $0x4000, s31;
	s1 =	sadd.s32 s1, s30  }
0xba: {  	s0 =	sor.u32 s3, s0;
	s1 =	sshll.u32 s1, $0x11  }
0xbb: {  	s0 =	sor.u32 s1, s0  }
0xbc: {  	s0 =	sadd.s32 $0x8F2B, s0  }
0xbd: {  	[sflag:s0] =	ssyncadd.remote.s32 $0x1  }
0xbe: {  	_ =	sfence.sel $0xFFFF  }
0xbf: {  	[dreg:$0x0] =	wrdreg $0xFFFFFFFF;
	(pc) =	sbr.abs _section_cstart, $3  }
0xc0: {  	[dreg:$0x1] =	wrdreg $0xFFFFFFFF  }
0xc1: {  	_ =	task.clear_ibuf [dreg:s6], $0x2FFFF;
	_ =	strace $0x9FFFFFFF  }
0xc2: {  	(tm) =	ssettm $0x7FFFFFFF  }
0xc3: {  	_ =	shalt  }
tec
execute0_lowered:
.L_overlay_start_1:
0x0: {  	(tag) =	ssettag $0x1  }
0x1: {  	s0 =	rddreg [dreg:$0x0]  }
0x2: {  	s1 =	rddreg [dreg:$0x1];
	s2 =	simm.s32 $0x0  }
0x3: {  	s3 =	srdreg.scid;
	s12 =	stileid.u32;
	s19 =	simm.s32 $0x5  }
0x4: {  	s20 =	simm.s32 $0x1000;
	s28 =	simm.s32 $0x1;
	s30 =	simm.s32 $0x2  }
0x5: {  	s18 =	simm.s32 $0x4;
	s17 =	simm.s32 $0x1300;
	s21 =	simm.s32 $0x1380  }
0x6: {  	s16 =	simm.s32 $0x1B80;
	s29 =	simm.s32 $0x1480;
	s31 =	simm.s32 $0x1C00  }
0x7: {  	[smem:$0x7FF] =	sst s2;
	s3 =	sand.u32 $0x1, s3;
	s4 =	sadd.s32 $0x28000, s0  }
0x8: {  	s6 =	sadd.s32 $0x5800, s0;
	s8 =	smul.u32 $0x4E000, s12;
	s9 =	sadd.s32 $0x25800, s0  }
0x9: {  	s0 =	sadd.s32 $0x4F200, s0;
	s11 =	sshll.u32 s12, $0x6;
	s24 =	sshll.u32 s12, $0x10  }
0xa: {  	s10 =	smul.u32 $0x13800, s12;
	p0 =	sne.s32 s12, $0xF;
	s12 =	simm.s32 $0x1280  }
0xb: {  	_ =	strace $0x8000004D;
	s5 =	ssub.s32 $0x2, s3;
	[dreg:$0x3] =	wrdreg s9  }
0xc: {  	s23 =	smul.u32 $0x138800, s3;
	s3 =	sshll.u32 s3, $0xF;
	[dreg:$0x4] =	wrdreg s11  }
0xd: {  	s11 =	sor.u32 $0x1C03, s11;
	s9 =	sadd.s32 $0x138000, s1;
	s7 =	sshrl.u32 s5, $0x1  }
0xe: {  	s22 =	sshrl.u32 s8, $0x2;
	[dreg:$0x5] =	wrdreg s11;
	s3 =	sor.u32 s3, s24  }
0xf: {  	s24 =	simm.s32 $0x2000;
	s5 =	ssub.s32 s5, s7;
	s7 =	sadd.s32 s22, s1  }
0x10: {  	s25 =	sshrl.u32 s3, $0x3;
	s10 =	sadd.s32 s10, s23;
	s8 =	sshrl.u32 s23, $0x3  }
0x11: {  	s26 =	sor.u32 $0x3000, s3;
	s3 =	sor.u32 $0x2000, s3;
	s22 =	simm.s32 $0x1800  }
0x12: {  	s23 =	simm.s32 $0x80;
	s11 =	sadd.s32 s6, s25;
	s10 =	sshrl.u32 s10, $0x3  }
0x13: {  	s5 =	smax.u32 s5, $0x1;
	s3 =	sshrl.u32 s3, $0x3;
	s7 =	sshrl.u32 s7, $0x3  }
0x14: {  	s25 =	simm.s32 $0x6000;
	s15 =	sadd.s32 $0x200, s11;
	[dreg:$0xa] =	wrdreg s5  }
0x15: {  	s10 =	sadd.s32 s0, s10;
	s0 =	sadd.s32 s0, s8;
	[dreg:$0x6] =	wrdreg s11  }
0x16: {  	s14 =	sadd.s32 s3, s6;
	s3 =	sadd.s32 $0x100, s11;
	[dreg:$0xb] =	wrdreg s7  }
0x17: {  	s11 =	simm.s32 $0x1980;
	s8 =	simm.s32 $0x1A80;
	[dreg:$0x8] =	wrdreg s10  }
0x18: {  	s0 =	sadd.s32 $0x27000, s0;
	s10 =	sshrl.u32 @!p0 s9, $0x3;
	[dreg:$0xd] =	wrdreg s3  }
.Ltmp0:
0x19: {  	[dreg:$0x7] =	wrdreg s15;
	s5 =	sadd.s32 $0x100, s15;
	(pc) =	sbr.rel .LBB2_1-.Ltmp0, $4  }
0x1a: {  	s9 =	simm.s32 $0x1A00;
	s15 =	simm.s32 $0x1400;
	[dreg:$0x9] =	wrdreg s0  }
0x1b: {  	s0 =	sshrl.u32 s26, $0x3;
	[dreg:$0xe] =	wrdreg s5;
	s26 =	simm.s32 $0x3  }
0x1c: {  	[dreg:$0xc] =	wrdreg s10;
	s13 =	sadd.s32 s0, s6;
	s6 =	simm.s32 $0x0  }
0x1d: {  	s5 =	simm.s32 $0x1B00;
	s0 =	simm.s32 $0x1C80;
	[dreg:$0xf] =	wrdreg s6  }
.LBB2_4:
0x1e: {  	_ =	swait.ge [sflag:s30], $0x4000  }
0x1f: {  	[sflag:s30] =	ssyncset.done $0x0  }
0x20: {  	[sflag:s30] =	ssyncadd.s32 $0xFFFFC000  }
0x21: {  	[spmem:s1] =	stream.indirect.scatter.add.f32 [tilespmem:s25], [sflag:$0x5], $0x80, s0, s23, $0xb8;
	[tilespmem:$0x1DC80] =	vst v63  }
0x22: {  	_ =	swait.ge [sflag:s19], $0x4000  }
0x23: {  	[sflag:s19] =	ssyncset.done $0x0  }
0x24: {  	[sflag:s19] =	ssyncadd.s32 $0xFFFFC000  }
0x25: {  	[bflag:$0x0] =	sbarrier.arrive $0xFFFF  }
0x26: {  	s3 =	rddreg [dreg:$0x4]  }
0x27: {  	s6 =	rddreg [dreg:$0x8]  }
0x28: {  	s7 =	rddreg [dreg:$0xb];
	s3 =	sor.u32 $0x1C05, s3  }
0x29: {  	[hbm:s6], [sflag:s3] =	dma.local [spmem:s7], $0x2700  }
0x2a: {  	_ =	swait.ge [sflag:s19], $0x2700  }
0x2b: {  	[sflag:s19] =	ssyncset.done $0x0;
	s6 =	rddreg [dreg:$0x9]  }
0x2c: {  	s10 =	rddreg [dreg:$0xc];
	[sflag:s19] =	ssyncadd.s32 $0xFFFFD900  }
0x2d: {  	[hbm:s6], [sflag:s3] =	dma.local @!p0 [spmem:s10], $0x100  }
0x2e: {  	s3 =	simm.s32 @!p0 $0x5  }
0x2f: {  	_ =	swait.ge @!p0 [sflag:s3], $0x100  }
0x30: {  	s11 =	rddreg [dreg:$0xf]  }
0x31: {  	s6 =	rddreg [dreg:$0xa];
	s11 =	sadd.s32 $0x1, s11  }
0x32: {  	p1 =	sne.s32 s11, s6  }
.Ltmp1:
0x33: {  	_ = 	snop;
	(pc) =	sbr.rel @!p1 .LBB2_5-.Ltmp1, $3  }
0x34: {  	_ =	sdelay $0x1  }
0x35: {  	[sflag:s3] =	ssyncset.done @!p0 $0x0  }
0x36: {  	[sflag:s3] =	ssyncadd.s32 @!p0 $0xFFFFFF00;
	[dreg:$0xf] =	wrdreg s11;
	s11 =	simm.s32 $0x1980  }
.LBB2_1:
0x37: {  	s6 =	rddreg [dreg:$0x3]  }
0x38: {  	s3 =	rddreg [dreg:$0x5]  }
0x39: {  	[spmem:s7], [sflag:s3] =	dma.local [hbm:s6], $0x2700  }
0x3a: {  	s3 =	simm.s32 @!p0 $0x1FC5  }
0x3b: {  	[spmem:s10], [sflag:s3] =	dma.local @!p0 [hbm:s6], $0x900  }
0x3c: {  	s3 =	simm.s32 @!p0 $0x5  }
0x3d: {  	_ =	swait.ge @!p0 [sflag:s3], $0x900  }
0x3e: {  	[sflag:s3] =	ssyncset.done @!p0 $0x0  }
0x3f: {  	s6 =	rddreg [dreg:$0x6];
	[sflag:s3] =	ssyncadd.s32 @!p0 $0xFFFFF700  }
0x40: {  	[tilespmem:s2], [sflag:$0x5] =	stream.linear.gather [hbm4b:s6+s2], $0x500, $0x38;
	[tilespmem:$0x1DC80] =	vst v63  }
0x41: {  	s10 =	simm.s32 $0x800;
	s7 =	rddreg [dreg:$0xd]  }
0x42: {  	[tilespmem:s10], [sflag:$0x5] =	stream.linear.gather [hbm4b:s7+s2], $0x500, $0x38;
	[tilespmem:$0x1DC80] =	vst v63  }
0x43: {  	_ =	swait.ge [sflag:s19], $0xA00  }
0x44: {  	[sflag:s19] =	ssyncset.done $0x0  }
0x45: {  	s7 =	rddreg [dreg:$0x7];
	[sflag:s19] =	ssyncadd.s32 $0xFFFFF600  }
0x46: {  	[tilespmem:s20], [sflag:$0x4] =	stream.linear.gather [hbm4b:s7+s2], $0x500, $0x38;
	[tilespmem:$0x1DC80] =	vst v63  }
0x47: {  	s10 =	rddreg [dreg:$0xe]  }
0x48: {  	[tilespmem:s22], [sflag:$0x4] =	stream.linear.gather [hbm4b:s10+s2], $0x500, $0x38;
	[tilespmem:$0x1DC80] =	vst v63  }
0x49: {  	_ = 	snop  }
0x4a: {  	[tilespmem:s24], [sflag:$0x1] =	stream.indirect.gather [hbm4b:s4+s23], $0x80, s2, s23, $0xb8;
	[tilespmem:$0x1DC80] =	vst v63  }
0x4b: {  	_ = 	snop  }
0x4c: {  	[tilespmem:s25], [sflag:$0x2] =	stream.indirect.gather [hbm4b:s4+s23], $0x80, s23, s23, $0xb8;
	[tilespmem:$0x1DC80] =	vst v63  }
0x4d: {  	_ =	swait.ge [sflag:s26], $0x2700  }
0x4e: {  	[sflag:s26] =	ssyncset.done $0x0  }
0x4f: {  	[sflag:s26] =	ssyncadd.s32 $0xFFFFD900  }
0x50: {  	s3 =	simm.s32 $0x0;
	[bflag:$0x0] =	sbarrier.arrive $0xFFFF  }
.LBB2_2:
0x51: {  	_ =	swait.ge [sflag:s28], $0x4000  }
0x52: {  	[sflag:s28] =	ssyncset.done $0x0  }
0x53: {  	s6 =	simm.s32 $0x800;
	[sflag:s28] =	ssyncadd.s32 $0xFFFFC000  }
0x54: {  	[spmem:s1] =	stream.indirect.scatter.add.f32 [tilespmem:s24], [sflag:$0x5], $0x80, s6, s23, $0xb8;
	[tilespmem:$0x1DC80] =	vst v63  }
0x55: {  	_ =	swait.ge [sflag:s19], $0x4000  }
0x56: {  	[sflag:s19] =	ssyncset.done $0x0  }
0x57: {  	s10 =	simm.s32 $0x100;
	[sflag:s19] =	ssyncadd.s32 $0xFFFFC000  }
0x58: {  	[tilespmem:s24], [sflag:$0x1] =	stream.indirect.gather [hbm4b:s4+s23], $0x80, s10, s23, $0xb8;
	[tilespmem:$0x1DC80] =	vst v63  }
0x59: {  	_ =	swait.ge [sflag:s30], $0x4000  }
0x5a: {  	[sflag:s30] =	ssyncset.done $0x0  }
0x5b: {  	s7 =	simm.s32 $0x880;
	[sflag:s30] =	ssyncadd.s32 $0xFFFFC000  }
0x5c: {  	[spmem:s1] =	stream.indirect.scatter.add.f32 [tilespmem:s25], [sflag:$0x5], $0x80, s7, s23, $0xb8;
	[tilespmem:$0x1DC80] =	vst v63  }
0x5d: {  	_ =	swait.ge [sflag:s19], $0x4000  }
0x5e: {  	[sflag:s19] =	ssyncset.done $0x0  }
0x5f: {  	s10 =	simm.s32 $0x180;
	[sflag:s19] =	ssyncadd.s32 $0xFFFFC000  }
0x60: {  	[tilespmem:s25], [sflag:$0x2] =	stream.indirect.gather [hbm4b:s4+s23], $0x80, s10, s23, $0xb8;
	[tilespmem:$0x1DC80] =	vst v63  }
0x61: {  	_ =	swait.ge [sflag:s28], $0x4000  }
0x62: {  	[sflag:s28] =	ssyncset.done $0x0  }
0x63: {  	s7 =	simm.s32 $0x900;
	[sflag:s28] =	ssyncadd.s32 $0xFFFFC000  }
0x64: {  	[spmem:s1] =	stream.indirect.scatter.add.f32 [tilespmem:s24], [sflag:$0x5], $0x80, s7, s23, $0xb8;
	[tilespmem:$0x1DC80] =	vst v63  }
0x65: {  	_ =	swait.ge [sflag:s19], $0x4000  }
0x66: {  	[sflag:s19] =	ssyncset.done $0x0  }
0x67: {  	s10 =	simm.s32 $0x200;
	[sflag:s19] =	ssyncadd.s32 $0xFFFFC000  }
0x68: {  	[tilespmem:s24], [sflag:$0x1] =	stream.indirect.gather [hbm4b:s4+s23], $0x80, s10, s23, $0xb8;
	[tilespmem:$0x1DC80] =	vst v63  }
0x69: {  	_ =	swait.ge [sflag:s30], $0x4000  }
0x6a: {  	[sflag:s30] =	ssyncset.done $0x0  }
0x6b: {  	s7 =	simm.s32 $0x980;
	[sflag:s30] =	ssyncadd.s32 $0xFFFFC000  }
0x6c: {  	[spmem:s1] =	stream.indirect.scatter.add.f32 [tilespmem:s25], [sflag:$0x5], $0x80, s7, s23, $0xb8;
	[tilespmem:$0x1DC80] =	vst v63  }
0x6d: {  	_ =	swait.ge [sflag:s19], $0x4000  }
0x6e: {  	[sflag:s19] =	ssyncset.done $0x0  }
0x6f: {  	s10 =	simm.s32 $0x280;
	[sflag:s19] =	ssyncadd.s32 $0xFFFFC000  }
0x70: {  	[tilespmem:s25], [sflag:$0x2] =	stream.indirect.gather [hbm4b:s4+s23], $0x80, s10, s23, $0xb8;
	[tilespmem:$0x1DC80] =	vst v63  }
0x71: {  	_ =	swait.ge [sflag:s28], $0x4000  }
0x72: {  	[sflag:s28] =	ssyncset.done $0x0  }
0x73: {  	s7 =	simm.s32 $0xA00;
	[sflag:s28] =	ssyncadd.s32 $0xFFFFC000  }
0x74: {  	[spmem:s1] =	stream.indirect.scatter.add.f32 [tilespmem:s24], [sflag:$0x5], $0x80, s7, s23, $0xb8;
	[tilespmem:$0x1DC80] =	vst v63  }
0x75: {  	_ =	swait.ge [sflag:s19], $0x4000  }
0x76: {  	[sflag:s19] =	ssyncset.done $0x0  }
0x77: {  	s10 =	simm.s32 $0x300;
	[sflag:s19] =	ssyncadd.s32 $0xFFFFC000  }
0x78: {  	[tilespmem:s24], [sflag:$0x1] =	stream.indirect.gather [hbm4b:s4+s23], $0x80, s10, s23, $0xb8;
	[tilespmem:$0x1DC80] =	vst v63  }
0x79: {  	_ =	swait.ge [sflag:s30], $0x4000  }
0x7a: {  	[sflag:s30] =	ssyncset.done $0x0  }
0x7b: {  	s7 =	simm.s32 $0xA80;
	[sflag:s30] =	ssyncadd.s32 $0xFFFFC000  }
0x7c: {  	[spmem:s1] =	stream.indirect.scatter.add.f32 [tilespmem:s25], [sflag:$0x5], $0x80, s7, s23, $0xb8;
	[tilespmem:$0x1DC80] =	vst v63  }
0x7d: {  	_ =	swait.ge [sflag:s19], $0x4000  }
0x7e: {  	[sflag:s19] =	ssyncset.done $0x0  }
0x7f: {  	s10 =	simm.s32 $0x380;
	[sflag:s19] =	ssyncadd.s32 $0xFFFFC000  }
0x80: {  	[tilespmem:s25], [sflag:$0x2] =	stream.indirect.gather [hbm4b:s4+s23], $0x80, s10, s23, $0xb8;
	[tilespmem:$0x1DC80] =	vst v63  }
0x81: {  	_ =	swait.ge [sflag:s28], $0x4000  }
0x82: {  	[sflag:s28] =	ssyncset.done $0x0  }
0x83: {  	s7 =	simm.s32 $0xB00;
	[sflag:s28] =	ssyncadd.s32 $0xFFFFC000  }
0x84: {  	[spmem:s1] =	stream.indirect.scatter.add.f32 [tilespmem:s24], [sflag:$0x5], $0x80, s7, s23, $0xb8;
	[tilespmem:$0x1DC80] =	vst v63  }
0x85: {  	_ =	swait.ge [sflag:s19], $0x4000  }
0x86: {  	[sflag:s19] =	ssyncset.done $0x0  }
0x87: {  	s10 =	simm.s32 $0x400;
	[sflag:s19] =	ssyncadd.s32 $0xFFFFC000  }
0x88: {  	[tilespmem:s24], [sflag:$0x1] =	stream.indirect.gather [hbm4b:s4+s23], $0x80, s10, s23, $0xb8;
	[tilespmem:$0x1DC80] =	vst v63  }
0x89: {  	_ =	swait.ge [sflag:s30], $0x4000  }
0x8a: {  	[sflag:s30] =	ssyncset.done $0x0  }
0x8b: {  	s7 =	simm.s32 $0xB80;
	[sflag:s30] =	ssyncadd.s32 $0xFFFFC000  }
0x8c: {  	[spmem:s1] =	stream.indirect.scatter.add.f32 [tilespmem:s25], [sflag:$0x5], $0x80, s7, s23, $0xb8;
	[tilespmem:$0x1DC80] =	vst v63  }
0x8d: {  	_ =	swait.ge [sflag:s19], $0x4000  }
0x8e: {  	[sflag:s19] =	ssyncset.done $0x0  }
0x8f: {  	s10 =	simm.s32 $0x480;
	[sflag:s19] =	ssyncadd.s32 $0xFFFFC000  }
0x90: {  	[tilespmem:s25], [sflag:$0x2] =	stream.indirect.gather [hbm4b:s4+s23], $0x80, s10, s23, $0xb8;
	[tilespmem:$0x1DC80] =	vst v63  }
0x91: {  	_ =	swait.ge [sflag:s28], $0x4000  }
0x92: {  	[sflag:s28] =	ssyncset.done $0x0  }
0x93: {  	s7 =	simm.s32 $0xC00;
	[sflag:s28] =	ssyncadd.s32 $0xFFFFC000  }
0x94: {  	[spmem:s1] =	stream.indirect.scatter.add.f32 [tilespmem:s24], [sflag:$0x5], $0x80, s7, s23, $0xb8;
	[tilespmem:$0x1DC80] =	vst v63  }
0x95: {  	_ =	swait.ge [sflag:s19], $0x4000  }
0x96: {  	[sflag:s19] =	ssyncset.done $0x0  }
0x97: {  	[sflag:s19] =	ssyncadd.s32 $0xFFFFC000  }
0x98: {  	_ =	swait.ge [sflag:s18], $0xA00  }
0x99: {  	[sflag:s18] =	ssyncset.done $0x0  }
0x9a: {  	[sflag:s18] =	ssyncadd.s32 $0xFFFFF600  }
0x9b: {  	[tilespmem:s24], [sflag:$0x1] =	stream.indirect.gather [hbm4b:s4+s23], $0x80, s20, s23, $0xb8;
	[tilespmem:$0x1DC80] =	vst v63  }
0x9c: {  	_ =	swait.ge [sflag:s30], $0x4000  }
0x9d: {  	[sflag:s30] =	ssyncset.done $0x0  }
0x9e: {  	s10 =	simm.s32 $0xC80;
	[sflag:s30] =	ssyncadd.s32 $0xFFFFC000  }
0x9f: {  	[spmem:s1] =	stream.indirect.scatter.add.f32 [tilespmem:s25], [sflag:$0x5], $0x80, s10, s23, $0xb8;
	[tilespmem:$0x1DC80] =	vst v63  }
0xa0: {  	_ =	swait.ge [sflag:s19], $0x4000  }
0xa1: {  	[sflag:s19] =	ssyncset.done $0x0  }
0xa2: {  	p1 =	seq.s32 s3, $0xC00;
	s7 =	simm.s32 $0x1080;
	[sflag:s19] =	ssyncadd.s32 $0xFFFFC000  }
0xa3: {  	[tilespmem:s25], [sflag:$0x2] =	stream.indirect.gather [hbm4b:s4+s23], $0x80, s7, s23, $0xb8;
	[tilespmem:$0x1DC80] =	vst v63  }
0xa4: {  	s6 =	simm.s32 @!p1 $0x0;
	s7 =	sadd.s32 @!p1 s3, s14  }
0xa5: {  	[tilespmem:s6], [sflag:$0x3] =	stream.linear.gather @!p1 [hbm4b:s7+s6], $0x500, $0x38;
	[tilespmem:$0x1DC80] =	vst v63  }
0xa6: {  	s10 =	simm.s32 @!p1 $0x800;
	s7 =	sadd.s32 @!p1 $0x100, s7  }
0xa7: {  	[tilespmem:s10], [sflag:$0x3] =	stream.linear.gather @!p1 [hbm4b:s7+s6], $0x500, $0x38;
	[tilespmem:$0x1DC80] =	vst v63  }
0xa8: {  	_ =	swait.ge [sflag:s28], $0x4000  }
0xa9: {  	[sflag:s28] =	ssyncset.done $0x0  }
0xaa: {  	[sflag:s28] =	ssyncadd.s32 $0xFFFFC000  }
0xab: {  	[spmem:s1] =	stream.indirect.scatter.add.f32 [tilespmem:s24], [sflag:$0x5], $0x80, s22, s23, $0xb8;
	[tilespmem:$0x1DC80] =	vst v63  }
0xac: {  	_ =	swait.ge [sflag:s19], $0x4000  }
0xad: {  	[sflag:s19] =	ssyncset.done $0x0  }
0xae: {  	s10 =	simm.s32 $0x1100;
	[sflag:s19] =	ssyncadd.s32 $0xFFFFC000  }
0xaf: {  	[tilespmem:s24], [sflag:$0x1] =	stream.indirect.gather [hbm4b:s4+s23], $0x80, s10, s23, $0xb8;
	[tilespmem:$0x1DC80] =	vst v63  }
0xb0: {  	_ =	swait.ge [sflag:s30], $0x4000  }
0xb1: {  	[sflag:s30] =	ssyncset.done $0x0  }
0xb2: {  	s7 =	simm.s32 $0x1880;
	[sflag:s30] =	ssyncadd.s32 $0xFFFFC000  }
0xb3: {  	[spmem:s1] =	stream.indirect.scatter.add.f32 [tilespmem:s25], [sflag:$0x5], $0x80, s7, s23, $0xb8;
	[tilespmem:$0x1DC80] =	vst v63  }
0xb4: {  	_ =	swait.ge [sflag:s19], $0x4000  }
0xb5: {  	[sflag:s19] =	ssyncset.done $0x0  }
0xb6: {  	s10 =	simm.s32 $0x1180;
	[sflag:s19] =	ssyncadd.s32 $0xFFFFC000  }
0xb7: {  	[tilespmem:s25], [sflag:$0x2] =	stream.indirect.gather [hbm4b:s4+s23], $0x80, s10, s23, $0xb8;
	[tilespmem:$0x1DC80] =	vst v63  }
0xb8: {  	_ =	swait.ge [sflag:s28], $0x4000  }
0xb9: {  	[sflag:s28] =	ssyncset.done $0x0  }
0xba: {  	s7 =	simm.s32 $0x1900;
	[sflag:s28] =	ssyncadd.s32 $0xFFFFC000  }
0xbb: {  	[spmem:s1] =	stream.indirect.scatter.add.f32 [tilespmem:s24], [sflag:$0x5], $0x80, s7, s23, $0xb8;
	[tilespmem:$0x1DC80] =	vst v63  }
0xbc: {  	_ =	swait.ge [sflag:s19], $0x4000  }
0xbd: {  	[sflag:s19] =	ssyncset.done $0x0  }
0xbe: {  	s10 =	simm.s32 $0x1200;
	[sflag:s19] =	ssyncadd.s32 $0xFFFFC000  }
0xbf: {  	[tilespmem:s24], [sflag:$0x1] =	stream.indirect.gather [hbm4b:s4+s23], $0x80, s10, s23, $0xb8;
	[tilespmem:$0x1DC80] =	vst v63  }
0xc0: {  	_ =	swait.ge [sflag:s30], $0x4000  }
0xc1: {  	[sflag:s30] =	ssyncset.done $0x0  }
0xc2: {  	[sflag:s30] =	ssyncadd.s32 $0xFFFFC000  }
0xc3: {  	[spmem:s1] =	stream.indirect.scatter.add.f32 [tilespmem:s25], [sflag:$0x5], $0x80, s11, s23, $0xb8;
	[tilespmem:$0x1DC80] =	vst v63  }
0xc4: {  	_ =	swait.ge [sflag:s19], $0x4000  }
0xc5: {  	[sflag:s19] =	ssyncset.done $0x0  }
0xc6: {  	[sflag:s19] =	ssyncadd.s32 $0xFFFFC000  }
0xc7: {  	[tilespmem:s25], [sflag:$0x2] =	stream.indirect.gather [hbm4b:s4+s23], $0x80, s12, s23, $0xb8;
	[tilespmem:$0x1DC80] =	vst v63  }
0xc8: {  	_ =	swait.ge [sflag:s28], $0x4000  }
0xc9: {  	[sflag:s28] =	ssyncset.done $0x0  }
0xca: {  	[sflag:s28] =	ssyncadd.s32 $0xFFFFC000  }
0xcb: {  	[spmem:s1] =	stream.indirect.scatter.add.f32 [tilespmem:s24], [sflag:$0x5], $0x80, s9, s23, $0xb8;
	[tilespmem:$0x1DC80] =	vst v63  }
0xcc: {  	_ =	swait.ge [sflag:s19], $0x4000  }
0xcd: {  	[sflag:s19] =	ssyncset.done $0x0  }
0xce: {  	[sflag:s19] =	ssyncadd.s32 $0xFFFFC000  }
0xcf: {  	[tilespmem:s24], [sflag:$0x1] =	stream.indirect.gather [hbm4b:s4+s23], $0x80, s17, s23, $0xb8;
	[tilespmem:$0x1DC80] =	vst v63  }
0xd0: {  	_ =	swait.ge [sflag:s30], $0x4000  }
0xd1: {  	[sflag:s30] =	ssyncset.done $0x0  }
0xd2: {  	[sflag:s30] =	ssyncadd.s32 $0xFFFFC000  }
0xd3: {  	[spmem:s1] =	stream.indirect.scatter.add.f32 [tilespmem:s25], [sflag:$0x5], $0x80, s8, s23, $0xb8;
	[tilespmem:$0x1DC80] =	vst v63  }
0xd4: {  	_ =	swait.ge [sflag:s19], $0x4000  }
0xd5: {  	[sflag:s19] =	ssyncset.done $0x0  }
0xd6: {  	[sflag:s19] =	ssyncadd.s32 $0xFFFFC000  }
0xd7: {  	[tilespmem:s25], [sflag:$0x2] =	stream.indirect.gather [hbm4b:s4+s23], $0x80, s21, s23, $0xb8;
	[tilespmem:$0x1DC80] =	vst v63  }
0xd8: {  	_ =	swait.ge [sflag:s28], $0x4000  }
0xd9: {  	[sflag:s28] =	ssyncset.done $0x0  }
0xda: {  	[sflag:s28] =	ssyncadd.s32 $0xFFFFC000  }
0xdb: {  	[spmem:s1] =	stream.indirect.scatter.add.f32 [tilespmem:s24], [sflag:$0x5], $0x80, s5, s23, $0xb8;
	[tilespmem:$0x1DC80] =	vst v63  }
0xdc: {  	_ =	swait.ge [sflag:s19], $0x4000  }
0xdd: {  	[sflag:s19] =	ssyncset.done $0x0  }
0xde: {  	[sflag:s19] =	ssyncadd.s32 $0xFFFFC000  }
0xdf: {  	[tilespmem:s24], [sflag:$0x1] =	stream.indirect.gather [hbm4b:s4+s23], $0x80, s15, s23, $0xb8;
	[tilespmem:$0x1DC80] =	vst v63  }
0xe0: {  	_ =	swait.ge [sflag:s30], $0x4000  }
0xe1: {  	[sflag:s30] =	ssyncset.done $0x0  }
0xe2: {  	[sflag:s30] =	ssyncadd.s32 $0xFFFFC000  }
0xe3: {  	[spmem:s1] =	stream.indirect.scatter.add.f32 [tilespmem:s25], [sflag:$0x5], $0x80, s16, s23, $0xb8;
	[tilespmem:$0x1DC80] =	vst v63  }
0xe4: {  	_ =	swait.ge [sflag:s19], $0x4000  }
0xe5: {  	[sflag:s19] =	ssyncset.done $0x0  }
0xe6: {  	[sflag:s19] =	ssyncadd.s32 $0xFFFFC000  }
0xe7: {  	[tilespmem:s25], [sflag:$0x2] =	stream.indirect.gather [hbm4b:s4+s23], $0x80, s29, s23, $0xb8;
	[tilespmem:$0x1DC80] =	vst v63  }
0xe8: {  	_ =	swait.ge [sflag:s28], $0x4000  }
0xe9: {  	[sflag:s28] =	ssyncset.done $0x0  }
.Ltmp2:
0xea: {  	[sflag:s28] =	ssyncadd.s32 $0xFFFFC000;
	(pc) =	sbr.rel @p1 .LBB2_4-.Ltmp2, $4  }
0xeb: {  	[spmem:s1] =	stream.indirect.scatter.add.f32 [tilespmem:s24], [sflag:$0x5], $0x80, s31, s23, $0xb8;
	[tilespmem:$0x1DC80] =	vst v63  }
0xec: {  	_ =	swait.ge [sflag:s19], $0x4000  }
0xed: {  	[sflag:s19] =	ssyncset.done $0x0  }
0xee: {  	[sflag:s19] =	ssyncadd.s32 $0xFFFFC000  }
0xef: {  	_ =	swait.ge [sflag:s26], $0xA00  }
0xf0: {  	[sflag:s26] =	ssyncset.done $0x0  }
0xf1: {  	[sflag:s26] =	ssyncadd.s32 $0xFFFFF600  }
0xf2: {  	[tilespmem:s24], [sflag:$0x1] =	stream.indirect.gather [hbm4b:s4+s23], $0x80, s2, s23, $0xb8;
	[tilespmem:$0x1DC80] =	vst v63  }
0xf3: {  	_ =	swait.ge [sflag:s30], $0x4000  }
0xf4: {  	[sflag:s30] =	ssyncset.done $0x0  }
0xf5: {  	[sflag:s30] =	ssyncadd.s32 $0xFFFFC000  }
0xf6: {  	[spmem:s1] =	stream.indirect.scatter.add.f32 [tilespmem:s25], [sflag:$0x5], $0x80, s0, s23, $0xb8;
	[tilespmem:$0x1DC80] =	vst v63  }
0xf7: {  	_ =	swait.ge [sflag:s19], $0x4000  }
0xf8: {  	[sflag:s19] =	ssyncset.done $0x0  }
0xf9: {  	[sflag:s19] =	ssyncadd.s32 $0xFFFFC000  }
0xfa: {  	[tilespmem:s25], [sflag:$0x2] =	stream.indirect.gather [hbm4b:s4+s23], $0x80, s23, s23, $0xb8;
	[tilespmem:$0x1DC80] =	vst v63  }
.Ltmp3:
0xfb: {  	_ = 	snop;
	(pc) =	sbr.rel .LBB2_2-.Ltmp3, $4  }
0xfc: {  	s6 =	sadd.s32 s3, s13  }
0xfd: {  	[tilespmem:s20], [sflag:$0x4] =	stream.linear.gather [hbm4b:s6+s2], $0x500, $0x38;
	[tilespmem:$0x1DC80] =	vst v63  }
0xfe: {  	s3 =	sadd.s32 $0x400, s3;
	s6 =	sadd.s32 $0x100, s6  }
0xff: {  	[tilespmem:s22], [sflag:$0x4] =	stream.linear.gather [hbm4b:s6+s2], $0x500, $0x38;
	[tilespmem:$0x1DC80] =	vst v63  }
.LBB2_5:
0x100: {  	_ =	sfence.sel $0x180000  }
0x101: {  	[bflag:$0x0] =	sbarrier.arrive $0xFFFF  }
0x102: {  	_ =	strace $0x9000004D  }
0x103: {  	s0 =	stileid.u32;
	[bflag:$0x2] =	sbarrier.arrive $0xFFFF  }
0x104: {  	p0 =	sne.s32 s0, $0x0;
	s0 =	rddreg [dreg:$0x2]  }
0x105: {  	s0 =	sadd.s32 @!p0 $0x100000, s0  }
0x106: {  	[sflag:s0] =	ssyncadd.tile.s32 @!p0 $0x1;
	_ =	shalt  }
.Lfunc_end2:
_tile_overlayer_lowered:
.L_overlay_start_2:
0x107: {  	(tag) =	ssettag $0x2  }
0x108: {  	s0 =	rddreg [dreg:$0x0];
	s2 =	stileid.u32  }
0x109: {  	s1 =	rddreg [dreg:$0x1];
	p0 =	sne.s32 s2, $0x0  }
0x10a: {  	s3 =	rddreg [dreg:$0x2];
	[bflag:$0x3] =	sbarrier.arrive $0xFFFF;
	s2 =	simm.s32 @!p0 $0x1C05  }
0x10b: {  	[timem:s3], [sflag:s2] =	dma.local @!p0 [hbm:s0], s1  }
0x10c: {  	s0 =	simm.s32 @!p0 $0x5  }
0x10d: {  	_ =	swait.ge @!p0 [sflag:s0], s1  }
0x10e: {  	s1 =	ssub.s32 @!p0 $0x0, s1;
	[sflag:s0] =	ssyncset.done @!p0 $0x0  }
0x10f: {  	[sflag:s0] =	ssyncadd.s32 @!p0 s1  }
0x110: {  	[bflag:$0x3] =	sbarrier.arrive $0xFFFF  }
0x111: {  	_ =	shalt  }

// kernel: kernel.8.cloned.1.call-start
scs
__scs_entry_jumppad:
0x0: {  	(pc) =	sbr.rel $0x88, $3  }
0x1: {  	(tag) =	ssettag $0x0;
	lr =	simm.s32 $0x1  }
0x2: {  	[smem:$0x3F88] =	sst lr;
	_ =	strace $0xD0000000  }
0x3: {  	_ = 	snop  }
0x4: {  	_ = 	snop  }
0x5: {  	_ = 	snop  }
0x6: {  	_ = 	snop  }
0x7: {  	_ = 	snop  }
__scs_overlays_trampoline_lowered:
0x8: {  	[smem:$0x3F97] =	sst s0  }
0x9: {  	[smem:$0x3F98] =	sst s1  }
0xa: {  	[smem:$0x3F99] =	sst s2  }
0xb: {  	[smem:$0x3F9A] =	sst s3  }
0xc: {  	[smem:$0x3F9B] =	sst s4  }
0xd: {  	[smem:$0x3F9C] =	sst s5  }
0xe: {  	[smem:$0x3F9D] =	sst s6  }
0xf: {  	[smem:$0x3F9E] =	sst s7  }
0x10: {  	[smem:$0x3F9F] =	sst s8  }
0x11: {  	[smem:$0x3FA0] =	sst s9;
	s0 =	simm.s32 @!p0 $0x0  }
0x12: {  	s1 =	sld [smem:$0x3F86];
	s0 =	simm.s32 @p0 $0x1  }
0x13: {  	[smem:$0x3FA1] =	sst s0;
	s0 =	simm.s32 @!p1 $0x0  }
0x14: {  	s2 =	sld [smem:$0x3F85];
	s0 =	simm.s32 @p1 $0x1  }
0x15: {  	[smem:$0x3FA2] =	sst s0;
	s0 =	simm.s32 @!p2 $0x0  }
0x16: {  	s3 =	sld [smem:$0x3FDB];
	s0 =	simm.s32 @p2 $0x1  }
0x17: {  	s4 =	simm.s32 $0x1BF5;
	[smem:$0x3FA4] =	sst s0  }
0x18: {  	s0 =	sld [smem:$0x3F87];
	_ =	swait.ge [sflag:s4], $0x0  }
0x19: {  	s7 =	sld [smem:$0x3F88]  }
0x1a: {  	s8 =	sadd.s32 $0xFFFFE003, lr  }
0x1b: {  	s9 =	sadd.s32 $0xFFFFFEF7, lr;
	s5 =	simm.s32 $0xFFFFFFFF;
	p2 =	slt.u32 s8, $0xFFFFF086  }
0x1c: {  	p1 =	slt.u32 s9, $0xF7A;
	s5 =	simm.s32 @!p2 $0x0  }
0x1d: {  	s5 =	simm.s32 @p1 $0x1;
	p0 =	seq.s32 s7, s2  }
0x1e: {  	s7 =	smul.u32 @!p0 $0xF7A, s2;
	p2 =	seq.s32 @!p0 s5, $0x0  }
0x1f: {  	s9 =	smul.u32 $0xF7A, s1;
	s8 =	simm.s32 @!p0 $0x1BF5;
	p2 =	por !p2, p0  }
0x20: {  	[sflag:s8] =	ssyncset.s32 @!p0 $0xFFFFF086;
	s6 =	sadd.s32 @!p0 s3, s7;
	s7 =	simm.s32 @!p0 $0x108  }
0x21: {  	s3 =	sadd.s32 s3, s9;
	s6 =	sadd.s32 @!p0 $0x88, s6;
	s7 =	simm.s32 @p2 $0x1082  }
0x22: {  	[simem:s7], [sflag:s8] =	dma.local @!p0 [hbm:s6], $0xF7A  }
0x23: {  	s9 =	sor.u32 $0xD0000000, s2;
	s6 =	simm.s32 $0x108;
	_ =	swait.ge @!p0 [sflag:s8], $0x0  }
0x24: {  	s3 =	sadd.s32 $0x88, s3;
	s6 =	simm.s32 @!p1 $0x1082;
	[sflag:s4] =	ssyncset.s32 $0xFFFFF086  }
0x25: {  	[simem:s6], [sflag:s4] =	dma.local [hbm:s3], $0xF7A  }
0x26: {  	[smem:$0x3F88] =	sst s1;
	(tag) =	ssettag s2;
	_ =	strace s9  }
0x27: {  	s1 =	sld [smem:$0x3F98]  }
0x28: {  	s2 =	sld [smem:$0x3F99]  }
0x29: {  	s4 =	sld [smem:$0x3F9B]  }
0x2a: {  	p0 =	seq.s32 s5, $0x0;
	s5 =	sld [smem:$0x3F9C]  }
0x2b: {  	s6 =	sld [smem:$0x3F9D]  }
0x2c: {  	s7 =	sld [smem:$0x3F9E]  }
0x2d: {  	s3 =	simm.s32 $0x108;
	s8 =	sld [smem:$0x3F9F]  }
0x2e: {  	s3 =	simm.s32 @!p0 $0x1082;
	s9 =	sld [smem:$0x3FA0]  }
0x2f: {  	lr =	sadd.s32 s0, s3;
	s0 =	sld [smem:$0x3F97]  }
0x30: {  	s3 =	sld [smem:$0x3F9A]  }
0x31: {  	[smem:$0x3FA3] =	sst s10  }
0x32: {  	s10 =	sld [smem:$0x3FA1];
	_ =	sdelay $0x3  }
0x33: {  	p0 =	seq.s32 s10, $0x1;
	s10 =	sld [smem:$0x3FA3];
	_ =	sdelay $0x3  }
0x34: {  	[smem:$0x3FA3] =	sst s10  }
0x35: {  	s10 =	sld [smem:$0x3FA2];
	_ =	sdelay $0x3  }
0x36: {  	p1 =	seq.s32 s10, $0x1;
	s10 =	sld [smem:$0x3FA3];
	_ =	sdelay $0x3  }
0x37: {  	[smem:$0x3FA3] =	sst s10  }
0x38: {  	s10 =	sld [smem:$0x3FA4]  }
0x39: {  	_ = 	snop;
	(pc) =	sbr.ind lr, $3  }
0x3a: {  	_ = 	snop  }
0x3b: {  	_ = 	snop  }
0x3c: {  	p2 =	seq.s32 s10, $0x1;
	s10 =	sld [smem:$0x3FA3]  }
0x3d: {  	_ =	shalt  }
0x3e: {  	_ =	shalt  }
0x3f: {  	_ =	shalt  }
0x40: {  	_ =	shalt  }
0x41: {  	_ =	shalt  }
0x42: {  	_ =	shalt  }
0x43: {  	_ =	shalt  }
0x44: {  	_ =	shalt  }
0x45: {  	_ =	shalt  }
0x46: {  	_ =	shalt  }
0x47: {  	_ =	shalt  }
0x48: {  	_ =	shalt  }
0x49: {  	_ =	shalt  }
0x4a: {  	_ =	shalt  }
0x4b: {  	_ =	shalt  }
0x4c: {  	_ =	shalt  }
0x4d: {  	_ =	shalt  }
0x4e: {  	_ =	shalt  }
0x4f: {  	_ =	shalt  }
0x50: {  	_ =	shalt  }
0x51: {  	_ =	shalt  }
0x52: {  	_ =	shalt  }
0x53: {  	_ =	shalt  }
0x54: {  	_ =	shalt  }
0x55: {  	_ =	shalt  }
0x56: {  	_ =	shalt  }
0x57: {  	_ =	shalt  }
0x58: {  	_ =	shalt  }
0x59: {  	_ =	shalt  }
0x5a: {  	_ =	shalt  }
0x5b: {  	_ =	shalt  }
0x5c: {  	_ =	shalt  }
0x5d: {  	_ =	shalt  }
0x5e: {  	_ =	shalt  }
0x5f: {  	_ =	shalt  }
0x60: {  	_ =	shalt  }
0x61: {  	_ =	shalt  }
0x62: {  	_ =	shalt  }
0x63: {  	_ =	shalt  }
0x64: {  	_ =	shalt  }
0x65: {  	_ =	shalt  }
0x66: {  	_ =	shalt  }
0x67: {  	_ =	shalt  }
0x68: {  	_ =	shalt  }
0x69: {  	_ =	shalt  }
0x6a: {  	_ =	shalt  }
0x6b: {  	_ =	shalt  }
0x6c: {  	_ =	shalt  }
0x6d: {  	_ =	shalt  }
0x6e: {  	_ =	shalt  }
0x6f: {  	_ =	shalt  }
0x70: {  	_ =	shalt  }
0x71: {  	_ =	shalt  }
0x72: {  	_ =	shalt  }
0x73: {  	_ =	shalt  }
0x74: {  	_ =	shalt  }
0x75: {  	_ =	shalt  }
0x76: {  	_ =	shalt  }
0x77: {  	_ =	shalt  }
0x78: {  	_ =	shalt  }
0x79: {  	_ =	shalt  }
0x7a: {  	_ =	shalt  }
0x7b: {  	_ =	shalt  }
0x7c: {  	_ =	shalt  }
0x7d: {  	_ =	shalt  }
0x7e: {  	_ =	shalt  }
0x7f: {  	_ =	shalt  }
0x80: {  	_ =	shalt  }
0x81: {  	_ =	shalt  }
0x82: {  	_ =	shalt  }
0x83: {  	_ =	shalt  }
0x84: {  	_ =	shalt  }
0x85: {  	_ =	shalt  }
0x86: {  	_ =	shalt  }
0x87: {  	_ =	shalt  }
.Lfunc_end0:
.L_simem_size_0:
called_computation_lowered:
.L_overlay_start_0:
0x88: {  	s2 =	sld [smem:$0x3FD9]  }
0x89: {  	s3 =	sld [smem:$0x3FFE];
	_ =	sdelay $0x1  }
0x8a: {  	s1 =	srdreg.scid  }
0x8b: {  	s0 =	sand.u32 $0x1, s1  }
0x8c: {  	s17 =	sshll.u32 s0, $0xA;
	s2 =	sadd.s32 s3, s2  }
0x8d: {  	s2 =	sadd.s32 s2, s17  }
0x8e: {  	[smem:$0x3FAF] =	sst s2  }
0x8f: {  	_ = 	snop  }
0x90: {  	s2 =	sld [smem:$0x3FC9];
	(tm) =	ssettm $0x1  }
0x91: {  	s18 =	sld [smem:$0x3FFB];
	_ =	sdelay $0x3  }
0x92: {  	_ =	strace s18  }
0x93: {  	s3 =	sld [smem:$0x3FFC];
	_ =	sdelay $0x3  }
0x94: {  	_ =	strace s3  }
0x95: {  	s3 =	sld [smem:$0x3FFD];
	_ =	sdelay $0x3  }
0x96: {  	_ =	strace s3  }
0x97: {  	_ =	strace $0x8FFFFFFF  }
0x98: {  	s19 =	sld [smem:$0x3FDB];
	_ =	sdelay $0x1  }
0x99: {  	s4 =	simm.s32 $_scs_section_size  }
0x9a: {  	s5 =	simm.s32 $_size__tile_overlayer_lowered;
	s6 =	simm.s32 $_tile_overlayer_lowered  }
0x9b: {  	s22 =	simm.s32 $0x1BFF;
	s21 =	sshll.u32 s6, $0x1;
	s3 =	sadd.s32 s4, s19  }
0x9c: {  	s7 =	simm.s32 $0x0;
	s20 =	sshll.u32 s5, $0x1;
	s5 =	sadd.s32 s21, s3  }
0x9d: {  	[timem:s7], [sflag:s22] =	dma.local [hbm:s5], s20  }
0x9e: {  	_ =	swait.ge [sflag:s22], s20  }
0x9f: {  	s4 =	ssub.s32 $0x0, s20;
	[sflag:s22] =	ssyncset.done $0x0  }
0xa0: {  	[sflag:s22] =	ssyncadd.s32 s4;
	_ =	sdelay $0x1  }
0xa1: {  	s23 =	simm.s32 $0x1B8B  }
0xa2: {  	_ =	swait.ge [sflag:s23], $0x1  }
0xa3: {  	[sflag:s23] =	ssyncset.done $0x0  }
0xa4: {  	s25 =	simm.s32 $0x1B8E;
	s24 =	sld [smem:$0x3FFE];
	[sflag:s23] =	ssyncadd.s32 $0xFFFFFFFF  }
0xa5: {  	s26 =	simm.s32 $execute0_lowered;
	[smem:$0x3FD2] =	sst s25  }
0xa6: {  	s5 =	sshll.u32 s26, $0x1;
	_ =	strace $0x80000046;
	[dreg:$0x1] =	wrdreg $0xFFFFFFFF  }
0xa7: {  	s28 =	simm.s32 $_size_execute0_lowered;
	s3 =	sadd.s32 s3, s5;
	[dreg:$0x0] =	wrdreg $0x0  }
0xa8: {  	s5 =	sshll.u32 s28, $0x1;
	[dreg:$0x2] =	wrdreg s3  }
0xa9: {  	[dreg:$0x3] =	wrdreg s5  }
0xaa: {  	[dreg:$0x4] =	wrdreg $0xC0  }
0xab: {  	_ =	task [dreg:s7], $0x5FFFF  }
0xac: {  	[dreg:$0x1] =	wrdreg $0xFFFFFFFF  }
0xad: {  	[dreg:$0x0] =	wrdreg $0x60  }
0xae: {  	[dreg:$0x2] =	wrdreg s2  }
0xaf: {  	[dreg:$0x3] =	wrdreg s24  }
0xb0: {  	[dreg:$0x4] =	wrdreg $0xA0000  }
0xb1: {  	[dreg:$0x5] =	wrdreg $0x9  }
0xb2: {  	_ =	task.clear_ibuf [dreg:s7], $0x6FFFF;
	_ =	strace $0x90000046  }
0xb3: {  	s29 =	simm.s32 $0x9;
	_ =	strace $0x80000048  }
0xb4: {  	_ =	swait.ge [sflag:s29], $0x1  }
0xb5: {  	[sflag:s29] =	ssyncadd.s32 $0xFFFFFFFF  }
0xb6: {  	_ =	strace $0x90000048  }
0xb7: {  	_ =	sfence  }
0xb8: {  	s30 =	sld [smem:$0x0];
	_ =	sdelay $0x2  }
0xb9: {  	s31 =	sshll.u32 s1, $0xD;
	s1 =	sshrl.u32 s1, $0x2  }
0xba: {  	s3 =	sand.u32 $0x4000, s31;
	s1 =	sadd.s32 s1, s30  }
0xbb: {  	s0 =	sor.u32 s3, s0;
	s1 =	sshll.u32 s1, $0x11  }
0xbc: {  	s0 =	sor.u32 s1, s0  }
0xbd: {  	s0 =	sadd.s32 $0x8F2B, s0  }
0xbe: {  	[sflag:s0] =	ssyncadd.remote.s32 $0x1  }
0xbf: {  	_ =	sfence.sel $0xFFFF  }
0xc0: {  	[dreg:$0x0] =	wrdreg $0xFFFFFFFF;
	(pc) =	sbr.abs _section_cstart, $3  }
0xc1: {  	[dreg:$0x1] =	wrdreg $0xFFFFFFFF  }
0xc2: {  	_ =	task.clear_ibuf [dreg:s7], $0x2FFFF;
	_ =	strace $0x9FFFFFFF  }
0xc3: {  	(tm) =	ssettm $0x7FFFFFFF  }
tec
execute0_lowered:
.L_overlay_start_1:
0x0: {  	(tag) =	ssettag $0x1  }
0x1: {  	s1 =	rddreg [dreg:$0x0]  }
0x2: {  	s0 =	rddreg [dreg:$0x1]  }
0x3: {  	s2 =	rddreg [dreg:$0x2]  }
0x4: {  	s3 =	simm.s32 $0x0;
	s4 =	srdreg.scid;
	s12 =	stileid.u32  }
0x5: {  	s19 =	simm.s32 $0x5;
	s20 =	simm.s32 $0x1000;
	s28 =	simm.s32 $0x1  }
0x6: {  	s30 =	simm.s32 $0x2;
	s18 =	simm.s32 $0x4;
	s17 =	simm.s32 $0x1300  }
0x7: {  	s21 =	simm.s32 $0x1380;
	s16 =	simm.s32 $0x1B80;
	s29 =	simm.s32 $0x1480  }
0x8: {  	s31 =	simm.s32 $0x1C00;
	[smem:$0x7FF] =	sst s3;
	s4 =	sand.u32 $0x1, s4  }
0x9: {  	s6 =	sadd.s32 $0x5800, s0;
	s8 =	smul.u32 $0x4E000, s12;
	s9 =	sadd.s32 $0x25800, s0  }
0xa: {  	s0 =	sadd.s32 $0x28000, s0;
	s11 =	sshll.u32 s12, $0x6;
	s24 =	sshll.u32 s12, $0x10  }
0xb: {  	s10 =	smul.u32 $0x13800, s12;
	p0 =	sne.s32 s12, $0xF;
	s12 =	simm.s32 $0x1280  }
0xc: {  	_ =	strace $0x80000047;
	s5 =	ssub.s32 $0x2, s4;
	[dreg:$0x4] =	wrdreg s9  }
0xd: {  	s23 =	smul.u32 $0x138800, s4;
	s4 =	sshll.u32 s4, $0xF;
	[dreg:$0x5] =	wrdreg s11  }
0xe: {  	s11 =	sor.u32 $0x1C03, s11;
	s9 =	sadd.s32 $0x138000, s2;
	s7 =	sshrl.u32 s5, $0x1  }
0xf: {  	s22 =	sshrl.u32 s8, $0x2;
	[dreg:$0x6] =	wrdreg s11;
	s4 =	sor.u32 s4, s24  }
0x10: {  	s24 =	simm.s32 $0x2000;
	s5 =	ssub.s32 s5, s7;
	s7 =	sadd.s32 s22, s2  }
0x11: {  	s25 =	sshrl.u32 s4, $0x3;
	s10 =	sadd.s32 s10, s23;
	s8 =	sshrl.u32 s23, $0x3  }
0x12: {  	s26 =	sor.u32 $0x3000, s4;
	s4 =	sor.u32 $0x2000, s4;
	s22 =	simm.s32 $0x1800  }
0x13: {  	s23 =	simm.s32 $0x80;
	s11 =	sadd.s32 s6, s25;
	s10 =	sshrl.u32 s10, $0x3  }
0x14: {  	s5 =	smax.u32 s5, $0x1;
	s4 =	sshrl.u32 s4, $0x3;
	s7 =	sshrl.u32 s7, $0x3  }
0x15: {  	s25 =	simm.s32 $0x6000;
	s15 =	sadd.s32 $0x200, s11;
	[dreg:$0xb] =	wrdreg s5  }
0x16: {  	s10 =	sadd.s32 s0, s10;
	s0 =	sadd.s32 s0, s8;
	[dreg:$0x7] =	wrdreg s11  }
0x17: {  	s14 =	sadd.s32 s4, s6;
	s4 =	sadd.s32 $0x100, s11;
	[dreg:$0xc] =	wrdreg s7  }
0x18: {  	s11 =	simm.s32 $0x1980;
	s8 =	simm.s32 $0x1A80;
	[dreg:$0x9] =	wrdreg s10  }
0x19: {  	s0 =	sadd.s32 $0x27000, s0;
	s10 =	sshrl.u32 @!p0 s9, $0x3;
	[dreg:$0xe] =	wrdreg s4  }
.Ltmp0:
0x1a: {  	[dreg:$0x8] =	wrdreg s15;
	s5 =	sadd.s32 $0x100, s15;
	(pc) =	sbr.rel .LBB2_1-.Ltmp0, $4  }
0x1b: {  	s9 =	simm.s32 $0x1A00;
	s15 =	simm.s32 $0x1400;
	[dreg:$0xa] =	wrdreg s0  }
0x1c: {  	s0 =	sshrl.u32 s26, $0x3;
	[dreg:$0xf] =	wrdreg s5;
	s26 =	simm.s32 $0x3  }
0x1d: {  	[dreg:$0xd] =	wrdreg s10;
	s13 =	sadd.s32 s0, s6;
	s6 =	simm.s32 $0x0  }
0x1e: {  	s5 =	simm.s32 $0x1B00;
	s0 =	simm.s32 $0x1C80;
	[dreg:$0x10] =	wrdreg s6  }
.LBB2_4:
0x1f: {  	_ =	swait.ge [sflag:s30], $0x4000  }
0x20: {  	[sflag:s30] =	ssyncset.done $0x0  }
0x21: {  	[sflag:s30] =	ssyncadd.s32 $0xFFFFC000  }
0x22: {  	[spmem:s2] =	stream.indirect.scatter.add.f32 [tilespmem:s25], [sflag:$0x5], $0x80, s0, s23, $0xb8;
	[tilespmem:$0x1DC80] =	vst v63  }
0x23: {  	_ =	swait.ge [sflag:s19], $0x4000  }
0x24: {  	[sflag:s19] =	ssyncset.done $0x0  }
0x25: {  	[sflag:s19] =	ssyncadd.s32 $0xFFFFC000  }
0x26: {  	[bflag:$0x0] =	sbarrier.arrive $0xFFFF  }
0x27: {  	s4 =	rddreg [dreg:$0x5]  }
0x28: {  	s6 =	rddreg [dreg:$0x9]  }
0x29: {  	s7 =	rddreg [dreg:$0xc];
	s4 =	sor.u32 $0x1C05, s4  }
0x2a: {  	[hbm:s6], [sflag:s4] =	dma.local [spmem:s7], $0x2700  }
0x2b: {  	_ =	swait.ge [sflag:s19], $0x2700  }
0x2c: {  	[sflag:s19] =	ssyncset.done $0x0;
	s6 =	rddreg [dreg:$0xa]  }
0x2d: {  	s10 =	rddreg [dreg:$0xd];
	[sflag:s19] =	ssyncadd.s32 $0xFFFFD900  }
0x2e: {  	[hbm:s6], [sflag:s4] =	dma.local @!p0 [spmem:s10], $0x100  }
0x2f: {  	s4 =	simm.s32 @!p0 $0x5  }
0x30: {  	_ =	swait.ge @!p0 [sflag:s4], $0x100  }
0x31: {  	s11 =	rddreg [dreg:$0x10]  }
0x32: {  	s6 =	rddreg [dreg:$0xb];
	s11 =	sadd.s32 $0x1, s11  }
0x33: {  	p1 =	sne.s32 s11, s6  }
.Ltmp1:
0x34: {  	_ = 	snop;
	(pc) =	sbr.rel @!p1 .LBB2_5-.Ltmp1, $3  }
0x35: {  	_ =	sdelay $0x1  }
0x36: {  	[sflag:s4] =	ssyncset.done @!p0 $0x0  }
0x37: {  	[sflag:s4] =	ssyncadd.s32 @!p0 $0xFFFFFF00;
	[dreg:$0x10] =	wrdreg s11;
	s11 =	simm.s32 $0x1980  }
.LBB2_1:
0x38: {  	s6 =	rddreg [dreg:$0x4]  }
0x39: {  	s4 =	rddreg [dreg:$0x6]  }
0x3a: {  	[spmem:s7], [sflag:s4] =	dma.local [hbm:s6], $0x2700  }
0x3b: {  	s4 =	simm.s32 @!p0 $0x1FC5  }
0x3c: {  	[spmem:s10], [sflag:s4] =	dma.local @!p0 [hbm:s6], $0x900  }
0x3d: {  	s4 =	simm.s32 @!p0 $0x5  }
0x3e: {  	_ =	swait.ge @!p0 [sflag:s4], $0x900  }
0x3f: {  	[sflag:s4] =	ssyncset.done @!p0 $0x0  }
0x40: {  	s6 =	rddreg [dreg:$0x7];
	[sflag:s4] =	ssyncadd.s32 @!p0 $0xFFFFF700  }
0x41: {  	[tilespmem:s3], [sflag:$0x5] =	stream.linear.gather [hbm4b:s6+s3], $0x500, $0x38;
	[tilespmem:$0x1DC80] =	vst v63  }
0x42: {  	s10 =	simm.s32 $0x800;
	s7 =	rddreg [dreg:$0xe]  }
0x43: {  	[tilespmem:s10], [sflag:$0x5] =	stream.linear.gather [hbm4b:s7+s3], $0x500, $0x38;
	[tilespmem:$0x1DC80] =	vst v63  }
0x44: {  	_ =	swait.ge [sflag:s19], $0xA00  }
0x45: {  	[sflag:s19] =	ssyncset.done $0x0  }
0x46: {  	s7 =	rddreg [dreg:$0x8];
	[sflag:s19] =	ssyncadd.s32 $0xFFFFF600  }
0x47: {  	[tilespmem:s20], [sflag:$0x4] =	stream.linear.gather [hbm4b:s7+s3], $0x500, $0x38;
	[tilespmem:$0x1DC80] =	vst v63  }
0x48: {  	s10 =	rddreg [dreg:$0xf]  }
0x49: {  	[tilespmem:s22], [sflag:$0x4] =	stream.linear.gather [hbm4b:s10+s3], $0x500, $0x38;
	[tilespmem:$0x1DC80] =	vst v63  }
0x4a: {  	_ = 	snop  }
0x4b: {  	[tilespmem:s24], [sflag:$0x1] =	stream.indirect.gather [hbm4b:s1+s23], $0x80, s3, s23, $0xb8;
	[tilespmem:$0x1DC80] =	vst v63  }
0x4c: {  	_ = 	snop  }
0x4d: {  	[tilespmem:s25], [sflag:$0x2] =	stream.indirect.gather [hbm4b:s1+s23], $0x80, s23, s23, $0xb8;
	[tilespmem:$0x1DC80] =	vst v63  }
0x4e: {  	_ =	swait.ge [sflag:s26], $0x2700  }
0x4f: {  	[sflag:s26] =	ssyncset.done $0x0  }
0x50: {  	[sflag:s26] =	ssyncadd.s32 $0xFFFFD900  }
0x51: {  	s4 =	simm.s32 $0x0;
	[bflag:$0x0] =	sbarrier.arrive $0xFFFF  }
.LBB2_2:
0x52: {  	_ =	swait.ge [sflag:s28], $0x4000  }
0x53: {  	[sflag:s28] =	ssyncset.done $0x0  }
0x54: {  	s6 =	simm.s32 $0x800;
	[sflag:s28] =	ssyncadd.s32 $0xFFFFC000  }
0x55: {  	[spmem:s2] =	stream.indirect.scatter.add.f32 [tilespmem:s24], [sflag:$0x5], $0x80, s6, s23, $0xb8;
	[tilespmem:$0x1DC80] =	vst v63  }
0x56: {  	_ =	swait.ge [sflag:s19], $0x4000  }
0x57: {  	[sflag:s19] =	ssyncset.done $0x0  }
0x58: {  	s10 =	simm.s32 $0x100;
	[sflag:s19] =	ssyncadd.s32 $0xFFFFC000  }
0x59: {  	[tilespmem:s24], [sflag:$0x1] =	stream.indirect.gather [hbm4b:s1+s23], $0x80, s10, s23, $0xb8;
	[tilespmem:$0x1DC80] =	vst v63  }
0x5a: {  	_ =	swait.ge [sflag:s30], $0x4000  }
0x5b: {  	[sflag:s30] =	ssyncset.done $0x0  }
0x5c: {  	s7 =	simm.s32 $0x880;
	[sflag:s30] =	ssyncadd.s32 $0xFFFFC000  }
0x5d: {  	[spmem:s2] =	stream.indirect.scatter.add.f32 [tilespmem:s25], [sflag:$0x5], $0x80, s7, s23, $0xb8;
	[tilespmem:$0x1DC80] =	vst v63  }
0x5e: {  	_ =	swait.ge [sflag:s19], $0x4000  }
0x5f: {  	[sflag:s19] =	ssyncset.done $0x0  }
0x60: {  	s10 =	simm.s32 $0x180;
	[sflag:s19] =	ssyncadd.s32 $0xFFFFC000  }
0x61: {  	[tilespmem:s25], [sflag:$0x2] =	stream.indirect.gather [hbm4b:s1+s23], $0x80, s10, s23, $0xb8;
	[tilespmem:$0x1DC80] =	vst v63  }
0x62: {  	_ =	swait.ge [sflag:s28], $0x4000  }
0x63: {  	[sflag:s28] =	ssyncset.done $0x0  }
0x64: {  	s7 =	simm.s32 $0x900;
	[sflag:s28] =	ssyncadd.s32 $0xFFFFC000  }
0x65: {  	[spmem:s2] =	stream.indirect.scatter.add.f32 [tilespmem:s24], [sflag:$0x5], $0x80, s7, s23, $0xb8;
	[tilespmem:$0x1DC80] =	vst v63  }
0x66: {  	_ =	swait.ge [sflag:s19], $0x4000  }
0x67: {  	[sflag:s19] =	ssyncset.done $0x0  }
0x68: {  	s10 =	simm.s32 $0x200;
	[sflag:s19] =	ssyncadd.s32 $0xFFFFC000  }
0x69: {  	[tilespmem:s24], [sflag:$0x1] =	stream.indirect.gather [hbm4b:s1+s23], $0x80, s10, s23, $0xb8;
	[tilespmem:$0x1DC80] =	vst v63  }
0x6a: {  	_ =	swait.ge [sflag:s30], $0x4000  }
0x6b: {  	[sflag:s30] =	ssyncset.done $0x0  }
0x6c: {  	s7 =	simm.s32 $0x980;
	[sflag:s30] =	ssyncadd.s32 $0xFFFFC000  }
0x6d: {  	[spmem:s2] =	stream.indirect.scatter.add.f32 [tilespmem:s25], [sflag:$0x5], $0x80, s7, s23, $0xb8;
	[tilespmem:$0x1DC80] =	vst v63  }
0x6e: {  	_ =	swait.ge [sflag:s19], $0x4000  }
0x6f: {  	[sflag:s19] =	ssyncset.done $0x0  }
0x70: {  	s10 =	simm.s32 $0x280;
	[sflag:s19] =	ssyncadd.s32 $0xFFFFC000  }
0x71: {  	[tilespmem:s25], [sflag:$0x2] =	stream.indirect.gather [hbm4b:s1+s23], $0x80, s10, s23, $0xb8;
	[tilespmem:$0x1DC80] =	vst v63  }
0x72: {  	_ =	swait.ge [sflag:s28], $0x4000  }
0x73: {  	[sflag:s28] =	ssyncset.done $0x0  }
0x74: {  	s7 =	simm.s32 $0xA00;
	[sflag:s28] =	ssyncadd.s32 $0xFFFFC000  }
0x75: {  	[spmem:s2] =	stream.indirect.scatter.add.f32 [tilespmem:s24], [sflag:$0x5], $0x80, s7, s23, $0xb8;
	[tilespmem:$0x1DC80] =	vst v63  }
0x76: {  	_ =	swait.ge [sflag:s19], $0x4000  }
0x77: {  	[sflag:s19] =	ssyncset.done $0x0  }
0x78: {  	s10 =	simm.s32 $0x300;
	[sflag:s19] =	ssyncadd.s32 $0xFFFFC000  }
0x79: {  	[tilespmem:s24], [sflag:$0x1] =	stream.indirect.gather [hbm4b:s1+s23], $0x80, s10, s23, $0xb8;
	[tilespmem:$0x1DC80] =	vst v63  }
0x7a: {  	_ =	swait.ge [sflag:s30], $0x4000  }
0x7b: {  	[sflag:s30] =	ssyncset.done $0x0  }
0x7c: {  	s7 =	simm.s32 $0xA80;
	[sflag:s30] =	ssyncadd.s32 $0xFFFFC000  }
0x7d: {  	[spmem:s2] =	stream.indirect.scatter.add.f32 [tilespmem:s25], [sflag:$0x5], $0x80, s7, s23, $0xb8;
	[tilespmem:$0x1DC80] =	vst v63  }
0x7e: {  	_ =	swait.ge [sflag:s19], $0x4000  }
0x7f: {  	[sflag:s19] =	ssyncset.done $0x0  }
0x80: {  	s10 =	simm.s32 $0x380;
	[sflag:s19] =	ssyncadd.s32 $0xFFFFC000  }
0x81: {  	[tilespmem:s25], [sflag:$0x2] =	stream.indirect.gather [hbm4b:s1+s23], $0x80, s10, s23, $0xb8;
	[tilespmem:$0x1DC80] =	vst v63  }
0x82: {  	_ =	swait.ge [sflag:s28], $0x4000  }
0x83: {  	[sflag:s28] =	ssyncset.done $0x0  }
0x84: {  	s7 =	simm.s32 $0xB00;
	[sflag:s28] =	ssyncadd.s32 $0xFFFFC000  }
0x85: {  	[spmem:s2] =	stream.indirect.scatter.add.f32 [tilespmem:s24], [sflag:$0x5], $0x80, s7, s23, $0xb8;
	[tilespmem:$0x1DC80] =	vst v63  }
0x86: {  	_ =	swait.ge [sflag:s19], $0x4000  }
0x87: {  	[sflag:s19] =	ssyncset.done $0x0  }
0x88: {  	s10 =	simm.s32 $0x400;
	[sflag:s19] =	ssyncadd.s32 $0xFFFFC000  }
0x89: {  	[tilespmem:s24], [sflag:$0x1] =	stream.indirect.gather [hbm4b:s1+s23], $0x80, s10, s23, $0xb8;
	[tilespmem:$0x1DC80] =	vst v63  }
0x8a: {  	_ =	swait.ge [sflag:s30], $0x4000  }
0x8b: {  	[sflag:s30] =	ssyncset.done $0x0  }
0x8c: {  	s7 =	simm.s32 $0xB80;
	[sflag:s30] =	ssyncadd.s32 $0xFFFFC000  }
0x8d: {  	[spmem:s2] =	stream.indirect.scatter.add.f32 [tilespmem:s25], [sflag:$0x5], $0x80, s7, s23, $0xb8;
	[tilespmem:$0x1DC80] =	vst v63  }
0x8e: {  	_ =	swait.ge [sflag:s19], $0x4000  }
0x8f: {  	[sflag:s19] =	ssyncset.done $0x0  }
0x90: {  	s10 =	simm.s32 $0x480;
	[sflag:s19] =	ssyncadd.s32 $0xFFFFC000  }
0x91: {  	[tilespmem:s25], [sflag:$0x2] =	stream.indirect.gather [hbm4b:s1+s23], $0x80, s10, s23, $0xb8;
	[tilespmem:$0x1DC80] =	vst v63  }
0x92: {  	_ =	swait.ge [sflag:s28], $0x4000  }
0x93: {  	[sflag:s28] =	ssyncset.done $0x0  }
0x94: {  	s7 =	simm.s32 $0xC00;
	[sflag:s28] =	ssyncadd.s32 $0xFFFFC000  }
0x95: {  	[spmem:s2] =	stream.indirect.scatter.add.f32 [tilespmem:s24], [sflag:$0x5], $0x80, s7, s23, $0xb8;
	[tilespmem:$0x1DC80] =	vst v63  }
0x96: {  	_ =	swait.ge [sflag:s19], $0x4000  }
0x97: {  	[sflag:s19] =	ssyncset.done $0x0  }
0x98: {  	[sflag:s19] =	ssyncadd.s32 $0xFFFFC000  }
0x99: {  	_ =	swait.ge [sflag:s18], $0xA00  }
0x9a: {  	[sflag:s18] =	ssyncset.done $0x0  }
0x9b: {  	[sflag:s18] =	ssyncadd.s32 $0xFFFFF600  }
0x9c: {  	[tilespmem:s24], [sflag:$0x1] =	stream.indirect.gather [hbm4b:s1+s23], $0x80, s20, s23, $0xb8;
	[tilespmem:$0x1DC80] =	vst v63  }
0x9d: {  	_ =	swait.ge [sflag:s30], $0x4000  }
0x9e: {  	[sflag:s30] =	ssyncset.done $0x0  }
0x9f: {  	s10 =	simm.s32 $0xC80;
	[sflag:s30] =	ssyncadd.s32 $0xFFFFC000  }
0xa0: {  	[spmem:s2] =	stream.indirect.scatter.add.f32 [tilespmem:s25], [sflag:$0x5], $0x80, s10, s23, $0xb8;
	[tilespmem:$0x1DC80] =	vst v63  }
0xa1: {  	_ =	swait.ge [sflag:s19], $0x4000  }
0xa2: {  	[sflag:s19] =	ssyncset.done $0x0  }
0xa3: {  	p1 =	seq.s32 s4, $0xC00;
	s7 =	simm.s32 $0x1080;
	[sflag:s19] =	ssyncadd.s32 $0xFFFFC000  }
0xa4: {  	[tilespmem:s25], [sflag:$0x2] =	stream.indirect.gather [hbm4b:s1+s23], $0x80, s7, s23, $0xb8;
	[tilespmem:$0x1DC80] =	vst v63  }
0xa5: {  	s6 =	simm.s32 @!p1 $0x0;
	s7 =	sadd.s32 @!p1 s4, s14  }
0xa6: {  	[tilespmem:s6], [sflag:$0x3] =	stream.linear.gather @!p1 [hbm4b:s7+s6], $0x500, $0x38;
	[tilespmem:$0x1DC80] =	vst v63  }
0xa7: {  	s10 =	simm.s32 @!p1 $0x800;
	s7 =	sadd.s32 @!p1 $0x100, s7  }
0xa8: {  	[tilespmem:s10], [sflag:$0x3] =	stream.linear.gather @!p1 [hbm4b:s7+s6], $0x500, $0x38;
	[tilespmem:$0x1DC80] =	vst v63  }
0xa9: {  	_ =	swait.ge [sflag:s28], $0x4000  }
0xaa: {  	[sflag:s28] =	ssyncset.done $0x0  }
0xab: {  	[sflag:s28] =	ssyncadd.s32 $0xFFFFC000  }
0xac: {  	[spmem:s2] =	stream.indirect.scatter.add.f32 [tilespmem:s24], [sflag:$0x5], $0x80, s22, s23, $0xb8;
	[tilespmem:$0x1DC80] =	vst v63  }
0xad: {  	_ =	swait.ge [sflag:s19], $0x4000  }
0xae: {  	[sflag:s19] =	ssyncset.done $0x0  }
0xaf: {  	s10 =	simm.s32 $0x1100;
	[sflag:s19] =	ssyncadd.s32 $0xFFFFC000  }
0xb0: {  	[tilespmem:s24], [sflag:$0x1] =	stream.indirect.gather [hbm4b:s1+s23], $0x80, s10, s23, $0xb8;
	[tilespmem:$0x1DC80] =	vst v63  }
0xb1: {  	_ =	swait.ge [sflag:s30], $0x4000  }
0xb2: {  	[sflag:s30] =	ssyncset.done $0x0  }
0xb3: {  	s7 =	simm.s32 $0x1880;
	[sflag:s30] =	ssyncadd.s32 $0xFFFFC000  }
0xb4: {  	[spmem:s2] =	stream.indirect.scatter.add.f32 [tilespmem:s25], [sflag:$0x5], $0x80, s7, s23, $0xb8;
	[tilespmem:$0x1DC80] =	vst v63  }
0xb5: {  	_ =	swait.ge [sflag:s19], $0x4000  }
0xb6: {  	[sflag:s19] =	ssyncset.done $0x0  }
0xb7: {  	s10 =	simm.s32 $0x1180;
	[sflag:s19] =	ssyncadd.s32 $0xFFFFC000  }
0xb8: {  	[tilespmem:s25], [sflag:$0x2] =	stream.indirect.gather [hbm4b:s1+s23], $0x80, s10, s23, $0xb8;
	[tilespmem:$0x1DC80] =	vst v63  }
0xb9: {  	_ =	swait.ge [sflag:s28], $0x4000  }
0xba: {  	[sflag:s28] =	ssyncset.done $0x0  }
0xbb: {  	s7 =	simm.s32 $0x1900;
	[sflag:s28] =	ssyncadd.s32 $0xFFFFC000  }
0xbc: {  	[spmem:s2] =	stream.indirect.scatter.add.f32 [tilespmem:s24], [sflag:$0x5], $0x80, s7, s23, $0xb8;
	[tilespmem:$0x1DC80] =	vst v63  }
0xbd: {  	_ =	swait.ge [sflag:s19], $0x4000  }
0xbe: {  	[sflag:s19] =	ssyncset.done $0x0  }
0xbf: {  	s10 =	simm.s32 $0x1200;
	[sflag:s19] =	ssyncadd.s32 $0xFFFFC000  }
0xc0: {  	[tilespmem:s24], [sflag:$0x1] =	stream.indirect.gather [hbm4b:s1+s23], $0x80, s10, s23, $0xb8;
	[tilespmem:$0x1DC80] =	vst v63  }
0xc1: {  	_ =	swait.ge [sflag:s30], $0x4000  }
0xc2: {  	[sflag:s30] =	ssyncset.done $0x0  }
0xc3: {  	[sflag:s30] =	ssyncadd.s32 $0xFFFFC000  }
0xc4: {  	[spmem:s2] =	stream.indirect.scatter.add.f32 [tilespmem:s25], [sflag:$0x5], $0x80, s11, s23, $0xb8;
	[tilespmem:$0x1DC80] =	vst v63  }
0xc5: {  	_ =	swait.ge [sflag:s19], $0x4000  }
0xc6: {  	[sflag:s19] =	ssyncset.done $0x0  }
0xc7: {  	[sflag:s19] =	ssyncadd.s32 $0xFFFFC000  }
0xc8: {  	[tilespmem:s25], [sflag:$0x2] =	stream.indirect.gather [hbm4b:s1+s23], $0x80, s12, s23, $0xb8;
	[tilespmem:$0x1DC80] =	vst v63  }
0xc9: {  	_ =	swait.ge [sflag:s28], $0x4000  }
0xca: {  	[sflag:s28] =	ssyncset.done $0x0  }
0xcb: {  	[sflag:s28] =	ssyncadd.s32 $0xFFFFC000  }
0xcc: {  	[spmem:s2] =	stream.indirect.scatter.add.f32 [tilespmem:s24], [sflag:$0x5], $0x80, s9, s23, $0xb8;
	[tilespmem:$0x1DC80] =	vst v63  }
0xcd: {  	_ =	swait.ge [sflag:s19], $0x4000  }
0xce: {  	[sflag:s19] =	ssyncset.done $0x0  }
0xcf: {  	[sflag:s19] =	ssyncadd.s32 $0xFFFFC000  }
0xd0: {  	[tilespmem:s24], [sflag:$0x1] =	stream.indirect.gather [hbm4b:s1+s23], $0x80, s17, s23, $0xb8;
	[tilespmem:$0x1DC80] =	vst v63  }
0xd1: {  	_ =	swait.ge [sflag:s30], $0x4000  }
0xd2: {  	[sflag:s30] =	ssyncset.done $0x0  }
0xd3: {  	[sflag:s30] =	ssyncadd.s32 $0xFFFFC000  }
0xd4: {  	[spmem:s2] =	stream.indirect.scatter.add.f32 [tilespmem:s25], [sflag:$0x5], $0x80, s8, s23, $0xb8;
	[tilespmem:$0x1DC80] =	vst v63  }
0xd5: {  	_ =	swait.ge [sflag:s19], $0x4000  }
0xd6: {  	[sflag:s19] =	ssyncset.done $0x0  }
0xd7: {  	[sflag:s19] =	ssyncadd.s32 $0xFFFFC000  }
0xd8: {  	[tilespmem:s25], [sflag:$0x2] =	stream.indirect.gather [hbm4b:s1+s23], $0x80, s21, s23, $0xb8;
	[tilespmem:$0x1DC80] =	vst v63  }
0xd9: {  	_ =	swait.ge [sflag:s28], $0x4000  }
0xda: {  	[sflag:s28] =	ssyncset.done $0x0  }
0xdb: {  	[sflag:s28] =	ssyncadd.s32 $0xFFFFC000  }
0xdc: {  	[spmem:s2] =	stream.indirect.scatter.add.f32 [tilespmem:s24], [sflag:$0x5], $0x80, s5, s23, $0xb8;
	[tilespmem:$0x1DC80] =	vst v63  }
0xdd: {  	_ =	swait.ge [sflag:s19], $0x4000  }
0xde: {  	[sflag:s19] =	ssyncset.done $0x0  }
0xdf: {  	[sflag:s19] =	ssyncadd.s32 $0xFFFFC000  }
0xe0: {  	[tilespmem:s24], [sflag:$0x1] =	stream.indirect.gather [hbm4b:s1+s23], $0x80, s15, s23, $0xb8;
	[tilespmem:$0x1DC80] =	vst v63  }
0xe1: {  	_ =	swait.ge [sflag:s30], $0x4000  }
0xe2: {  	[sflag:s30] =	ssyncset.done $0x0  }
0xe3: {  	[sflag:s30] =	ssyncadd.s32 $0xFFFFC000  }
0xe4: {  	[spmem:s2] =	stream.indirect.scatter.add.f32 [tilespmem:s25], [sflag:$0x5], $0x80, s16, s23, $0xb8;
	[tilespmem:$0x1DC80] =	vst v63  }
0xe5: {  	_ =	swait.ge [sflag:s19], $0x4000  }
0xe6: {  	[sflag:s19] =	ssyncset.done $0x0  }
0xe7: {  	[sflag:s19] =	ssyncadd.s32 $0xFFFFC000  }
0xe8: {  	[tilespmem:s25], [sflag:$0x2] =	stream.indirect.gather [hbm4b:s1+s23], $0x80, s29, s23, $0xb8;
	[tilespmem:$0x1DC80] =	vst v63  }
0xe9: {  	_ =	swait.ge [sflag:s28], $0x4000  }
0xea: {  	[sflag:s28] =	ssyncset.done $0x0  }
.Ltmp2:
0xeb: {  	[sflag:s28] =	ssyncadd.s32 $0xFFFFC000;
	(pc) =	sbr.rel @p1 .LBB2_4-.Ltmp2, $4  }
0xec: {  	[spmem:s2] =	stream.indirect.scatter.add.f32 [tilespmem:s24], [sflag:$0x5], $0x80, s31, s23, $0xb8;
	[tilespmem:$0x1DC80] =	vst v63  }
0xed: {  	_ =	swait.ge [sflag:s19], $0x4000  }
0xee: {  	[sflag:s19] =	ssyncset.done $0x0  }
0xef: {  	[sflag:s19] =	ssyncadd.s32 $0xFFFFC000  }
0xf0: {  	_ =	swait.ge [sflag:s26], $0xA00  }
0xf1: {  	[sflag:s26] =	ssyncset.done $0x0  }
0xf2: {  	[sflag:s26] =	ssyncadd.s32 $0xFFFFF600  }
0xf3: {  	[tilespmem:s24], [sflag:$0x1] =	stream.indirect.gather [hbm4b:s1+s23], $0x80, s3, s23, $0xb8;
	[tilespmem:$0x1DC80] =	vst v63  }
0xf4: {  	_ =	swait.ge [sflag:s30], $0x4000  }
0xf5: {  	[sflag:s30] =	ssyncset.done $0x0  }
0xf6: {  	[sflag:s30] =	ssyncadd.s32 $0xFFFFC000  }
0xf7: {  	[spmem:s2] =	stream.indirect.scatter.add.f32 [tilespmem:s25], [sflag:$0x5], $0x80, s0, s23, $0xb8;
	[tilespmem:$0x1DC80] =	vst v63  }
0xf8: {  	_ =	swait.ge [sflag:s19], $0x4000  }
0xf9: {  	[sflag:s19] =	ssyncset.done $0x0  }
0xfa: {  	[sflag:s19] =	ssyncadd.s32 $0xFFFFC000  }
0xfb: {  	[tilespmem:s25], [sflag:$0x2] =	stream.indirect.gather [hbm4b:s1+s23], $0x80, s23, s23, $0xb8;
	[tilespmem:$0x1DC80] =	vst v63  }
.Ltmp3:
0xfc: {  	_ = 	snop;
	(pc) =	sbr.rel .LBB2_2-.Ltmp3, $4  }
0xfd: {  	s6 =	sadd.s32 s4, s13  }
0xfe: {  	[tilespmem:s20], [sflag:$0x4] =	stream.linear.gather [hbm4b:s6+s3], $0x500, $0x38;
	[tilespmem:$0x1DC80] =	vst v63  }
0xff: {  	s4 =	sadd.s32 $0x400, s4;
	s6 =	sadd.s32 $0x100, s6  }
0x100: {  	[tilespmem:s22], [sflag:$0x4] =	stream.linear.gather [hbm4b:s6+s3], $0x500, $0x38;
	[tilespmem:$0x1DC80] =	vst v63  }
.LBB2_5:
0x101: {  	_ =	sfence.sel $0x180000  }
0x102: {  	[bflag:$0x0] =	sbarrier.arrive $0xFFFF  }
0x103: {  	_ =	strace $0x90000047  }
0x104: {  	s0 =	stileid.u32;
	[bflag:$0x2] =	sbarrier.arrive $0xFFFF  }
0x105: {  	p0 =	sne.s32 s0, $0x0;
	s0 =	rddreg [dreg:$0x3]  }
0x106: {  	s0 =	sadd.s32 @!p0 $0x100000, s0  }
0x107: {  	[sflag:s0] =	ssyncadd.tile.s32 @!p0 $0x1;
	_ =	shalt  }
.Lfunc_end2:
_tile_overlayer_lowered:
.L_overlay_start_2:
0x108: {  	(tag) =	ssettag $0x2  }
0x109: {  	s0 =	rddreg [dreg:$0x0];
	s2 =	stileid.u32  }
0x10a: {  	s1 =	rddreg [dreg:$0x1];
	p0 =	sne.s32 s2, $0x0  }
0x10b: {  	s3 =	rddreg [dreg:$0x2];
	[bflag:$0x3] =	sbarrier.arrive $0xFFFF;
	s2 =	simm.s32 @!p0 $0x1C05  }
0x10c: {  	[timem:s3], [sflag:s2] =	dma.local @!p0 [hbm:s0], s1  }
0x10d: {  	s0 =	simm.s32 @!p0 $0x5  }
0x10e: {  	_ =	swait.ge @!p0 [sflag:s0], s1  }
0x10f: {  	s1 =	ssub.s32 @!p0 $0x0, s1;
	[sflag:s0] =	ssyncset.done @!p0 $0x0  }
0x110: {  	[sflag:s0] =	ssyncadd.s32 @!p0 s1  }
0x111: {  	[bflag:$0x3] =	sbarrier.arrive $0xFFFF  }
0x112: {  	_ =	shalt  }

</sc_bundles>
